<compile_context>
chip_gen: v7x
topology: tpu7x:2x2x1
jax: 0.10.2.dev20260603
libtpu: 0.0.44.dev20260713+nightly
codegen_flags: <defaults>
</compile_context>

<pallas_src>
import functools

import jax
import jax.numpy as jnp
from jax import lax
from jax.experimental import pallas as pl
from jax.experimental.pallas import tpu as pltpu
from jax.experimental.pallas import tpu_sc as plsc

B = 128
N = 32768
K = N // 8
L = 16
NCHUNK = N // L
NW = 32
ROWS_PER_W = B // NW
UNROLL = 8

_MASK31 = 0x7FFFFFFF


def _mono(v):
    b = lax.bitcast_convert_type(v, jnp.int32)
    s = jnp.right_shift(b, 31)
    m = jnp.bitwise_xor(b, jnp.bitwise_and(s, _MASK31))
    return lax.bitcast_convert_type(m, jnp.uint32)


def _mono_i32(v):
    b = lax.bitcast_convert_type(v, jnp.int32)
    s = jnp.right_shift(b, 31)
    return jnp.bitwise_xor(b, jnp.bitwise_and(s, _MASK31))


def _find_bin(hist_ref, nbins, kt):
    chunks = nbins // L
    lane_iota = lax.iota(jnp.int32, L)
    init = (jnp.int32(0), jnp.int32(-1), jnp.int32(0), jnp.zeros((L,), jnp.int32))

    def body(i, carry):
        acc, b_chunk, acc_above, chunk_sav = carry
        j = chunks - 1 - i
        chunk = hist_ref[pl.ds(j * L, L)]
        csum = jnp.sum(chunk)
        take = jnp.logical_and(b_chunk < 0, acc + csum >= kt)
        b_chunk = jnp.where(take, j, b_chunk).astype(jnp.int32)
        acc_above = jnp.where(take, acc, acc_above)
        takev = jnp.broadcast_to(take, (L,))
        chunk_sav = jnp.where(takev, chunk, chunk_sav)
        return acc + csum, b_chunk, acc_above, chunk_sav

    acc, b_chunk, acc_above, chunk_sav = plsc.parallel_loop(
        0, chunks, 1, unroll=4, carry=init)(body)

    s = lax.rev(jnp.cumsum(lax.rev(chunk_sav, (0,)), axis=0), (0,))
    cond = (acc_above + s) >= kt
    lane = jnp.sum(cond.astype(jnp.int32)) - 1
    hist_lane = jnp.sum(jnp.where(lane_iota == lane, chunk_sav, 0))
    s_lane = jnp.sum(jnp.where(lane_iota == lane, s, 0))
    above = acc_above + s_lane - hist_lane
    bi = b_chunk * L + lane
    return bi, kt - above, hist_lane


def _zero_hist(hist_ref, nbins):
    zeros = jnp.zeros((L,), jnp.int32)

    @plsc.parallel_loop(0, nbins // L, 1, unroll=UNROLL)
    def _(i):
        hist_ref[pl.ds(i * L, L)] = zeros


def _process_row(row_v, hist_v, cand_v):
    ones = jnp.ones((L,), jnp.int32)

    _zero_hist(hist_v, 2048)

    @plsc.parallel_loop(0, NCHUNK, 1, unroll=UNROLL)
    def _(i):
        v = row_v[pl.ds(i * L, L)]
        mu = _mono(v)
        bin1 = lax.bitcast_convert_type(
            jnp.bitwise_xor(jnp.right_shift(mu, jnp.uint32(21)),
                            jnp.uint32(1024)), jnp.int32)
        plsc.addupdate_scatter(hist_v, [bin1], ones)

    b1, k2, ncand = _find_bin(hist_v, 2048, jnp.int32(K))
    t11k = jnp.bitwise_xor(b1, 1024)
    t11k_u = t11k.astype(jnp.uint32)

    _zero_hist(hist_v, 2048)

    def h2(i, off):
        v = row_v[pl.ds(i * L, L)]
        mu = _mono(v)
        sel = jnp.right_shift(mu, jnp.uint32(21)) == t11k_u
        bin2 = lax.bitcast_convert_type(
            jnp.bitwise_and(jnp.right_shift(mu, jnp.uint32(10)),
                            jnp.uint32(0x7FF)), jnp.int32)
        plsc.addupdate_scatter(hist_v, [bin2], ones, mask=sel)
        plsc.store_compressed(cand_v.at[pl.ds(off, L)],
                              lax.bitcast_convert_type(mu, jnp.int32),
                              mask=sel)
        pc = plsc.all_reduce_population_count(sel)
        return off + pc[0]

    plsc.parallel_loop(0, NCHUNK, 1, unroll=UNROLL,
                       carry=jnp.int32(0))(h2)

    b2, k3, _ = _find_bin(hist_v, 2048, k2)
    top22k_u = jnp.bitwise_or(
        jnp.left_shift(t11k_u, jnp.uint32(11)), b2.astype(jnp.uint32))

    sent = jnp.broadcast_to(
        lax.bitcast_convert_type(
            jnp.left_shift(jnp.bitwise_xor(t11k_u, jnp.uint32(1)),
                           jnp.uint32(21)), jnp.int32), (L,))
    cand_v[pl.ds(ncand, L)] = sent

    _zero_hist(hist_v, 1024)
    nv3 = (ncand + (L - 1)) // L

    def h3(i, _):
        mu = lax.bitcast_convert_type(cand_v[pl.ds(i * L, L)], jnp.uint32)
        sel = jnp.right_shift(mu, jnp.uint32(10)) == top22k_u
        bin3 = lax.bitcast_convert_type(
            jnp.bitwise_and(mu, jnp.uint32(0x3FF)), jnp.int32)
        plsc.addupdate_scatter(hist_v, [bin3], ones, mask=sel)
        return jnp.int32(0)

    plsc.parallel_loop(0, nv3, 1, unroll=2, carry=jnp.int32(0))(h3)

    b3, k4, hist3 = _find_bin(hist_v, 1024, k3)

    mk = jnp.bitwise_or(
        jnp.bitwise_or(jnp.left_shift(t11k, 21), jnp.left_shift(b2, 10)), b3)
    tk_bits = jnp.where(mk >= 0, mk, jnp.bitwise_xor(mk, _MASK31))
    tk = lax.bitcast_convert_type(tk_bits.astype(jnp.int32), jnp.float32)
    tkv = jnp.broadcast_to(tk, (L,))

    @plsc.parallel_loop(0, NCHUNK, 1, unroll=UNROLL)
    def _(i):
        sl = pl.ds(i * L, L)
        v = row_v[sl]
        row_v[sl] = jnp.where(v >= tkv, v, jnp.float32(0))

    extra = hist3 - k4

    def fix_cond(carry):
        j, ex = carry
        return jnp.logical_and(ex > 0, j >= 0)

    def fix_body(carry):
        j, ex = carry
        sl = pl.ds(j * L, L)
        v = row_v[sl]
        eq = _mono_i32(v) == mk
        eqi = eq.astype(jnp.int32)
        rpc = lax.rev(jnp.cumsum(lax.rev(eqi, (0,)), axis=0), (0,))
        drop = jnp.logical_and(eq, rpc <= ex)
        row_v[sl] = jnp.where(drop, jnp.float32(0), v)
        ncnt = jnp.sum(eqi)
        ex = jnp.maximum(ex - ncnt, 0)
        return j - 1, ex

    lax.while_loop(fix_cond, fix_body, (jnp.int32(NCHUNK - 1), extra))


@functools.partial(
    pl.kernel,
    out_type=jax.ShapeDtypeStruct((B, N), jnp.float32),
    mesh=plsc.VectorSubcoreMesh(core_axis_name="c", subcore_axis_name="s"),
    scratch_types=[
        pltpu.VMEM((N,), jnp.float32),
        pltpu.VMEM((N,), jnp.float32),
        pltpu.VMEM((2048,), jnp.int32),
        pltpu.VMEM((N + L,), jnp.int32),
        pltpu.SemaphoreType.DMA,
        pltpu.SemaphoreType.DMA,
        pltpu.SemaphoreType.DMA,
        pltpu.SemaphoreType.DMA,
    ],
    compiler_params=pltpu.CompilerParams(needs_layout_passes=False),
)
def _topk_mask_sc(x_hbm, out_hbm, row_a, row_b, hist_v, cand_v,
                  sem_ia, sem_ib, sem_oa, sem_ob):
    wid = lax.axis_index("s") * 2 + lax.axis_index("c")
    bufs = (row_a, row_b)
    isems = (sem_ia, sem_ib)
    osems = (sem_oa, sem_ob)

    def _in_slice(r):
        return x_hbm.at[wid * ROWS_PER_W + r]

    def _out_slice(r):
        return out_hbm.at[wid * ROWS_PER_W + r]

    for r in range(2):
        pltpu.async_copy(_in_slice(r), bufs[r], isems[r])

    for r in range(ROWS_PER_W):
        bi = r % 2
        pltpu.make_async_copy(_in_slice(r), bufs[bi], isems[bi]).wait()
        _process_row(bufs[bi], hist_v, cand_v)
        pltpu.async_copy(bufs[bi], _out_slice(r), osems[bi])
        if r + 2 < ROWS_PER_W:
            pltpu.make_async_copy(bufs[bi], _out_slice(r), osems[bi]).wait()
            pltpu.async_copy(_in_slice(r + 2), bufs[bi], isems[bi])

    for r in (ROWS_PER_W - 2, ROWS_PER_W - 1):
        bi = r % 2
        pltpu.make_async_copy(bufs[bi], _out_slice(r), osems[bi]).wait()


@jax.jit
def kernel(x):
    return _topk_mask_sc(x)

# --- scband reference (transcript-rebuilt; emitter-appended) ---
"""Pipeline reference for scband-topk-re-lu-47278999994879 (READ-ONLY COPY).

The authoritative reference and input builder live on the scoring server;
editing this copy changes nothing except your own understanding.
"""

import jax, jax.numpy as jnp
import numpy as np


def setup_inputs(seed: int = 0) -> dict:
    key = jax.random.key(seed)
    x = jax.random.normal(key, (128, 32768), dtype=jnp.float32)
    return {"x": x}


def reference(x):
    # TopkReluFunc.forward: k = max(size(-1)//8, 1); keep top-k entries along last dim,
    # zero out the rest (scatter topk values into zeros).
    k = max(x.shape[-1] // 8, 1)
    vals, idx = jax.lax.top_k(x, k)  # [B, k]
    B = x.shape[0]
    rows = jnp.arange(B)[:, None]
    out = jnp.zeros_like(x).at[rows, idx].set(vals)
    return out

if __name__ == "__main__":
    import jax
    _d = setup_inputs()
    print(jax.jit(kernel)(*tuple(_d.values())))

</pallas_src>

<mosaic_0001>
#map = affine_map<(d0, d1) -> (0, 0)>
module attributes {stable_mosaic.version = 14 : i64} {
  func.func @_topk_mask_sc(%arg0: i32, %arg1: i32, %arg2: memref<128x32768xf32, #tpu.memory_space<hbm>>, %arg3: memref<128x32768xf32, #tpu.memory_space<hbm>>, %arg4: memref<32768xf32, #tpu.memory_space<vmem>>, %arg5: memref<32768xf32, #tpu.memory_space<vmem>>, %arg6: memref<2048xi32, #tpu.memory_space<vmem>>, %arg7: memref<32784xi32, #tpu.memory_space<vmem>>, %arg8: memref<!tpu.dma_semaphore, #tpu.memory_space<semaphore_mem>>, %arg9: memref<!tpu.dma_semaphore, #tpu.memory_space<semaphore_mem>>, %arg10: memref<!tpu.dma_semaphore, #tpu.memory_space<semaphore_mem>>, %arg11: memref<!tpu.dma_semaphore, #tpu.memory_space<semaphore_mem>>) attributes {dimension_semantics = [#tpu.dimension_semantics<core_parallel>, #tpu.dimension_semantics<subcore_parallel>], iteration_bounds = array<i64: 2, 16>, scalar_prefetch = 0 : i64, scratch_operands = 8 : i64, tpu.core_type = #tpu.core_type<sc_vector_subcore>, window_params = [{transform_indices = #map}, {transform_indices = #map}]} {
    %mul3A = arith.constant 2 : i32
    %mul3A_0 = arith.muli %arg1, %mul3A : i32
    %add3A = arith.addi %mul3A_0, %arg0 : i32
    %mul3A_1 = arith.constant 4 : i32
    %mul3A_2 = arith.muli %add3A, %mul3A_1 : i32
    %add3A_3 = arith.constant 0 : i32
    %add3A_4 = arith.addi %mul3A_2, %add3A_3 : i32
    %dma_start3A = arith.constant 0 : i32
    %dma_start3A_5 = tpu.memref_slice %arg2[%add3A_4, %dma_start3A] : memref<128x32768xf32, #tpu.memory_space<hbm>> -> memref<1x32768xf32, #tpu.memory_space<hbm>>
    %dma_start3A_6 = tpu.memref_squeeze %dma_start3A_5 : memref<1x32768xf32, #tpu.memory_space<hbm>> -> memref<32768xf32, #tpu.memory_space<hbm>>
    %dma_start3A_7 = arith.constant 0 : i32
    %dma_start3A_8 = tpu.memref_slice %arg2[%add3A_4, %dma_start3A_7] : memref<128x32768xf32, #tpu.memory_space<hbm>> -> memref<1x32768xf32, #tpu.memory_space<hbm>>
    %dma_start3A_9 = tpu.memref_squeeze %dma_start3A_8 : memref<1x32768xf32, #tpu.memory_space<hbm>> -> memref<32768xf32, #tpu.memory_space<hbm>>
    tpu.enqueue_dma source(%dma_start3A_9 : memref<32768xf32, #tpu.memory_space<hbm>>) target(%arg4 : memref<32768xf32, #tpu.memory_space<vmem>>) target_semaphore(%arg8 : memref<!tpu.dma_semaphore, #tpu.memory_space<semaphore_mem>>)
    %mul3A_10 = arith.constant 4 : i32
    %mul3A_11 = arith.muli %add3A, %mul3A_10 : i32
    %add3A_12 = arith.constant 1 : i32
    %add3A_13 = arith.addi %mul3A_11, %add3A_12 : i32
    %dma_start3A_14 = arith.constant 0 : i32
    %dma_start3A_15 = tpu.memref_slice %arg2[%add3A_13, %dma_start3A_14] : memref<128x32768xf32, #tpu.memory_space<hbm>> -> memref<1x32768xf32, #tpu.memory_space<hbm>>
    %dma_start3A_16 = tpu.memref_squeeze %dma_start3A_15 : memref<1x32768xf32, #tpu.memory_space<hbm>> -> memref<32768xf32, #tpu.memory_space<hbm>>
    %dma_start3A_17 = arith.constant 0 : i32
    %dma_start3A_18 = tpu.memref_slice %arg2[%add3A_13, %dma_start3A_17] : memref<128x32768xf32, #tpu.memory_space<hbm>> -> memref<1x32768xf32, #tpu.memory_space<hbm>>
    %dma_start3A_19 = tpu.memref_squeeze %dma_start3A_18 : memref<1x32768xf32, #tpu.memory_space<hbm>> -> memref<32768xf32, #tpu.memory_space<hbm>>
    tpu.enqueue_dma source(%dma_start3A_19 : memref<32768xf32, #tpu.memory_space<hbm>>) target(%arg5 : memref<32768xf32, #tpu.memory_space<vmem>>) target_semaphore(%arg9 : memref<!tpu.dma_semaphore, #tpu.memory_space<semaphore_mem>>)
    %mul3A_20 = arith.constant 4 : i32
    %mul3A_21 = arith.muli %add3A, %mul3A_20 : i32
    %add3A_22 = arith.constant 0 : i32
    %add3A_23 = arith.addi %mul3A_21, %add3A_22 : i32
    %dma_wait3A = arith.constant 0 : i32
    %dma_wait3A_24 = tpu.memref_slice %arg2[%add3A_23, %dma_wait3A] : memref<128x32768xf32, #tpu.memory_space<hbm>> -> memref<1x32768xf32, #tpu.memory_space<hbm>>
    %dma_wait3A_25 = tpu.memref_squeeze %dma_wait3A_24 : memref<1x32768xf32, #tpu.memory_space<hbm>> -> memref<32768xf32, #tpu.memory_space<hbm>>
    %dma_wait3A_26 = arith.constant 0 : i32
    %dma_wait3A_27 = tpu.memref_slice %arg2[%add3A_23, %dma_wait3A_26] : memref<128x32768xf32, #tpu.memory_space<hbm>> -> memref<1x32768xf32, #tpu.memory_space<hbm>>
    %dma_wait3A_28 = tpu.memref_squeeze %dma_wait3A_27 : memref<1x32768xf32, #tpu.memory_space<hbm>> -> memref<32768xf32, #tpu.memory_space<hbm>>
    tpu.wait_dma2 semaphore(%arg8 : memref<!tpu.dma_semaphore, #tpu.memory_space<semaphore_mem>>) src(%dma_wait3A_28 : memref<32768xf32, #tpu.memory_space<hbm>>) dst(%arg4 : memref<32768xf32, #tpu.memory_space<vmem>>)
    %broadcast_in_dim3A = arith.constant 1 : i32
    %broadcast_in_dim3A_29 = vector.broadcast %broadcast_in_dim3A : i32 to vector<16xi32>
    %broadcast_in_dim3A_30 = arith.constant 0 : i32
    %broadcast_in_dim3A_31 = vector.broadcast %broadcast_in_dim3A_30 : i32 to vector<16xi32>
    %parallel_loop3A = arith.constant 0 : i32
    %parallel_loop3A_32 = arith.constant 128 : i32
    %parallel_loop3A_33 = arith.constant 1 : i32
    scf.for %parallel_loop3A_1192 = %parallel_loop3A to %parallel_loop3A_32 step %parallel_loop3A_33  : i32 {
      %parallel_loop3A_1193 = arith.constant 16 : i32
      %parallel_loop3A_1194 = arith.muli %parallel_loop3A_1192, %parallel_loop3A_1193 : i32
      %parallel_loop3A_1195 = arith.index_cast %parallel_loop3A_1194 : i32 to index
      %parallel_loop3A_1196 = tpu.vector_load %arg6[%parallel_loop3A_1195] {strides = array<i32>} : memref<2048xi32, #tpu.memory_space<vmem>>, vector<16xi32>,
      tpu.vector_store %arg6[%parallel_loop3A_1195], %broadcast_in_dim3A_31 {strides = array<i32>} : memref<2048xi32, #tpu.memory_space<vmem>>, vector<16xi32>,
    } {sc.loop_unroll_factor = 8 : i64, sc.parallel_access}
    %parallel_loop3A_34 = arith.constant 0 : i32
    %parallel_loop3A_35 = arith.constant 2048 : i32
    %parallel_loop3A_36 = arith.constant 1 : i32
    scf.for %parallel_loop3A_1192 = %parallel_loop3A_34 to %parallel_loop3A_35 step %parallel_loop3A_36  : i32 {
      %parallel_loop3A_1193 = arith.constant 16 : i32
      %parallel_loop3A_1194 = arith.muli %parallel_loop3A_1192, %parallel_loop3A_1193 : i32
      %parallel_loop3A_1195 = arith.index_cast %parallel_loop3A_1194 : i32 to index
      %parallel_loop3A_1196 = tpu.vector_load %arg4[%parallel_loop3A_1195] {strides = array<i32>} : memref<32768xf32, #tpu.memory_space<vmem>>, vector<16xf32>,
      %parallel_loop3A_1197 = tpu.bitcast %parallel_loop3A_1196 : vector<16xf32> -> vector<16xi32>
      %parallel_loop3A_1198 = arith.constant 31 : i32
      %parallel_loop3A_1199 = vector.broadcast %parallel_loop3A_1198 : i32 to vector<16xi32>
      %parallel_loop3A_1200 = arith.shrsi %parallel_loop3A_1197, %parallel_loop3A_1199 : vector<16xi32>
      %parallel_loop3A_1201 = arith.constant 2147483647 : i32
      %parallel_loop3A_1202 = vector.broadcast %parallel_loop3A_1201 : i32 to vector<16xi32>
      %parallel_loop3A_1203 = arith.andi %parallel_loop3A_1200, %parallel_loop3A_1202 : vector<16xi32>
      %parallel_loop3A_1204 = arith.xori %parallel_loop3A_1197, %parallel_loop3A_1203 : vector<16xi32>
      %parallel_loop3A_1205 = tpu.bitcast %parallel_loop3A_1204 : vector<16xi32> -> vector<16xi32>
      %parallel_loop3A_1206 = arith.constant 21 : i32
      %parallel_loop3A_1207 = vector.broadcast %parallel_loop3A_1206 : i32 to vector<16xi32>
      %parallel_loop3A_1208 = arith.shrui %parallel_loop3A_1205, %parallel_loop3A_1207 : vector<16xi32>
      %parallel_loop3A_1209 = arith.constant 1024 : i32
      %parallel_loop3A_1210 = vector.broadcast %parallel_loop3A_1209 : i32 to vector<16xi32>
      %parallel_loop3A_1211 = arith.xori %parallel_loop3A_1208, %parallel_loop3A_1210 : vector<16xi32>
      %parallel_loop3A_1212 = tpu.bitcast %parallel_loop3A_1211 : vector<16xi32> -> vector<16xi32>
      tpu.vector_store_idx %arg6[%parallel_loop3A_1212], %broadcast_in_dim3A_29 {add = true} : memref<2048xi32, #tpu.memory_space<vmem>>[vector<16xi32>], vector<16xi32>,
    } {sc.loop_unroll_factor = 8 : i64, sc.parallel_access}
    %iota3A = tpu.iota {dimensions = array<i32: 0>} : vector<16xi32>
    %broadcast_in_dim3A_37 = arith.constant 0 : i32
    %broadcast_in_dim3A_38 = vector.broadcast %broadcast_in_dim3A_37 : i32 to vector<16xi32>
    %parallel_loop3A_39 = arith.constant 0 : i32
    %parallel_loop3A_40 = arith.constant 128 : i32
    %parallel_loop3A_41 = arith.constant 1 : i32
    %parallel_loop3A_42 = arith.constant 4096 : i32
    %parallel_loop3A_43 = arith.constant 0 : i32
    %parallel_loop3A_44 = arith.constant -1 : i32
    %parallel_loop3A_45 = arith.constant 0 : i32
    %parallel_loop3A_46:4 = scf.for %parallel_loop3A_1192 = %parallel_loop3A_39 to %parallel_loop3A_40 step %parallel_loop3A_41 iter_args(%parallel_loop3A_1193 = %parallel_loop3A_43, %parallel_loop3A_1194 = %parallel_loop3A_44, %parallel_loop3A_1195 = %parallel_loop3A_45, %parallel_loop3A_1196 = %broadcast_in_dim3A_38) -> (i32, i32, i32, vector<16xi32>)  : i32 {
      %parallel_loop3A_1197 = arith.constant 127 : i32
      %parallel_loop3A_1198 = arith.subi %parallel_loop3A_1197, %parallel_loop3A_1192 : i32
      %parallel_loop3A_1199 = arith.constant 16 : i32
      %parallel_loop3A_1200 = arith.muli %parallel_loop3A_1198, %parallel_loop3A_1199 : i32
      %parallel_loop3A_1201 = arith.index_cast %parallel_loop3A_1200 : i32 to index
      %parallel_loop3A_1202 = tpu.vector_load %arg6[%parallel_loop3A_1201] {strides = array<i32>} : memref<2048xi32, #tpu.memory_space<vmem>>, vector<16xi32>,
      %parallel_loop3A_1203 = arith.constant true
      %parallel_loop3A_1204 = vector.broadcast %parallel_loop3A_1203 : i1 to vector<16xi1>
      %parallel_loop3A_1205 = tpu.scan <sum>, %parallel_loop3A_1202 masked %parallel_loop3A_1204 : vector<16xi32>, vector<16xi1> -> vector<16xi32>
      %parallel_loop3A_1206 = vector.extract %parallel_loop3A_1205[15] : i32 from vector<16xi32>
      %parallel_loop3A_1207 = arith.constant 0 : i32
      %parallel_loop3A_1208 = arith.cmpi slt, %parallel_loop3A_1194, %parallel_loop3A_1207 : i32
      %parallel_loop3A_1209 = arith.addi %parallel_loop3A_1193, %parallel_loop3A_1206 : i32
      %parallel_loop3A_1210 = arith.cmpi sge, %parallel_loop3A_1209, %parallel_loop3A_42 : i32
      %parallel_loop3A_1211 = arith.andi %parallel_loop3A_1208, %parallel_loop3A_1210 : i1
      %parallel_loop3A_1212 = arith.select %parallel_loop3A_1211, %parallel_loop3A_1198, %parallel_loop3A_1194 : i32
      %parallel_loop3A_1213 = arith.select %parallel_loop3A_1211, %parallel_loop3A_1193, %parallel_loop3A_1195 : i32
      %parallel_loop3A_1214 = vector.broadcast %parallel_loop3A_1211 : i1 to vector<16xi1>
      %parallel_loop3A_1215 = arith.select %parallel_loop3A_1214, %parallel_loop3A_1202, %parallel_loop3A_1196 : vector<16xi1>, vector<16xi32>
      %parallel_loop3A_1216 = arith.addi %parallel_loop3A_1193, %parallel_loop3A_1206 : i32
      scf.yield %parallel_loop3A_1216, %parallel_loop3A_1212, %parallel_loop3A_1213, %parallel_loop3A_1215 : i32, i32, i32, vector<16xi32>
    } {sc.loop_unroll_factor = 4 : i64, sc.parallel_access}
    %rev3A = arith.constant 15 : i32
    %rev3A_47 = vector.broadcast %rev3A : i32 to vector<16xi32>
    %rev3A_48 = tpu.iota {dimensions = array<i32: 0>} : vector<16xi32>
    %rev3A_49 = arith.subi %rev3A_47, %rev3A_48 : vector<16xi32>
    %rev3A_50 = tpu.dynamic_gather %parallel_loop3A_46#3[%rev3A_49] in [0] : vector<16xi32>, vector<16xi32> -> vector<16xi32>
    %cumsum3A = arith.constant true
    %cumsum3A_51 = vector.broadcast %cumsum3A : i1 to vector<16xi1>
    %cumsum3A_52 = tpu.scan <sum>, %rev3A_50 masked %cumsum3A_51 : vector<16xi32>, vector<16xi1> -> vector<16xi32>
    %rev3A_53 = arith.constant 15 : i32
    %rev3A_54 = vector.broadcast %rev3A_53 : i32 to vector<16xi32>
    %rev3A_55 = tpu.iota {dimensions = array<i32: 0>} : vector<16xi32>
    %rev3A_56 = arith.subi %rev3A_54, %rev3A_55 : vector<16xi32>
    %rev3A_57 = tpu.dynamic_gather %cumsum3A_52[%rev3A_56] in [0] : vector<16xi32>, vector<16xi32> -> vector<16xi32>
    %add3A_58 = vector.broadcast %parallel_loop3A_46#2 : i32 to vector<16xi32>
    %add3A_59 = arith.addi %add3A_58, %rev3A_57 : vector<16xi32>
    %ge3A = arith.constant 4096 : i32
    %ge3A_60 = vector.broadcast %ge3A : i32 to vector<16xi32>
    %ge3A_61 = arith.cmpi sge, %add3A_59, %ge3A_60 : vector<16xi32>
    %convert_element_type3A = arith.extui %ge3A_61 : vector<16xi1> to vector<16xi32>
    %reduce_sum3A = arith.constant true
    %reduce_sum3A_62 = vector.broadcast %reduce_sum3A : i1 to vector<16xi1>
    %reduce_sum3A_63 = tpu.scan <sum>, %convert_element_type3A masked %reduce_sum3A_62 : vector<16xi32>, vector<16xi1> -> vector<16xi32>
    %reduce_sum3A_64 = vector.extract %reduce_sum3A_63[15] : i32 from vector<16xi32>
    %sub3A = arith.constant 1 : i32
    %sub3A_65 = arith.subi %reduce_sum3A_64, %sub3A : i32
    %eq3A = vector.broadcast %sub3A_65 : i32 to vector<16xi32>
    %eq3A_66 = arith.cmpi eq, %iota3A, %eq3A : vector<16xi32>
    %jit3A = arith.constant 0 : i32
    %broadcast_in_dim3A_67 = vector.broadcast %jit3A : i32 to vector<16xi32>
    %select_n3A = arith.select %eq3A_66, %parallel_loop3A_46#3, %broadcast_in_dim3A_67 : vector<16xi1>, vector<16xi32>
    %reduce_sum3A_68 = arith.constant true
    %reduce_sum3A_69 = vector.broadcast %reduce_sum3A_68 : i1 to vector<16xi1>
    %reduce_sum3A_70 = tpu.scan <sum>, %select_n3A masked %reduce_sum3A_69 : vector<16xi32>, vector<16xi1> -> vector<16xi32>
    %reduce_sum3A_71 = vector.extract %reduce_sum3A_70[15] : i32 from vector<16xi32>
    %eq3A_72 = vector.broadcast %sub3A_65 : i32 to vector<16xi32>
    %eq3A_73 = arith.cmpi eq, %iota3A, %eq3A_72 : vector<16xi32>
    %jit3A_74 = arith.constant 0 : i32
    %broadcast_in_dim3A_75 = vector.broadcast %jit3A_74 : i32 to vector<16xi32>
    %select_n3A_76 = arith.select %eq3A_73, %rev3A_57, %broadcast_in_dim3A_75 : vector<16xi1>, vector<16xi32>
    %reduce_sum3A_77 = arith.constant true
    %reduce_sum3A_78 = vector.broadcast %reduce_sum3A_77 : i1 to vector<16xi1>
    %reduce_sum3A_79 = tpu.scan <sum>, %select_n3A_76 masked %reduce_sum3A_78 : vector<16xi32>, vector<16xi1> -> vector<16xi32>
    %reduce_sum3A_80 = vector.extract %reduce_sum3A_79[15] : i32 from vector<16xi32>
    %add3A_81 = arith.addi %parallel_loop3A_46#2, %reduce_sum3A_80 : i32
    %sub3A_82 = arith.subi %add3A_81, %reduce_sum3A_71 : i32
    %mul3A_83 = arith.constant 16 : i32
    %mul3A_84 = arith.muli %parallel_loop3A_46#1, %mul3A_83 : i32
    %add3A_85 = arith.addi %mul3A_84, %sub3A_65 : i32
    %sub3A_86 = arith.constant 4096 : i32
    %sub3A_87 = arith.subi %sub3A_86, %sub3A_82 : i32
    %xor3A = arith.constant 1024 : i32
    %xor3A_88 = arith.xori %add3A_85, %xor3A : i32
    %broadcast_in_dim3A_89 = arith.constant 0 : i32
    %broadcast_in_dim3A_90 = vector.broadcast %broadcast_in_dim3A_89 : i32 to vector<16xi32>
    %parallel_loop3A_91 = arith.constant 0 : i32
    %parallel_loop3A_92 = arith.constant 128 : i32
    %parallel_loop3A_93 = arith.constant 1 : i32
    scf.for %parallel_loop3A_1192 = %parallel_loop3A_91 to %parallel_loop3A_92 step %parallel_loop3A_93  : i32 {
      %parallel_loop3A_1193 = arith.constant 16 : i32
      %parallel_loop3A_1194 = arith.muli %parallel_loop3A_1192, %parallel_loop3A_1193 : i32
      %parallel_loop3A_1195 = arith.index_cast %parallel_loop3A_1194 : i32 to index
      %parallel_loop3A_1196 = tpu.vector_load %arg6[%parallel_loop3A_1195] {strides = array<i32>} : memref<2048xi32, #tpu.memory_space<vmem>>, vector<16xi32>,
      tpu.vector_store %arg6[%parallel_loop3A_1195], %broadcast_in_dim3A_90 {strides = array<i32>} : memref<2048xi32, #tpu.memory_space<vmem>>, vector<16xi32>,
    } {sc.loop_unroll_factor = 8 : i64, sc.parallel_access}
    %parallel_loop3A_94 = arith.constant 0 : i32
    %parallel_loop3A_95 = arith.constant 2048 : i32
    %parallel_loop3A_96 = arith.constant 1 : i32
    %parallel_loop3A_97 = arith.constant 0 : i32
    %parallel_loop3A_98 = scf.for %parallel_loop3A_1192 = %parallel_loop3A_94 to %parallel_loop3A_95 step %parallel_loop3A_96 iter_args(%parallel_loop3A_1193 = %parallel_loop3A_97) -> (i32)  : i32 {
      %parallel_loop3A_1194 = arith.constant 16 : i32
      %parallel_loop3A_1195 = arith.muli %parallel_loop3A_1192, %parallel_loop3A_1194 : i32
      %parallel_loop3A_1196 = arith.index_cast %parallel_loop3A_1195 : i32 to index
      %parallel_loop3A_1197 = tpu.vector_load %arg4[%parallel_loop3A_1196] {strides = array<i32>} : memref<32768xf32, #tpu.memory_space<vmem>>, vector<16xf32>,
      %parallel_loop3A_1198 = tpu.bitcast %parallel_loop3A_1197 : vector<16xf32> -> vector<16xi32>
      %parallel_loop3A_1199 = arith.constant 31 : i32
      %parallel_loop3A_1200 = vector.broadcast %parallel_loop3A_1199 : i32 to vector<16xi32>
      %parallel_loop3A_1201 = arith.shrsi %parallel_loop3A_1198, %parallel_loop3A_1200 : vector<16xi32>
      %parallel_loop3A_1202 = arith.constant 2147483647 : i32
      %parallel_loop3A_1203 = vector.broadcast %parallel_loop3A_1202 : i32 to vector<16xi32>
      %parallel_loop3A_1204 = arith.andi %parallel_loop3A_1201, %parallel_loop3A_1203 : vector<16xi32>
      %parallel_loop3A_1205 = arith.xori %parallel_loop3A_1198, %parallel_loop3A_1204 : vector<16xi32>
      %parallel_loop3A_1206 = tpu.bitcast %parallel_loop3A_1205 : vector<16xi32> -> vector<16xi32>
      %parallel_loop3A_1207 = arith.constant 21 : i32
      %parallel_loop3A_1208 = vector.broadcast %parallel_loop3A_1207 : i32 to vector<16xi32>
      %parallel_loop3A_1209 = arith.shrui %parallel_loop3A_1206, %parallel_loop3A_1208 : vector<16xi32>
      %parallel_loop3A_1210 = vector.broadcast %xor3A_88 : i32 to vector<16xi32>
      %parallel_loop3A_1211 = arith.cmpi eq, %parallel_loop3A_1209, %parallel_loop3A_1210 : vector<16xi32>
      %parallel_loop3A_1212 = arith.constant 10 : i32
      %parallel_loop3A_1213 = vector.broadcast %parallel_loop3A_1212 : i32 to vector<16xi32>
      %parallel_loop3A_1214 = arith.shrui %parallel_loop3A_1206, %parallel_loop3A_1213 : vector<16xi32>
      %parallel_loop3A_1215 = arith.constant 2047 : i32
      %parallel_loop3A_1216 = vector.broadcast %parallel_loop3A_1215 : i32 to vector<16xi32>
      %parallel_loop3A_1217 = arith.andi %parallel_loop3A_1214, %parallel_loop3A_1216 : vector<16xi32>
      %parallel_loop3A_1218 = tpu.bitcast %parallel_loop3A_1217 : vector<16xi32> -> vector<16xi32>
      tpu.vector_store_idx %arg6[%parallel_loop3A_1218], %broadcast_in_dim3A_29 masked %parallel_loop3A_1211 {add = true} : memref<2048xi32, #tpu.memory_space<vmem>>[vector<16xi32>], vector<16xi32>, vector<16xi1>
      %parallel_loop3A_1219 = tpu.bitcast %parallel_loop3A_1206 : vector<16xi32> -> vector<16xi32>
      %parallel_loop3A_1220 = arith.index_cast %parallel_loop3A_1193 : i32 to index
      %parallel_loop3A_1221 = tpu.vector_load %arg7[%parallel_loop3A_1220] masked %parallel_loop3A_1211 {strides = array<i32>} : memref<32784xi32, #tpu.memory_space<vmem>>, vector<16xi32>, vector<16xi1>
      tpu.vector_store %arg7[%parallel_loop3A_1220], %parallel_loop3A_1219 masked %parallel_loop3A_1211 {strides = array<i32>} : memref<32784xi32, #tpu.memory_space<vmem>>, vector<16xi32>, vector<16xi1>
      %parallel_loop3A_1222 = tpu.all_reduce %parallel_loop3A_1211 {dim = 0 : i64, kind = #tpu.reduction_kind<sum>} : vector<16xi1> -> vector<16xi32>
      %parallel_loop3A_1223 = vector.extract_strided_slice %parallel_loop3A_1222 {offsets = [0], sizes = [1], strides = [1]} : vector<16xi32> to vector<1xi32>
      %parallel_loop3A_1224 = vector.extract %parallel_loop3A_1223[0] : i32 from vector<1xi32>
      %parallel_loop3A_1225 = arith.addi %parallel_loop3A_1193, %parallel_loop3A_1224 : i32
      scf.yield %parallel_loop3A_1225 : i32
    } {sc.loop_unroll_factor = 8 : i64, sc.parallel_access}
    %iota3A_99 = tpu.iota {dimensions = array<i32: 0>} : vector<16xi32>
    %broadcast_in_dim3A_100 = arith.constant 0 : i32
    %broadcast_in_dim3A_101 = vector.broadcast %broadcast_in_dim3A_100 : i32 to vector<16xi32>
    %parallel_loop3A_102 = arith.constant 0 : i32
    %parallel_loop3A_103 = arith.constant 128 : i32
    %parallel_loop3A_104 = arith.constant 1 : i32
    %parallel_loop3A_105 = arith.constant 0 : i32
    %parallel_loop3A_106 = arith.constant -1 : i32
    %parallel_loop3A_107 = arith.constant 0 : i32
    %parallel_loop3A_108:4 = scf.for %parallel_loop3A_1192 = %parallel_loop3A_102 to %parallel_loop3A_103 step %parallel_loop3A_104 iter_args(%parallel_loop3A_1193 = %parallel_loop3A_105, %parallel_loop3A_1194 = %parallel_loop3A_106, %parallel_loop3A_1195 = %parallel_loop3A_107, %parallel_loop3A_1196 = %broadcast_in_dim3A_101) -> (i32, i32, i32, vector<16xi32>)  : i32 {
      %parallel_loop3A_1197 = arith.constant 127 : i32
      %parallel_loop3A_1198 = arith.subi %parallel_loop3A_1197, %parallel_loop3A_1192 : i32
      %parallel_loop3A_1199 = arith.constant 16 : i32
      %parallel_loop3A_1200 = arith.muli %parallel_loop3A_1198, %parallel_loop3A_1199 : i32
      %parallel_loop3A_1201 = arith.index_cast %parallel_loop3A_1200 : i32 to index
      %parallel_loop3A_1202 = tpu.vector_load %arg6[%parallel_loop3A_1201] {strides = array<i32>} : memref<2048xi32, #tpu.memory_space<vmem>>, vector<16xi32>,
      %parallel_loop3A_1203 = arith.constant true
      %parallel_loop3A_1204 = vector.broadcast %parallel_loop3A_1203 : i1 to vector<16xi1>
      %parallel_loop3A_1205 = tpu.scan <sum>, %parallel_loop3A_1202 masked %parallel_loop3A_1204 : vector<16xi32>, vector<16xi1> -> vector<16xi32>
      %parallel_loop3A_1206 = vector.extract %parallel_loop3A_1205[15] : i32 from vector<16xi32>
      %parallel_loop3A_1207 = arith.constant 0 : i32
      %parallel_loop3A_1208 = arith.cmpi slt, %parallel_loop3A_1194, %parallel_loop3A_1207 : i32
      %parallel_loop3A_1209 = arith.addi %parallel_loop3A_1193, %parallel_loop3A_1206 : i32
      %parallel_loop3A_1210 = arith.cmpi sge, %parallel_loop3A_1209, %sub3A_87 : i32
      %parallel_loop3A_1211 = arith.andi %parallel_loop3A_1208, %parallel_loop3A_1210 : i1
      %parallel_loop3A_1212 = arith.select %parallel_loop3A_1211, %parallel_loop3A_1198, %parallel_loop3A_1194 : i32
      %parallel_loop3A_1213 = arith.select %parallel_loop3A_1211, %parallel_loop3A_1193, %parallel_loop3A_1195 : i32
      %parallel_loop3A_1214 = vector.broadcast %parallel_loop3A_1211 : i1 to vector<16xi1>
      %parallel_loop3A_1215 = arith.select %parallel_loop3A_1214, %parallel_loop3A_1202, %parallel_loop3A_1196 : vector<16xi1>, vector<16xi32>
      %parallel_loop3A_1216 = arith.addi %parallel_loop3A_1193, %parallel_loop3A_1206 : i32
      scf.yield %parallel_loop3A_1216, %parallel_loop3A_1212, %parallel_loop3A_1213, %parallel_loop3A_1215 : i32, i32, i32, vector<16xi32>
    } {sc.loop_unroll_factor = 4 : i64, sc.parallel_access}
    %rev3A_109 = arith.constant 15 : i32
    %rev3A_110 = vector.broadcast %rev3A_109 : i32 to vector<16xi32>
    %rev3A_111 = tpu.iota {dimensions = array<i32: 0>} : vector<16xi32>
    %rev3A_112 = arith.subi %rev3A_110, %rev3A_111 : vector<16xi32>
    %rev3A_113 = tpu.dynamic_gather %parallel_loop3A_108#3[%rev3A_112] in [0] : vector<16xi32>, vector<16xi32> -> vector<16xi32>
    %cumsum3A_114 = arith.constant true
    %cumsum3A_115 = vector.broadcast %cumsum3A_114 : i1 to vector<16xi1>
    %cumsum3A_116 = tpu.scan <sum>, %rev3A_113 masked %cumsum3A_115 : vector<16xi32>, vector<16xi1> -> vector<16xi32>
    %rev3A_117 = arith.constant 15 : i32
    %rev3A_118 = vector.broadcast %rev3A_117 : i32 to vector<16xi32>
    %rev3A_119 = tpu.iota {dimensions = array<i32: 0>} : vector<16xi32>
    %rev3A_120 = arith.subi %rev3A_118, %rev3A_119 : vector<16xi32>
    %rev3A_121 = tpu.dynamic_gather %cumsum3A_116[%rev3A_120] in [0] : vector<16xi32>, vector<16xi32> -> vector<16xi32>
    %add3A_122 = vector.broadcast %parallel_loop3A_108#2 : i32 to vector<16xi32>
    %add3A_123 = arith.addi %add3A_122, %rev3A_121 : vector<16xi32>
    %ge3A_124 = vector.broadcast %sub3A_87 : i32 to vector<16xi32>
    %ge3A_125 = arith.cmpi sge, %add3A_123, %ge3A_124 : vector<16xi32>
    %convert_element_type3A_126 = arith.extui %ge3A_125 : vector<16xi1> to vector<16xi32>
    %reduce_sum3A_127 = arith.constant true
    %reduce_sum3A_128 = vector.broadcast %reduce_sum3A_127 : i1 to vector<16xi1>
    %reduce_sum3A_129 = tpu.scan <sum>, %convert_element_type3A_126 masked %reduce_sum3A_128 : vector<16xi32>, vector<16xi1> -> vector<16xi32>
    %reduce_sum3A_130 = vector.extract %reduce_sum3A_129[15] : i32 from vector<16xi32>
    %sub3A_131 = arith.constant 1 : i32
    %sub3A_132 = arith.subi %reduce_sum3A_130, %sub3A_131 : i32
    %eq3A_133 = vector.broadcast %sub3A_132 : i32 to vector<16xi32>
    %eq3A_134 = arith.cmpi eq, %iota3A_99, %eq3A_133 : vector<16xi32>
    %jit3A_135 = arith.constant 0 : i32
    %broadcast_in_dim3A_136 = vector.broadcast %jit3A_135 : i32 to vector<16xi32>
    %select_n3A_137 = arith.select %eq3A_134, %parallel_loop3A_108#3, %broadcast_in_dim3A_136 : vector<16xi1>, vector<16xi32>
    %reduce_sum3A_138 = arith.constant true
    %reduce_sum3A_139 = vector.broadcast %reduce_sum3A_138 : i1 to vector<16xi1>
    %reduce_sum3A_140 = tpu.scan <sum>, %select_n3A_137 masked %reduce_sum3A_139 : vector<16xi32>, vector<16xi1> -> vector<16xi32>
    %reduce_sum3A_141 = vector.extract %reduce_sum3A_140[15] : i32 from vector<16xi32>
    %eq3A_142 = vector.broadcast %sub3A_132 : i32 to vector<16xi32>
    %eq3A_143 = arith.cmpi eq, %iota3A_99, %eq3A_142 : vector<16xi32>
    %jit3A_144 = arith.constant 0 : i32
    %broadcast_in_dim3A_145 = vector.broadcast %jit3A_144 : i32 to vector<16xi32>
    %select_n3A_146 = arith.select %eq3A_143, %rev3A_121, %broadcast_in_dim3A_145 : vector<16xi1>, vector<16xi32>
    %reduce_sum3A_147 = arith.constant true
    %reduce_sum3A_148 = vector.broadcast %reduce_sum3A_147 : i1 to vector<16xi1>
    %reduce_sum3A_149 = tpu.scan <sum>, %select_n3A_146 masked %reduce_sum3A_148 : vector<16xi32>, vector<16xi1> -> vector<16xi32>
    %reduce_sum3A_150 = vector.extract %reduce_sum3A_149[15] : i32 from vector<16xi32>
    %add3A_151 = arith.addi %parallel_loop3A_108#2, %reduce_sum3A_150 : i32
    %sub3A_152 = arith.subi %add3A_151, %reduce_sum3A_141 : i32
    %mul3A_153 = arith.constant 16 : i32
    %mul3A_154 = arith.muli %parallel_loop3A_108#1, %mul3A_153 : i32
    %add3A_155 = arith.addi %mul3A_154, %sub3A_132 : i32
    %sub3A_156 = arith.subi %sub3A_87, %sub3A_152 : i32
    %shift_left3A = arith.constant 11 : i32
    %shift_left3A_157 = arith.shli %xor3A_88, %shift_left3A : i32
    %or3A = arith.ori %shift_left3A_157, %add3A_155 : i32
    %xor3A_158 = arith.constant 1 : i32
    %xor3A_159 = arith.xori %xor3A_88, %xor3A_158 : i32
    %shift_left3A_160 = arith.constant 21 : i32
    %shift_left3A_161 = arith.shli %xor3A_159, %shift_left3A_160 : i32
    %bitcast_convert_type3A = arith.bitcast %shift_left3A_161 : i32 to i32
    %broadcast_in_dim3A_162 = vector.broadcast %bitcast_convert_type3A : i32 to vector<16xi32>
    %swap3A = arith.index_cast %reduce_sum3A_71 : i32 to index
    %swap3A_163 = tpu.vector_load %arg7[%swap3A] {strides = array<i32>} : memref<32784xi32, #tpu.memory_space<vmem>>, vector<16xi32>,
    tpu.vector_store %arg7[%swap3A], %broadcast_in_dim3A_162 {strides = array<i32>} : memref<32784xi32, #tpu.memory_space<vmem>>, vector<16xi32>,
    %broadcast_in_dim3A_164 = arith.constant 0 : i32
    %broadcast_in_dim3A_165 = vector.broadcast %broadcast_in_dim3A_164 : i32 to vector<16xi32>
    %parallel_loop3A_166 = arith.constant 0 : i32
    %parallel_loop3A_167 = arith.constant 64 : i32
    %parallel_loop3A_168 = arith.constant 1 : i32
    scf.for %parallel_loop3A_1192 = %parallel_loop3A_166 to %parallel_loop3A_167 step %parallel_loop3A_168  : i32 {
      %parallel_loop3A_1193 = arith.constant 16 : i32
      %parallel_loop3A_1194 = arith.muli %parallel_loop3A_1192, %parallel_loop3A_1193 : i32
      %parallel_loop3A_1195 = arith.index_cast %parallel_loop3A_1194 : i32 to index
      %parallel_loop3A_1196 = tpu.vector_load %arg6[%parallel_loop3A_1195] {strides = array<i32>} : memref<2048xi32, #tpu.memory_space<vmem>>, vector<16xi32>,
      tpu.vector_store %arg6[%parallel_loop3A_1195], %broadcast_in_dim3A_165 {strides = array<i32>} : memref<2048xi32, #tpu.memory_space<vmem>>, vector<16xi32>,
    } {sc.loop_unroll_factor = 8 : i64, sc.parallel_access}
    %add3A_169 = arith.constant 15 : i32
    %add3A_170 = arith.addi %reduce_sum3A_71, %add3A_169 : i32
    %jit3A_171 = arith.constant 16 : i32
    %div3A = arith.divsi %add3A_170, %jit3A_171 : i32
    %sign3A = arith.constant 0 : i32
    %sign3A_172 = arith.cmpi sgt, %add3A_170, %sign3A : i32
    %sign3A_173 = arith.extui %sign3A_172 : i1 to i32
    %sign3A_174 = arith.constant 0 : i32
    %sign3A_175 = arith.cmpi slt, %add3A_170, %sign3A_174 : i32
    %sign3A_176 = arith.extui %sign3A_175 : i1 to i32
    %sign3A_177 = arith.subi %sign3A_173, %sign3A_176 : i32
    %sign3A_178 = arith.constant 0 : i32
    %sign3A_179 = arith.cmpi sgt, %jit3A_171, %sign3A_178 : i32
    %sign3A_180 = arith.extui %sign3A_179 : i1 to i32
    %sign3A_181 = arith.constant 0 : i32
    %sign3A_182 = arith.cmpi slt, %jit3A_171, %sign3A_181 : i32
    %sign3A_183 = arith.extui %sign3A_182 : i1 to i32
    %sign3A_184 = arith.subi %sign3A_180, %sign3A_183 : i32
    %ne3A = arith.cmpi ne, %sign3A_177, %sign3A_184 : i32
    %rem3A = arith.remsi %add3A_170, %jit3A_171 : i32
    %ne3A_185 = arith.constant 0 : i32
    %ne3A_186 = arith.cmpi ne, %rem3A, %ne3A_185 : i32
    %and3A = arith.andi %ne3A, %ne3A_186 : i1
    %sub3A_187 = arith.constant 1 : i32
    %sub3A_188 = arith.subi %div3A, %sub3A_187 : i32
    %select_n3A_189 = arith.select %and3A, %sub3A_188, %div3A : i32
    %parallel_loop3A_190 = arith.constant 0 : i32
    %parallel_loop3A_191 = arith.constant 1 : i32
    %parallel_loop3A_192 = arith.constant 0 : i32
    %parallel_loop3A_193 = scf.for %parallel_loop3A_1192 = %parallel_loop3A_190 to %select_n3A_189 step %parallel_loop3A_191 iter_args(%parallel_loop3A_1193 = %parallel_loop3A_192) -> (i32)  : i32 {
      %parallel_loop3A_1194 = arith.constant 16 : i32
      %parallel_loop3A_1195 = arith.muli %parallel_loop3A_1192, %parallel_loop3A_1194 : i32
      %parallel_loop3A_1196 = arith.index_cast %parallel_loop3A_1195 : i32 to index
      %parallel_loop3A_1197 = tpu.vector_load %arg7[%parallel_loop3A_1196] {strides = array<i32>} : memref<32784xi32, #tpu.memory_space<vmem>>, vector<16xi32>,
      %parallel_loop3A_1198 = tpu.bitcast %parallel_loop3A_1197 : vector<16xi32> -> vector<16xi32>
      %parallel_loop3A_1199 = arith.constant 10 : i32
      %parallel_loop3A_1200 = vector.broadcast %parallel_loop3A_1199 : i32 to vector<16xi32>
      %parallel_loop3A_1201 = arith.shrui %parallel_loop3A_1198, %parallel_loop3A_1200 : vector<16xi32>
      %parallel_loop3A_1202 = vector.broadcast %or3A : i32 to vector<16xi32>
      %parallel_loop3A_1203 = arith.cmpi eq, %parallel_loop3A_1201, %parallel_loop3A_1202 : vector<16xi32>
      %parallel_loop3A_1204 = arith.constant 1023 : i32
      %parallel_loop3A_1205 = vector.broadcast %parallel_loop3A_1204 : i32 to vector<16xi32>
      %parallel_loop3A_1206 = arith.andi %parallel_loop3A_1198, %parallel_loop3A_1205 : vector<16xi32>
      %parallel_loop3A_1207 = tpu.bitcast %parallel_loop3A_1206 : vector<16xi32> -> vector<16xi32>
      tpu.vector_store_idx %arg6[%parallel_loop3A_1207], %broadcast_in_dim3A_29 masked %parallel_loop3A_1203 {add = true} : memref<2048xi32, #tpu.memory_space<vmem>>[vector<16xi32>], vector<16xi32>, vector<16xi1>
      %parallel_loop3A_1208 = arith.constant 0 : i32
      scf.yield %parallel_loop3A_1208 : i32
    } {sc.loop_unroll_factor = 2 : i64, sc.parallel_access}
    %iota3A_194 = tpu.iota {dimensions = array<i32: 0>} : vector<16xi32>
    %broadcast_in_dim3A_195 = arith.constant 0 : i32
    %broadcast_in_dim3A_196 = vector.broadcast %broadcast_in_dim3A_195 : i32 to vector<16xi32>
    %parallel_loop3A_197 = arith.constant 0 : i32
    %parallel_loop3A_198 = arith.constant 64 : i32
    %parallel_loop3A_199 = arith.constant 1 : i32
    %parallel_loop3A_200 = arith.constant 0 : i32
    %parallel_loop3A_201 = arith.constant -1 : i32
    %parallel_loop3A_202 = arith.constant 0 : i32
    %parallel_loop3A_203:4 = scf.for %parallel_loop3A_1192 = %parallel_loop3A_197 to %parallel_loop3A_198 step %parallel_loop3A_199 iter_args(%parallel_loop3A_1193 = %parallel_loop3A_200, %parallel_loop3A_1194 = %parallel_loop3A_201, %parallel_loop3A_1195 = %parallel_loop3A_202, %parallel_loop3A_1196 = %broadcast_in_dim3A_196) -> (i32, i32, i32, vector<16xi32>)  : i32 {
      %parallel_loop3A_1197 = arith.constant 63 : i32
      %parallel_loop3A_1198 = arith.subi %parallel_loop3A_1197, %parallel_loop3A_1192 : i32
      %parallel_loop3A_1199 = arith.constant 16 : i32
      %parallel_loop3A_1200 = arith.muli %parallel_loop3A_1198, %parallel_loop3A_1199 : i32
      %parallel_loop3A_1201 = arith.index_cast %parallel_loop3A_1200 : i32 to index
      %parallel_loop3A_1202 = tpu.vector_load %arg6[%parallel_loop3A_1201] {strides = array<i32>} : memref<2048xi32, #tpu.memory_space<vmem>>, vector<16xi32>,
      %parallel_loop3A_1203 = arith.constant true
      %parallel_loop3A_1204 = vector.broadcast %parallel_loop3A_1203 : i1 to vector<16xi1>
      %parallel_loop3A_1205 = tpu.scan <sum>, %parallel_loop3A_1202 masked %parallel_loop3A_1204 : vector<16xi32>, vector<16xi1> -> vector<16xi32>
      %parallel_loop3A_1206 = vector.extract %parallel_loop3A_1205[15] : i32 from vector<16xi32>
      %parallel_loop3A_1207 = arith.constant 0 : i32
      %parallel_loop3A_1208 = arith.cmpi slt, %parallel_loop3A_1194, %parallel_loop3A_1207 : i32
      %parallel_loop3A_1209 = arith.addi %parallel_loop3A_1193, %parallel_loop3A_1206 : i32
      %parallel_loop3A_1210 = arith.cmpi sge, %parallel_loop3A_1209, %sub3A_156 : i32
      %parallel_loop3A_1211 = arith.andi %parallel_loop3A_1208, %parallel_loop3A_1210 : i1
      %parallel_loop3A_1212 = arith.select %parallel_loop3A_1211, %parallel_loop3A_1198, %parallel_loop3A_1194 : i32
      %parallel_loop3A_1213 = arith.select %parallel_loop3A_1211, %parallel_loop3A_1193, %parallel_loop3A_1195 : i32
      %parallel_loop3A_1214 = vector.broadcast %parallel_loop3A_1211 : i1 to vector<16xi1>
      %parallel_loop3A_1215 = arith.select %parallel_loop3A_1214, %parallel_loop3A_1202, %parallel_loop3A_1196 : vector<16xi1>, vector<16xi32>
      %parallel_loop3A_1216 = arith.addi %parallel_loop3A_1193, %parallel_loop3A_1206 : i32
      scf.yield %parallel_loop3A_1216, %parallel_loop3A_1212, %parallel_loop3A_1213, %parallel_loop3A_1215 : i32, i32, i32, vector<16xi32>
    } {sc.loop_unroll_factor = 4 : i64, sc.parallel_access}
    %rev3A_204 = arith.constant 15 : i32
    %rev3A_205 = vector.broadcast %rev3A_204 : i32 to vector<16xi32>
    %rev3A_206 = tpu.iota {dimensions = array<i32: 0>} : vector<16xi32>
    %rev3A_207 = arith.subi %rev3A_205, %rev3A_206 : vector<16xi32>
    %rev3A_208 = tpu.dynamic_gather %parallel_loop3A_203#3[%rev3A_207] in [0] : vector<16xi32>, vector<16xi32> -> vector<16xi32>
    %cumsum3A_209 = arith.constant true
    %cumsum3A_210 = vector.broadcast %cumsum3A_209 : i1 to vector<16xi1>
    %cumsum3A_211 = tpu.scan <sum>, %rev3A_208 masked %cumsum3A_210 : vector<16xi32>, vector<16xi1> -> vector<16xi32>
    %rev3A_212 = arith.constant 15 : i32
    %rev3A_213 = vector.broadcast %rev3A_212 : i32 to vector<16xi32>
    %rev3A_214 = tpu.iota {dimensions = array<i32: 0>} : vector<16xi32>
    %rev3A_215 = arith.subi %rev3A_213, %rev3A_214 : vector<16xi32>
    %rev3A_216 = tpu.dynamic_gather %cumsum3A_211[%rev3A_215] in [0] : vector<16xi32>, vector<16xi32> -> vector<16xi32>
    %add3A_217 = vector.broadcast %parallel_loop3A_203#2 : i32 to vector<16xi32>
    %add3A_218 = arith.addi %add3A_217, %rev3A_216 : vector<16xi32>
    %ge3A_219 = vector.broadcast %sub3A_156 : i32 to vector<16xi32>
    %ge3A_220 = arith.cmpi sge, %add3A_218, %ge3A_219 : vector<16xi32>
    %convert_element_type3A_221 = arith.extui %ge3A_220 : vector<16xi1> to vector<16xi32>
    %reduce_sum3A_222 = arith.constant true
    %reduce_sum3A_223 = vector.broadcast %reduce_sum3A_222 : i1 to vector<16xi1>
    %reduce_sum3A_224 = tpu.scan <sum>, %convert_element_type3A_221 masked %reduce_sum3A_223 : vector<16xi32>, vector<16xi1> -> vector<16xi32>
    %reduce_sum3A_225 = vector.extract %reduce_sum3A_224[15] : i32 from vector<16xi32>
    %sub3A_226 = arith.constant 1 : i32
    %sub3A_227 = arith.subi %reduce_sum3A_225, %sub3A_226 : i32
    %eq3A_228 = vector.broadcast %sub3A_227 : i32 to vector<16xi32>
    %eq3A_229 = arith.cmpi eq, %iota3A_194, %eq3A_228 : vector<16xi32>
    %jit3A_230 = arith.constant 0 : i32
    %broadcast_in_dim3A_231 = vector.broadcast %jit3A_230 : i32 to vector<16xi32>
    %select_n3A_232 = arith.select %eq3A_229, %parallel_loop3A_203#3, %broadcast_in_dim3A_231 : vector<16xi1>, vector<16xi32>
    %reduce_sum3A_233 = arith.constant true
    %reduce_sum3A_234 = vector.broadcast %reduce_sum3A_233 : i1 to vector<16xi1>
    %reduce_sum3A_235 = tpu.scan <sum>, %select_n3A_232 masked %reduce_sum3A_234 : vector<16xi32>, vector<16xi1> -> vector<16xi32>
    %reduce_sum3A_236 = vector.extract %reduce_sum3A_235[15] : i32 from vector<16xi32>
    %eq3A_237 = vector.broadcast %sub3A_227 : i32 to vector<16xi32>
    %eq3A_238 = arith.cmpi eq, %iota3A_194, %eq3A_237 : vector<16xi32>
    %jit3A_239 = arith.constant 0 : i32
    %broadcast_in_dim3A_240 = vector.broadcast %jit3A_239 : i32 to vector<16xi32>
    %select_n3A_241 = arith.select %eq3A_238, %rev3A_216, %broadcast_in_dim3A_240 : vector<16xi1>, vector<16xi32>
    %reduce_sum3A_242 = arith.constant true
    %reduce_sum3A_243 = vector.broadcast %reduce_sum3A_242 : i1 to vector<16xi1>
    %reduce_sum3A_244 = tpu.scan <sum>, %select_n3A_241 masked %reduce_sum3A_243 : vector<16xi32>, vector<16xi1> -> vector<16xi32>
    %reduce_sum3A_245 = vector.extract %reduce_sum3A_244[15] : i32 from vector<16xi32>
    %add3A_246 = arith.addi %parallel_loop3A_203#2, %reduce_sum3A_245 : i32
    %sub3A_247 = arith.subi %add3A_246, %reduce_sum3A_236 : i32
    %mul3A_248 = arith.constant 16 : i32
    %mul3A_249 = arith.muli %parallel_loop3A_203#1, %mul3A_248 : i32
    %add3A_250 = arith.addi %mul3A_249, %sub3A_227 : i32
    %sub3A_251 = arith.subi %sub3A_156, %sub3A_247 : i32
    %shift_left3A_252 = arith.constant 21 : i32
    %shift_left3A_253 = arith.shli %xor3A_88, %shift_left3A_252 : i32
    %shift_left3A_254 = arith.constant 10 : i32
    %shift_left3A_255 = arith.shli %add3A_155, %shift_left3A_254 : i32
    %or3A_256 = arith.ori %shift_left3A_253, %shift_left3A_255 : i32
    %or3A_257 = arith.ori %or3A_256, %add3A_250 : i32
    %ge3A_258 = arith.constant 0 : i32
    %ge3A_259 = arith.cmpi sge, %or3A_257, %ge3A_258 : i32
    %xor3A_260 = arith.constant 2147483647 : i32
    %xor3A_261 = arith.xori %or3A_257, %xor3A_260 : i32
    %select_n3A_262 = arith.select %ge3A_259, %or3A_257, %xor3A_261 : i32
    %bitcast_convert_type3A_263 = arith.bitcast %select_n3A_262 : i32 to f32
    %broadcast_in_dim3A_264 = vector.broadcast %bitcast_convert_type3A_263 : f32 to vector<16xf32>
    %parallel_loop3A_265 = arith.constant 0 : i32
    %parallel_loop3A_266 = arith.constant 2048 : i32
    %parallel_loop3A_267 = arith.constant 1 : i32
    scf.for %parallel_loop3A_1192 = %parallel_loop3A_265 to %parallel_loop3A_266 step %parallel_loop3A_267  : i32 {
      %parallel_loop3A_1193 = arith.constant 16 : i32
      %parallel_loop3A_1194 = arith.muli %parallel_loop3A_1192, %parallel_loop3A_1193 : i32
      %parallel_loop3A_1195 = arith.index_cast %parallel_loop3A_1194 : i32 to index
      %parallel_loop3A_1196 = tpu.vector_load %arg4[%parallel_loop3A_1195] {strides = array<i32>} : memref<32768xf32, #tpu.memory_space<vmem>>, vector<16xf32>,
      %parallel_loop3A_1197 = arith.cmpf oge, %parallel_loop3A_1196, %broadcast_in_dim3A_264 : vector<16xf32>
      %parallel_loop3A_1198 = arith.constant 0.000000e+00 : f32
      %parallel_loop3A_1199 = vector.broadcast %parallel_loop3A_1198 : f32 to vector<16xf32>
      %parallel_loop3A_1200 = arith.select %parallel_loop3A_1197, %parallel_loop3A_1196, %parallel_loop3A_1199 : vector<16xi1>, vector<16xf32>
      %parallel_loop3A_1201 = arith.index_cast %parallel_loop3A_1194 : i32 to index
      %parallel_loop3A_1202 = tpu.vector_load %arg4[%parallel_loop3A_1201] {strides = array<i32>} : memref<32768xf32, #tpu.memory_space<vmem>>, vector<16xf32>,
      tpu.vector_store %arg4[%parallel_loop3A_1201], %parallel_loop3A_1200 {strides = array<i32>} : memref<32768xf32, #tpu.memory_space<vmem>>, vector<16xf32>,
    } {sc.loop_unroll_factor = 8 : i64, sc.parallel_access}
    %sub3A_268 = arith.subi %reduce_sum3A_236, %sub3A_251 : i32
    %while3A = arith.constant 2047 : i32
    %while3A_269:2 = scf.while (%while3A_1192 = %while3A, %while3A_1193 = %sub3A_268) : (i32, i32) -> (i32, i32) {
      %gt3A = arith.constant 0 : i32
      %gt3A_1194 = arith.cmpi sgt, %while3A_1193, %gt3A : i32
      %ge3A_1195 = arith.constant 0 : i32
      %ge3A_1196 = arith.cmpi sge, %while3A_1192, %ge3A_1195 : i32
      %and3A_1197 = arith.andi %gt3A_1194, %ge3A_1196 : i1
      scf.condition(%and3A_1197) %while3A_1192, %while3A_1193 : i32, i32
    } do {
    ^bb0(%while3A_1192: i32, %while3A_1193: i32):
      %mul3A_1194 = arith.constant 16 : i32
      %mul3A_1195 = arith.muli %while3A_1192, %mul3A_1194 : i32
      %get3A = arith.index_cast %mul3A_1195 : i32 to index
      %get3A_1196 = tpu.vector_load %arg4[%get3A] {strides = array<i32>} : memref<32768xf32, #tpu.memory_space<vmem>>, vector<16xf32>,
      %bitcast_convert_type3A_1197 = tpu.bitcast %get3A_1196 : vector<16xf32> -> vector<16xi32>
      %shift_right_arithmetic3A = arith.constant 31 : i32
      %shift_right_arithmetic3A_1198 = vector.broadcast %shift_right_arithmetic3A : i32 to vector<16xi32>
      %shift_right_arithmetic3A_1199 = arith.shrsi %bitcast_convert_type3A_1197, %shift_right_arithmetic3A_1198 : vector<16xi32>
      %and3A_1200 = arith.constant 2147483647 : i32
      %and3A_1201 = vector.broadcast %and3A_1200 : i32 to vector<16xi32>
      %and3A_1202 = arith.andi %shift_right_arithmetic3A_1199, %and3A_1201 : vector<16xi32>
      %xor3A_1203 = arith.xori %bitcast_convert_type3A_1197, %and3A_1202 : vector<16xi32>
      %eq3A_1204 = vector.broadcast %or3A_257 : i32 to vector<16xi32>
      %eq3A_1205 = arith.cmpi eq, %xor3A_1203, %eq3A_1204 : vector<16xi32>
      %convert_element_type3A_1206 = arith.extui %eq3A_1205 : vector<16xi1> to vector<16xi32>
      %rev3A_1207 = arith.constant 15 : i32
      %rev3A_1208 = vector.broadcast %rev3A_1207 : i32 to vector<16xi32>
      %rev3A_1209 = tpu.iota {dimensions = array<i32: 0>} : vector<16xi32>
      %rev3A_1210 = arith.subi %rev3A_1208, %rev3A_1209 : vector<16xi32>
      %rev3A_1211 = tpu.dynamic_gather %convert_element_type3A_1206[%rev3A_1210] in [0] : vector<16xi32>, vector<16xi32> -> vector<16xi32>
      %cumsum3A_1212 = arith.constant true
      %cumsum3A_1213 = vector.broadcast %cumsum3A_1212 : i1 to vector<16xi1>
      %cumsum3A_1214 = tpu.scan <sum>, %rev3A_1211 masked %cumsum3A_1213 : vector<16xi32>, vector<16xi1> -> vector<16xi32>
      %rev3A_1215 = arith.constant 15 : i32
      %rev3A_1216 = vector.broadcast %rev3A_1215 : i32 to vector<16xi32>
      %rev3A_1217 = tpu.iota {dimensions = array<i32: 0>} : vector<16xi32>
      %rev3A_1218 = arith.subi %rev3A_1216, %rev3A_1217 : vector<16xi32>
      %rev3A_1219 = tpu.dynamic_gather %cumsum3A_1214[%rev3A_1218] in [0] : vector<16xi32>, vector<16xi32> -> vector<16xi32>
      %le3A = vector.broadcast %while3A_1193 : i32 to vector<16xi32>
      %le3A_1220 = arith.cmpi sle, %rev3A_1219, %le3A : vector<16xi32>
      %and3A_1221 = arith.andi %eq3A_1205, %le3A_1220 : vector<16xi1>
      %jit3A_1222 = arith.constant 0.000000e+00 : f32
      %broadcast_in_dim3A_1223 = vector.broadcast %jit3A_1222 : f32 to vector<16xf32>
      %select_n3A_1224 = arith.select %and3A_1221, %broadcast_in_dim3A_1223, %get3A_1196 : vector<16xi1>, vector<16xf32>
      %swap3A_1225 = arith.index_cast %mul3A_1195 : i32 to index
      %swap3A_1226 = tpu.vector_load %arg4[%swap3A_1225] {strides = array<i32>} : memref<32768xf32, #tpu.memory_space<vmem>>, vector<16xf32>,
      tpu.vector_store %arg4[%swap3A_1225], %select_n3A_1224 {strides = array<i32>} : memref<32768xf32, #tpu.memory_space<vmem>>, vector<16xf32>,
      %reduce_sum3A_1227 = arith.constant true
      %reduce_sum3A_1228 = vector.broadcast %reduce_sum3A_1227 : i1 to vector<16xi1>
      %reduce_sum3A_1229 = tpu.scan <sum>, %convert_element_type3A_1206 masked %reduce_sum3A_1228 : vector<16xi32>, vector<16xi1> -> vector<16xi32>
      %reduce_sum3A_1230 = vector.extract %reduce_sum3A_1229[15] : i32 from vector<16xi32>
      %sub3A_1231 = arith.subi %while3A_1193, %reduce_sum3A_1230 : i32
      %max3A = arith.constant 0 : i32
      %max3A_1232 = arith.maxsi %sub3A_1231, %max3A : i32
      %sub3A_1233 = arith.constant 1 : i32
      %sub3A_1234 = arith.subi %while3A_1192, %sub3A_1233 : i32
      scf.yield %sub3A_1234, %max3A_1232 : i32, i32
    }
    %mul3A_270 = arith.constant 4 : i32
    %mul3A_271 = arith.muli %add3A, %mul3A_270 : i32
    %add3A_272 = arith.constant 0 : i32
    %add3A_273 = arith.addi %mul3A_271, %add3A_272 : i32
    %dma_start3A_274 = arith.constant 0 : i32
    %dma_start3A_275 = tpu.memref_slice %arg3[%add3A_273, %dma_start3A_274] : memref<128x32768xf32, #tpu.memory_space<hbm>> -> memref<1x32768xf32, #tpu.memory_space<hbm>>
    %dma_start3A_276 = tpu.memref_squeeze %dma_start3A_275 : memref<1x32768xf32, #tpu.memory_space<hbm>> -> memref<32768xf32, #tpu.memory_space<hbm>>
    %dma_start3A_277 = arith.constant 0 : i32
    %dma_start3A_278 = tpu.memref_slice %arg3[%add3A_273, %dma_start3A_277] : memref<128x32768xf32, #tpu.memory_space<hbm>> -> memref<1x32768xf32, #tpu.memory_space<hbm>>
    %dma_start3A_279 = tpu.memref_squeeze %dma_start3A_278 : memref<1x32768xf32, #tpu.memory_space<hbm>> -> memref<32768xf32, #tpu.memory_space<hbm>>
    tpu.enqueue_dma source(%arg4 : memref<32768xf32, #tpu.memory_space<vmem>>) target(%dma_start3A_279 : memref<32768xf32, #tpu.memory_space<hbm>>) target_semaphore(%arg10 : memref<!tpu.dma_semaphore, #tpu.memory_space<semaphore_mem>>)
    %mul3A_280 = arith.constant 4 : i32
    %mul3A_281 = arith.muli %add3A, %mul3A_280 : i32
    %add3A_282 = arith.constant 0 : i32
    %add3A_283 = arith.addi %mul3A_281, %add3A_282 : i32
    %dma_wait3A_284 = arith.constant 0 : i32
    %dma_wait3A_285 = tpu.memref_slice %arg3[%add3A_283, %dma_wait3A_284] : memref<128x32768xf32, #tpu.memory_space<hbm>> -> memref<1x32768xf32, #tpu.memory_space<hbm>>
    %dma_wait3A_286 = tpu.memref_squeeze %dma_wait3A_285 : memref<1x32768xf32, #tpu.memory_space<hbm>> -> memref<32768xf32, #tpu.memory_space<hbm>>
    %dma_wait3A_287 = arith.constant 0 : i32
    %dma_wait3A_288 = tpu.memref_slice %arg3[%add3A_283, %dma_wait3A_287] : memref<128x32768xf32, #tpu.memory_space<hbm>> -> memref<1x32768xf32, #tpu.memory_space<hbm>>
    %dma_wait3A_289 = tpu.memref_squeeze %dma_wait3A_288 : memref<1x32768xf32, #tpu.memory_space<hbm>> -> memref<32768xf32, #tpu.memory_space<hbm>>
    tpu.wait_dma2 semaphore(%arg10 : memref<!tpu.dma_semaphore, #tpu.memory_space<semaphore_mem>>) src(%arg4 : memref<32768xf32, #tpu.memory_space<vmem>>) dst(%dma_wait3A_289 : memref<32768xf32, #tpu.memory_space<hbm>>)
    %mul3A_290 = arith.constant 4 : i32
    %mul3A_291 = arith.muli %add3A, %mul3A_290 : i32
    %add3A_292 = arith.constant 2 : i32
    %add3A_293 = arith.addi %mul3A_291, %add3A_292 : i32
    %dma_start3A_294 = arith.constant 0 : i32
    %dma_start3A_295 = tpu.memref_slice %arg2[%add3A_293, %dma_start3A_294] : memref<128x32768xf32, #tpu.memory_space<hbm>> -> memref<1x32768xf32, #tpu.memory_space<hbm>>
    %dma_start3A_296 = tpu.memref_squeeze %dma_start3A_295 : memref<1x32768xf32, #tpu.memory_space<hbm>> -> memref<32768xf32, #tpu.memory_space<hbm>>
    %dma_start3A_297 = arith.constant 0 : i32
    %dma_start3A_298 = tpu.memref_slice %arg2[%add3A_293, %dma_start3A_297] : memref<128x32768xf32, #tpu.memory_space<hbm>> -> memref<1x32768xf32, #tpu.memory_space<hbm>>
    %dma_start3A_299 = tpu.memref_squeeze %dma_start3A_298 : memref<1x32768xf32, #tpu.memory_space<hbm>> -> memref<32768xf32, #tpu.memory_space<hbm>>
    tpu.enqueue_dma source(%dma_start3A_299 : memref<32768xf32, #tpu.memory_space<hbm>>) target(%arg4 : memref<32768xf32, #tpu.memory_space<vmem>>) target_semaphore(%arg8 : memref<!tpu.dma_semaphore, #tpu.memory_space<semaphore_mem>>)
    %mul3A_300 = arith.constant 4 : i32
    %mul3A_301 = arith.muli %add3A, %mul3A_300 : i32
    %add3A_302 = arith.constant 1 : i32
    %add3A_303 = arith.addi %mul3A_301, %add3A_302 : i32
    %dma_wait3A_304 = arith.constant 0 : i32
    %dma_wait3A_305 = tpu.memref_slice %arg2[%add3A_303, %dma_wait3A_304] : memref<128x32768xf32, #tpu.memory_space<hbm>> -> memref<1x32768xf32, #tpu.memory_space<hbm>>
    %dma_wait3A_306 = tpu.memref_squeeze %dma_wait3A_305 : memref<1x32768xf32, #tpu.memory_space<hbm>> -> memref<32768xf32, #tpu.memory_space<hbm>>
    %dma_wait3A_307 = arith.constant 0 : i32
    %dma_wait3A_308 = tpu.memref_slice %arg2[%add3A_303, %dma_wait3A_307] : memref<128x32768xf32, #tpu.memory_space<hbm>> -> memref<1x32768xf32, #tpu.memory_space<hbm>>
    %dma_wait3A_309 = tpu.memref_squeeze %dma_wait3A_308 : memref<1x32768xf32, #tpu.memory_space<hbm>> -> memref<32768xf32, #tpu.memory_space<hbm>>
    tpu.wait_dma2 semaphore(%arg9 : memref<!tpu.dma_semaphore, #tpu.memory_space<semaphore_mem>>) src(%dma_wait3A_309 : memref<32768xf32, #tpu.memory_space<hbm>>) dst(%arg5 : memref<32768xf32, #tpu.memory_space<vmem>>)
    %broadcast_in_dim3A_310 = arith.constant 1 : i32
    %broadcast_in_dim3A_311 = vector.broadcast %broadcast_in_dim3A_310 : i32 to vector<16xi32>
    %broadcast_in_dim3A_312 = arith.constant 0 : i32
    %broadcast_in_dim3A_313 = vector.broadcast %broadcast_in_dim3A_312 : i32 to vector<16xi32>
    %parallel_loop3A_314 = arith.constant 0 : i32
    %parallel_loop3A_315 = arith.constant 128 : i32
    %parallel_loop3A_316 = arith.constant 1 : i32
    scf.for %parallel_loop3A_1192 = %parallel_loop3A_314 to %parallel_loop3A_315 step %parallel_loop3A_316  : i32 {
      %parallel_loop3A_1193 = arith.constant 16 : i32
      %parallel_loop3A_1194 = arith.muli %parallel_loop3A_1192, %parallel_loop3A_1193 : i32
      %parallel_loop3A_1195 = arith.index_cast %parallel_loop3A_1194 : i32 to index
      %parallel_loop3A_1196 = tpu.vector_load %arg6[%parallel_loop3A_1195] {strides = array<i32>} : memref<2048xi32, #tpu.memory_space<vmem>>, vector<16xi32>,
      tpu.vector_store %arg6[%parallel_loop3A_1195], %broadcast_in_dim3A_313 {strides = array<i32>} : memref<2048xi32, #tpu.memory_space<vmem>>, vector<16xi32>,
    } {sc.loop_unroll_factor = 8 : i64, sc.parallel_access}
    %parallel_loop3A_317 = arith.constant 0 : i32
    %parallel_loop3A_318 = arith.constant 2048 : i32
    %parallel_loop3A_319 = arith.constant 1 : i32
    scf.for %parallel_loop3A_1192 = %parallel_loop3A_317 to %parallel_loop3A_318 step %parallel_loop3A_319  : i32 {
      %parallel_loop3A_1193 = arith.constant 16 : i32
      %parallel_loop3A_1194 = arith.muli %parallel_loop3A_1192, %parallel_loop3A_1193 : i32
      %parallel_loop3A_1195 = arith.index_cast %parallel_loop3A_1194 : i32 to index
      %parallel_loop3A_1196 = tpu.vector_load %arg5[%parallel_loop3A_1195] {strides = array<i32>} : memref<32768xf32, #tpu.memory_space<vmem>>, vector<16xf32>,
      %parallel_loop3A_1197 = tpu.bitcast %parallel_loop3A_1196 : vector<16xf32> -> vector<16xi32>
      %parallel_loop3A_1198 = arith.constant 31 : i32
      %parallel_loop3A_1199 = vector.broadcast %parallel_loop3A_1198 : i32 to vector<16xi32>
      %parallel_loop3A_1200 = arith.shrsi %parallel_loop3A_1197, %parallel_loop3A_1199 : vector<16xi32>
      %parallel_loop3A_1201 = arith.constant 2147483647 : i32
      %parallel_loop3A_1202 = vector.broadcast %parallel_loop3A_1201 : i32 to vector<16xi32>
      %parallel_loop3A_1203 = arith.andi %parallel_loop3A_1200, %parallel_loop3A_1202 : vector<16xi32>
      %parallel_loop3A_1204 = arith.xori %parallel_loop3A_1197, %parallel_loop3A_1203 : vector<16xi32>
      %parallel_loop3A_1205 = tpu.bitcast %parallel_loop3A_1204 : vector<16xi32> -> vector<16xi32>
      %parallel_loop3A_1206 = arith.constant 21 : i32
      %parallel_loop3A_1207 = vector.broadcast %parallel_loop3A_1206 : i32 to vector<16xi32>
      %parallel_loop3A_1208 = arith.shrui %parallel_loop3A_1205, %parallel_loop3A_1207 : vector<16xi32>
      %parallel_loop3A_1209 = arith.constant 1024 : i32
      %parallel_loop3A_1210 = vector.broadcast %parallel_loop3A_1209 : i32 to vector<16xi32>
      %parallel_loop3A_1211 = arith.xori %parallel_loop3A_1208, %parallel_loop3A_1210 : vector<16xi32>
      %parallel_loop3A_1212 = tpu.bitcast %parallel_loop3A_1211 : vector<16xi32> -> vector<16xi32>
      tpu.vector_store_idx %arg6[%parallel_loop3A_1212], %broadcast_in_dim3A_311 {add = true} : memref<2048xi32, #tpu.memory_space<vmem>>[vector<16xi32>], vector<16xi32>,
    } {sc.loop_unroll_factor = 8 : i64, sc.parallel_access}
    %iota3A_320 = tpu.iota {dimensions = array<i32: 0>} : vector<16xi32>
    %broadcast_in_dim3A_321 = arith.constant 0 : i32
    %broadcast_in_dim3A_322 = vector.broadcast %broadcast_in_dim3A_321 : i32 to vector<16xi32>
    %parallel_loop3A_323 = arith.constant 0 : i32
    %parallel_loop3A_324 = arith.constant 128 : i32
    %parallel_loop3A_325 = arith.constant 1 : i32
    %parallel_loop3A_326 = arith.constant 4096 : i32
    %parallel_loop3A_327 = arith.constant 0 : i32
    %parallel_loop3A_328 = arith.constant -1 : i32
    %parallel_loop3A_329 = arith.constant 0 : i32
    %parallel_loop3A_330:4 = scf.for %parallel_loop3A_1192 = %parallel_loop3A_323 to %parallel_loop3A_324 step %parallel_loop3A_325 iter_args(%parallel_loop3A_1193 = %parallel_loop3A_327, %parallel_loop3A_1194 = %parallel_loop3A_328, %parallel_loop3A_1195 = %parallel_loop3A_329, %parallel_loop3A_1196 = %broadcast_in_dim3A_322) -> (i32, i32, i32, vector<16xi32>)  : i32 {
      %parallel_loop3A_1197 = arith.constant 127 : i32
      %parallel_loop3A_1198 = arith.subi %parallel_loop3A_1197, %parallel_loop3A_1192 : i32
      %parallel_loop3A_1199 = arith.constant 16 : i32
      %parallel_loop3A_1200 = arith.muli %parallel_loop3A_1198, %parallel_loop3A_1199 : i32
      %parallel_loop3A_1201 = arith.index_cast %parallel_loop3A_1200 : i32 to index
      %parallel_loop3A_1202 = tpu.vector_load %arg6[%parallel_loop3A_1201] {strides = array<i32>} : memref<2048xi32, #tpu.memory_space<vmem>>, vector<16xi32>,
      %parallel_loop3A_1203 = arith.constant true
      %parallel_loop3A_1204 = vector.broadcast %parallel_loop3A_1203 : i1 to vector<16xi1>
      %parallel_loop3A_1205 = tpu.scan <sum>, %parallel_loop3A_1202 masked %parallel_loop3A_1204 : vector<16xi32>, vector<16xi1> -> vector<16xi32>
      %parallel_loop3A_1206 = vector.extract %parallel_loop3A_1205[15] : i32 from vector<16xi32>
      %parallel_loop3A_1207 = arith.constant 0 : i32
      %parallel_loop3A_1208 = arith.cmpi slt, %parallel_loop3A_1194, %parallel_loop3A_1207 : i32
      %parallel_loop3A_1209 = arith.addi %parallel_loop3A_1193, %parallel_loop3A_1206 : i32
      %parallel_loop3A_1210 = arith.cmpi sge, %parallel_loop3A_1209, %parallel_loop3A_326 : i32
      %parallel_loop3A_1211 = arith.andi %parallel_loop3A_1208, %parallel_loop3A_1210 : i1
      %parallel_loop3A_1212 = arith.select %parallel_loop3A_1211, %parallel_loop3A_1198, %parallel_loop3A_1194 : i32
      %parallel_loop3A_1213 = arith.select %parallel_loop3A_1211, %parallel_loop3A_1193, %parallel_loop3A_1195 : i32
      %parallel_loop3A_1214 = vector.broadcast %parallel_loop3A_1211 : i1 to vector<16xi1>
      %parallel_loop3A_1215 = arith.select %parallel_loop3A_1214, %parallel_loop3A_1202, %parallel_loop3A_1196 : vector<16xi1>, vector<16xi32>
      %parallel_loop3A_1216 = arith.addi %parallel_loop3A_1193, %parallel_loop3A_1206 : i32
      scf.yield %parallel_loop3A_1216, %parallel_loop3A_1212, %parallel_loop3A_1213, %parallel_loop3A_1215 : i32, i32, i32, vector<16xi32>
    } {sc.loop_unroll_factor = 4 : i64, sc.parallel_access}
    %rev3A_331 = arith.constant 15 : i32
    %rev3A_332 = vector.broadcast %rev3A_331 : i32 to vector<16xi32>
    %rev3A_333 = tpu.iota {dimensions = array<i32: 0>} : vector<16xi32>
    %rev3A_334 = arith.subi %rev3A_332, %rev3A_333 : vector<16xi32>
    %rev3A_335 = tpu.dynamic_gather %parallel_loop3A_330#3[%rev3A_334] in [0] : vector<16xi32>, vector<16xi32> -> vector<16xi32>
    %cumsum3A_336 = arith.constant true
    %cumsum3A_337 = vector.broadcast %cumsum3A_336 : i1 to vector<16xi1>
    %cumsum3A_338 = tpu.scan <sum>, %rev3A_335 masked %cumsum3A_337 : vector<16xi32>, vector<16xi1> -> vector<16xi32>
    %rev3A_339 = arith.constant 15 : i32
    %rev3A_340 = vector.broadcast %rev3A_339 : i32 to vector<16xi32>
    %rev3A_341 = tpu.iota {dimensions = array<i32: 0>} : vector<16xi32>
    %rev3A_342 = arith.subi %rev3A_340, %rev3A_341 : vector<16xi32>
    %rev3A_343 = tpu.dynamic_gather %cumsum3A_338[%rev3A_342] in [0] : vector<16xi32>, vector<16xi32> -> vector<16xi32>
    %add3A_344 = vector.broadcast %parallel_loop3A_330#2 : i32 to vector<16xi32>
    %add3A_345 = arith.addi %add3A_344, %rev3A_343 : vector<16xi32>
    %ge3A_346 = arith.constant 4096 : i32
    %ge3A_347 = vector.broadcast %ge3A_346 : i32 to vector<16xi32>
    %ge3A_348 = arith.cmpi sge, %add3A_345, %ge3A_347 : vector<16xi32>
    %convert_element_type3A_349 = arith.extui %ge3A_348 : vector<16xi1> to vector<16xi32>
    %reduce_sum3A_350 = arith.constant true
    %reduce_sum3A_351 = vector.broadcast %reduce_sum3A_350 : i1 to vector<16xi1>
    %reduce_sum3A_352 = tpu.scan <sum>, %convert_element_type3A_349 masked %reduce_sum3A_351 : vector<16xi32>, vector<16xi1> -> vector<16xi32>
    %reduce_sum3A_353 = vector.extract %reduce_sum3A_352[15] : i32 from vector<16xi32>
    %sub3A_354 = arith.constant 1 : i32
    %sub3A_355 = arith.subi %reduce_sum3A_353, %sub3A_354 : i32
    %eq3A_356 = vector.broadcast %sub3A_355 : i32 to vector<16xi32>
    %eq3A_357 = arith.cmpi eq, %iota3A_320, %eq3A_356 : vector<16xi32>
    %jit3A_358 = arith.constant 0 : i32
    %broadcast_in_dim3A_359 = vector.broadcast %jit3A_358 : i32 to vector<16xi32>
    %select_n3A_360 = arith.select %eq3A_357, %parallel_loop3A_330#3, %broadcast_in_dim3A_359 : vector<16xi1>, vector<16xi32>
    %reduce_sum3A_361 = arith.constant true
    %reduce_sum3A_362 = vector.broadcast %reduce_sum3A_361 : i1 to vector<16xi1>
    %reduce_sum3A_363 = tpu.scan <sum>, %select_n3A_360 masked %reduce_sum3A_362 : vector<16xi32>, vector<16xi1> -> vector<16xi32>
    %reduce_sum3A_364 = vector.extract %reduce_sum3A_363[15] : i32 from vector<16xi32>
    %eq3A_365 = vector.broadcast %sub3A_355 : i32 to vector<16xi32>
    %eq3A_366 = arith.cmpi eq, %iota3A_320, %eq3A_365 : vector<16xi32>
    %jit3A_367 = arith.constant 0 : i32
    %broadcast_in_dim3A_368 = vector.broadcast %jit3A_367 : i32 to vector<16xi32>
    %select_n3A_369 = arith.select %eq3A_366, %rev3A_343, %broadcast_in_dim3A_368 : vector<16xi1>, vector<16xi32>
    %reduce_sum3A_370 = arith.constant true
    %reduce_sum3A_371 = vector.broadcast %reduce_sum3A_370 : i1 to vector<16xi1>
    %reduce_sum3A_372 = tpu.scan <sum>, %select_n3A_369 masked %reduce_sum3A_371 : vector<16xi32>, vector<16xi1> -> vector<16xi32>
    %reduce_sum3A_373 = vector.extract %reduce_sum3A_372[15] : i32 from vector<16xi32>
    %add3A_374 = arith.addi %parallel_loop3A_330#2, %reduce_sum3A_373 : i32
    %sub3A_375 = arith.subi %add3A_374, %reduce_sum3A_364 : i32
    %mul3A_376 = arith.constant 16 : i32
    %mul3A_377 = arith.muli %parallel_loop3A_330#1, %mul3A_376 : i32
    %add3A_378 = arith.addi %mul3A_377, %sub3A_355 : i32
    %sub3A_379 = arith.constant 4096 : i32
    %sub3A_380 = arith.subi %sub3A_379, %sub3A_375 : i32
    %xor3A_381 = arith.constant 1024 : i32
    %xor3A_382 = arith.xori %add3A_378, %xor3A_381 : i32
    %broadcast_in_dim3A_383 = arith.constant 0 : i32
    %broadcast_in_dim3A_384 = vector.broadcast %broadcast_in_dim3A_383 : i32 to vector<16xi32>
    %parallel_loop3A_385 = arith.constant 0 : i32
    %parallel_loop3A_386 = arith.constant 128 : i32
    %parallel_loop3A_387 = arith.constant 1 : i32
    scf.for %parallel_loop3A_1192 = %parallel_loop3A_385 to %parallel_loop3A_386 step %parallel_loop3A_387  : i32 {
      %parallel_loop3A_1193 = arith.constant 16 : i32
      %parallel_loop3A_1194 = arith.muli %parallel_loop3A_1192, %parallel_loop3A_1193 : i32
      %parallel_loop3A_1195 = arith.index_cast %parallel_loop3A_1194 : i32 to index
      %parallel_loop3A_1196 = tpu.vector_load %arg6[%parallel_loop3A_1195] {strides = array<i32>} : memref<2048xi32, #tpu.memory_space<vmem>>, vector<16xi32>,
      tpu.vector_store %arg6[%parallel_loop3A_1195], %broadcast_in_dim3A_384 {strides = array<i32>} : memref<2048xi32, #tpu.memory_space<vmem>>, vector<16xi32>,
    } {sc.loop_unroll_factor = 8 : i64, sc.parallel_access}
    %parallel_loop3A_388 = arith.constant 0 : i32
    %parallel_loop3A_389 = arith.constant 2048 : i32
    %parallel_loop3A_390 = arith.constant 1 : i32
    %parallel_loop3A_391 = arith.constant 0 : i32
    %parallel_loop3A_392 = scf.for %parallel_loop3A_1192 = %parallel_loop3A_388 to %parallel_loop3A_389 step %parallel_loop3A_390 iter_args(%parallel_loop3A_1193 = %parallel_loop3A_391) -> (i32)  : i32 {
      %parallel_loop3A_1194 = arith.constant 16 : i32
      %parallel_loop3A_1195 = arith.muli %parallel_loop3A_1192, %parallel_loop3A_1194 : i32
      %parallel_loop3A_1196 = arith.index_cast %parallel_loop3A_1195 : i32 to index
      %parallel_loop3A_1197 = tpu.vector_load %arg5[%parallel_loop3A_1196] {strides = array<i32>} : memref<32768xf32, #tpu.memory_space<vmem>>, vector<16xf32>,
      %parallel_loop3A_1198 = tpu.bitcast %parallel_loop3A_1197 : vector<16xf32> -> vector<16xi32>
      %parallel_loop3A_1199 = arith.constant 31 : i32
      %parallel_loop3A_1200 = vector.broadcast %parallel_loop3A_1199 : i32 to vector<16xi32>
      %parallel_loop3A_1201 = arith.shrsi %parallel_loop3A_1198, %parallel_loop3A_1200 : vector<16xi32>
      %parallel_loop3A_1202 = arith.constant 2147483647 : i32
      %parallel_loop3A_1203 = vector.broadcast %parallel_loop3A_1202 : i32 to vector<16xi32>
      %parallel_loop3A_1204 = arith.andi %parallel_loop3A_1201, %parallel_loop3A_1203 : vector<16xi32>
      %parallel_loop3A_1205 = arith.xori %parallel_loop3A_1198, %parallel_loop3A_1204 : vector<16xi32>
      %parallel_loop3A_1206 = tpu.bitcast %parallel_loop3A_1205 : vector<16xi32> -> vector<16xi32>
      %parallel_loop3A_1207 = arith.constant 21 : i32
      %parallel_loop3A_1208 = vector.broadcast %parallel_loop3A_1207 : i32 to vector<16xi32>
      %parallel_loop3A_1209 = arith.shrui %parallel_loop3A_1206, %parallel_loop3A_1208 : vector<16xi32>
      %parallel_loop3A_1210 = vector.broadcast %xor3A_382 : i32 to vector<16xi32>
      %parallel_loop3A_1211 = arith.cmpi eq, %parallel_loop3A_1209, %parallel_loop3A_1210 : vector<16xi32>
      %parallel_loop3A_1212 = arith.constant 10 : i32
      %parallel_loop3A_1213 = vector.broadcast %parallel_loop3A_1212 : i32 to vector<16xi32>
      %parallel_loop3A_1214 = arith.shrui %parallel_loop3A_1206, %parallel_loop3A_1213 : vector<16xi32>
      %parallel_loop3A_1215 = arith.constant 2047 : i32
      %parallel_loop3A_1216 = vector.broadcast %parallel_loop3A_1215 : i32 to vector<16xi32>
      %parallel_loop3A_1217 = arith.andi %parallel_loop3A_1214, %parallel_loop3A_1216 : vector<16xi32>
      %parallel_loop3A_1218 = tpu.bitcast %parallel_loop3A_1217 : vector<16xi32> -> vector<16xi32>
      tpu.vector_store_idx %arg6[%parallel_loop3A_1218], %broadcast_in_dim3A_311 masked %parallel_loop3A_1211 {add = true} : memref<2048xi32, #tpu.memory_space<vmem>>[vector<16xi32>], vector<16xi32>, vector<16xi1>
      %parallel_loop3A_1219 = tpu.bitcast %parallel_loop3A_1206 : vector<16xi32> -> vector<16xi32>
      %parallel_loop3A_1220 = arith.index_cast %parallel_loop3A_1193 : i32 to index
      %parallel_loop3A_1221 = tpu.vector_load %arg7[%parallel_loop3A_1220] masked %parallel_loop3A_1211 {strides = array<i32>} : memref<32784xi32, #tpu.memory_space<vmem>>, vector<16xi32>, vector<16xi1>
      tpu.vector_store %arg7[%parallel_loop3A_1220], %parallel_loop3A_1219 masked %parallel_loop3A_1211 {strides = array<i32>} : memref<32784xi32, #tpu.memory_space<vmem>>, vector<16xi32>, vector<16xi1>
      %parallel_loop3A_1222 = tpu.all_reduce %parallel_loop3A_1211 {dim = 0 : i64, kind = #tpu.reduction_kind<sum>} : vector<16xi1> -> vector<16xi32>
      %parallel_loop3A_1223 = vector.extract_strided_slice %parallel_loop3A_1222 {offsets = [0], sizes = [1], strides = [1]} : vector<16xi32> to vector<1xi32>
      %parallel_loop3A_1224 = vector.extract %parallel_loop3A_1223[0] : i32 from vector<1xi32>
      %parallel_loop3A_1225 = arith.addi %parallel_loop3A_1193, %parallel_loop3A_1224 : i32
      scf.yield %parallel_loop3A_1225 : i32
    } {sc.loop_unroll_factor = 8 : i64, sc.parallel_access}
    %iota3A_393 = tpu.iota {dimensions = array<i32: 0>} : vector<16xi32>
    %broadcast_in_dim3A_394 = arith.constant 0 : i32
    %broadcast_in_dim3A_395 = vector.broadcast %broadcast_in_dim3A_394 : i32 to vector<16xi32>
    %parallel_loop3A_396 = arith.constant 0 : i32
    %parallel_loop3A_397 = arith.constant 128 : i32
    %parallel_loop3A_398 = arith.constant 1 : i32
    %parallel_loop3A_399 = arith.constant 0 : i32
    %parallel_loop3A_400 = arith.constant -1 : i32
    %parallel_loop3A_401 = arith.constant 0 : i32
    %parallel_loop3A_402:4 = scf.for %parallel_loop3A_1192 = %parallel_loop3A_396 to %parallel_loop3A_397 step %parallel_loop3A_398 iter_args(%parallel_loop3A_1193 = %parallel_loop3A_399, %parallel_loop3A_1194 = %parallel_loop3A_400, %parallel_loop3A_1195 = %parallel_loop3A_401, %parallel_loop3A_1196 = %broadcast_in_dim3A_395) -> (i32, i32, i32, vector<16xi32>)  : i32 {
      %parallel_loop3A_1197 = arith.constant 127 : i32
      %parallel_loop3A_1198 = arith.subi %parallel_loop3A_1197, %parallel_loop3A_1192 : i32
      %parallel_loop3A_1199 = arith.constant 16 : i32
      %parallel_loop3A_1200 = arith.muli %parallel_loop3A_1198, %parallel_loop3A_1199 : i32
      %parallel_loop3A_1201 = arith.index_cast %parallel_loop3A_1200 : i32 to index
      %parallel_loop3A_1202 = tpu.vector_load %arg6[%parallel_loop3A_1201] {strides = array<i32>} : memref<2048xi32, #tpu.memory_space<vmem>>, vector<16xi32>,
      %parallel_loop3A_1203 = arith.constant true
      %parallel_loop3A_1204 = vector.broadcast %parallel_loop3A_1203 : i1 to vector<16xi1>
      %parallel_loop3A_1205 = tpu.scan <sum>, %parallel_loop3A_1202 masked %parallel_loop3A_1204 : vector<16xi32>, vector<16xi1> -> vector<16xi32>
      %parallel_loop3A_1206 = vector.extract %parallel_loop3A_1205[15] : i32 from vector<16xi32>
      %parallel_loop3A_1207 = arith.constant 0 : i32
      %parallel_loop3A_1208 = arith.cmpi slt, %parallel_loop3A_1194, %parallel_loop3A_1207 : i32
      %parallel_loop3A_1209 = arith.addi %parallel_loop3A_1193, %parallel_loop3A_1206 : i32
      %parallel_loop3A_1210 = arith.cmpi sge, %parallel_loop3A_1209, %sub3A_380 : i32
      %parallel_loop3A_1211 = arith.andi %parallel_loop3A_1208, %parallel_loop3A_1210 : i1
      %parallel_loop3A_1212 = arith.select %parallel_loop3A_1211, %parallel_loop3A_1198, %parallel_loop3A_1194 : i32
      %parallel_loop3A_1213 = arith.select %parallel_loop3A_1211, %parallel_loop3A_1193, %parallel_loop3A_1195 : i32
      %parallel_loop3A_1214 = vector.broadcast %parallel_loop3A_1211 : i1 to vector<16xi1>
      %parallel_loop3A_1215 = arith.select %parallel_loop3A_1214, %parallel_loop3A_1202, %parallel_loop3A_1196 : vector<16xi1>, vector<16xi32>
      %parallel_loop3A_1216 = arith.addi %parallel_loop3A_1193, %parallel_loop3A_1206 : i32
      scf.yield %parallel_loop3A_1216, %parallel_loop3A_1212, %parallel_loop3A_1213, %parallel_loop3A_1215 : i32, i32, i32, vector<16xi32>
    } {sc.loop_unroll_factor = 4 : i64, sc.parallel_access}
    %rev3A_403 = arith.constant 15 : i32
    %rev3A_404 = vector.broadcast %rev3A_403 : i32 to vector<16xi32>
    %rev3A_405 = tpu.iota {dimensions = array<i32: 0>} : vector<16xi32>
    %rev3A_406 = arith.subi %rev3A_404, %rev3A_405 : vector<16xi32>
    %rev3A_407 = tpu.dynamic_gather %parallel_loop3A_402#3[%rev3A_406] in [0] : vector<16xi32>, vector<16xi32> -> vector<16xi32>
    %cumsum3A_408 = arith.constant true
    %cumsum3A_409 = vector.broadcast %cumsum3A_408 : i1 to vector<16xi1>
    %cumsum3A_410 = tpu.scan <sum>, %rev3A_407 masked %cumsum3A_409 : vector<16xi32>, vector<16xi1> -> vector<16xi32>
    %rev3A_411 = arith.constant 15 : i32
    %rev3A_412 = vector.broadcast %rev3A_411 : i32 to vector<16xi32>
    %rev3A_413 = tpu.iota {dimensions = array<i32: 0>} : vector<16xi32>
    %rev3A_414 = arith.subi %rev3A_412, %rev3A_413 : vector<16xi32>
    %rev3A_415 = tpu.dynamic_gather %cumsum3A_410[%rev3A_414] in [0] : vector<16xi32>, vector<16xi32> -> vector<16xi32>
    %add3A_416 = vector.broadcast %parallel_loop3A_402#2 : i32 to vector<16xi32>
    %add3A_417 = arith.addi %add3A_416, %rev3A_415 : vector<16xi32>
    %ge3A_418 = vector.broadcast %sub3A_380 : i32 to vector<16xi32>
    %ge3A_419 = arith.cmpi sge, %add3A_417, %ge3A_418 : vector<16xi32>
    %convert_element_type3A_420 = arith.extui %ge3A_419 : vector<16xi1> to vector<16xi32>
    %reduce_sum3A_421 = arith.constant true
    %reduce_sum3A_422 = vector.broadcast %reduce_sum3A_421 : i1 to vector<16xi1>
    %reduce_sum3A_423 = tpu.scan <sum>, %convert_element_type3A_420 masked %reduce_sum3A_422 : vector<16xi32>, vector<16xi1> -> vector<16xi32>
    %reduce_sum3A_424 = vector.extract %reduce_sum3A_423[15] : i32 from vector<16xi32>
    %sub3A_425 = arith.constant 1 : i32
    %sub3A_426 = arith.subi %reduce_sum3A_424, %sub3A_425 : i32
    %eq3A_427 = vector.broadcast %sub3A_426 : i32 to vector<16xi32>
    %eq3A_428 = arith.cmpi eq, %iota3A_393, %eq3A_427 : vector<16xi32>
    %jit3A_429 = arith.constant 0 : i32
    %broadcast_in_dim3A_430 = vector.broadcast %jit3A_429 : i32 to vector<16xi32>
    %select_n3A_431 = arith.select %eq3A_428, %parallel_loop3A_402#3, %broadcast_in_dim3A_430 : vector<16xi1>, vector<16xi32>
    %reduce_sum3A_432 = arith.constant true
    %reduce_sum3A_433 = vector.broadcast %reduce_sum3A_432 : i1 to vector<16xi1>
    %reduce_sum3A_434 = tpu.scan <sum>, %select_n3A_431 masked %reduce_sum3A_433 : vector<16xi32>, vector<16xi1> -> vector<16xi32>
    %reduce_sum3A_435 = vector.extract %reduce_sum3A_434[15] : i32 from vector<16xi32>
    %eq3A_436 = vector.broadcast %sub3A_426 : i32 to vector<16xi32>
    %eq3A_437 = arith.cmpi eq, %iota3A_393, %eq3A_436 : vector<16xi32>
    %jit3A_438 = arith.constant 0 : i32
    %broadcast_in_dim3A_439 = vector.broadcast %jit3A_438 : i32 to vector<16xi32>
    %select_n3A_440 = arith.select %eq3A_437, %rev3A_415, %broadcast_in_dim3A_439 : vector<16xi1>, vector<16xi32>
    %reduce_sum3A_441 = arith.constant true
    %reduce_sum3A_442 = vector.broadcast %reduce_sum3A_441 : i1 to vector<16xi1>
    %reduce_sum3A_443 = tpu.scan <sum>, %select_n3A_440 masked %reduce_sum3A_442 : vector<16xi32>, vector<16xi1> -> vector<16xi32>
    %reduce_sum3A_444 = vector.extract %reduce_sum3A_443[15] : i32 from vector<16xi32>
    %add3A_445 = arith.addi %parallel_loop3A_402#2, %reduce_sum3A_444 : i32
    %sub3A_446 = arith.subi %add3A_445, %reduce_sum3A_435 : i32
    %mul3A_447 = arith.constant 16 : i32
    %mul3A_448 = arith.muli %parallel_loop3A_402#1, %mul3A_447 : i32
    %add3A_449 = arith.addi %mul3A_448, %sub3A_426 : i32
    %sub3A_450 = arith.subi %sub3A_380, %sub3A_446 : i32
    %shift_left3A_451 = arith.constant 11 : i32
    %shift_left3A_452 = arith.shli %xor3A_382, %shift_left3A_451 : i32
    %or3A_453 = arith.ori %shift_left3A_452, %add3A_449 : i32
    %xor3A_454 = arith.constant 1 : i32
    %xor3A_455 = arith.xori %xor3A_382, %xor3A_454 : i32
    %shift_left3A_456 = arith.constant 21 : i32
    %shift_left3A_457 = arith.shli %xor3A_455, %shift_left3A_456 : i32
    %bitcast_convert_type3A_458 = arith.bitcast %shift_left3A_457 : i32 to i32
    %broadcast_in_dim3A_459 = vector.broadcast %bitcast_convert_type3A_458 : i32 to vector<16xi32>
    %swap3A_460 = arith.index_cast %reduce_sum3A_364 : i32 to index
    %swap3A_461 = tpu.vector_load %arg7[%swap3A_460] {strides = array<i32>} : memref<32784xi32, #tpu.memory_space<vmem>>, vector<16xi32>,
    tpu.vector_store %arg7[%swap3A_460], %broadcast_in_dim3A_459 {strides = array<i32>} : memref<32784xi32, #tpu.memory_space<vmem>>, vector<16xi32>,
    %broadcast_in_dim3A_462 = arith.constant 0 : i32
    %broadcast_in_dim3A_463 = vector.broadcast %broadcast_in_dim3A_462 : i32 to vector<16xi32>
    %parallel_loop3A_464 = arith.constant 0 : i32
    %parallel_loop3A_465 = arith.constant 64 : i32
    %parallel_loop3A_466 = arith.constant 1 : i32
    scf.for %parallel_loop3A_1192 = %parallel_loop3A_464 to %parallel_loop3A_465 step %parallel_loop3A_466  : i32 {
      %parallel_loop3A_1193 = arith.constant 16 : i32
      %parallel_loop3A_1194 = arith.muli %parallel_loop3A_1192, %parallel_loop3A_1193 : i32
      %parallel_loop3A_1195 = arith.index_cast %parallel_loop3A_1194 : i32 to index
      %parallel_loop3A_1196 = tpu.vector_load %arg6[%parallel_loop3A_1195] {strides = array<i32>} : memref<2048xi32, #tpu.memory_space<vmem>>, vector<16xi32>,
      tpu.vector_store %arg6[%parallel_loop3A_1195], %broadcast_in_dim3A_463 {strides = array<i32>} : memref<2048xi32, #tpu.memory_space<vmem>>, vector<16xi32>,
    } {sc.loop_unroll_factor = 8 : i64, sc.parallel_access}
    %add3A_467 = arith.constant 15 : i32
    %add3A_468 = arith.addi %reduce_sum3A_364, %add3A_467 : i32
    %jit3A_469 = arith.constant 16 : i32
    %div3A_470 = arith.divsi %add3A_468, %jit3A_469 : i32
    %sign3A_471 = arith.constant 0 : i32
    %sign3A_472 = arith.cmpi sgt, %add3A_468, %sign3A_471 : i32
    %sign3A_473 = arith.extui %sign3A_472 : i1 to i32
    %sign3A_474 = arith.constant 0 : i32
    %sign3A_475 = arith.cmpi slt, %add3A_468, %sign3A_474 : i32
    %sign3A_476 = arith.extui %sign3A_475 : i1 to i32
    %sign3A_477 = arith.subi %sign3A_473, %sign3A_476 : i32
    %sign3A_478 = arith.constant 0 : i32
    %sign3A_479 = arith.cmpi sgt, %jit3A_469, %sign3A_478 : i32
    %sign3A_480 = arith.extui %sign3A_479 : i1 to i32
    %sign3A_481 = arith.constant 0 : i32
    %sign3A_482 = arith.cmpi slt, %jit3A_469, %sign3A_481 : i32
    %sign3A_483 = arith.extui %sign3A_482 : i1 to i32
    %sign3A_484 = arith.subi %sign3A_480, %sign3A_483 : i32
    %ne3A_485 = arith.cmpi ne, %sign3A_477, %sign3A_484 : i32
    %rem3A_486 = arith.remsi %add3A_468, %jit3A_469 : i32
    %ne3A_487 = arith.constant 0 : i32
    %ne3A_488 = arith.cmpi ne, %rem3A_486, %ne3A_487 : i32
    %and3A_489 = arith.andi %ne3A_485, %ne3A_488 : i1
    %sub3A_490 = arith.constant 1 : i32
    %sub3A_491 = arith.subi %div3A_470, %sub3A_490 : i32
    %select_n3A_492 = arith.select %and3A_489, %sub3A_491, %div3A_470 : i32
    %parallel_loop3A_493 = arith.constant 0 : i32
    %parallel_loop3A_494 = arith.constant 1 : i32
    %parallel_loop3A_495 = arith.constant 0 : i32
    %parallel_loop3A_496 = scf.for %parallel_loop3A_1192 = %parallel_loop3A_493 to %select_n3A_492 step %parallel_loop3A_494 iter_args(%parallel_loop3A_1193 = %parallel_loop3A_495) -> (i32)  : i32 {
      %parallel_loop3A_1194 = arith.constant 16 : i32
      %parallel_loop3A_1195 = arith.muli %parallel_loop3A_1192, %parallel_loop3A_1194 : i32
      %parallel_loop3A_1196 = arith.index_cast %parallel_loop3A_1195 : i32 to index
      %parallel_loop3A_1197 = tpu.vector_load %arg7[%parallel_loop3A_1196] {strides = array<i32>} : memref<32784xi32, #tpu.memory_space<vmem>>, vector<16xi32>,
      %parallel_loop3A_1198 = tpu.bitcast %parallel_loop3A_1197 : vector<16xi32> -> vector<16xi32>
      %parallel_loop3A_1199 = arith.constant 10 : i32
      %parallel_loop3A_1200 = vector.broadcast %parallel_loop3A_1199 : i32 to vector<16xi32>
      %parallel_loop3A_1201 = arith.shrui %parallel_loop3A_1198, %parallel_loop3A_1200 : vector<16xi32>
      %parallel_loop3A_1202 = vector.broadcast %or3A_453 : i32 to vector<16xi32>
      %parallel_loop3A_1203 = arith.cmpi eq, %parallel_loop3A_1201, %parallel_loop3A_1202 : vector<16xi32>
      %parallel_loop3A_1204 = arith.constant 1023 : i32
      %parallel_loop3A_1205 = vector.broadcast %parallel_loop3A_1204 : i32 to vector<16xi32>
      %parallel_loop3A_1206 = arith.andi %parallel_loop3A_1198, %parallel_loop3A_1205 : vector<16xi32>
      %parallel_loop3A_1207 = tpu.bitcast %parallel_loop3A_1206 : vector<16xi32> -> vector<16xi32>
      tpu.vector_store_idx %arg6[%parallel_loop3A_1207], %broadcast_in_dim3A_311 masked %parallel_loop3A_1203 {add = true} : memref<2048xi32, #tpu.memory_space<vmem>>[vector<16xi32>], vector<16xi32>, vector<16xi1>
      %parallel_loop3A_1208 = arith.constant 0 : i32
      scf.yield %parallel_loop3A_1208 : i32
    } {sc.loop_unroll_factor = 2 : i64, sc.parallel_access}
    %iota3A_497 = tpu.iota {dimensions = array<i32: 0>} : vector<16xi32>
    %broadcast_in_dim3A_498 = arith.constant 0 : i32
    %broadcast_in_dim3A_499 = vector.broadcast %broadcast_in_dim3A_498 : i32 to vector<16xi32>
    %parallel_loop3A_500 = arith.constant 0 : i32
    %parallel_loop3A_501 = arith.constant 64 : i32
    %parallel_loop3A_502 = arith.constant 1 : i32
    %parallel_loop3A_503 = arith.constant 0 : i32
    %parallel_loop3A_504 = arith.constant -1 : i32
    %parallel_loop3A_505 = arith.constant 0 : i32
    %parallel_loop3A_506:4 = scf.for %parallel_loop3A_1192 = %parallel_loop3A_500 to %parallel_loop3A_501 step %parallel_loop3A_502 iter_args(%parallel_loop3A_1193 = %parallel_loop3A_503, %parallel_loop3A_1194 = %parallel_loop3A_504, %parallel_loop3A_1195 = %parallel_loop3A_505, %parallel_loop3A_1196 = %broadcast_in_dim3A_499) -> (i32, i32, i32, vector<16xi32>)  : i32 {
      %parallel_loop3A_1197 = arith.constant 63 : i32
      %parallel_loop3A_1198 = arith.subi %parallel_loop3A_1197, %parallel_loop3A_1192 : i32
      %parallel_loop3A_1199 = arith.constant 16 : i32
      %parallel_loop3A_1200 = arith.muli %parallel_loop3A_1198, %parallel_loop3A_1199 : i32
      %parallel_loop3A_1201 = arith.index_cast %parallel_loop3A_1200 : i32 to index
      %parallel_loop3A_1202 = tpu.vector_load %arg6[%parallel_loop3A_1201] {strides = array<i32>} : memref<2048xi32, #tpu.memory_space<vmem>>, vector<16xi32>,
      %parallel_loop3A_1203 = arith.constant true
      %parallel_loop3A_1204 = vector.broadcast %parallel_loop3A_1203 : i1 to vector<16xi1>
      %parallel_loop3A_1205 = tpu.scan <sum>, %parallel_loop3A_1202 masked %parallel_loop3A_1204 : vector<16xi32>, vector<16xi1> -> vector<16xi32>
      %parallel_loop3A_1206 = vector.extract %parallel_loop3A_1205[15] : i32 from vector<16xi32>
      %parallel_loop3A_1207 = arith.constant 0 : i32
      %parallel_loop3A_1208 = arith.cmpi slt, %parallel_loop3A_1194, %parallel_loop3A_1207 : i32
      %parallel_loop3A_1209 = arith.addi %parallel_loop3A_1193, %parallel_loop3A_1206 : i32
      %parallel_loop3A_1210 = arith.cmpi sge, %parallel_loop3A_1209, %sub3A_450 : i32
      %parallel_loop3A_1211 = arith.andi %parallel_loop3A_1208, %parallel_loop3A_1210 : i1
      %parallel_loop3A_1212 = arith.select %parallel_loop3A_1211, %parallel_loop3A_1198, %parallel_loop3A_1194 : i32
      %parallel_loop3A_1213 = arith.select %parallel_loop3A_1211, %parallel_loop3A_1193, %parallel_loop3A_1195 : i32
      %parallel_loop3A_1214 = vector.broadcast %parallel_loop3A_1211 : i1 to vector<16xi1>
      %parallel_loop3A_1215 = arith.select %parallel_loop3A_1214, %parallel_loop3A_1202, %parallel_loop3A_1196 : vector<16xi1>, vector<16xi32>
      %parallel_loop3A_1216 = arith.addi %parallel_loop3A_1193, %parallel_loop3A_1206 : i32
      scf.yield %parallel_loop3A_1216, %parallel_loop3A_1212, %parallel_loop3A_1213, %parallel_loop3A_1215 : i32, i32, i32, vector<16xi32>
    } {sc.loop_unroll_factor = 4 : i64, sc.parallel_access}
    %rev3A_507 = arith.constant 15 : i32
    %rev3A_508 = vector.broadcast %rev3A_507 : i32 to vector<16xi32>
    %rev3A_509 = tpu.iota {dimensions = array<i32: 0>} : vector<16xi32>
    %rev3A_510 = arith.subi %rev3A_508, %rev3A_509 : vector<16xi32>
    %rev3A_511 = tpu.dynamic_gather %parallel_loop3A_506#3[%rev3A_510] in [0] : vector<16xi32>, vector<16xi32> -> vector<16xi32>
    %cumsum3A_512 = arith.constant true
    %cumsum3A_513 = vector.broadcast %cumsum3A_512 : i1 to vector<16xi1>
    %cumsum3A_514 = tpu.scan <sum>, %rev3A_511 masked %cumsum3A_513 : vector<16xi32>, vector<16xi1> -> vector<16xi32>
    %rev3A_515 = arith.constant 15 : i32
    %rev3A_516 = vector.broadcast %rev3A_515 : i32 to vector<16xi32>
    %rev3A_517 = tpu.iota {dimensions = array<i32: 0>} : vector<16xi32>
    %rev3A_518 = arith.subi %rev3A_516, %rev3A_517 : vector<16xi32>
    %rev3A_519 = tpu.dynamic_gather %cumsum3A_514[%rev3A_518] in [0] : vector<16xi32>, vector<16xi32> -> vector<16xi32>
    %add3A_520 = vector.broadcast %parallel_loop3A_506#2 : i32 to vector<16xi32>
    %add3A_521 = arith.addi %add3A_520, %rev3A_519 : vector<16xi32>
    %ge3A_522 = vector.broadcast %sub3A_450 : i32 to vector<16xi32>
    %ge3A_523 = arith.cmpi sge, %add3A_521, %ge3A_522 : vector<16xi32>
    %convert_element_type3A_524 = arith.extui %ge3A_523 : vector<16xi1> to vector<16xi32>
    %reduce_sum3A_525 = arith.constant true
    %reduce_sum3A_526 = vector.broadcast %reduce_sum3A_525 : i1 to vector<16xi1>
    %reduce_sum3A_527 = tpu.scan <sum>, %convert_element_type3A_524 masked %reduce_sum3A_526 : vector<16xi32>, vector<16xi1> -> vector<16xi32>
    %reduce_sum3A_528 = vector.extract %reduce_sum3A_527[15] : i32 from vector<16xi32>
    %sub3A_529 = arith.constant 1 : i32
    %sub3A_530 = arith.subi %reduce_sum3A_528, %sub3A_529 : i32
    %eq3A_531 = vector.broadcast %sub3A_530 : i32 to vector<16xi32>
    %eq3A_532 = arith.cmpi eq, %iota3A_497, %eq3A_531 : vector<16xi32>
    %jit3A_533 = arith.constant 0 : i32
    %broadcast_in_dim3A_534 = vector.broadcast %jit3A_533 : i32 to vector<16xi32>
    %select_n3A_535 = arith.select %eq3A_532, %parallel_loop3A_506#3, %broadcast_in_dim3A_534 : vector<16xi1>, vector<16xi32>
    %reduce_sum3A_536 = arith.constant true
    %reduce_sum3A_537 = vector.broadcast %reduce_sum3A_536 : i1 to vector<16xi1>
    %reduce_sum3A_538 = tpu.scan <sum>, %select_n3A_535 masked %reduce_sum3A_537 : vector<16xi32>, vector<16xi1> -> vector<16xi32>
    %reduce_sum3A_539 = vector.extract %reduce_sum3A_538[15] : i32 from vector<16xi32>
    %eq3A_540 = vector.broadcast %sub3A_530 : i32 to vector<16xi32>
    %eq3A_541 = arith.cmpi eq, %iota3A_497, %eq3A_540 : vector<16xi32>
    %jit3A_542 = arith.constant 0 : i32
    %broadcast_in_dim3A_543 = vector.broadcast %jit3A_542 : i32 to vector<16xi32>
    %select_n3A_544 = arith.select %eq3A_541, %rev3A_519, %broadcast_in_dim3A_543 : vector<16xi1>, vector<16xi32>
    %reduce_sum3A_545 = arith.constant true
    %reduce_sum3A_546 = vector.broadcast %reduce_sum3A_545 : i1 to vector<16xi1>
    %reduce_sum3A_547 = tpu.scan <sum>, %select_n3A_544 masked %reduce_sum3A_546 : vector<16xi32>, vector<16xi1> -> vector<16xi32>
    %reduce_sum3A_548 = vector.extract %reduce_sum3A_547[15] : i32 from vector<16xi32>
    %add3A_549 = arith.addi %parallel_loop3A_506#2, %reduce_sum3A_548 : i32
    %sub3A_550 = arith.subi %add3A_549, %reduce_sum3A_539 : i32
    %mul3A_551 = arith.constant 16 : i32
    %mul3A_552 = arith.muli %parallel_loop3A_506#1, %mul3A_551 : i32
    %add3A_553 = arith.addi %mul3A_552, %sub3A_530 : i32
    %sub3A_554 = arith.subi %sub3A_450, %sub3A_550 : i32
    %shift_left3A_555 = arith.constant 21 : i32
    %shift_left3A_556 = arith.shli %xor3A_382, %shift_left3A_555 : i32
    %shift_left3A_557 = arith.constant 10 : i32
    %shift_left3A_558 = arith.shli %add3A_449, %shift_left3A_557 : i32
    %or3A_559 = arith.ori %shift_left3A_556, %shift_left3A_558 : i32
    %or3A_560 = arith.ori %or3A_559, %add3A_553 : i32
    %ge3A_561 = arith.constant 0 : i32
    %ge3A_562 = arith.cmpi sge, %or3A_560, %ge3A_561 : i32
    %xor3A_563 = arith.constant 2147483647 : i32
    %xor3A_564 = arith.xori %or3A_560, %xor3A_563 : i32
    %select_n3A_565 = arith.select %ge3A_562, %or3A_560, %xor3A_564 : i32
    %bitcast_convert_type3A_566 = arith.bitcast %select_n3A_565 : i32 to f32
    %broadcast_in_dim3A_567 = vector.broadcast %bitcast_convert_type3A_566 : f32 to vector<16xf32>
    %parallel_loop3A_568 = arith.constant 0 : i32
    %parallel_loop3A_569 = arith.constant 2048 : i32
    %parallel_loop3A_570 = arith.constant 1 : i32
    scf.for %parallel_loop3A_1192 = %parallel_loop3A_568 to %parallel_loop3A_569 step %parallel_loop3A_570  : i32 {
      %parallel_loop3A_1193 = arith.constant 16 : i32
      %parallel_loop3A_1194 = arith.muli %parallel_loop3A_1192, %parallel_loop3A_1193 : i32
      %parallel_loop3A_1195 = arith.index_cast %parallel_loop3A_1194 : i32 to index
      %parallel_loop3A_1196 = tpu.vector_load %arg5[%parallel_loop3A_1195] {strides = array<i32>} : memref<32768xf32, #tpu.memory_space<vmem>>, vector<16xf32>,
      %parallel_loop3A_1197 = arith.cmpf oge, %parallel_loop3A_1196, %broadcast_in_dim3A_567 : vector<16xf32>
      %parallel_loop3A_1198 = arith.constant 0.000000e+00 : f32
      %parallel_loop3A_1199 = vector.broadcast %parallel_loop3A_1198 : f32 to vector<16xf32>
      %parallel_loop3A_1200 = arith.select %parallel_loop3A_1197, %parallel_loop3A_1196, %parallel_loop3A_1199 : vector<16xi1>, vector<16xf32>
      %parallel_loop3A_1201 = arith.index_cast %parallel_loop3A_1194 : i32 to index
      %parallel_loop3A_1202 = tpu.vector_load %arg5[%parallel_loop3A_1201] {strides = array<i32>} : memref<32768xf32, #tpu.memory_space<vmem>>, vector<16xf32>,
      tpu.vector_store %arg5[%parallel_loop3A_1201], %parallel_loop3A_1200 {strides = array<i32>} : memref<32768xf32, #tpu.memory_space<vmem>>, vector<16xf32>,
    } {sc.loop_unroll_factor = 8 : i64, sc.parallel_access}
    %sub3A_571 = arith.subi %reduce_sum3A_539, %sub3A_554 : i32
    %while3A_572 = arith.constant 2047 : i32
    %while3A_573:2 = scf.while (%while3A_1192 = %while3A_572, %while3A_1193 = %sub3A_571) : (i32, i32) -> (i32, i32) {
      %gt3A = arith.constant 0 : i32
      %gt3A_1194 = arith.cmpi sgt, %while3A_1193, %gt3A : i32
      %ge3A_1195 = arith.constant 0 : i32
      %ge3A_1196 = arith.cmpi sge, %while3A_1192, %ge3A_1195 : i32
      %and3A_1197 = arith.andi %gt3A_1194, %ge3A_1196 : i1
      scf.condition(%and3A_1197) %while3A_1192, %while3A_1193 : i32, i32
    } do {
    ^bb0(%while3A_1192: i32, %while3A_1193: i32):
      %mul3A_1194 = arith.constant 16 : i32
      %mul3A_1195 = arith.muli %while3A_1192, %mul3A_1194 : i32
      %get3A = arith.index_cast %mul3A_1195 : i32 to index
      %get3A_1196 = tpu.vector_load %arg5[%get3A] {strides = array<i32>} : memref<32768xf32, #tpu.memory_space<vmem>>, vector<16xf32>,
      %bitcast_convert_type3A_1197 = tpu.bitcast %get3A_1196 : vector<16xf32> -> vector<16xi32>
      %shift_right_arithmetic3A = arith.constant 31 : i32
      %shift_right_arithmetic3A_1198 = vector.broadcast %shift_right_arithmetic3A : i32 to vector<16xi32>
      %shift_right_arithmetic3A_1199 = arith.shrsi %bitcast_convert_type3A_1197, %shift_right_arithmetic3A_1198 : vector<16xi32>
      %and3A_1200 = arith.constant 2147483647 : i32
      %and3A_1201 = vector.broadcast %and3A_1200 : i32 to vector<16xi32>
      %and3A_1202 = arith.andi %shift_right_arithmetic3A_1199, %and3A_1201 : vector<16xi32>
      %xor3A_1203 = arith.xori %bitcast_convert_type3A_1197, %and3A_1202 : vector<16xi32>
      %eq3A_1204 = vector.broadcast %or3A_560 : i32 to vector<16xi32>
      %eq3A_1205 = arith.cmpi eq, %xor3A_1203, %eq3A_1204 : vector<16xi32>
      %convert_element_type3A_1206 = arith.extui %eq3A_1205 : vector<16xi1> to vector<16xi32>
      %rev3A_1207 = arith.constant 15 : i32
      %rev3A_1208 = vector.broadcast %rev3A_1207 : i32 to vector<16xi32>
      %rev3A_1209 = tpu.iota {dimensions = array<i32: 0>} : vector<16xi32>
      %rev3A_1210 = arith.subi %rev3A_1208, %rev3A_1209 : vector<16xi32>
      %rev3A_1211 = tpu.dynamic_gather %convert_element_type3A_1206[%rev3A_1210] in [0] : vector<16xi32>, vector<16xi32> -> vector<16xi32>
      %cumsum3A_1212 = arith.constant true
      %cumsum3A_1213 = vector.broadcast %cumsum3A_1212 : i1 to vector<16xi1>
      %cumsum3A_1214 = tpu.scan <sum>, %rev3A_1211 masked %cumsum3A_1213 : vector<16xi32>, vector<16xi1> -> vector<16xi32>
      %rev3A_1215 = arith.constant 15 : i32
      %rev3A_1216 = vector.broadcast %rev3A_1215 : i32 to vector<16xi32>
      %rev3A_1217 = tpu.iota {dimensions = array<i32: 0>} : vector<16xi32>
      %rev3A_1218 = arith.subi %rev3A_1216, %rev3A_1217 : vector<16xi32>
      %rev3A_1219 = tpu.dynamic_gather %cumsum3A_1214[%rev3A_1218] in [0] : vector<16xi32>, vector<16xi32> -> vector<16xi32>
      %le3A = vector.broadcast %while3A_1193 : i32 to vector<16xi32>
      %le3A_1220 = arith.cmpi sle, %rev3A_1219, %le3A : vector<16xi32>
      %and3A_1221 = arith.andi %eq3A_1205, %le3A_1220 : vector<16xi1>
      %jit3A_1222 = arith.constant 0.000000e+00 : f32
      %broadcast_in_dim3A_1223 = vector.broadcast %jit3A_1222 : f32 to vector<16xf32>
      %select_n3A_1224 = arith.select %and3A_1221, %broadcast_in_dim3A_1223, %get3A_1196 : vector<16xi1>, vector<16xf32>
      %swap3A_1225 = arith.index_cast %mul3A_1195 : i32 to index
      %swap3A_1226 = tpu.vector_load %arg5[%swap3A_1225] {strides = array<i32>} : memref<32768xf32, #tpu.memory_space<vmem>>, vector<16xf32>,
      tpu.vector_store %arg5[%swap3A_1225], %select_n3A_1224 {strides = array<i32>} : memref<32768xf32, #tpu.memory_space<vmem>>, vector<16xf32>,
      %reduce_sum3A_1227 = arith.constant true
      %reduce_sum3A_1228 = vector.broadcast %reduce_sum3A_1227 : i1 to vector<16xi1>
      %reduce_sum3A_1229 = tpu.scan <sum>, %convert_element_type3A_1206 masked %reduce_sum3A_1228 : vector<16xi32>, vector<16xi1> -> vector<16xi32>
      %reduce_sum3A_1230 = vector.extract %reduce_sum3A_1229[15] : i32 from vector<16xi32>
      %sub3A_1231 = arith.subi %while3A_1193, %reduce_sum3A_1230 : i32
      %max3A = arith.constant 0 : i32
      %max3A_1232 = arith.maxsi %sub3A_1231, %max3A : i32
      %sub3A_1233 = arith.constant 1 : i32
      %sub3A_1234 = arith.subi %while3A_1192, %sub3A_1233 : i32
      scf.yield %sub3A_1234, %max3A_1232 : i32, i32
    }
    %mul3A_574 = arith.constant 4 : i32
    %mul3A_575 = arith.muli %add3A, %mul3A_574 : i32
    %add3A_576 = arith.constant 1 : i32
    %add3A_577 = arith.addi %mul3A_575, %add3A_576 : i32
    %dma_start3A_578 = arith.constant 0 : i32
    %dma_start3A_579 = tpu.memref_slice %arg3[%add3A_577, %dma_start3A_578] : memref<128x32768xf32, #tpu.memory_space<hbm>> -> memref<1x32768xf32, #tpu.memory_space<hbm>>
    %dma_start3A_580 = tpu.memref_squeeze %dma_start3A_579 : memref<1x32768xf32, #tpu.memory_space<hbm>> -> memref<32768xf32, #tpu.memory_space<hbm>>
    %dma_start3A_581 = arith.constant 0 : i32
    %dma_start3A_582 = tpu.memref_slice %arg3[%add3A_577, %dma_start3A_581] : memref<128x32768xf32, #tpu.memory_space<hbm>> -> memref<1x32768xf32, #tpu.memory_space<hbm>>
    %dma_start3A_583 = tpu.memref_squeeze %dma_start3A_582 : memref<1x32768xf32, #tpu.memory_space<hbm>> -> memref<32768xf32, #tpu.memory_space<hbm>>
    tpu.enqueue_dma source(%arg5 : memref<32768xf32, #tpu.memory_space<vmem>>) target(%dma_start3A_583 : memref<32768xf32, #tpu.memory_space<hbm>>) target_semaphore(%arg11 : memref<!tpu.dma_semaphore, #tpu.memory_space<semaphore_mem>>)
    %mul3A_584 = arith.constant 4 : i32
    %mul3A_585 = arith.muli %add3A, %mul3A_584 : i32
    %add3A_586 = arith.constant 1 : i32
    %add3A_587 = arith.addi %mul3A_585, %add3A_586 : i32
    %dma_wait3A_588 = arith.constant 0 : i32
    %dma_wait3A_589 = tpu.memref_slice %arg3[%add3A_587, %dma_wait3A_588] : memref<128x32768xf32, #tpu.memory_space<hbm>> -> memref<1x32768xf32, #tpu.memory_space<hbm>>
    %dma_wait3A_590 = tpu.memref_squeeze %dma_wait3A_589 : memref<1x32768xf32, #tpu.memory_space<hbm>> -> memref<32768xf32, #tpu.memory_space<hbm>>
    %dma_wait3A_591 = arith.constant 0 : i32
    %dma_wait3A_592 = tpu.memref_slice %arg3[%add3A_587, %dma_wait3A_591] : memref<128x32768xf32, #tpu.memory_space<hbm>> -> memref<1x32768xf32, #tpu.memory_space<hbm>>
    %dma_wait3A_593 = tpu.memref_squeeze %dma_wait3A_592 : memref<1x32768xf32, #tpu.memory_space<hbm>> -> memref<32768xf32, #tpu.memory_space<hbm>>
    tpu.wait_dma2 semaphore(%arg11 : memref<!tpu.dma_semaphore, #tpu.memory_space<semaphore_mem>>) src(%arg5 : memref<32768xf32, #tpu.memory_space<vmem>>) dst(%dma_wait3A_593 : memref<32768xf32, #tpu.memory_space<hbm>>)
    %mul3A_594 = arith.constant 4 : i32
    %mul3A_595 = arith.muli %add3A, %mul3A_594 : i32
    %add3A_596 = arith.constant 3 : i32
    %add3A_597 = arith.addi %mul3A_595, %add3A_596 : i32
    %dma_start3A_598 = arith.constant 0 : i32
    %dma_start3A_599 = tpu.memref_slice %arg2[%add3A_597, %dma_start3A_598] : memref<128x32768xf32, #tpu.memory_space<hbm>> -> memref<1x32768xf32, #tpu.memory_space<hbm>>
    %dma_start3A_600 = tpu.memref_squeeze %dma_start3A_599 : memref<1x32768xf32, #tpu.memory_space<hbm>> -> memref<32768xf32, #tpu.memory_space<hbm>>
    %dma_start3A_601 = arith.constant 0 : i32
    %dma_start3A_602 = tpu.memref_slice %arg2[%add3A_597, %dma_start3A_601] : memref<128x32768xf32, #tpu.memory_space<hbm>> -> memref<1x32768xf32, #tpu.memory_space<hbm>>
    %dma_start3A_603 = tpu.memref_squeeze %dma_start3A_602 : memref<1x32768xf32, #tpu.memory_space<hbm>> -> memref<32768xf32, #tpu.memory_space<hbm>>
    tpu.enqueue_dma source(%dma_start3A_603 : memref<32768xf32, #tpu.memory_space<hbm>>) target(%arg5 : memref<32768xf32, #tpu.memory_space<vmem>>) target_semaphore(%arg9 : memref<!tpu.dma_semaphore, #tpu.memory_space<semaphore_mem>>)
    %mul3A_604 = arith.constant 4 : i32
    %mul3A_605 = arith.muli %add3A, %mul3A_604 : i32
    %add3A_606 = arith.constant 2 : i32
    %add3A_607 = arith.addi %mul3A_605, %add3A_606 : i32
    %dma_wait3A_608 = arith.constant 0 : i32
    %dma_wait3A_609 = tpu.memref_slice %arg2[%add3A_607, %dma_wait3A_608] : memref<128x32768xf32, #tpu.memory_space<hbm>> -> memref<1x32768xf32, #tpu.memory_space<hbm>>
    %dma_wait3A_610 = tpu.memref_squeeze %dma_wait3A_609 : memref<1x32768xf32, #tpu.memory_space<hbm>> -> memref<32768xf32, #tpu.memory_space<hbm>>
    %dma_wait3A_611 = arith.constant 0 : i32
    %dma_wait3A_612 = tpu.memref_slice %arg2[%add3A_607, %dma_wait3A_611] : memref<128x32768xf32, #tpu.memory_space<hbm>> -> memref<1x32768xf32, #tpu.memory_space<hbm>>
    %dma_wait3A_613 = tpu.memref_squeeze %dma_wait3A_612 : memref<1x32768xf32, #tpu.memory_space<hbm>> -> memref<32768xf32, #tpu.memory_space<hbm>>
    tpu.wait_dma2 semaphore(%arg8 : memref<!tpu.dma_semaphore, #tpu.memory_space<semaphore_mem>>) src(%dma_wait3A_613 : memref<32768xf32, #tpu.memory_space<hbm>>) dst(%arg4 : memref<32768xf32, #tpu.memory_space<vmem>>)
    %broadcast_in_dim3A_614 = arith.constant 1 : i32
    %broadcast_in_dim3A_615 = vector.broadcast %broadcast_in_dim3A_614 : i32 to vector<16xi32>
    %broadcast_in_dim3A_616 = arith.constant 0 : i32
    %broadcast_in_dim3A_617 = vector.broadcast %broadcast_in_dim3A_616 : i32 to vector<16xi32>
    %parallel_loop3A_618 = arith.constant 0 : i32
    %parallel_loop3A_619 = arith.constant 128 : i32
    %parallel_loop3A_620 = arith.constant 1 : i32
    scf.for %parallel_loop3A_1192 = %parallel_loop3A_618 to %parallel_loop3A_619 step %parallel_loop3A_620  : i32 {
      %parallel_loop3A_1193 = arith.constant 16 : i32
      %parallel_loop3A_1194 = arith.muli %parallel_loop3A_1192, %parallel_loop3A_1193 : i32
      %parallel_loop3A_1195 = arith.index_cast %parallel_loop3A_1194 : i32 to index
      %parallel_loop3A_1196 = tpu.vector_load %arg6[%parallel_loop3A_1195] {strides = array<i32>} : memref<2048xi32, #tpu.memory_space<vmem>>, vector<16xi32>,
      tpu.vector_store %arg6[%parallel_loop3A_1195], %broadcast_in_dim3A_617 {strides = array<i32>} : memref<2048xi32, #tpu.memory_space<vmem>>, vector<16xi32>,
    } {sc.loop_unroll_factor = 8 : i64, sc.parallel_access}
    %parallel_loop3A_621 = arith.constant 0 : i32
    %parallel_loop3A_622 = arith.constant 2048 : i32
    %parallel_loop3A_623 = arith.constant 1 : i32
    scf.for %parallel_loop3A_1192 = %parallel_loop3A_621 to %parallel_loop3A_622 step %parallel_loop3A_623  : i32 {
      %parallel_loop3A_1193 = arith.constant 16 : i32
      %parallel_loop3A_1194 = arith.muli %parallel_loop3A_1192, %parallel_loop3A_1193 : i32
      %parallel_loop3A_1195 = arith.index_cast %parallel_loop3A_1194 : i32 to index
      %parallel_loop3A_1196 = tpu.vector_load %arg4[%parallel_loop3A_1195] {strides = array<i32>} : memref<32768xf32, #tpu.memory_space<vmem>>, vector<16xf32>,
      %parallel_loop3A_1197 = tpu.bitcast %parallel_loop3A_1196 : vector<16xf32> -> vector<16xi32>
      %parallel_loop3A_1198 = arith.constant 31 : i32
      %parallel_loop3A_1199 = vector.broadcast %parallel_loop3A_1198 : i32 to vector<16xi32>
      %parallel_loop3A_1200 = arith.shrsi %parallel_loop3A_1197, %parallel_loop3A_1199 : vector<16xi32>
      %parallel_loop3A_1201 = arith.constant 2147483647 : i32
      %parallel_loop3A_1202 = vector.broadcast %parallel_loop3A_1201 : i32 to vector<16xi32>
      %parallel_loop3A_1203 = arith.andi %parallel_loop3A_1200, %parallel_loop3A_1202 : vector<16xi32>
      %parallel_loop3A_1204 = arith.xori %parallel_loop3A_1197, %parallel_loop3A_1203 : vector<16xi32>
      %parallel_loop3A_1205 = tpu.bitcast %parallel_loop3A_1204 : vector<16xi32> -> vector<16xi32>
      %parallel_loop3A_1206 = arith.constant 21 : i32
      %parallel_loop3A_1207 = vector.broadcast %parallel_loop3A_1206 : i32 to vector<16xi32>
      %parallel_loop3A_1208 = arith.shrui %parallel_loop3A_1205, %parallel_loop3A_1207 : vector<16xi32>
      %parallel_loop3A_1209 = arith.constant 1024 : i32
      %parallel_loop3A_1210 = vector.broadcast %parallel_loop3A_1209 : i32 to vector<16xi32>
      %parallel_loop3A_1211 = arith.xori %parallel_loop3A_1208, %parallel_loop3A_1210 : vector<16xi32>
      %parallel_loop3A_1212 = tpu.bitcast %parallel_loop3A_1211 : vector<16xi32> -> vector<16xi32>
      tpu.vector_store_idx %arg6[%parallel_loop3A_1212], %broadcast_in_dim3A_615 {add = true} : memref<2048xi32, #tpu.memory_space<vmem>>[vector<16xi32>], vector<16xi32>,
    } {sc.loop_unroll_factor = 8 : i64, sc.parallel_access}
    %iota3A_624 = tpu.iota {dimensions = array<i32: 0>} : vector<16xi32>
    %broadcast_in_dim3A_625 = arith.constant 0 : i32
    %broadcast_in_dim3A_626 = vector.broadcast %broadcast_in_dim3A_625 : i32 to vector<16xi32>
    %parallel_loop3A_627 = arith.constant 0 : i32
    %parallel_loop3A_628 = arith.constant 128 : i32
    %parallel_loop3A_629 = arith.constant 1 : i32
    %parallel_loop3A_630 = arith.constant 4096 : i32
    %parallel_loop3A_631 = arith.constant 0 : i32
    %parallel_loop3A_632 = arith.constant -1 : i32
    %parallel_loop3A_633 = arith.constant 0 : i32
    %parallel_loop3A_634:4 = scf.for %parallel_loop3A_1192 = %parallel_loop3A_627 to %parallel_loop3A_628 step %parallel_loop3A_629 iter_args(%parallel_loop3A_1193 = %parallel_loop3A_631, %parallel_loop3A_1194 = %parallel_loop3A_632, %parallel_loop3A_1195 = %parallel_loop3A_633, %parallel_loop3A_1196 = %broadcast_in_dim3A_626) -> (i32, i32, i32, vector<16xi32>)  : i32 {
      %parallel_loop3A_1197 = arith.constant 127 : i32
      %parallel_loop3A_1198 = arith.subi %parallel_loop3A_1197, %parallel_loop3A_1192 : i32
      %parallel_loop3A_1199 = arith.constant 16 : i32
      %parallel_loop3A_1200 = arith.muli %parallel_loop3A_1198, %parallel_loop3A_1199 : i32
      %parallel_loop3A_1201 = arith.index_cast %parallel_loop3A_1200 : i32 to index
      %parallel_loop3A_1202 = tpu.vector_load %arg6[%parallel_loop3A_1201] {strides = array<i32>} : memref<2048xi32, #tpu.memory_space<vmem>>, vector<16xi32>,
      %parallel_loop3A_1203 = arith.constant true
      %parallel_loop3A_1204 = vector.broadcast %parallel_loop3A_1203 : i1 to vector<16xi1>
      %parallel_loop3A_1205 = tpu.scan <sum>, %parallel_loop3A_1202 masked %parallel_loop3A_1204 : vector<16xi32>, vector<16xi1> -> vector<16xi32>
      %parallel_loop3A_1206 = vector.extract %parallel_loop3A_1205[15] : i32 from vector<16xi32>
      %parallel_loop3A_1207 = arith.constant 0 : i32
      %parallel_loop3A_1208 = arith.cmpi slt, %parallel_loop3A_1194, %parallel_loop3A_1207 : i32
      %parallel_loop3A_1209 = arith.addi %parallel_loop3A_1193, %parallel_loop3A_1206 : i32
      %parallel_loop3A_1210 = arith.cmpi sge, %parallel_loop3A_1209, %parallel_loop3A_630 : i32
      %parallel_loop3A_1211 = arith.andi %parallel_loop3A_1208, %parallel_loop3A_1210 : i1
      %parallel_loop3A_1212 = arith.select %parallel_loop3A_1211, %parallel_loop3A_1198, %parallel_loop3A_1194 : i32
      %parallel_loop3A_1213 = arith.select %parallel_loop3A_1211, %parallel_loop3A_1193, %parallel_loop3A_1195 : i32
      %parallel_loop3A_1214 = vector.broadcast %parallel_loop3A_1211 : i1 to vector<16xi1>
      %parallel_loop3A_1215 = arith.select %parallel_loop3A_1214, %parallel_loop3A_1202, %parallel_loop3A_1196 : vector<16xi1>, vector<16xi32>
      %parallel_loop3A_1216 = arith.addi %parallel_loop3A_1193, %parallel_loop3A_1206 : i32
      scf.yield %parallel_loop3A_1216, %parallel_loop3A_1212, %parallel_loop3A_1213, %parallel_loop3A_1215 : i32, i32, i32, vector<16xi32>
    } {sc.loop_unroll_factor = 4 : i64, sc.parallel_access}
    %rev3A_635 = arith.constant 15 : i32
    %rev3A_636 = vector.broadcast %rev3A_635 : i32 to vector<16xi32>
    %rev3A_637 = tpu.iota {dimensions = array<i32: 0>} : vector<16xi32>
    %rev3A_638 = arith.subi %rev3A_636, %rev3A_637 : vector<16xi32>
    %rev3A_639 = tpu.dynamic_gather %parallel_loop3A_634#3[%rev3A_638] in [0] : vector<16xi32>, vector<16xi32> -> vector<16xi32>
    %cumsum3A_640 = arith.constant true
    %cumsum3A_641 = vector.broadcast %cumsum3A_640 : i1 to vector<16xi1>
    %cumsum3A_642 = tpu.scan <sum>, %rev3A_639 masked %cumsum3A_641 : vector<16xi32>, vector<16xi1> -> vector<16xi32>
    %rev3A_643 = arith.constant 15 : i32
    %rev3A_644 = vector.broadcast %rev3A_643 : i32 to vector<16xi32>
    %rev3A_645 = tpu.iota {dimensions = array<i32: 0>} : vector<16xi32>
    %rev3A_646 = arith.subi %rev3A_644, %rev3A_645 : vector<16xi32>
    %rev3A_647 = tpu.dynamic_gather %cumsum3A_642[%rev3A_646] in [0] : vector<16xi32>, vector<16xi32> -> vector<16xi32>
    %add3A_648 = vector.broadcast %parallel_loop3A_634#2 : i32 to vector<16xi32>
    %add3A_649 = arith.addi %add3A_648, %rev3A_647 : vector<16xi32>
    %ge3A_650 = arith.constant 4096 : i32
    %ge3A_651 = vector.broadcast %ge3A_650 : i32 to vector<16xi32>
    %ge3A_652 = arith.cmpi sge, %add3A_649, %ge3A_651 : vector<16xi32>
    %convert_element_type3A_653 = arith.extui %ge3A_652 : vector<16xi1> to vector<16xi32>
    %reduce_sum3A_654 = arith.constant true
    %reduce_sum3A_655 = vector.broadcast %reduce_sum3A_654 : i1 to vector<16xi1>
    %reduce_sum3A_656 = tpu.scan <sum>, %convert_element_type3A_653 masked %reduce_sum3A_655 : vector<16xi32>, vector<16xi1> -> vector<16xi32>
    %reduce_sum3A_657 = vector.extract %reduce_sum3A_656[15] : i32 from vector<16xi32>
    %sub3A_658 = arith.constant 1 : i32
    %sub3A_659 = arith.subi %reduce_sum3A_657, %sub3A_658 : i32
    %eq3A_660 = vector.broadcast %sub3A_659 : i32 to vector<16xi32>
    %eq3A_661 = arith.cmpi eq, %iota3A_624, %eq3A_660 : vector<16xi32>
    %jit3A_662 = arith.constant 0 : i32
    %broadcast_in_dim3A_663 = vector.broadcast %jit3A_662 : i32 to vector<16xi32>
    %select_n3A_664 = arith.select %eq3A_661, %parallel_loop3A_634#3, %broadcast_in_dim3A_663 : vector<16xi1>, vector<16xi32>
    %reduce_sum3A_665 = arith.constant true
    %reduce_sum3A_666 = vector.broadcast %reduce_sum3A_665 : i1 to vector<16xi1>
    %reduce_sum3A_667 = tpu.scan <sum>, %select_n3A_664 masked %reduce_sum3A_666 : vector<16xi32>, vector<16xi1> -> vector<16xi32>
    %reduce_sum3A_668 = vector.extract %reduce_sum3A_667[15] : i32 from vector<16xi32>
    %eq3A_669 = vector.broadcast %sub3A_659 : i32 to vector<16xi32>
    %eq3A_670 = arith.cmpi eq, %iota3A_624, %eq3A_669 : vector<16xi32>
    %jit3A_671 = arith.constant 0 : i32
    %broadcast_in_dim3A_672 = vector.broadcast %jit3A_671 : i32 to vector<16xi32>
    %select_n3A_673 = arith.select %eq3A_670, %rev3A_647, %broadcast_in_dim3A_672 : vector<16xi1>, vector<16xi32>
    %reduce_sum3A_674 = arith.constant true
    %reduce_sum3A_675 = vector.broadcast %reduce_sum3A_674 : i1 to vector<16xi1>
    %reduce_sum3A_676 = tpu.scan <sum>, %select_n3A_673 masked %reduce_sum3A_675 : vector<16xi32>, vector<16xi1> -> vector<16xi32>
    %reduce_sum3A_677 = vector.extract %reduce_sum3A_676[15] : i32 from vector<16xi32>
    %add3A_678 = arith.addi %parallel_loop3A_634#2, %reduce_sum3A_677 : i32
    %sub3A_679 = arith.subi %add3A_678, %reduce_sum3A_668 : i32
    %mul3A_680 = arith.constant 16 : i32
    %mul3A_681 = arith.muli %parallel_loop3A_634#1, %mul3A_680 : i32
    %add3A_682 = arith.addi %mul3A_681, %sub3A_659 : i32
    %sub3A_683 = arith.constant 4096 : i32
    %sub3A_684 = arith.subi %sub3A_683, %sub3A_679 : i32
    %xor3A_685 = arith.constant 1024 : i32
    %xor3A_686 = arith.xori %add3A_682, %xor3A_685 : i32
    %broadcast_in_dim3A_687 = arith.constant 0 : i32
    %broadcast_in_dim3A_688 = vector.broadcast %broadcast_in_dim3A_687 : i32 to vector<16xi32>
    %parallel_loop3A_689 = arith.constant 0 : i32
    %parallel_loop3A_690 = arith.constant 128 : i32
    %parallel_loop3A_691 = arith.constant 1 : i32
    scf.for %parallel_loop3A_1192 = %parallel_loop3A_689 to %parallel_loop3A_690 step %parallel_loop3A_691  : i32 {
      %parallel_loop3A_1193 = arith.constant 16 : i32
      %parallel_loop3A_1194 = arith.muli %parallel_loop3A_1192, %parallel_loop3A_1193 : i32
      %parallel_loop3A_1195 = arith.index_cast %parallel_loop3A_1194 : i32 to index
      %parallel_loop3A_1196 = tpu.vector_load %arg6[%parallel_loop3A_1195] {strides = array<i32>} : memref<2048xi32, #tpu.memory_space<vmem>>, vector<16xi32>,
      tpu.vector_store %arg6[%parallel_loop3A_1195], %broadcast_in_dim3A_688 {strides = array<i32>} : memref<2048xi32, #tpu.memory_space<vmem>>, vector<16xi32>,
    } {sc.loop_unroll_factor = 8 : i64, sc.parallel_access}
    %parallel_loop3A_692 = arith.constant 0 : i32
    %parallel_loop3A_693 = arith.constant 2048 : i32
    %parallel_loop3A_694 = arith.constant 1 : i32
    %parallel_loop3A_695 = arith.constant 0 : i32
    %parallel_loop3A_696 = scf.for %parallel_loop3A_1192 = %parallel_loop3A_692 to %parallel_loop3A_693 step %parallel_loop3A_694 iter_args(%parallel_loop3A_1193 = %parallel_loop3A_695) -> (i32)  : i32 {
      %parallel_loop3A_1194 = arith.constant 16 : i32
      %parallel_loop3A_1195 = arith.muli %parallel_loop3A_1192, %parallel_loop3A_1194 : i32
      %parallel_loop3A_1196 = arith.index_cast %parallel_loop3A_1195 : i32 to index
      %parallel_loop3A_1197 = tpu.vector_load %arg4[%parallel_loop3A_1196] {strides = array<i32>} : memref<32768xf32, #tpu.memory_space<vmem>>, vector<16xf32>,
      %parallel_loop3A_1198 = tpu.bitcast %parallel_loop3A_1197 : vector<16xf32> -> vector<16xi32>
      %parallel_loop3A_1199 = arith.constant 31 : i32
      %parallel_loop3A_1200 = vector.broadcast %parallel_loop3A_1199 : i32 to vector<16xi32>
      %parallel_loop3A_1201 = arith.shrsi %parallel_loop3A_1198, %parallel_loop3A_1200 : vector<16xi32>
      %parallel_loop3A_1202 = arith.constant 2147483647 : i32
      %parallel_loop3A_1203 = vector.broadcast %parallel_loop3A_1202 : i32 to vector<16xi32>
      %parallel_loop3A_1204 = arith.andi %parallel_loop3A_1201, %parallel_loop3A_1203 : vector<16xi32>
      %parallel_loop3A_1205 = arith.xori %parallel_loop3A_1198, %parallel_loop3A_1204 : vector<16xi32>
      %parallel_loop3A_1206 = tpu.bitcast %parallel_loop3A_1205 : vector<16xi32> -> vector<16xi32>
      %parallel_loop3A_1207 = arith.constant 21 : i32
      %parallel_loop3A_1208 = vector.broadcast %parallel_loop3A_1207 : i32 to vector<16xi32>
      %parallel_loop3A_1209 = arith.shrui %parallel_loop3A_1206, %parallel_loop3A_1208 : vector<16xi32>
      %parallel_loop3A_1210 = vector.broadcast %xor3A_686 : i32 to vector<16xi32>
      %parallel_loop3A_1211 = arith.cmpi eq, %parallel_loop3A_1209, %parallel_loop3A_1210 : vector<16xi32>
      %parallel_loop3A_1212 = arith.constant 10 : i32
      %parallel_loop3A_1213 = vector.broadcast %parallel_loop3A_1212 : i32 to vector<16xi32>
      %parallel_loop3A_1214 = arith.shrui %parallel_loop3A_1206, %parallel_loop3A_1213 : vector<16xi32>
      %parallel_loop3A_1215 = arith.constant 2047 : i32
      %parallel_loop3A_1216 = vector.broadcast %parallel_loop3A_1215 : i32 to vector<16xi32>
      %parallel_loop3A_1217 = arith.andi %parallel_loop3A_1214, %parallel_loop3A_1216 : vector<16xi32>
      %parallel_loop3A_1218 = tpu.bitcast %parallel_loop3A_1217 : vector<16xi32> -> vector<16xi32>
      tpu.vector_store_idx %arg6[%parallel_loop3A_1218], %broadcast_in_dim3A_615 masked %parallel_loop3A_1211 {add = true} : memref<2048xi32, #tpu.memory_space<vmem>>[vector<16xi32>], vector<16xi32>, vector<16xi1>
      %parallel_loop3A_1219 = tpu.bitcast %parallel_loop3A_1206 : vector<16xi32> -> vector<16xi32>
      %parallel_loop3A_1220 = arith.index_cast %parallel_loop3A_1193 : i32 to index
      %parallel_loop3A_1221 = tpu.vector_load %arg7[%parallel_loop3A_1220] masked %parallel_loop3A_1211 {strides = array<i32>} : memref<32784xi32, #tpu.memory_space<vmem>>, vector<16xi32>, vector<16xi1>
      tpu.vector_store %arg7[%parallel_loop3A_1220], %parallel_loop3A_1219 masked %parallel_loop3A_1211 {strides = array<i32>} : memref<32784xi32, #tpu.memory_space<vmem>>, vector<16xi32>, vector<16xi1>
      %parallel_loop3A_1222 = tpu.all_reduce %parallel_loop3A_1211 {dim = 0 : i64, kind = #tpu.reduction_kind<sum>} : vector<16xi1> -> vector<16xi32>
      %parallel_loop3A_1223 = vector.extract_strided_slice %parallel_loop3A_1222 {offsets = [0], sizes = [1], strides = [1]} : vector<16xi32> to vector<1xi32>
      %parallel_loop3A_1224 = vector.extract %parallel_loop3A_1223[0] : i32 from vector<1xi32>
      %parallel_loop3A_1225 = arith.addi %parallel_loop3A_1193, %parallel_loop3A_1224 : i32
      scf.yield %parallel_loop3A_1225 : i32
    } {sc.loop_unroll_factor = 8 : i64, sc.parallel_access}
    %iota3A_697 = tpu.iota {dimensions = array<i32: 0>} : vector<16xi32>
    %broadcast_in_dim3A_698 = arith.constant 0 : i32
    %broadcast_in_dim3A_699 = vector.broadcast %broadcast_in_dim3A_698 : i32 to vector<16xi32>
    %parallel_loop3A_700 = arith.constant 0 : i32
    %parallel_loop3A_701 = arith.constant 128 : i32
    %parallel_loop3A_702 = arith.constant 1 : i32
    %parallel_loop3A_703 = arith.constant 0 : i32
    %parallel_loop3A_704 = arith.constant -1 : i32
    %parallel_loop3A_705 = arith.constant 0 : i32
    %parallel_loop3A_706:4 = scf.for %parallel_loop3A_1192 = %parallel_loop3A_700 to %parallel_loop3A_701 step %parallel_loop3A_702 iter_args(%parallel_loop3A_1193 = %parallel_loop3A_703, %parallel_loop3A_1194 = %parallel_loop3A_704, %parallel_loop3A_1195 = %parallel_loop3A_705, %parallel_loop3A_1196 = %broadcast_in_dim3A_699) -> (i32, i32, i32, vector<16xi32>)  : i32 {
      %parallel_loop3A_1197 = arith.constant 127 : i32
      %parallel_loop3A_1198 = arith.subi %parallel_loop3A_1197, %parallel_loop3A_1192 : i32
      %parallel_loop3A_1199 = arith.constant 16 : i32
      %parallel_loop3A_1200 = arith.muli %parallel_loop3A_1198, %parallel_loop3A_1199 : i32
      %parallel_loop3A_1201 = arith.index_cast %parallel_loop3A_1200 : i32 to index
      %parallel_loop3A_1202 = tpu.vector_load %arg6[%parallel_loop3A_1201] {strides = array<i32>} : memref<2048xi32, #tpu.memory_space<vmem>>, vector<16xi32>,
      %parallel_loop3A_1203 = arith.constant true
      %parallel_loop3A_1204 = vector.broadcast %parallel_loop3A_1203 : i1 to vector<16xi1>
      %parallel_loop3A_1205 = tpu.scan <sum>, %parallel_loop3A_1202 masked %parallel_loop3A_1204 : vector<16xi32>, vector<16xi1> -> vector<16xi32>
      %parallel_loop3A_1206 = vector.extract %parallel_loop3A_1205[15] : i32 from vector<16xi32>
      %parallel_loop3A_1207 = arith.constant 0 : i32
      %parallel_loop3A_1208 = arith.cmpi slt, %parallel_loop3A_1194, %parallel_loop3A_1207 : i32
      %parallel_loop3A_1209 = arith.addi %parallel_loop3A_1193, %parallel_loop3A_1206 : i32
      %parallel_loop3A_1210 = arith.cmpi sge, %parallel_loop3A_1209, %sub3A_684 : i32
      %parallel_loop3A_1211 = arith.andi %parallel_loop3A_1208, %parallel_loop3A_1210 : i1
      %parallel_loop3A_1212 = arith.select %parallel_loop3A_1211, %parallel_loop3A_1198, %parallel_loop3A_1194 : i32
      %parallel_loop3A_1213 = arith.select %parallel_loop3A_1211, %parallel_loop3A_1193, %parallel_loop3A_1195 : i32
      %parallel_loop3A_1214 = vector.broadcast %parallel_loop3A_1211 : i1 to vector<16xi1>
      %parallel_loop3A_1215 = arith.select %parallel_loop3A_1214, %parallel_loop3A_1202, %parallel_loop3A_1196 : vector<16xi1>, vector<16xi32>
      %parallel_loop3A_1216 = arith.addi %parallel_loop3A_1193, %parallel_loop3A_1206 : i32
      scf.yield %parallel_loop3A_1216, %parallel_loop3A_1212, %parallel_loop3A_1213, %parallel_loop3A_1215 : i32, i32, i32, vector<16xi32>
    } {sc.loop_unroll_factor = 4 : i64, sc.parallel_access}
    %rev3A_707 = arith.constant 15 : i32
    %rev3A_708 = vector.broadcast %rev3A_707 : i32 to vector<16xi32>
    %rev3A_709 = tpu.iota {dimensions = array<i32: 0>} : vector<16xi32>
    %rev3A_710 = arith.subi %rev3A_708, %rev3A_709 : vector<16xi32>
    %rev3A_711 = tpu.dynamic_gather %parallel_loop3A_706#3[%rev3A_710] in [0] : vector<16xi32>, vector<16xi32> -> vector<16xi32>
    %cumsum3A_712 = arith.constant true
    %cumsum3A_713 = vector.broadcast %cumsum3A_712 : i1 to vector<16xi1>
    %cumsum3A_714 = tpu.scan <sum>, %rev3A_711 masked %cumsum3A_713 : vector<16xi32>, vector<16xi1> -> vector<16xi32>
    %rev3A_715 = arith.constant 15 : i32
    %rev3A_716 = vector.broadcast %rev3A_715 : i32 to vector<16xi32>
    %rev3A_717 = tpu.iota {dimensions = array<i32: 0>} : vector<16xi32>
    %rev3A_718 = arith.subi %rev3A_716, %rev3A_717 : vector<16xi32>
    %rev3A_719 = tpu.dynamic_gather %cumsum3A_714[%rev3A_718] in [0] : vector<16xi32>, vector<16xi32> -> vector<16xi32>
    %add3A_720 = vector.broadcast %parallel_loop3A_706#2 : i32 to vector<16xi32>
    %add3A_721 = arith.addi %add3A_720, %rev3A_719 : vector<16xi32>
    %ge3A_722 = vector.broadcast %sub3A_684 : i32 to vector<16xi32>
    %ge3A_723 = arith.cmpi sge, %add3A_721, %ge3A_722 : vector<16xi32>
    %convert_element_type3A_724 = arith.extui %ge3A_723 : vector<16xi1> to vector<16xi32>
    %reduce_sum3A_725 = arith.constant true
    %reduce_sum3A_726 = vector.broadcast %reduce_sum3A_725 : i1 to vector<16xi1>
    %reduce_sum3A_727 = tpu.scan <sum>, %convert_element_type3A_724 masked %reduce_sum3A_726 : vector<16xi32>, vector<16xi1> -> vector<16xi32>
    %reduce_sum3A_728 = vector.extract %reduce_sum3A_727[15] : i32 from vector<16xi32>
    %sub3A_729 = arith.constant 1 : i32
    %sub3A_730 = arith.subi %reduce_sum3A_728, %sub3A_729 : i32
    %eq3A_731 = vector.broadcast %sub3A_730 : i32 to vector<16xi32>
    %eq3A_732 = arith.cmpi eq, %iota3A_697, %eq3A_731 : vector<16xi32>
    %jit3A_733 = arith.constant 0 : i32
    %broadcast_in_dim3A_734 = vector.broadcast %jit3A_733 : i32 to vector<16xi32>
    %select_n3A_735 = arith.select %eq3A_732, %parallel_loop3A_706#3, %broadcast_in_dim3A_734 : vector<16xi1>, vector<16xi32>
    %reduce_sum3A_736 = arith.constant true
    %reduce_sum3A_737 = vector.broadcast %reduce_sum3A_736 : i1 to vector<16xi1>
    %reduce_sum3A_738 = tpu.scan <sum>, %select_n3A_735 masked %reduce_sum3A_737 : vector<16xi32>, vector<16xi1> -> vector<16xi32>
    %reduce_sum3A_739 = vector.extract %reduce_sum3A_738[15] : i32 from vector<16xi32>
    %eq3A_740 = vector.broadcast %sub3A_730 : i32 to vector<16xi32>
    %eq3A_741 = arith.cmpi eq, %iota3A_697, %eq3A_740 : vector<16xi32>
    %jit3A_742 = arith.constant 0 : i32
    %broadcast_in_dim3A_743 = vector.broadcast %jit3A_742 : i32 to vector<16xi32>
    %select_n3A_744 = arith.select %eq3A_741, %rev3A_719, %broadcast_in_dim3A_743 : vector<16xi1>, vector<16xi32>
    %reduce_sum3A_745 = arith.constant true
    %reduce_sum3A_746 = vector.broadcast %reduce_sum3A_745 : i1 to vector<16xi1>
    %reduce_sum3A_747 = tpu.scan <sum>, %select_n3A_744 masked %reduce_sum3A_746 : vector<16xi32>, vector<16xi1> -> vector<16xi32>
    %reduce_sum3A_748 = vector.extract %reduce_sum3A_747[15] : i32 from vector<16xi32>
    %add3A_749 = arith.addi %parallel_loop3A_706#2, %reduce_sum3A_748 : i32
    %sub3A_750 = arith.subi %add3A_749, %reduce_sum3A_739 : i32
    %mul3A_751 = arith.constant 16 : i32
    %mul3A_752 = arith.muli %parallel_loop3A_706#1, %mul3A_751 : i32
    %add3A_753 = arith.addi %mul3A_752, %sub3A_730 : i32
    %sub3A_754 = arith.subi %sub3A_684, %sub3A_750 : i32
    %shift_left3A_755 = arith.constant 11 : i32
    %shift_left3A_756 = arith.shli %xor3A_686, %shift_left3A_755 : i32
    %or3A_757 = arith.ori %shift_left3A_756, %add3A_753 : i32
    %xor3A_758 = arith.constant 1 : i32
    %xor3A_759 = arith.xori %xor3A_686, %xor3A_758 : i32
    %shift_left3A_760 = arith.constant 21 : i32
    %shift_left3A_761 = arith.shli %xor3A_759, %shift_left3A_760 : i32
    %bitcast_convert_type3A_762 = arith.bitcast %shift_left3A_761 : i32 to i32
    %broadcast_in_dim3A_763 = vector.broadcast %bitcast_convert_type3A_762 : i32 to vector<16xi32>
    %swap3A_764 = arith.index_cast %reduce_sum3A_668 : i32 to index
    %swap3A_765 = tpu.vector_load %arg7[%swap3A_764] {strides = array<i32>} : memref<32784xi32, #tpu.memory_space<vmem>>, vector<16xi32>,
    tpu.vector_store %arg7[%swap3A_764], %broadcast_in_dim3A_763 {strides = array<i32>} : memref<32784xi32, #tpu.memory_space<vmem>>, vector<16xi32>,
    %broadcast_in_dim3A_766 = arith.constant 0 : i32
    %broadcast_in_dim3A_767 = vector.broadcast %broadcast_in_dim3A_766 : i32 to vector<16xi32>
    %parallel_loop3A_768 = arith.constant 0 : i32
    %parallel_loop3A_769 = arith.constant 64 : i32
    %parallel_loop3A_770 = arith.constant 1 : i32
    scf.for %parallel_loop3A_1192 = %parallel_loop3A_768 to %parallel_loop3A_769 step %parallel_loop3A_770  : i32 {
      %parallel_loop3A_1193 = arith.constant 16 : i32
      %parallel_loop3A_1194 = arith.muli %parallel_loop3A_1192, %parallel_loop3A_1193 : i32
      %parallel_loop3A_1195 = arith.index_cast %parallel_loop3A_1194 : i32 to index
      %parallel_loop3A_1196 = tpu.vector_load %arg6[%parallel_loop3A_1195] {strides = array<i32>} : memref<2048xi32, #tpu.memory_space<vmem>>, vector<16xi32>,
      tpu.vector_store %arg6[%parallel_loop3A_1195], %broadcast_in_dim3A_767 {strides = array<i32>} : memref<2048xi32, #tpu.memory_space<vmem>>, vector<16xi32>,
    } {sc.loop_unroll_factor = 8 : i64, sc.parallel_access}
    %add3A_771 = arith.constant 15 : i32
    %add3A_772 = arith.addi %reduce_sum3A_668, %add3A_771 : i32
    %jit3A_773 = arith.constant 16 : i32
    %div3A_774 = arith.divsi %add3A_772, %jit3A_773 : i32
    %sign3A_775 = arith.constant 0 : i32
    %sign3A_776 = arith.cmpi sgt, %add3A_772, %sign3A_775 : i32
    %sign3A_777 = arith.extui %sign3A_776 : i1 to i32
    %sign3A_778 = arith.constant 0 : i32
    %sign3A_779 = arith.cmpi slt, %add3A_772, %sign3A_778 : i32
    %sign3A_780 = arith.extui %sign3A_779 : i1 to i32
    %sign3A_781 = arith.subi %sign3A_777, %sign3A_780 : i32
    %sign3A_782 = arith.constant 0 : i32
    %sign3A_783 = arith.cmpi sgt, %jit3A_773, %sign3A_782 : i32
    %sign3A_784 = arith.extui %sign3A_783 : i1 to i32
    %sign3A_785 = arith.constant 0 : i32
    %sign3A_786 = arith.cmpi slt, %jit3A_773, %sign3A_785 : i32
    %sign3A_787 = arith.extui %sign3A_786 : i1 to i32
    %sign3A_788 = arith.subi %sign3A_784, %sign3A_787 : i32
    %ne3A_789 = arith.cmpi ne, %sign3A_781, %sign3A_788 : i32
    %rem3A_790 = arith.remsi %add3A_772, %jit3A_773 : i32
    %ne3A_791 = arith.constant 0 : i32
    %ne3A_792 = arith.cmpi ne, %rem3A_790, %ne3A_791 : i32
    %and3A_793 = arith.andi %ne3A_789, %ne3A_792 : i1
    %sub3A_794 = arith.constant 1 : i32
    %sub3A_795 = arith.subi %div3A_774, %sub3A_794 : i32
    %select_n3A_796 = arith.select %and3A_793, %sub3A_795, %div3A_774 : i32
    %parallel_loop3A_797 = arith.constant 0 : i32
    %parallel_loop3A_798 = arith.constant 1 : i32
    %parallel_loop3A_799 = arith.constant 0 : i32
    %parallel_loop3A_800 = scf.for %parallel_loop3A_1192 = %parallel_loop3A_797 to %select_n3A_796 step %parallel_loop3A_798 iter_args(%parallel_loop3A_1193 = %parallel_loop3A_799) -> (i32)  : i32 {
      %parallel_loop3A_1194 = arith.constant 16 : i32
      %parallel_loop3A_1195 = arith.muli %parallel_loop3A_1192, %parallel_loop3A_1194 : i32
      %parallel_loop3A_1196 = arith.index_cast %parallel_loop3A_1195 : i32 to index
      %parallel_loop3A_1197 = tpu.vector_load %arg7[%parallel_loop3A_1196] {strides = array<i32>} : memref<32784xi32, #tpu.memory_space<vmem>>, vector<16xi32>,
      %parallel_loop3A_1198 = tpu.bitcast %parallel_loop3A_1197 : vector<16xi32> -> vector<16xi32>
      %parallel_loop3A_1199 = arith.constant 10 : i32
      %parallel_loop3A_1200 = vector.broadcast %parallel_loop3A_1199 : i32 to vector<16xi32>
      %parallel_loop3A_1201 = arith.shrui %parallel_loop3A_1198, %parallel_loop3A_1200 : vector<16xi32>
      %parallel_loop3A_1202 = vector.broadcast %or3A_757 : i32 to vector<16xi32>
      %parallel_loop3A_1203 = arith.cmpi eq, %parallel_loop3A_1201, %parallel_loop3A_1202 : vector<16xi32>
      %parallel_loop3A_1204 = arith.constant 1023 : i32
      %parallel_loop3A_1205 = vector.broadcast %parallel_loop3A_1204 : i32 to vector<16xi32>
      %parallel_loop3A_1206 = arith.andi %parallel_loop3A_1198, %parallel_loop3A_1205 : vector<16xi32>
      %parallel_loop3A_1207 = tpu.bitcast %parallel_loop3A_1206 : vector<16xi32> -> vector<16xi32>
      tpu.vector_store_idx %arg6[%parallel_loop3A_1207], %broadcast_in_dim3A_615 masked %parallel_loop3A_1203 {add = true} : memref<2048xi32, #tpu.memory_space<vmem>>[vector<16xi32>], vector<16xi32>, vector<16xi1>
      %parallel_loop3A_1208 = arith.constant 0 : i32
      scf.yield %parallel_loop3A_1208 : i32
    } {sc.loop_unroll_factor = 2 : i64, sc.parallel_access}
    %iota3A_801 = tpu.iota {dimensions = array<i32: 0>} : vector<16xi32>
    %broadcast_in_dim3A_802 = arith.constant 0 : i32
    %broadcast_in_dim3A_803 = vector.broadcast %broadcast_in_dim3A_802 : i32 to vector<16xi32>
    %parallel_loop3A_804 = arith.constant 0 : i32
    %parallel_loop3A_805 = arith.constant 64 : i32
    %parallel_loop3A_806 = arith.constant 1 : i32
    %parallel_loop3A_807 = arith.constant 0 : i32
    %parallel_loop3A_808 = arith.constant -1 : i32
    %parallel_loop3A_809 = arith.constant 0 : i32
    %parallel_loop3A_810:4 = scf.for %parallel_loop3A_1192 = %parallel_loop3A_804 to %parallel_loop3A_805 step %parallel_loop3A_806 iter_args(%parallel_loop3A_1193 = %parallel_loop3A_807, %parallel_loop3A_1194 = %parallel_loop3A_808, %parallel_loop3A_1195 = %parallel_loop3A_809, %parallel_loop3A_1196 = %broadcast_in_dim3A_803) -> (i32, i32, i32, vector<16xi32>)  : i32 {
      %parallel_loop3A_1197 = arith.constant 63 : i32
      %parallel_loop3A_1198 = arith.subi %parallel_loop3A_1197, %parallel_loop3A_1192 : i32
      %parallel_loop3A_1199 = arith.constant 16 : i32
      %parallel_loop3A_1200 = arith.muli %parallel_loop3A_1198, %parallel_loop3A_1199 : i32
      %parallel_loop3A_1201 = arith.index_cast %parallel_loop3A_1200 : i32 to index
      %parallel_loop3A_1202 = tpu.vector_load %arg6[%parallel_loop3A_1201] {strides = array<i32>} : memref<2048xi32, #tpu.memory_space<vmem>>, vector<16xi32>,
      %parallel_loop3A_1203 = arith.constant true
      %parallel_loop3A_1204 = vector.broadcast %parallel_loop3A_1203 : i1 to vector<16xi1>
      %parallel_loop3A_1205 = tpu.scan <sum>, %parallel_loop3A_1202 masked %parallel_loop3A_1204 : vector<16xi32>, vector<16xi1> -> vector<16xi32>
      %parallel_loop3A_1206 = vector.extract %parallel_loop3A_1205[15] : i32 from vector<16xi32>
      %parallel_loop3A_1207 = arith.constant 0 : i32
      %parallel_loop3A_1208 = arith.cmpi slt, %parallel_loop3A_1194, %parallel_loop3A_1207 : i32
      %parallel_loop3A_1209 = arith.addi %parallel_loop3A_1193, %parallel_loop3A_1206 : i32
      %parallel_loop3A_1210 = arith.cmpi sge, %parallel_loop3A_1209, %sub3A_754 : i32
      %parallel_loop3A_1211 = arith.andi %parallel_loop3A_1208, %parallel_loop3A_1210 : i1
      %parallel_loop3A_1212 = arith.select %parallel_loop3A_1211, %parallel_loop3A_1198, %parallel_loop3A_1194 : i32
      %parallel_loop3A_1213 = arith.select %parallel_loop3A_1211, %parallel_loop3A_1193, %parallel_loop3A_1195 : i32
      %parallel_loop3A_1214 = vector.broadcast %parallel_loop3A_1211 : i1 to vector<16xi1>
      %parallel_loop3A_1215 = arith.select %parallel_loop3A_1214, %parallel_loop3A_1202, %parallel_loop3A_1196 : vector<16xi1>, vector<16xi32>
      %parallel_loop3A_1216 = arith.addi %parallel_loop3A_1193, %parallel_loop3A_1206 : i32
      scf.yield %parallel_loop3A_1216, %parallel_loop3A_1212, %parallel_loop3A_1213, %parallel_loop3A_1215 : i32, i32, i32, vector<16xi32>
    } {sc.loop_unroll_factor = 4 : i64, sc.parallel_access}
    %rev3A_811 = arith.constant 15 : i32
    %rev3A_812 = vector.broadcast %rev3A_811 : i32 to vector<16xi32>
    %rev3A_813 = tpu.iota {dimensions = array<i32: 0>} : vector<16xi32>
    %rev3A_814 = arith.subi %rev3A_812, %rev3A_813 : vector<16xi32>
    %rev3A_815 = tpu.dynamic_gather %parallel_loop3A_810#3[%rev3A_814] in [0] : vector<16xi32>, vector<16xi32> -> vector<16xi32>
    %cumsum3A_816 = arith.constant true
    %cumsum3A_817 = vector.broadcast %cumsum3A_816 : i1 to vector<16xi1>
    %cumsum3A_818 = tpu.scan <sum>, %rev3A_815 masked %cumsum3A_817 : vector<16xi32>, vector<16xi1> -> vector<16xi32>
    %rev3A_819 = arith.constant 15 : i32
    %rev3A_820 = vector.broadcast %rev3A_819 : i32 to vector<16xi32>
    %rev3A_821 = tpu.iota {dimensions = array<i32: 0>} : vector<16xi32>
    %rev3A_822 = arith.subi %rev3A_820, %rev3A_821 : vector<16xi32>
    %rev3A_823 = tpu.dynamic_gather %cumsum3A_818[%rev3A_822] in [0] : vector<16xi32>, vector<16xi32> -> vector<16xi32>
    %add3A_824 = vector.broadcast %parallel_loop3A_810#2 : i32 to vector<16xi32>
    %add3A_825 = arith.addi %add3A_824, %rev3A_823 : vector<16xi32>
    %ge3A_826 = vector.broadcast %sub3A_754 : i32 to vector<16xi32>
    %ge3A_827 = arith.cmpi sge, %add3A_825, %ge3A_826 : vector<16xi32>
    %convert_element_type3A_828 = arith.extui %ge3A_827 : vector<16xi1> to vector<16xi32>
    %reduce_sum3A_829 = arith.constant true
    %reduce_sum3A_830 = vector.broadcast %reduce_sum3A_829 : i1 to vector<16xi1>
    %reduce_sum3A_831 = tpu.scan <sum>, %convert_element_type3A_828 masked %reduce_sum3A_830 : vector<16xi32>, vector<16xi1> -> vector<16xi32>
    %reduce_sum3A_832 = vector.extract %reduce_sum3A_831[15] : i32 from vector<16xi32>
    %sub3A_833 = arith.constant 1 : i32
    %sub3A_834 = arith.subi %reduce_sum3A_832, %sub3A_833 : i32
    %eq3A_835 = vector.broadcast %sub3A_834 : i32 to vector<16xi32>
    %eq3A_836 = arith.cmpi eq, %iota3A_801, %eq3A_835 : vector<16xi32>
    %jit3A_837 = arith.constant 0 : i32
    %broadcast_in_dim3A_838 = vector.broadcast %jit3A_837 : i32 to vector<16xi32>
    %select_n3A_839 = arith.select %eq3A_836, %parallel_loop3A_810#3, %broadcast_in_dim3A_838 : vector<16xi1>, vector<16xi32>
    %reduce_sum3A_840 = arith.constant true
    %reduce_sum3A_841 = vector.broadcast %reduce_sum3A_840 : i1 to vector<16xi1>
    %reduce_sum3A_842 = tpu.scan <sum>, %select_n3A_839 masked %reduce_sum3A_841 : vector<16xi32>, vector<16xi1> -> vector<16xi32>
    %reduce_sum3A_843 = vector.extract %reduce_sum3A_842[15] : i32 from vector<16xi32>
    %eq3A_844 = vector.broadcast %sub3A_834 : i32 to vector<16xi32>
    %eq3A_845 = arith.cmpi eq, %iota3A_801, %eq3A_844 : vector<16xi32>
    %jit3A_846 = arith.constant 0 : i32
    %broadcast_in_dim3A_847 = vector.broadcast %jit3A_846 : i32 to vector<16xi32>
    %select_n3A_848 = arith.select %eq3A_845, %rev3A_823, %broadcast_in_dim3A_847 : vector<16xi1>, vector<16xi32>
    %reduce_sum3A_849 = arith.constant true
    %reduce_sum3A_850 = vector.broadcast %reduce_sum3A_849 : i1 to vector<16xi1>
    %reduce_sum3A_851 = tpu.scan <sum>, %select_n3A_848 masked %reduce_sum3A_850 : vector<16xi32>, vector<16xi1> -> vector<16xi32>
    %reduce_sum3A_852 = vector.extract %reduce_sum3A_851[15] : i32 from vector<16xi32>
    %add3A_853 = arith.addi %parallel_loop3A_810#2, %reduce_sum3A_852 : i32
    %sub3A_854 = arith.subi %add3A_853, %reduce_sum3A_843 : i32
    %mul3A_855 = arith.constant 16 : i32
    %mul3A_856 = arith.muli %parallel_loop3A_810#1, %mul3A_855 : i32
    %add3A_857 = arith.addi %mul3A_856, %sub3A_834 : i32
    %sub3A_858 = arith.subi %sub3A_754, %sub3A_854 : i32
    %shift_left3A_859 = arith.constant 21 : i32
    %shift_left3A_860 = arith.shli %xor3A_686, %shift_left3A_859 : i32
    %shift_left3A_861 = arith.constant 10 : i32
    %shift_left3A_862 = arith.shli %add3A_753, %shift_left3A_861 : i32
    %or3A_863 = arith.ori %shift_left3A_860, %shift_left3A_862 : i32
    %or3A_864 = arith.ori %or3A_863, %add3A_857 : i32
    %ge3A_865 = arith.constant 0 : i32
    %ge3A_866 = arith.cmpi sge, %or3A_864, %ge3A_865 : i32
    %xor3A_867 = arith.constant 2147483647 : i32
    %xor3A_868 = arith.xori %or3A_864, %xor3A_867 : i32
    %select_n3A_869 = arith.select %ge3A_866, %or3A_864, %xor3A_868 : i32
    %bitcast_convert_type3A_870 = arith.bitcast %select_n3A_869 : i32 to f32
    %broadcast_in_dim3A_871 = vector.broadcast %bitcast_convert_type3A_870 : f32 to vector<16xf32>
    %parallel_loop3A_872 = arith.constant 0 : i32
    %parallel_loop3A_873 = arith.constant 2048 : i32
    %parallel_loop3A_874 = arith.constant 1 : i32
    scf.for %parallel_loop3A_1192 = %parallel_loop3A_872 to %parallel_loop3A_873 step %parallel_loop3A_874  : i32 {
      %parallel_loop3A_1193 = arith.constant 16 : i32
      %parallel_loop3A_1194 = arith.muli %parallel_loop3A_1192, %parallel_loop3A_1193 : i32
      %parallel_loop3A_1195 = arith.index_cast %parallel_loop3A_1194 : i32 to index
      %parallel_loop3A_1196 = tpu.vector_load %arg4[%parallel_loop3A_1195] {strides = array<i32>} : memref<32768xf32, #tpu.memory_space<vmem>>, vector<16xf32>,
      %parallel_loop3A_1197 = arith.cmpf oge, %parallel_loop3A_1196, %broadcast_in_dim3A_871 : vector<16xf32>
      %parallel_loop3A_1198 = arith.constant 0.000000e+00 : f32
      %parallel_loop3A_1199 = vector.broadcast %parallel_loop3A_1198 : f32 to vector<16xf32>
      %parallel_loop3A_1200 = arith.select %parallel_loop3A_1197, %parallel_loop3A_1196, %parallel_loop3A_1199 : vector<16xi1>, vector<16xf32>
      %parallel_loop3A_1201 = arith.index_cast %parallel_loop3A_1194 : i32 to index
      %parallel_loop3A_1202 = tpu.vector_load %arg4[%parallel_loop3A_1201] {strides = array<i32>} : memref<32768xf32, #tpu.memory_space<vmem>>, vector<16xf32>,
      tpu.vector_store %arg4[%parallel_loop3A_1201], %parallel_loop3A_1200 {strides = array<i32>} : memref<32768xf32, #tpu.memory_space<vmem>>, vector<16xf32>,
    } {sc.loop_unroll_factor = 8 : i64, sc.parallel_access}
    %sub3A_875 = arith.subi %reduce_sum3A_843, %sub3A_858 : i32
    %while3A_876 = arith.constant 2047 : i32
    %while3A_877:2 = scf.while (%while3A_1192 = %while3A_876, %while3A_1193 = %sub3A_875) : (i32, i32) -> (i32, i32) {
      %gt3A = arith.constant 0 : i32
      %gt3A_1194 = arith.cmpi sgt, %while3A_1193, %gt3A : i32
      %ge3A_1195 = arith.constant 0 : i32
      %ge3A_1196 = arith.cmpi sge, %while3A_1192, %ge3A_1195 : i32
      %and3A_1197 = arith.andi %gt3A_1194, %ge3A_1196 : i1
      scf.condition(%and3A_1197) %while3A_1192, %while3A_1193 : i32, i32
    } do {
    ^bb0(%while3A_1192: i32, %while3A_1193: i32):
      %mul3A_1194 = arith.constant 16 : i32
      %mul3A_1195 = arith.muli %while3A_1192, %mul3A_1194 : i32
      %get3A = arith.index_cast %mul3A_1195 : i32 to index
      %get3A_1196 = tpu.vector_load %arg4[%get3A] {strides = array<i32>} : memref<32768xf32, #tpu.memory_space<vmem>>, vector<16xf32>,
      %bitcast_convert_type3A_1197 = tpu.bitcast %get3A_1196 : vector<16xf32> -> vector<16xi32>
      %shift_right_arithmetic3A = arith.constant 31 : i32
      %shift_right_arithmetic3A_1198 = vector.broadcast %shift_right_arithmetic3A : i32 to vector<16xi32>
      %shift_right_arithmetic3A_1199 = arith.shrsi %bitcast_convert_type3A_1197, %shift_right_arithmetic3A_1198 : vector<16xi32>
      %and3A_1200 = arith.constant 2147483647 : i32
      %and3A_1201 = vector.broadcast %and3A_1200 : i32 to vector<16xi32>
      %and3A_1202 = arith.andi %shift_right_arithmetic3A_1199, %and3A_1201 : vector<16xi32>
      %xor3A_1203 = arith.xori %bitcast_convert_type3A_1197, %and3A_1202 : vector<16xi32>
      %eq3A_1204 = vector.broadcast %or3A_864 : i32 to vector<16xi32>
      %eq3A_1205 = arith.cmpi eq, %xor3A_1203, %eq3A_1204 : vector<16xi32>
      %convert_element_type3A_1206 = arith.extui %eq3A_1205 : vector<16xi1> to vector<16xi32>
      %rev3A_1207 = arith.constant 15 : i32
      %rev3A_1208 = vector.broadcast %rev3A_1207 : i32 to vector<16xi32>
      %rev3A_1209 = tpu.iota {dimensions = array<i32: 0>} : vector<16xi32>
      %rev3A_1210 = arith.subi %rev3A_1208, %rev3A_1209 : vector<16xi32>
      %rev3A_1211 = tpu.dynamic_gather %convert_element_type3A_1206[%rev3A_1210] in [0] : vector<16xi32>, vector<16xi32> -> vector<16xi32>
      %cumsum3A_1212 = arith.constant true
      %cumsum3A_1213 = vector.broadcast %cumsum3A_1212 : i1 to vector<16xi1>
      %cumsum3A_1214 = tpu.scan <sum>, %rev3A_1211 masked %cumsum3A_1213 : vector<16xi32>, vector<16xi1> -> vector<16xi32>
      %rev3A_1215 = arith.constant 15 : i32
      %rev3A_1216 = vector.broadcast %rev3A_1215 : i32 to vector<16xi32>
      %rev3A_1217 = tpu.iota {dimensions = array<i32: 0>} : vector<16xi32>
      %rev3A_1218 = arith.subi %rev3A_1216, %rev3A_1217 : vector<16xi32>
      %rev3A_1219 = tpu.dynamic_gather %cumsum3A_1214[%rev3A_1218] in [0] : vector<16xi32>, vector<16xi32> -> vector<16xi32>
      %le3A = vector.broadcast %while3A_1193 : i32 to vector<16xi32>
      %le3A_1220 = arith.cmpi sle, %rev3A_1219, %le3A : vector<16xi32>
      %and3A_1221 = arith.andi %eq3A_1205, %le3A_1220 : vector<16xi1>
      %jit3A_1222 = arith.constant 0.000000e+00 : f32
      %broadcast_in_dim3A_1223 = vector.broadcast %jit3A_1222 : f32 to vector<16xf32>
      %select_n3A_1224 = arith.select %and3A_1221, %broadcast_in_dim3A_1223, %get3A_1196 : vector<16xi1>, vector<16xf32>
      %swap3A_1225 = arith.index_cast %mul3A_1195 : i32 to index
      %swap3A_1226 = tpu.vector_load %arg4[%swap3A_1225] {strides = array<i32>} : memref<32768xf32, #tpu.memory_space<vmem>>, vector<16xf32>,
      tpu.vector_store %arg4[%swap3A_1225], %select_n3A_1224 {strides = array<i32>} : memref<32768xf32, #tpu.memory_space<vmem>>, vector<16xf32>,
      %reduce_sum3A_1227 = arith.constant true
      %reduce_sum3A_1228 = vector.broadcast %reduce_sum3A_1227 : i1 to vector<16xi1>
      %reduce_sum3A_1229 = tpu.scan <sum>, %convert_element_type3A_1206 masked %reduce_sum3A_1228 : vector<16xi32>, vector<16xi1> -> vector<16xi32>
      %reduce_sum3A_1230 = vector.extract %reduce_sum3A_1229[15] : i32 from vector<16xi32>
      %sub3A_1231 = arith.subi %while3A_1193, %reduce_sum3A_1230 : i32
      %max3A = arith.constant 0 : i32
      %max3A_1232 = arith.maxsi %sub3A_1231, %max3A : i32
      %sub3A_1233 = arith.constant 1 : i32
      %sub3A_1234 = arith.subi %while3A_1192, %sub3A_1233 : i32
      scf.yield %sub3A_1234, %max3A_1232 : i32, i32
    }
    %mul3A_878 = arith.constant 4 : i32
    %mul3A_879 = arith.muli %add3A, %mul3A_878 : i32
    %add3A_880 = arith.constant 2 : i32
    %add3A_881 = arith.addi %mul3A_879, %add3A_880 : i32
    %dma_start3A_882 = arith.constant 0 : i32
    %dma_start3A_883 = tpu.memref_slice %arg3[%add3A_881, %dma_start3A_882] : memref<128x32768xf32, #tpu.memory_space<hbm>> -> memref<1x32768xf32, #tpu.memory_space<hbm>>
    %dma_start3A_884 = tpu.memref_squeeze %dma_start3A_883 : memref<1x32768xf32, #tpu.memory_space<hbm>> -> memref<32768xf32, #tpu.memory_space<hbm>>
    %dma_start3A_885 = arith.constant 0 : i32
    %dma_start3A_886 = tpu.memref_slice %arg3[%add3A_881, %dma_start3A_885] : memref<128x32768xf32, #tpu.memory_space<hbm>> -> memref<1x32768xf32, #tpu.memory_space<hbm>>
    %dma_start3A_887 = tpu.memref_squeeze %dma_start3A_886 : memref<1x32768xf32, #tpu.memory_space<hbm>> -> memref<32768xf32, #tpu.memory_space<hbm>>
    tpu.enqueue_dma source(%arg4 : memref<32768xf32, #tpu.memory_space<vmem>>) target(%dma_start3A_887 : memref<32768xf32, #tpu.memory_space<hbm>>) target_semaphore(%arg10 : memref<!tpu.dma_semaphore, #tpu.memory_space<semaphore_mem>>)
    %mul3A_888 = arith.constant 4 : i32
    %mul3A_889 = arith.muli %add3A, %mul3A_888 : i32
    %add3A_890 = arith.constant 3 : i32
    %add3A_891 = arith.addi %mul3A_889, %add3A_890 : i32
    %dma_wait3A_892 = arith.constant 0 : i32
    %dma_wait3A_893 = tpu.memref_slice %arg2[%add3A_891, %dma_wait3A_892] : memref<128x32768xf32, #tpu.memory_space<hbm>> -> memref<1x32768xf32, #tpu.memory_space<hbm>>
    %dma_wait3A_894 = tpu.memref_squeeze %dma_wait3A_893 : memref<1x32768xf32, #tpu.memory_space<hbm>> -> memref<32768xf32, #tpu.memory_space<hbm>>
    %dma_wait3A_895 = arith.constant 0 : i32
    %dma_wait3A_896 = tpu.memref_slice %arg2[%add3A_891, %dma_wait3A_895] : memref<128x32768xf32, #tpu.memory_space<hbm>> -> memref<1x32768xf32, #tpu.memory_space<hbm>>
    %dma_wait3A_897 = tpu.memref_squeeze %dma_wait3A_896 : memref<1x32768xf32, #tpu.memory_space<hbm>> -> memref<32768xf32, #tpu.memory_space<hbm>>
    tpu.wait_dma2 semaphore(%arg9 : memref<!tpu.dma_semaphore, #tpu.memory_space<semaphore_mem>>) src(%dma_wait3A_897 : memref<32768xf32, #tpu.memory_space<hbm>>) dst(%arg5 : memref<32768xf32, #tpu.memory_space<vmem>>)
    %broadcast_in_dim3A_898 = arith.constant 1 : i32
    %broadcast_in_dim3A_899 = vector.broadcast %broadcast_in_dim3A_898 : i32 to vector<16xi32>
    %broadcast_in_dim3A_900 = arith.constant 0 : i32
    %broadcast_in_dim3A_901 = vector.broadcast %broadcast_in_dim3A_900 : i32 to vector<16xi32>
    %parallel_loop3A_902 = arith.constant 0 : i32
    %parallel_loop3A_903 = arith.constant 128 : i32
    %parallel_loop3A_904 = arith.constant 1 : i32
    scf.for %parallel_loop3A_1192 = %parallel_loop3A_902 to %parallel_loop3A_903 step %parallel_loop3A_904  : i32 {
      %parallel_loop3A_1193 = arith.constant 16 : i32
      %parallel_loop3A_1194 = arith.muli %parallel_loop3A_1192, %parallel_loop3A_1193 : i32
      %parallel_loop3A_1195 = arith.index_cast %parallel_loop3A_1194 : i32 to index
      %parallel_loop3A_1196 = tpu.vector_load %arg6[%parallel_loop3A_1195] {strides = array<i32>} : memref<2048xi32, #tpu.memory_space<vmem>>, vector<16xi32>,
      tpu.vector_store %arg6[%parallel_loop3A_1195], %broadcast_in_dim3A_901 {strides = array<i32>} : memref<2048xi32, #tpu.memory_space<vmem>>, vector<16xi32>,
    } {sc.loop_unroll_factor = 8 : i64, sc.parallel_access}
    %parallel_loop3A_905 = arith.constant 0 : i32
    %parallel_loop3A_906 = arith.constant 2048 : i32
    %parallel_loop3A_907 = arith.constant 1 : i32
    scf.for %parallel_loop3A_1192 = %parallel_loop3A_905 to %parallel_loop3A_906 step %parallel_loop3A_907  : i32 {
      %parallel_loop3A_1193 = arith.constant 16 : i32
      %parallel_loop3A_1194 = arith.muli %parallel_loop3A_1192, %parallel_loop3A_1193 : i32
      %parallel_loop3A_1195 = arith.index_cast %parallel_loop3A_1194 : i32 to index
      %parallel_loop3A_1196 = tpu.vector_load %arg5[%parallel_loop3A_1195] {strides = array<i32>} : memref<32768xf32, #tpu.memory_space<vmem>>, vector<16xf32>,
      %parallel_loop3A_1197 = tpu.bitcast %parallel_loop3A_1196 : vector<16xf32> -> vector<16xi32>
      %parallel_loop3A_1198 = arith.constant 31 : i32
      %parallel_loop3A_1199 = vector.broadcast %parallel_loop3A_1198 : i32 to vector<16xi32>
      %parallel_loop3A_1200 = arith.shrsi %parallel_loop3A_1197, %parallel_loop3A_1199 : vector<16xi32>
      %parallel_loop3A_1201 = arith.constant 2147483647 : i32
      %parallel_loop3A_1202 = vector.broadcast %parallel_loop3A_1201 : i32 to vector<16xi32>
      %parallel_loop3A_1203 = arith.andi %parallel_loop3A_1200, %parallel_loop3A_1202 : vector<16xi32>
      %parallel_loop3A_1204 = arith.xori %parallel_loop3A_1197, %parallel_loop3A_1203 : vector<16xi32>
      %parallel_loop3A_1205 = tpu.bitcast %parallel_loop3A_1204 : vector<16xi32> -> vector<16xi32>
      %parallel_loop3A_1206 = arith.constant 21 : i32
      %parallel_loop3A_1207 = vector.broadcast %parallel_loop3A_1206 : i32 to vector<16xi32>
      %parallel_loop3A_1208 = arith.shrui %parallel_loop3A_1205, %parallel_loop3A_1207 : vector<16xi32>
      %parallel_loop3A_1209 = arith.constant 1024 : i32
      %parallel_loop3A_1210 = vector.broadcast %parallel_loop3A_1209 : i32 to vector<16xi32>
      %parallel_loop3A_1211 = arith.xori %parallel_loop3A_1208, %parallel_loop3A_1210 : vector<16xi32>
      %parallel_loop3A_1212 = tpu.bitcast %parallel_loop3A_1211 : vector<16xi32> -> vector<16xi32>
      tpu.vector_store_idx %arg6[%parallel_loop3A_1212], %broadcast_in_dim3A_899 {add = true} : memref<2048xi32, #tpu.memory_space<vmem>>[vector<16xi32>], vector<16xi32>,
    } {sc.loop_unroll_factor = 8 : i64, sc.parallel_access}
    %iota3A_908 = tpu.iota {dimensions = array<i32: 0>} : vector<16xi32>
    %broadcast_in_dim3A_909 = arith.constant 0 : i32
    %broadcast_in_dim3A_910 = vector.broadcast %broadcast_in_dim3A_909 : i32 to vector<16xi32>
    %parallel_loop3A_911 = arith.constant 0 : i32
    %parallel_loop3A_912 = arith.constant 128 : i32
    %parallel_loop3A_913 = arith.constant 1 : i32
    %parallel_loop3A_914 = arith.constant 4096 : i32
    %parallel_loop3A_915 = arith.constant 0 : i32
    %parallel_loop3A_916 = arith.constant -1 : i32
    %parallel_loop3A_917 = arith.constant 0 : i32
    %parallel_loop3A_918:4 = scf.for %parallel_loop3A_1192 = %parallel_loop3A_911 to %parallel_loop3A_912 step %parallel_loop3A_913 iter_args(%parallel_loop3A_1193 = %parallel_loop3A_915, %parallel_loop3A_1194 = %parallel_loop3A_916, %parallel_loop3A_1195 = %parallel_loop3A_917, %parallel_loop3A_1196 = %broadcast_in_dim3A_910) -> (i32, i32, i32, vector<16xi32>)  : i32 {
      %parallel_loop3A_1197 = arith.constant 127 : i32
      %parallel_loop3A_1198 = arith.subi %parallel_loop3A_1197, %parallel_loop3A_1192 : i32
      %parallel_loop3A_1199 = arith.constant 16 : i32
      %parallel_loop3A_1200 = arith.muli %parallel_loop3A_1198, %parallel_loop3A_1199 : i32
      %parallel_loop3A_1201 = arith.index_cast %parallel_loop3A_1200 : i32 to index
      %parallel_loop3A_1202 = tpu.vector_load %arg6[%parallel_loop3A_1201] {strides = array<i32>} : memref<2048xi32, #tpu.memory_space<vmem>>, vector<16xi32>,
      %parallel_loop3A_1203 = arith.constant true
      %parallel_loop3A_1204 = vector.broadcast %parallel_loop3A_1203 : i1 to vector<16xi1>
      %parallel_loop3A_1205 = tpu.scan <sum>, %parallel_loop3A_1202 masked %parallel_loop3A_1204 : vector<16xi32>, vector<16xi1> -> vector<16xi32>
      %parallel_loop3A_1206 = vector.extract %parallel_loop3A_1205[15] : i32 from vector<16xi32>
      %parallel_loop3A_1207 = arith.constant 0 : i32
      %parallel_loop3A_1208 = arith.cmpi slt, %parallel_loop3A_1194, %parallel_loop3A_1207 : i32
      %parallel_loop3A_1209 = arith.addi %parallel_loop3A_1193, %parallel_loop3A_1206 : i32
      %parallel_loop3A_1210 = arith.cmpi sge, %parallel_loop3A_1209, %parallel_loop3A_914 : i32
      %parallel_loop3A_1211 = arith.andi %parallel_loop3A_1208, %parallel_loop3A_1210 : i1
      %parallel_loop3A_1212 = arith.select %parallel_loop3A_1211, %parallel_loop3A_1198, %parallel_loop3A_1194 : i32
      %parallel_loop3A_1213 = arith.select %parallel_loop3A_1211, %parallel_loop3A_1193, %parallel_loop3A_1195 : i32
      %parallel_loop3A_1214 = vector.broadcast %parallel_loop3A_1211 : i1 to vector<16xi1>
      %parallel_loop3A_1215 = arith.select %parallel_loop3A_1214, %parallel_loop3A_1202, %parallel_loop3A_1196 : vector<16xi1>, vector<16xi32>
      %parallel_loop3A_1216 = arith.addi %parallel_loop3A_1193, %parallel_loop3A_1206 : i32
      scf.yield %parallel_loop3A_1216, %parallel_loop3A_1212, %parallel_loop3A_1213, %parallel_loop3A_1215 : i32, i32, i32, vector<16xi32>
    } {sc.loop_unroll_factor = 4 : i64, sc.parallel_access}
    %rev3A_919 = arith.constant 15 : i32
    %rev3A_920 = vector.broadcast %rev3A_919 : i32 to vector<16xi32>
    %rev3A_921 = tpu.iota {dimensions = array<i32: 0>} : vector<16xi32>
    %rev3A_922 = arith.subi %rev3A_920, %rev3A_921 : vector<16xi32>
    %rev3A_923 = tpu.dynamic_gather %parallel_loop3A_918#3[%rev3A_922] in [0] : vector<16xi32>, vector<16xi32> -> vector<16xi32>
    %cumsum3A_924 = arith.constant true
    %cumsum3A_925 = vector.broadcast %cumsum3A_924 : i1 to vector<16xi1>
    %cumsum3A_926 = tpu.scan <sum>, %rev3A_923 masked %cumsum3A_925 : vector<16xi32>, vector<16xi1> -> vector<16xi32>
    %rev3A_927 = arith.constant 15 : i32
    %rev3A_928 = vector.broadcast %rev3A_927 : i32 to vector<16xi32>
    %rev3A_929 = tpu.iota {dimensions = array<i32: 0>} : vector<16xi32>
    %rev3A_930 = arith.subi %rev3A_928, %rev3A_929 : vector<16xi32>
    %rev3A_931 = tpu.dynamic_gather %cumsum3A_926[%rev3A_930] in [0] : vector<16xi32>, vector<16xi32> -> vector<16xi32>
    %add3A_932 = vector.broadcast %parallel_loop3A_918#2 : i32 to vector<16xi32>
    %add3A_933 = arith.addi %add3A_932, %rev3A_931 : vector<16xi32>
    %ge3A_934 = arith.constant 4096 : i32
    %ge3A_935 = vector.broadcast %ge3A_934 : i32 to vector<16xi32>
    %ge3A_936 = arith.cmpi sge, %add3A_933, %ge3A_935 : vector<16xi32>
    %convert_element_type3A_937 = arith.extui %ge3A_936 : vector<16xi1> to vector<16xi32>
    %reduce_sum3A_938 = arith.constant true
    %reduce_sum3A_939 = vector.broadcast %reduce_sum3A_938 : i1 to vector<16xi1>
    %reduce_sum3A_940 = tpu.scan <sum>, %convert_element_type3A_937 masked %reduce_sum3A_939 : vector<16xi32>, vector<16xi1> -> vector<16xi32>
    %reduce_sum3A_941 = vector.extract %reduce_sum3A_940[15] : i32 from vector<16xi32>
    %sub3A_942 = arith.constant 1 : i32
    %sub3A_943 = arith.subi %reduce_sum3A_941, %sub3A_942 : i32
    %eq3A_944 = vector.broadcast %sub3A_943 : i32 to vector<16xi32>
    %eq3A_945 = arith.cmpi eq, %iota3A_908, %eq3A_944 : vector<16xi32>
    %jit3A_946 = arith.constant 0 : i32
    %broadcast_in_dim3A_947 = vector.broadcast %jit3A_946 : i32 to vector<16xi32>
    %select_n3A_948 = arith.select %eq3A_945, %parallel_loop3A_918#3, %broadcast_in_dim3A_947 : vector<16xi1>, vector<16xi32>
    %reduce_sum3A_949 = arith.constant true
    %reduce_sum3A_950 = vector.broadcast %reduce_sum3A_949 : i1 to vector<16xi1>
    %reduce_sum3A_951 = tpu.scan <sum>, %select_n3A_948 masked %reduce_sum3A_950 : vector<16xi32>, vector<16xi1> -> vector<16xi32>
    %reduce_sum3A_952 = vector.extract %reduce_sum3A_951[15] : i32 from vector<16xi32>
    %eq3A_953 = vector.broadcast %sub3A_943 : i32 to vector<16xi32>
    %eq3A_954 = arith.cmpi eq, %iota3A_908, %eq3A_953 : vector<16xi32>
    %jit3A_955 = arith.constant 0 : i32
    %broadcast_in_dim3A_956 = vector.broadcast %jit3A_955 : i32 to vector<16xi32>
    %select_n3A_957 = arith.select %eq3A_954, %rev3A_931, %broadcast_in_dim3A_956 : vector<16xi1>, vector<16xi32>
    %reduce_sum3A_958 = arith.constant true
    %reduce_sum3A_959 = vector.broadcast %reduce_sum3A_958 : i1 to vector<16xi1>
    %reduce_sum3A_960 = tpu.scan <sum>, %select_n3A_957 masked %reduce_sum3A_959 : vector<16xi32>, vector<16xi1> -> vector<16xi32>
    %reduce_sum3A_961 = vector.extract %reduce_sum3A_960[15] : i32 from vector<16xi32>
    %add3A_962 = arith.addi %parallel_loop3A_918#2, %reduce_sum3A_961 : i32
    %sub3A_963 = arith.subi %add3A_962, %reduce_sum3A_952 : i32
    %mul3A_964 = arith.constant 16 : i32
    %mul3A_965 = arith.muli %parallel_loop3A_918#1, %mul3A_964 : i32
    %add3A_966 = arith.addi %mul3A_965, %sub3A_943 : i32
    %sub3A_967 = arith.constant 4096 : i32
    %sub3A_968 = arith.subi %sub3A_967, %sub3A_963 : i32
    %xor3A_969 = arith.constant 1024 : i32
    %xor3A_970 = arith.xori %add3A_966, %xor3A_969 : i32
    %broadcast_in_dim3A_971 = arith.constant 0 : i32
    %broadcast_in_dim3A_972 = vector.broadcast %broadcast_in_dim3A_971 : i32 to vector<16xi32>
    %parallel_loop3A_973 = arith.constant 0 : i32
    %parallel_loop3A_974 = arith.constant 128 : i32
    %parallel_loop3A_975 = arith.constant 1 : i32
    scf.for %parallel_loop3A_1192 = %parallel_loop3A_973 to %parallel_loop3A_974 step %parallel_loop3A_975  : i32 {
      %parallel_loop3A_1193 = arith.constant 16 : i32
      %parallel_loop3A_1194 = arith.muli %parallel_loop3A_1192, %parallel_loop3A_1193 : i32
      %parallel_loop3A_1195 = arith.index_cast %parallel_loop3A_1194 : i32 to index
      %parallel_loop3A_1196 = tpu.vector_load %arg6[%parallel_loop3A_1195] {strides = array<i32>} : memref<2048xi32, #tpu.memory_space<vmem>>, vector<16xi32>,
      tpu.vector_store %arg6[%parallel_loop3A_1195], %broadcast_in_dim3A_972 {strides = array<i32>} : memref<2048xi32, #tpu.memory_space<vmem>>, vector<16xi32>,
    } {sc.loop_unroll_factor = 8 : i64, sc.parallel_access}
    %parallel_loop3A_976 = arith.constant 0 : i32
    %parallel_loop3A_977 = arith.constant 2048 : i32
    %parallel_loop3A_978 = arith.constant 1 : i32
    %parallel_loop3A_979 = arith.constant 0 : i32
    %parallel_loop3A_980 = scf.for %parallel_loop3A_1192 = %parallel_loop3A_976 to %parallel_loop3A_977 step %parallel_loop3A_978 iter_args(%parallel_loop3A_1193 = %parallel_loop3A_979) -> (i32)  : i32 {
      %parallel_loop3A_1194 = arith.constant 16 : i32
      %parallel_loop3A_1195 = arith.muli %parallel_loop3A_1192, %parallel_loop3A_1194 : i32
      %parallel_loop3A_1196 = arith.index_cast %parallel_loop3A_1195 : i32 to index
      %parallel_loop3A_1197 = tpu.vector_load %arg5[%parallel_loop3A_1196] {strides = array<i32>} : memref<32768xf32, #tpu.memory_space<vmem>>, vector<16xf32>,
      %parallel_loop3A_1198 = tpu.bitcast %parallel_loop3A_1197 : vector<16xf32> -> vector<16xi32>
      %parallel_loop3A_1199 = arith.constant 31 : i32
      %parallel_loop3A_1200 = vector.broadcast %parallel_loop3A_1199 : i32 to vector<16xi32>
      %parallel_loop3A_1201 = arith.shrsi %parallel_loop3A_1198, %parallel_loop3A_1200 : vector<16xi32>
      %parallel_loop3A_1202 = arith.constant 2147483647 : i32
      %parallel_loop3A_1203 = vector.broadcast %parallel_loop3A_1202 : i32 to vector<16xi32>
      %parallel_loop3A_1204 = arith.andi %parallel_loop3A_1201, %parallel_loop3A_1203 : vector<16xi32>
      %parallel_loop3A_1205 = arith.xori %parallel_loop3A_1198, %parallel_loop3A_1204 : vector<16xi32>
      %parallel_loop3A_1206 = tpu.bitcast %parallel_loop3A_1205 : vector<16xi32> -> vector<16xi32>
      %parallel_loop3A_1207 = arith.constant 21 : i32
      %parallel_loop3A_1208 = vector.broadcast %parallel_loop3A_1207 : i32 to vector<16xi32>
      %parallel_loop3A_1209 = arith.shrui %parallel_loop3A_1206, %parallel_loop3A_1208 : vector<16xi32>
      %parallel_loop3A_1210 = vector.broadcast %xor3A_970 : i32 to vector<16xi32>
      %parallel_loop3A_1211 = arith.cmpi eq, %parallel_loop3A_1209, %parallel_loop3A_1210 : vector<16xi32>
      %parallel_loop3A_1212 = arith.constant 10 : i32
      %parallel_loop3A_1213 = vector.broadcast %parallel_loop3A_1212 : i32 to vector<16xi32>
      %parallel_loop3A_1214 = arith.shrui %parallel_loop3A_1206, %parallel_loop3A_1213 : vector<16xi32>
      %parallel_loop3A_1215 = arith.constant 2047 : i32
      %parallel_loop3A_1216 = vector.broadcast %parallel_loop3A_1215 : i32 to vector<16xi32>
      %parallel_loop3A_1217 = arith.andi %parallel_loop3A_1214, %parallel_loop3A_1216 : vector<16xi32>
      %parallel_loop3A_1218 = tpu.bitcast %parallel_loop3A_1217 : vector<16xi32> -> vector<16xi32>
      tpu.vector_store_idx %arg6[%parallel_loop3A_1218], %broadcast_in_dim3A_899 masked %parallel_loop3A_1211 {add = true} : memref<2048xi32, #tpu.memory_space<vmem>>[vector<16xi32>], vector<16xi32>, vector<16xi1>
      %parallel_loop3A_1219 = tpu.bitcast %parallel_loop3A_1206 : vector<16xi32> -> vector<16xi32>
      %parallel_loop3A_1220 = arith.index_cast %parallel_loop3A_1193 : i32 to index
      %parallel_loop3A_1221 = tpu.vector_load %arg7[%parallel_loop3A_1220] masked %parallel_loop3A_1211 {strides = array<i32>} : memref<32784xi32, #tpu.memory_space<vmem>>, vector<16xi32>, vector<16xi1>
      tpu.vector_store %arg7[%parallel_loop3A_1220], %parallel_loop3A_1219 masked %parallel_loop3A_1211 {strides = array<i32>} : memref<32784xi32, #tpu.memory_space<vmem>>, vector<16xi32>, vector<16xi1>
      %parallel_loop3A_1222 = tpu.all_reduce %parallel_loop3A_1211 {dim = 0 : i64, kind = #tpu.reduction_kind<sum>} : vector<16xi1> -> vector<16xi32>
      %parallel_loop3A_1223 = vector.extract_strided_slice %parallel_loop3A_1222 {offsets = [0], sizes = [1], strides = [1]} : vector<16xi32> to vector<1xi32>
      %parallel_loop3A_1224 = vector.extract %parallel_loop3A_1223[0] : i32 from vector<1xi32>
      %parallel_loop3A_1225 = arith.addi %parallel_loop3A_1193, %parallel_loop3A_1224 : i32
      scf.yield %parallel_loop3A_1225 : i32
    } {sc.loop_unroll_factor = 8 : i64, sc.parallel_access}
    %iota3A_981 = tpu.iota {dimensions = array<i32: 0>} : vector<16xi32>
    %broadcast_in_dim3A_982 = arith.constant 0 : i32
    %broadcast_in_dim3A_983 = vector.broadcast %broadcast_in_dim3A_982 : i32 to vector<16xi32>
    %parallel_loop3A_984 = arith.constant 0 : i32
    %parallel_loop3A_985 = arith.constant 128 : i32
    %parallel_loop3A_986 = arith.constant 1 : i32
    %parallel_loop3A_987 = arith.constant 0 : i32
    %parallel_loop3A_988 = arith.constant -1 : i32
    %parallel_loop3A_989 = arith.constant 0 : i32
    %parallel_loop3A_990:4 = scf.for %parallel_loop3A_1192 = %parallel_loop3A_984 to %parallel_loop3A_985 step %parallel_loop3A_986 iter_args(%parallel_loop3A_1193 = %parallel_loop3A_987, %parallel_loop3A_1194 = %parallel_loop3A_988, %parallel_loop3A_1195 = %parallel_loop3A_989, %parallel_loop3A_1196 = %broadcast_in_dim3A_983) -> (i32, i32, i32, vector<16xi32>)  : i32 {
      %parallel_loop3A_1197 = arith.constant 127 : i32
      %parallel_loop3A_1198 = arith.subi %parallel_loop3A_1197, %parallel_loop3A_1192 : i32
      %parallel_loop3A_1199 = arith.constant 16 : i32
      %parallel_loop3A_1200 = arith.muli %parallel_loop3A_1198, %parallel_loop3A_1199 : i32
      %parallel_loop3A_1201 = arith.index_cast %parallel_loop3A_1200 : i32 to index
      %parallel_loop3A_1202 = tpu.vector_load %arg6[%parallel_loop3A_1201] {strides = array<i32>} : memref<2048xi32, #tpu.memory_space<vmem>>, vector<16xi32>,
      %parallel_loop3A_1203 = arith.constant true
      %parallel_loop3A_1204 = vector.broadcast %parallel_loop3A_1203 : i1 to vector<16xi1>
      %parallel_loop3A_1205 = tpu.scan <sum>, %parallel_loop3A_1202 masked %parallel_loop3A_1204 : vector<16xi32>, vector<16xi1> -> vector<16xi32>
      %parallel_loop3A_1206 = vector.extract %parallel_loop3A_1205[15] : i32 from vector<16xi32>
      %parallel_loop3A_1207 = arith.constant 0 : i32
      %parallel_loop3A_1208 = arith.cmpi slt, %parallel_loop3A_1194, %parallel_loop3A_1207 : i32
      %parallel_loop3A_1209 = arith.addi %parallel_loop3A_1193, %parallel_loop3A_1206 : i32
      %parallel_loop3A_1210 = arith.cmpi sge, %parallel_loop3A_1209, %sub3A_968 : i32
      %parallel_loop3A_1211 = arith.andi %parallel_loop3A_1208, %parallel_loop3A_1210 : i1
      %parallel_loop3A_1212 = arith.select %parallel_loop3A_1211, %parallel_loop3A_1198, %parallel_loop3A_1194 : i32
      %parallel_loop3A_1213 = arith.select %parallel_loop3A_1211, %parallel_loop3A_1193, %parallel_loop3A_1195 : i32
      %parallel_loop3A_1214 = vector.broadcast %parallel_loop3A_1211 : i1 to vector<16xi1>
      %parallel_loop3A_1215 = arith.select %parallel_loop3A_1214, %parallel_loop3A_1202, %parallel_loop3A_1196 : vector<16xi1>, vector<16xi32>
      %parallel_loop3A_1216 = arith.addi %parallel_loop3A_1193, %parallel_loop3A_1206 : i32
      scf.yield %parallel_loop3A_1216, %parallel_loop3A_1212, %parallel_loop3A_1213, %parallel_loop3A_1215 : i32, i32, i32, vector<16xi32>
    } {sc.loop_unroll_factor = 4 : i64, sc.parallel_access}
    %rev3A_991 = arith.constant 15 : i32
    %rev3A_992 = vector.broadcast %rev3A_991 : i32 to vector<16xi32>
    %rev3A_993 = tpu.iota {dimensions = array<i32: 0>} : vector<16xi32>
    %rev3A_994 = arith.subi %rev3A_992, %rev3A_993 : vector<16xi32>
    %rev3A_995 = tpu.dynamic_gather %parallel_loop3A_990#3[%rev3A_994] in [0] : vector<16xi32>, vector<16xi32> -> vector<16xi32>
    %cumsum3A_996 = arith.constant true
    %cumsum3A_997 = vector.broadcast %cumsum3A_996 : i1 to vector<16xi1>
    %cumsum3A_998 = tpu.scan <sum>, %rev3A_995 masked %cumsum3A_997 : vector<16xi32>, vector<16xi1> -> vector<16xi32>
    %rev3A_999 = arith.constant 15 : i32
    %rev3A_1000 = vector.broadcast %rev3A_999 : i32 to vector<16xi32>
    %rev3A_1001 = tpu.iota {dimensions = array<i32: 0>} : vector<16xi32>
    %rev3A_1002 = arith.subi %rev3A_1000, %rev3A_1001 : vector<16xi32>
    %rev3A_1003 = tpu.dynamic_gather %cumsum3A_998[%rev3A_1002] in [0] : vector<16xi32>, vector<16xi32> -> vector<16xi32>
    %add3A_1004 = vector.broadcast %parallel_loop3A_990#2 : i32 to vector<16xi32>
    %add3A_1005 = arith.addi %add3A_1004, %rev3A_1003 : vector<16xi32>
    %ge3A_1006 = vector.broadcast %sub3A_968 : i32 to vector<16xi32>
    %ge3A_1007 = arith.cmpi sge, %add3A_1005, %ge3A_1006 : vector<16xi32>
    %convert_element_type3A_1008 = arith.extui %ge3A_1007 : vector<16xi1> to vector<16xi32>
    %reduce_sum3A_1009 = arith.constant true
    %reduce_sum3A_1010 = vector.broadcast %reduce_sum3A_1009 : i1 to vector<16xi1>
    %reduce_sum3A_1011 = tpu.scan <sum>, %convert_element_type3A_1008 masked %reduce_sum3A_1010 : vector<16xi32>, vector<16xi1> -> vector<16xi32>
    %reduce_sum3A_1012 = vector.extract %reduce_sum3A_1011[15] : i32 from vector<16xi32>
    %sub3A_1013 = arith.constant 1 : i32
    %sub3A_1014 = arith.subi %reduce_sum3A_1012, %sub3A_1013 : i32
    %eq3A_1015 = vector.broadcast %sub3A_1014 : i32 to vector<16xi32>
    %eq3A_1016 = arith.cmpi eq, %iota3A_981, %eq3A_1015 : vector<16xi32>
    %jit3A_1017 = arith.constant 0 : i32
    %broadcast_in_dim3A_1018 = vector.broadcast %jit3A_1017 : i32 to vector<16xi32>
    %select_n3A_1019 = arith.select %eq3A_1016, %parallel_loop3A_990#3, %broadcast_in_dim3A_1018 : vector<16xi1>, vector<16xi32>
    %reduce_sum3A_1020 = arith.constant true
    %reduce_sum3A_1021 = vector.broadcast %reduce_sum3A_1020 : i1 to vector<16xi1>
    %reduce_sum3A_1022 = tpu.scan <sum>, %select_n3A_1019 masked %reduce_sum3A_1021 : vector<16xi32>, vector<16xi1> -> vector<16xi32>
    %reduce_sum3A_1023 = vector.extract %reduce_sum3A_1022[15] : i32 from vector<16xi32>
    %eq3A_1024 = vector.broadcast %sub3A_1014 : i32 to vector<16xi32>
    %eq3A_1025 = arith.cmpi eq, %iota3A_981, %eq3A_1024 : vector<16xi32>
    %jit3A_1026 = arith.constant 0 : i32
    %broadcast_in_dim3A_1027 = vector.broadcast %jit3A_1026 : i32 to vector<16xi32>
    %select_n3A_1028 = arith.select %eq3A_1025, %rev3A_1003, %broadcast_in_dim3A_1027 : vector<16xi1>, vector<16xi32>
    %reduce_sum3A_1029 = arith.constant true
    %reduce_sum3A_1030 = vector.broadcast %reduce_sum3A_1029 : i1 to vector<16xi1>
    %reduce_sum3A_1031 = tpu.scan <sum>, %select_n3A_1028 masked %reduce_sum3A_1030 : vector<16xi32>, vector<16xi1> -> vector<16xi32>
    %reduce_sum3A_1032 = vector.extract %reduce_sum3A_1031[15] : i32 from vector<16xi32>
    %add3A_1033 = arith.addi %parallel_loop3A_990#2, %reduce_sum3A_1032 : i32
    %sub3A_1034 = arith.subi %add3A_1033, %reduce_sum3A_1023 : i32
    %mul3A_1035 = arith.constant 16 : i32
    %mul3A_1036 = arith.muli %parallel_loop3A_990#1, %mul3A_1035 : i32
    %add3A_1037 = arith.addi %mul3A_1036, %sub3A_1014 : i32
    %sub3A_1038 = arith.subi %sub3A_968, %sub3A_1034 : i32
    %shift_left3A_1039 = arith.constant 11 : i32
    %shift_left3A_1040 = arith.shli %xor3A_970, %shift_left3A_1039 : i32
    %or3A_1041 = arith.ori %shift_left3A_1040, %add3A_1037 : i32
    %xor3A_1042 = arith.constant 1 : i32
    %xor3A_1043 = arith.xori %xor3A_970, %xor3A_1042 : i32
    %shift_left3A_1044 = arith.constant 21 : i32
    %shift_left3A_1045 = arith.shli %xor3A_1043, %shift_left3A_1044 : i32
    %bitcast_convert_type3A_1046 = arith.bitcast %shift_left3A_1045 : i32 to i32
    %broadcast_in_dim3A_1047 = vector.broadcast %bitcast_convert_type3A_1046 : i32 to vector<16xi32>
    %swap3A_1048 = arith.index_cast %reduce_sum3A_952 : i32 to index
    %swap3A_1049 = tpu.vector_load %arg7[%swap3A_1048] {strides = array<i32>} : memref<32784xi32, #tpu.memory_space<vmem>>, vector<16xi32>,
    tpu.vector_store %arg7[%swap3A_1048], %broadcast_in_dim3A_1047 {strides = array<i32>} : memref<32784xi32, #tpu.memory_space<vmem>>, vector<16xi32>,
    %broadcast_in_dim3A_1050 = arith.constant 0 : i32
    %broadcast_in_dim3A_1051 = vector.broadcast %broadcast_in_dim3A_1050 : i32 to vector<16xi32>
    %parallel_loop3A_1052 = arith.constant 0 : i32
    %parallel_loop3A_1053 = arith.constant 64 : i32
    %parallel_loop3A_1054 = arith.constant 1 : i32
    scf.for %parallel_loop3A_1192 = %parallel_loop3A_1052 to %parallel_loop3A_1053 step %parallel_loop3A_1054  : i32 {
      %parallel_loop3A_1193 = arith.constant 16 : i32
      %parallel_loop3A_1194 = arith.muli %parallel_loop3A_1192, %parallel_loop3A_1193 : i32
      %parallel_loop3A_1195 = arith.index_cast %parallel_loop3A_1194 : i32 to index
      %parallel_loop3A_1196 = tpu.vector_load %arg6[%parallel_loop3A_1195] {strides = array<i32>} : memref<2048xi32, #tpu.memory_space<vmem>>, vector<16xi32>,
      tpu.vector_store %arg6[%parallel_loop3A_1195], %broadcast_in_dim3A_1051 {strides = array<i32>} : memref<2048xi32, #tpu.memory_space<vmem>>, vector<16xi32>,
    } {sc.loop_unroll_factor = 8 : i64, sc.parallel_access}
    %add3A_1055 = arith.constant 15 : i32
    %add3A_1056 = arith.addi %reduce_sum3A_952, %add3A_1055 : i32
    %jit3A_1057 = arith.constant 16 : i32
    %div3A_1058 = arith.divsi %add3A_1056, %jit3A_1057 : i32
    %sign3A_1059 = arith.constant 0 : i32
    %sign3A_1060 = arith.cmpi sgt, %add3A_1056, %sign3A_1059 : i32
    %sign3A_1061 = arith.extui %sign3A_1060 : i1 to i32
    %sign3A_1062 = arith.constant 0 : i32
    %sign3A_1063 = arith.cmpi slt, %add3A_1056, %sign3A_1062 : i32
    %sign3A_1064 = arith.extui %sign3A_1063 : i1 to i32
    %sign3A_1065 = arith.subi %sign3A_1061, %sign3A_1064 : i32
    %sign3A_1066 = arith.constant 0 : i32
    %sign3A_1067 = arith.cmpi sgt, %jit3A_1057, %sign3A_1066 : i32
    %sign3A_1068 = arith.extui %sign3A_1067 : i1 to i32
    %sign3A_1069 = arith.constant 0 : i32
    %sign3A_1070 = arith.cmpi slt, %jit3A_1057, %sign3A_1069 : i32
    %sign3A_1071 = arith.extui %sign3A_1070 : i1 to i32
    %sign3A_1072 = arith.subi %sign3A_1068, %sign3A_1071 : i32
    %ne3A_1073 = arith.cmpi ne, %sign3A_1065, %sign3A_1072 : i32
    %rem3A_1074 = arith.remsi %add3A_1056, %jit3A_1057 : i32
    %ne3A_1075 = arith.constant 0 : i32
    %ne3A_1076 = arith.cmpi ne, %rem3A_1074, %ne3A_1075 : i32
    %and3A_1077 = arith.andi %ne3A_1073, %ne3A_1076 : i1
    %sub3A_1078 = arith.constant 1 : i32
    %sub3A_1079 = arith.subi %div3A_1058, %sub3A_1078 : i32
    %select_n3A_1080 = arith.select %and3A_1077, %sub3A_1079, %div3A_1058 : i32
    %parallel_loop3A_1081 = arith.constant 0 : i32
    %parallel_loop3A_1082 = arith.constant 1 : i32
    %parallel_loop3A_1083 = arith.constant 0 : i32
    %parallel_loop3A_1084 = scf.for %parallel_loop3A_1192 = %parallel_loop3A_1081 to %select_n3A_1080 step %parallel_loop3A_1082 iter_args(%parallel_loop3A_1193 = %parallel_loop3A_1083) -> (i32)  : i32 {
      %parallel_loop3A_1194 = arith.constant 16 : i32
      %parallel_loop3A_1195 = arith.muli %parallel_loop3A_1192, %parallel_loop3A_1194 : i32
      %parallel_loop3A_1196 = arith.index_cast %parallel_loop3A_1195 : i32 to index
      %parallel_loop3A_1197 = tpu.vector_load %arg7[%parallel_loop3A_1196] {strides = array<i32>} : memref<32784xi32, #tpu.memory_space<vmem>>, vector<16xi32>,
      %parallel_loop3A_1198 = tpu.bitcast %parallel_loop3A_1197 : vector<16xi32> -> vector<16xi32>
      %parallel_loop3A_1199 = arith.constant 10 : i32
      %parallel_loop3A_1200 = vector.broadcast %parallel_loop3A_1199 : i32 to vector<16xi32>
      %parallel_loop3A_1201 = arith.shrui %parallel_loop3A_1198, %parallel_loop3A_1200 : vector<16xi32>
      %parallel_loop3A_1202 = vector.broadcast %or3A_1041 : i32 to vector<16xi32>
      %parallel_loop3A_1203 = arith.cmpi eq, %parallel_loop3A_1201, %parallel_loop3A_1202 : vector<16xi32>
      %parallel_loop3A_1204 = arith.constant 1023 : i32
      %parallel_loop3A_1205 = vector.broadcast %parallel_loop3A_1204 : i32 to vector<16xi32>
      %parallel_loop3A_1206 = arith.andi %parallel_loop3A_1198, %parallel_loop3A_1205 : vector<16xi32>
      %parallel_loop3A_1207 = tpu.bitcast %parallel_loop3A_1206 : vector<16xi32> -> vector<16xi32>
      tpu.vector_store_idx %arg6[%parallel_loop3A_1207], %broadcast_in_dim3A_899 masked %parallel_loop3A_1203 {add = true} : memref<2048xi32, #tpu.memory_space<vmem>>[vector<16xi32>], vector<16xi32>, vector<16xi1>
      %parallel_loop3A_1208 = arith.constant 0 : i32
      scf.yield %parallel_loop3A_1208 : i32
    } {sc.loop_unroll_factor = 2 : i64, sc.parallel_access}
    %iota3A_1085 = tpu.iota {dimensions = array<i32: 0>} : vector<16xi32>
    %broadcast_in_dim3A_1086 = arith.constant 0 : i32
    %broadcast_in_dim3A_1087 = vector.broadcast %broadcast_in_dim3A_1086 : i32 to vector<16xi32>
    %parallel_loop3A_1088 = arith.constant 0 : i32
    %parallel_loop3A_1089 = arith.constant 64 : i32
    %parallel_loop3A_1090 = arith.constant 1 : i32
    %parallel_loop3A_1091 = arith.constant 0 : i32
    %parallel_loop3A_1092 = arith.constant -1 : i32
    %parallel_loop3A_1093 = arith.constant 0 : i32
    %parallel_loop3A_1094:4 = scf.for %parallel_loop3A_1192 = %parallel_loop3A_1088 to %parallel_loop3A_1089 step %parallel_loop3A_1090 iter_args(%parallel_loop3A_1193 = %parallel_loop3A_1091, %parallel_loop3A_1194 = %parallel_loop3A_1092, %parallel_loop3A_1195 = %parallel_loop3A_1093, %parallel_loop3A_1196 = %broadcast_in_dim3A_1087) -> (i32, i32, i32, vector<16xi32>)  : i32 {
      %parallel_loop3A_1197 = arith.constant 63 : i32
      %parallel_loop3A_1198 = arith.subi %parallel_loop3A_1197, %parallel_loop3A_1192 : i32
      %parallel_loop3A_1199 = arith.constant 16 : i32
      %parallel_loop3A_1200 = arith.muli %parallel_loop3A_1198, %parallel_loop3A_1199 : i32
      %parallel_loop3A_1201 = arith.index_cast %parallel_loop3A_1200 : i32 to index
      %parallel_loop3A_1202 = tpu.vector_load %arg6[%parallel_loop3A_1201] {strides = array<i32>} : memref<2048xi32, #tpu.memory_space<vmem>>, vector<16xi32>,
      %parallel_loop3A_1203 = arith.constant true
      %parallel_loop3A_1204 = vector.broadcast %parallel_loop3A_1203 : i1 to vector<16xi1>
      %parallel_loop3A_1205 = tpu.scan <sum>, %parallel_loop3A_1202 masked %parallel_loop3A_1204 : vector<16xi32>, vector<16xi1> -> vector<16xi32>
      %parallel_loop3A_1206 = vector.extract %parallel_loop3A_1205[15] : i32 from vector<16xi32>
      %parallel_loop3A_1207 = arith.constant 0 : i32
      %parallel_loop3A_1208 = arith.cmpi slt, %parallel_loop3A_1194, %parallel_loop3A_1207 : i32
      %parallel_loop3A_1209 = arith.addi %parallel_loop3A_1193, %parallel_loop3A_1206 : i32
      %parallel_loop3A_1210 = arith.cmpi sge, %parallel_loop3A_1209, %sub3A_1038 : i32
      %parallel_loop3A_1211 = arith.andi %parallel_loop3A_1208, %parallel_loop3A_1210 : i1
      %parallel_loop3A_1212 = arith.select %parallel_loop3A_1211, %parallel_loop3A_1198, %parallel_loop3A_1194 : i32
      %parallel_loop3A_1213 = arith.select %parallel_loop3A_1211, %parallel_loop3A_1193, %parallel_loop3A_1195 : i32
      %parallel_loop3A_1214 = vector.broadcast %parallel_loop3A_1211 : i1 to vector<16xi1>
      %parallel_loop3A_1215 = arith.select %parallel_loop3A_1214, %parallel_loop3A_1202, %parallel_loop3A_1196 : vector<16xi1>, vector<16xi32>
      %parallel_loop3A_1216 = arith.addi %parallel_loop3A_1193, %parallel_loop3A_1206 : i32
      scf.yield %parallel_loop3A_1216, %parallel_loop3A_1212, %parallel_loop3A_1213, %parallel_loop3A_1215 : i32, i32, i32, vector<16xi32>
    } {sc.loop_unroll_factor = 4 : i64, sc.parallel_access}
    %rev3A_1095 = arith.constant 15 : i32
    %rev3A_1096 = vector.broadcast %rev3A_1095 : i32 to vector<16xi32>
    %rev3A_1097 = tpu.iota {dimensions = array<i32: 0>} : vector<16xi32>
    %rev3A_1098 = arith.subi %rev3A_1096, %rev3A_1097 : vector<16xi32>
    %rev3A_1099 = tpu.dynamic_gather %parallel_loop3A_1094#3[%rev3A_1098] in [0] : vector<16xi32>, vector<16xi32> -> vector<16xi32>
    %cumsum3A_1100 = arith.constant true
    %cumsum3A_1101 = vector.broadcast %cumsum3A_1100 : i1 to vector<16xi1>
    %cumsum3A_1102 = tpu.scan <sum>, %rev3A_1099 masked %cumsum3A_1101 : vector<16xi32>, vector<16xi1> -> vector<16xi32>
    %rev3A_1103 = arith.constant 15 : i32
    %rev3A_1104 = vector.broadcast %rev3A_1103 : i32 to vector<16xi32>
    %rev3A_1105 = tpu.iota {dimensions = array<i32: 0>} : vector<16xi32>
    %rev3A_1106 = arith.subi %rev3A_1104, %rev3A_1105 : vector<16xi32>
    %rev3A_1107 = tpu.dynamic_gather %cumsum3A_1102[%rev3A_1106] in [0] : vector<16xi32>, vector<16xi32> -> vector<16xi32>
    %add3A_1108 = vector.broadcast %parallel_loop3A_1094#2 : i32 to vector<16xi32>
    %add3A_1109 = arith.addi %add3A_1108, %rev3A_1107 : vector<16xi32>
    %ge3A_1110 = vector.broadcast %sub3A_1038 : i32 to vector<16xi32>
    %ge3A_1111 = arith.cmpi sge, %add3A_1109, %ge3A_1110 : vector<16xi32>
    %convert_element_type3A_1112 = arith.extui %ge3A_1111 : vector<16xi1> to vector<16xi32>
    %reduce_sum3A_1113 = arith.constant true
    %reduce_sum3A_1114 = vector.broadcast %reduce_sum3A_1113 : i1 to vector<16xi1>
    %reduce_sum3A_1115 = tpu.scan <sum>, %convert_element_type3A_1112 masked %reduce_sum3A_1114 : vector<16xi32>, vector<16xi1> -> vector<16xi32>
    %reduce_sum3A_1116 = vector.extract %reduce_sum3A_1115[15] : i32 from vector<16xi32>
    %sub3A_1117 = arith.constant 1 : i32
    %sub3A_1118 = arith.subi %reduce_sum3A_1116, %sub3A_1117 : i32
    %eq3A_1119 = vector.broadcast %sub3A_1118 : i32 to vector<16xi32>
    %eq3A_1120 = arith.cmpi eq, %iota3A_1085, %eq3A_1119 : vector<16xi32>
    %jit3A_1121 = arith.constant 0 : i32
    %broadcast_in_dim3A_1122 = vector.broadcast %jit3A_1121 : i32 to vector<16xi32>
    %select_n3A_1123 = arith.select %eq3A_1120, %parallel_loop3A_1094#3, %broadcast_in_dim3A_1122 : vector<16xi1>, vector<16xi32>
    %reduce_sum3A_1124 = arith.constant true
    %reduce_sum3A_1125 = vector.broadcast %reduce_sum3A_1124 : i1 to vector<16xi1>
    %reduce_sum3A_1126 = tpu.scan <sum>, %select_n3A_1123 masked %reduce_sum3A_1125 : vector<16xi32>, vector<16xi1> -> vector<16xi32>
    %reduce_sum3A_1127 = vector.extract %reduce_sum3A_1126[15] : i32 from vector<16xi32>
    %eq3A_1128 = vector.broadcast %sub3A_1118 : i32 to vector<16xi32>
    %eq3A_1129 = arith.cmpi eq, %iota3A_1085, %eq3A_1128 : vector<16xi32>
    %jit3A_1130 = arith.constant 0 : i32
    %broadcast_in_dim3A_1131 = vector.broadcast %jit3A_1130 : i32 to vector<16xi32>
    %select_n3A_1132 = arith.select %eq3A_1129, %rev3A_1107, %broadcast_in_dim3A_1131 : vector<16xi1>, vector<16xi32>
    %reduce_sum3A_1133 = arith.constant true
    %reduce_sum3A_1134 = vector.broadcast %reduce_sum3A_1133 : i1 to vector<16xi1>
    %reduce_sum3A_1135 = tpu.scan <sum>, %select_n3A_1132 masked %reduce_sum3A_1134 : vector<16xi32>, vector<16xi1> -> vector<16xi32>
    %reduce_sum3A_1136 = vector.extract %reduce_sum3A_1135[15] : i32 from vector<16xi32>
    %add3A_1137 = arith.addi %parallel_loop3A_1094#2, %reduce_sum3A_1136 : i32
    %sub3A_1138 = arith.subi %add3A_1137, %reduce_sum3A_1127 : i32
    %mul3A_1139 = arith.constant 16 : i32
    %mul3A_1140 = arith.muli %parallel_loop3A_1094#1, %mul3A_1139 : i32
    %add3A_1141 = arith.addi %mul3A_1140, %sub3A_1118 : i32
    %sub3A_1142 = arith.subi %sub3A_1038, %sub3A_1138 : i32
    %shift_left3A_1143 = arith.constant 21 : i32
    %shift_left3A_1144 = arith.shli %xor3A_970, %shift_left3A_1143 : i32
    %shift_left3A_1145 = arith.constant 10 : i32
    %shift_left3A_1146 = arith.shli %add3A_1037, %shift_left3A_1145 : i32
    %or3A_1147 = arith.ori %shift_left3A_1144, %shift_left3A_1146 : i32
    %or3A_1148 = arith.ori %or3A_1147, %add3A_1141 : i32
    %ge3A_1149 = arith.constant 0 : i32
    %ge3A_1150 = arith.cmpi sge, %or3A_1148, %ge3A_1149 : i32
    %xor3A_1151 = arith.constant 2147483647 : i32
    %xor3A_1152 = arith.xori %or3A_1148, %xor3A_1151 : i32
    %select_n3A_1153 = arith.select %ge3A_1150, %or3A_1148, %xor3A_1152 : i32
    %bitcast_convert_type3A_1154 = arith.bitcast %select_n3A_1153 : i32 to f32
    %broadcast_in_dim3A_1155 = vector.broadcast %bitcast_convert_type3A_1154 : f32 to vector<16xf32>
    %parallel_loop3A_1156 = arith.constant 0 : i32
    %parallel_loop3A_1157 = arith.constant 2048 : i32
    %parallel_loop3A_1158 = arith.constant 1 : i32
    scf.for %parallel_loop3A_1192 = %parallel_loop3A_1156 to %parallel_loop3A_1157 step %parallel_loop3A_1158  : i32 {
      %parallel_loop3A_1193 = arith.constant 16 : i32
      %parallel_loop3A_1194 = arith.muli %parallel_loop3A_1192, %parallel_loop3A_1193 : i32
      %parallel_loop3A_1195 = arith.index_cast %parallel_loop3A_1194 : i32 to index
      %parallel_loop3A_1196 = tpu.vector_load %arg5[%parallel_loop3A_1195] {strides = array<i32>} : memref<32768xf32, #tpu.memory_space<vmem>>, vector<16xf32>,
      %parallel_loop3A_1197 = arith.cmpf oge, %parallel_loop3A_1196, %broadcast_in_dim3A_1155 : vector<16xf32>
      %parallel_loop3A_1198 = arith.constant 0.000000e+00 : f32
      %parallel_loop3A_1199 = vector.broadcast %parallel_loop3A_1198 : f32 to vector<16xf32>
      %parallel_loop3A_1200 = arith.select %parallel_loop3A_1197, %parallel_loop3A_1196, %parallel_loop3A_1199 : vector<16xi1>, vector<16xf32>
      %parallel_loop3A_1201 = arith.index_cast %parallel_loop3A_1194 : i32 to index
      %parallel_loop3A_1202 = tpu.vector_load %arg5[%parallel_loop3A_1201] {strides = array<i32>} : memref<32768xf32, #tpu.memory_space<vmem>>, vector<16xf32>,
      tpu.vector_store %arg5[%parallel_loop3A_1201], %parallel_loop3A_1200 {strides = array<i32>} : memref<32768xf32, #tpu.memory_space<vmem>>, vector<16xf32>,
    } {sc.loop_unroll_factor = 8 : i64, sc.parallel_access}
    %sub3A_1159 = arith.subi %reduce_sum3A_1127, %sub3A_1142 : i32
    %while3A_1160 = arith.constant 2047 : i32
    %while3A_1161:2 = scf.while (%while3A_1192 = %while3A_1160, %while3A_1193 = %sub3A_1159) : (i32, i32) -> (i32, i32) {
      %gt3A = arith.constant 0 : i32
      %gt3A_1194 = arith.cmpi sgt, %while3A_1193, %gt3A : i32
      %ge3A_1195 = arith.constant 0 : i32
      %ge3A_1196 = arith.cmpi sge, %while3A_1192, %ge3A_1195 : i32
      %and3A_1197 = arith.andi %gt3A_1194, %ge3A_1196 : i1
      scf.condition(%and3A_1197) %while3A_1192, %while3A_1193 : i32, i32
    } do {
    ^bb0(%while3A_1192: i32, %while3A_1193: i32):
      %mul3A_1194 = arith.constant 16 : i32
      %mul3A_1195 = arith.muli %while3A_1192, %mul3A_1194 : i32
      %get3A = arith.index_cast %mul3A_1195 : i32 to index
      %get3A_1196 = tpu.vector_load %arg5[%get3A] {strides = array<i32>} : memref<32768xf32, #tpu.memory_space<vmem>>, vector<16xf32>,
      %bitcast_convert_type3A_1197 = tpu.bitcast %get3A_1196 : vector<16xf32> -> vector<16xi32>
      %shift_right_arithmetic3A = arith.constant 31 : i32
      %shift_right_arithmetic3A_1198 = vector.broadcast %shift_right_arithmetic3A : i32 to vector<16xi32>
      %shift_right_arithmetic3A_1199 = arith.shrsi %bitcast_convert_type3A_1197, %shift_right_arithmetic3A_1198 : vector<16xi32>
      %and3A_1200 = arith.constant 2147483647 : i32
      %and3A_1201 = vector.broadcast %and3A_1200 : i32 to vector<16xi32>
      %and3A_1202 = arith.andi %shift_right_arithmetic3A_1199, %and3A_1201 : vector<16xi32>
      %xor3A_1203 = arith.xori %bitcast_convert_type3A_1197, %and3A_1202 : vector<16xi32>
      %eq3A_1204 = vector.broadcast %or3A_1148 : i32 to vector<16xi32>
      %eq3A_1205 = arith.cmpi eq, %xor3A_1203, %eq3A_1204 : vector<16xi32>
      %convert_element_type3A_1206 = arith.extui %eq3A_1205 : vector<16xi1> to vector<16xi32>
      %rev3A_1207 = arith.constant 15 : i32
      %rev3A_1208 = vector.broadcast %rev3A_1207 : i32 to vector<16xi32>
      %rev3A_1209 = tpu.iota {dimensions = array<i32: 0>} : vector<16xi32>
      %rev3A_1210 = arith.subi %rev3A_1208, %rev3A_1209 : vector<16xi32>
      %rev3A_1211 = tpu.dynamic_gather %convert_element_type3A_1206[%rev3A_1210] in [0] : vector<16xi32>, vector<16xi32> -> vector<16xi32>
      %cumsum3A_1212 = arith.constant true
      %cumsum3A_1213 = vector.broadcast %cumsum3A_1212 : i1 to vector<16xi1>
      %cumsum3A_1214 = tpu.scan <sum>, %rev3A_1211 masked %cumsum3A_1213 : vector<16xi32>, vector<16xi1> -> vector<16xi32>
      %rev3A_1215 = arith.constant 15 : i32
      %rev3A_1216 = vector.broadcast %rev3A_1215 : i32 to vector<16xi32>
      %rev3A_1217 = tpu.iota {dimensions = array<i32: 0>} : vector<16xi32>
      %rev3A_1218 = arith.subi %rev3A_1216, %rev3A_1217 : vector<16xi32>
      %rev3A_1219 = tpu.dynamic_gather %cumsum3A_1214[%rev3A_1218] in [0] : vector<16xi32>, vector<16xi32> -> vector<16xi32>
      %le3A = vector.broadcast %while3A_1193 : i32 to vector<16xi32>
      %le3A_1220 = arith.cmpi sle, %rev3A_1219, %le3A : vector<16xi32>
      %and3A_1221 = arith.andi %eq3A_1205, %le3A_1220 : vector<16xi1>
      %jit3A_1222 = arith.constant 0.000000e+00 : f32
      %broadcast_in_dim3A_1223 = vector.broadcast %jit3A_1222 : f32 to vector<16xf32>
      %select_n3A_1224 = arith.select %and3A_1221, %broadcast_in_dim3A_1223, %get3A_1196 : vector<16xi1>, vector<16xf32>
      %swap3A_1225 = arith.index_cast %mul3A_1195 : i32 to index
      %swap3A_1226 = tpu.vector_load %arg5[%swap3A_1225] {strides = array<i32>} : memref<32768xf32, #tpu.memory_space<vmem>>, vector<16xf32>,
      tpu.vector_store %arg5[%swap3A_1225], %select_n3A_1224 {strides = array<i32>} : memref<32768xf32, #tpu.memory_space<vmem>>, vector<16xf32>,
      %reduce_sum3A_1227 = arith.constant true
      %reduce_sum3A_1228 = vector.broadcast %reduce_sum3A_1227 : i1 to vector<16xi1>
      %reduce_sum3A_1229 = tpu.scan <sum>, %convert_element_type3A_1206 masked %reduce_sum3A_1228 : vector<16xi32>, vector<16xi1> -> vector<16xi32>
      %reduce_sum3A_1230 = vector.extract %reduce_sum3A_1229[15] : i32 from vector<16xi32>
      %sub3A_1231 = arith.subi %while3A_1193, %reduce_sum3A_1230 : i32
      %max3A = arith.constant 0 : i32
      %max3A_1232 = arith.maxsi %sub3A_1231, %max3A : i32
      %sub3A_1233 = arith.constant 1 : i32
      %sub3A_1234 = arith.subi %while3A_1192, %sub3A_1233 : i32
      scf.yield %sub3A_1234, %max3A_1232 : i32, i32
    }
    %mul3A_1162 = arith.constant 4 : i32
    %mul3A_1163 = arith.muli %add3A, %mul3A_1162 : i32
    %add3A_1164 = arith.constant 3 : i32
    %add3A_1165 = arith.addi %mul3A_1163, %add3A_1164 : i32
    %dma_start3A_1166 = arith.constant 0 : i32
    %dma_start3A_1167 = tpu.memref_slice %arg3[%add3A_1165, %dma_start3A_1166] : memref<128x32768xf32, #tpu.memory_space<hbm>> -> memref<1x32768xf32, #tpu.memory_space<hbm>>
    %dma_start3A_1168 = tpu.memref_squeeze %dma_start3A_1167 : memref<1x32768xf32, #tpu.memory_space<hbm>> -> memref<32768xf32, #tpu.memory_space<hbm>>
    %dma_start3A_1169 = arith.constant 0 : i32
    %dma_start3A_1170 = tpu.memref_slice %arg3[%add3A_1165, %dma_start3A_1169] : memref<128x32768xf32, #tpu.memory_space<hbm>> -> memref<1x32768xf32, #tpu.memory_space<hbm>>
    %dma_start3A_1171 = tpu.memref_squeeze %dma_start3A_1170 : memref<1x32768xf32, #tpu.memory_space<hbm>> -> memref<32768xf32, #tpu.memory_space<hbm>>
    tpu.enqueue_dma source(%arg5 : memref<32768xf32, #tpu.memory_space<vmem>>) target(%dma_start3A_1171 : memref<32768xf32, #tpu.memory_space<hbm>>) target_semaphore(%arg11 : memref<!tpu.dma_semaphore, #tpu.memory_space<semaphore_mem>>)
    %mul3A_1172 = arith.constant 4 : i32
    %mul3A_1173 = arith.muli %add3A, %mul3A_1172 : i32
    %add3A_1174 = arith.constant 2 : i32
    %add3A_1175 = arith.addi %mul3A_1173, %add3A_1174 : i32
    %dma_wait3A_1176 = arith.constant 0 : i32
    %dma_wait3A_1177 = tpu.memref_slice %arg3[%add3A_1175, %dma_wait3A_1176] : memref<128x32768xf32, #tpu.memory_space<hbm>> -> memref<1x32768xf32, #tpu.memory_space<hbm>>
    %dma_wait3A_1178 = tpu.memref_squeeze %dma_wait3A_1177 : memref<1x32768xf32, #tpu.memory_space<hbm>> -> memref<32768xf32, #tpu.memory_space<hbm>>
    %dma_wait3A_1179 = arith.constant 0 : i32
    %dma_wait3A_1180 = tpu.memref_slice %arg3[%add3A_1175, %dma_wait3A_1179] : memref<128x32768xf32, #tpu.memory_space<hbm>> -> memref<1x32768xf32, #tpu.memory_space<hbm>>
    %dma_wait3A_1181 = tpu.memref_squeeze %dma_wait3A_1180 : memref<1x32768xf32, #tpu.memory_space<hbm>> -> memref<32768xf32, #tpu.memory_space<hbm>>
    tpu.wait_dma2 semaphore(%arg10 : memref<!tpu.dma_semaphore, #tpu.memory_space<semaphore_mem>>) src(%arg4 : memref<32768xf32, #tpu.memory_space<vmem>>) dst(%dma_wait3A_1181 : memref<32768xf32, #tpu.memory_space<hbm>>)
    %mul3A_1182 = arith.constant 4 : i32
    %mul3A_1183 = arith.muli %add3A, %mul3A_1182 : i32
    %add3A_1184 = arith.constant 3 : i32
    %add3A_1185 = arith.addi %mul3A_1183, %add3A_1184 : i32
    %dma_wait3A_1186 = arith.constant 0 : i32
    %dma_wait3A_1187 = tpu.memref_slice %arg3[%add3A_1185, %dma_wait3A_1186] : memref<128x32768xf32, #tpu.memory_space<hbm>> -> memref<1x32768xf32, #tpu.memory_space<hbm>>
    %dma_wait3A_1188 = tpu.memref_squeeze %dma_wait3A_1187 : memref<1x32768xf32, #tpu.memory_space<hbm>> -> memref<32768xf32, #tpu.memory_space<hbm>>
    %dma_wait3A_1189 = arith.constant 0 : i32
    %dma_wait3A_1190 = tpu.memref_slice %arg3[%add3A_1185, %dma_wait3A_1189] : memref<128x32768xf32, #tpu.memory_space<hbm>> -> memref<1x32768xf32, #tpu.memory_space<hbm>>
    %dma_wait3A_1191 = tpu.memref_squeeze %dma_wait3A_1190 : memref<1x32768xf32, #tpu.memory_space<hbm>> -> memref<32768xf32, #tpu.memory_space<hbm>>
    tpu.wait_dma2 semaphore(%arg11 : memref<!tpu.dma_semaphore, #tpu.memory_space<semaphore_mem>>) src(%arg5 : memref<32768xf32, #tpu.memory_space<vmem>>) dst(%dma_wait3A_1191 : memref<32768xf32, #tpu.memory_space<hbm>>)
    return
  }
}

</mosaic_0001>

<sc_bundles>
// kernel: kernel.3.cloned.1.call-start
scs
__scs_entry_jumppad:
0x0: {  	(pc) =	sbr.rel $0x88, $3  }
0x1: {  	(tag) =	ssettag $0x0;
	lr =	simm.s32 $0x1  }
0x2: {  	[smem:$0x3FA0] =	sst lr;
	_ =	strace $0xD0000000  }
0x3: {  	_ = 	snop  }
0x4: {  	_ = 	snop  }
0x5: {  	_ = 	snop  }
0x6: {  	_ = 	snop  }
0x7: {  	_ = 	snop  }
__scs_overlays_trampoline_lowered:
0x8: {  	[smem:$0x3FAF] =	sst s0  }
0x9: {  	[smem:$0x3FB0] =	sst s1  }
0xa: {  	[smem:$0x3FB1] =	sst s2  }
0xb: {  	[smem:$0x3FB2] =	sst s3  }
0xc: {  	[smem:$0x3FB3] =	sst s4  }
0xd: {  	[smem:$0x3FB4] =	sst s5  }
0xe: {  	[smem:$0x3FB5] =	sst s6  }
0xf: {  	[smem:$0x3FB6] =	sst s7  }
0x10: {  	[smem:$0x3FB7] =	sst s8  }
0x11: {  	[smem:$0x3FB8] =	sst s9;
	s0 =	simm.s32 @!p0 $0x0  }
0x12: {  	s1 =	sld [smem:$0x3F9E];
	s0 =	simm.s32 @p0 $0x1  }
0x13: {  	[smem:$0x3FB9] =	sst s0;
	s0 =	simm.s32 @!p1 $0x0  }
0x14: {  	s2 =	sld [smem:$0x3F9D];
	s0 =	simm.s32 @p1 $0x1  }
0x15: {  	[smem:$0x3FBA] =	sst s0;
	s0 =	simm.s32 @!p2 $0x0  }
0x16: {  	s3 =	sld [smem:$0x3FDB];
	s0 =	simm.s32 @p2 $0x1  }
0x17: {  	s4 =	simm.s32 $0x1BF5;
	[smem:$0x3FBC] =	sst s0  }
0x18: {  	s0 =	sld [smem:$0x3F9F];
	_ =	swait.ge [sflag:s4], $0x0  }
0x19: {  	s7 =	sld [smem:$0x3FA0]  }
0x1a: {  	s8 =	sadd.s32 $0xFFFFE003, lr  }
0x1b: {  	s9 =	sadd.s32 $0xFFFFFEF7, lr;
	s5 =	simm.s32 $0xFFFFFFFF;
	p2 =	slt.u32 s8, $0xFFFFF086  }
0x1c: {  	p1 =	slt.u32 s9, $0xF7A;
	s5 =	simm.s32 @!p2 $0x0  }
0x1d: {  	s5 =	simm.s32 @p1 $0x1;
	p0 =	seq.s32 s7, s2  }
0x1e: {  	s7 =	smul.u32 @!p0 $0xF7A, s2;
	p2 =	seq.s32 @!p0 s5, $0x0  }
0x1f: {  	s9 =	smul.u32 $0xF7A, s1;
	s8 =	simm.s32 @!p0 $0x1BF5;
	p2 =	por !p2, p0  }
0x20: {  	[sflag:s8] =	ssyncset.s32 @!p0 $0xFFFFF086;
	s6 =	sadd.s32 @!p0 s3, s7;
	s7 =	simm.s32 @!p0 $0x108  }
0x21: {  	s3 =	sadd.s32 s3, s9;
	s6 =	sadd.s32 @!p0 $0x88, s6;
	s7 =	simm.s32 @p2 $0x1082  }
0x22: {  	[simem:s7], [sflag:s8] =	dma.local @!p0 [hbm:s6], $0xF7A  }
0x23: {  	s9 =	sor.u32 $0xD0000000, s2;
	s6 =	simm.s32 $0x108;
	_ =	swait.ge @!p0 [sflag:s8], $0x0  }
0x24: {  	s3 =	sadd.s32 $0x88, s3;
	s6 =	simm.s32 @!p1 $0x1082;
	[sflag:s4] =	ssyncset.s32 $0xFFFFF086  }
0x25: {  	[simem:s6], [sflag:s4] =	dma.local [hbm:s3], $0xF7A  }
0x26: {  	[smem:$0x3FA0] =	sst s1;
	(tag) =	ssettag s2;
	_ =	strace s9  }
0x27: {  	s1 =	sld [smem:$0x3FB0]  }
0x28: {  	s2 =	sld [smem:$0x3FB1]  }
0x29: {  	s4 =	sld [smem:$0x3FB3]  }
0x2a: {  	p0 =	seq.s32 s5, $0x0;
	s5 =	sld [smem:$0x3FB4]  }
0x2b: {  	s6 =	sld [smem:$0x3FB5]  }
0x2c: {  	s7 =	sld [smem:$0x3FB6]  }
0x2d: {  	s3 =	simm.s32 $0x108;
	s8 =	sld [smem:$0x3FB7]  }
0x2e: {  	s3 =	simm.s32 @!p0 $0x1082;
	s9 =	sld [smem:$0x3FB8]  }
0x2f: {  	lr =	sadd.s32 s0, s3;
	s0 =	sld [smem:$0x3FAF]  }
0x30: {  	s3 =	sld [smem:$0x3FB2]  }
0x31: {  	[smem:$0x3FBB] =	sst s10  }
0x32: {  	s10 =	sld [smem:$0x3FB9];
	_ =	sdelay $0x3  }
0x33: {  	p0 =	seq.s32 s10, $0x1;
	s10 =	sld [smem:$0x3FBB];
	_ =	sdelay $0x3  }
0x34: {  	[smem:$0x3FBB] =	sst s10  }
0x35: {  	s10 =	sld [smem:$0x3FBA];
	_ =	sdelay $0x3  }
0x36: {  	p1 =	seq.s32 s10, $0x1;
	s10 =	sld [smem:$0x3FBB];
	_ =	sdelay $0x3  }
0x37: {  	[smem:$0x3FBB] =	sst s10  }
0x38: {  	s10 =	sld [smem:$0x3FBC]  }
0x39: {  	_ = 	snop;
	(pc) =	sbr.ind lr, $3  }
0x3a: {  	_ = 	snop  }
0x3b: {  	_ = 	snop  }
0x3c: {  	p2 =	seq.s32 s10, $0x1;
	s10 =	sld [smem:$0x3FBB]  }
0x3d: {  	_ =	shalt  }
0x3e: {  	_ =	shalt  }
0x3f: {  	_ =	shalt  }
0x40: {  	_ =	shalt  }
0x41: {  	_ =	shalt  }
0x42: {  	_ =	shalt  }
0x43: {  	_ =	shalt  }
0x44: {  	_ =	shalt  }
0x45: {  	_ =	shalt  }
0x46: {  	_ =	shalt  }
0x47: {  	_ =	shalt  }
0x48: {  	_ =	shalt  }
0x49: {  	_ =	shalt  }
0x4a: {  	_ =	shalt  }
0x4b: {  	_ =	shalt  }
0x4c: {  	_ =	shalt  }
0x4d: {  	_ =	shalt  }
0x4e: {  	_ =	shalt  }
0x4f: {  	_ =	shalt  }
0x50: {  	_ =	shalt  }
0x51: {  	_ =	shalt  }
0x52: {  	_ =	shalt  }
0x53: {  	_ =	shalt  }
0x54: {  	_ =	shalt  }
0x55: {  	_ =	shalt  }
0x56: {  	_ =	shalt  }
0x57: {  	_ =	shalt  }
0x58: {  	_ =	shalt  }
0x59: {  	_ =	shalt  }
0x5a: {  	_ =	shalt  }
0x5b: {  	_ =	shalt  }
0x5c: {  	_ =	shalt  }
0x5d: {  	_ =	shalt  }
0x5e: {  	_ =	shalt  }
0x5f: {  	_ =	shalt  }
0x60: {  	_ =	shalt  }
0x61: {  	_ =	shalt  }
0x62: {  	_ =	shalt  }
0x63: {  	_ =	shalt  }
0x64: {  	_ =	shalt  }
0x65: {  	_ =	shalt  }
0x66: {  	_ =	shalt  }
0x67: {  	_ =	shalt  }
0x68: {  	_ =	shalt  }
0x69: {  	_ =	shalt  }
0x6a: {  	_ =	shalt  }
0x6b: {  	_ =	shalt  }
0x6c: {  	_ =	shalt  }
0x6d: {  	_ =	shalt  }
0x6e: {  	_ =	shalt  }
0x6f: {  	_ =	shalt  }
0x70: {  	_ =	shalt  }
0x71: {  	_ =	shalt  }
0x72: {  	_ =	shalt  }
0x73: {  	_ =	shalt  }
0x74: {  	_ =	shalt  }
0x75: {  	_ =	shalt  }
0x76: {  	_ =	shalt  }
0x77: {  	_ =	shalt  }
0x78: {  	_ =	shalt  }
0x79: {  	_ =	shalt  }
0x7a: {  	_ =	shalt  }
0x7b: {  	_ =	shalt  }
0x7c: {  	_ =	shalt  }
0x7d: {  	_ =	shalt  }
0x7e: {  	_ =	shalt  }
0x7f: {  	_ =	shalt  }
0x80: {  	_ =	shalt  }
0x81: {  	_ =	shalt  }
0x82: {  	_ =	shalt  }
0x83: {  	_ =	shalt  }
0x84: {  	_ =	shalt  }
0x85: {  	_ =	shalt  }
0x86: {  	_ =	shalt  }
0x87: {  	_ =	shalt  }
.Lfunc_end0:
.L_simem_size_0:
called_computation_lowered:
.L_overlay_start_0:
0x88: {  	s2 =	sld [smem:$0x3FD9]  }
0x89: {  	s3 =	sld [smem:$0x3FFE];
	_ =	sdelay $0x1  }
0x8a: {  	s1 =	srdreg.scid  }
0x8b: {  	s0 =	sand.u32 $0x1, s1  }
0x8c: {  	s18 =	sshll.u32 s0, $0xA;
	s2 =	sadd.s32 s3, s2  }
0x8d: {  	s2 =	sadd.s32 s2, s18  }
0x8e: {  	[smem:$0x3FC7] =	sst s2  }
0x8f: {  	_ = 	snop  }
0x90: {  	s2 =	sld [smem:$0x3FC9]  }
0x91: {  	s19 =	sld [smem:$0x3FD0];
	(tm) =	ssettm $0x1  }
0x92: {  	s4 =	sld [smem:$0x3FFB];
	_ =	sdelay $0x3  }
0x93: {  	_ =	strace s4  }
0x94: {  	s4 =	sld [smem:$0x3FFC];
	_ =	sdelay $0x3  }
0x95: {  	_ =	strace s4  }
0x96: {  	s4 =	sld [smem:$0x3FFD];
	_ =	sdelay $0x3  }
0x97: {  	_ =	strace s4  }
0x98: {  	_ =	strace $0x8FFFFFFF  }
0x99: {  	s20 =	sld [smem:$0x3FDB];
	_ =	sdelay $0x1  }
0x9a: {  	s5 =	simm.s32 $_scs_section_size  }
0x9b: {  	s6 =	simm.s32 $_size__tile_overlayer_lowered;
	s7 =	simm.s32 $_tile_overlayer_lowered  }
0x9c: {  	s23 =	simm.s32 $0x1BFF;
	s22 =	sshll.u32 s7, $0x1;
	s4 =	sadd.s32 s5, s20  }
0x9d: {  	s8 =	simm.s32 $0x0;
	s21 =	sshll.u32 s6, $0x1;
	s6 =	sadd.s32 s22, s4  }
0x9e: {  	[timem:s8], [sflag:s23] =	dma.local [hbm:s6], s21  }
0x9f: {  	_ =	swait.ge [sflag:s23], s21  }
0xa0: {  	s5 =	ssub.s32 $0x0, s21;
	[sflag:s23] =	ssyncset.done $0x0  }
0xa1: {  	[sflag:s23] =	ssyncadd.s32 s5;
	_ =	sdelay $0x1  }
0xa2: {  	s24 =	simm.s32 $0x1B8B  }
0xa3: {  	_ =	swait.ge [sflag:s24], $0x1  }
0xa4: {  	[sflag:s24] =	ssyncset.done $0x0  }
0xa5: {  	s25 =	simm.s32 $0x1B8E;
	[sflag:s24] =	ssyncadd.s32 $0xFFFFFFFF  }
0xa6: {  	s26 =	simm.s32 $execute0_lowered;
	[smem:$0x3FD2] =	sst s25  }
0xa7: {  	s5 =	sshll.u32 s26, $0x1;
	_ =	strace $0x80000046;
	[dreg:$0x1] =	wrdreg $0xFFFFFFFF  }
0xa8: {  	s28 =	simm.s32 $_size_execute0_lowered;
	s4 =	sadd.s32 s4, s5;
	[dreg:$0x0] =	wrdreg $0x0  }
0xa9: {  	s5 =	sshll.u32 s28, $0x1;
	[dreg:$0x2] =	wrdreg s4  }
0xaa: {  	[dreg:$0x3] =	wrdreg s5  }
0xab: {  	[dreg:$0x4] =	wrdreg $0xC0  }
0xac: {  	_ =	task [dreg:s8], $0x5FFFF  }
0xad: {  	[dreg:$0x1] =	wrdreg $0xFFFFFFFF  }
0xae: {  	[dreg:$0x0] =	wrdreg $0x60  }
0xaf: {  	[dreg:$0x2] =	wrdreg s2  }
0xb0: {  	[dreg:$0x3] =	wrdreg s19  }
0xb1: {  	[dreg:$0x4] =	wrdreg $0x9  }
0xb2: {  	_ =	task.clear_ibuf [dreg:s8], $0x5FFFF;
	_ =	strace $0x90000046  }
0xb3: {  	s29 =	simm.s32 $0x9;
	_ =	strace $0x80000048  }
0xb4: {  	_ =	swait.ge [sflag:s29], $0x1  }
0xb5: {  	[sflag:s29] =	ssyncadd.s32 $0xFFFFFFFF  }
0xb6: {  	_ =	strace $0x90000048  }
0xb7: {  	_ =	sfence  }
0xb8: {  	s30 =	sld [smem:$0x0];
	_ =	sdelay $0x2  }
0xb9: {  	s31 =	sshll.u32 s1, $0xD;
	s1 =	sshrl.u32 s1, $0x2  }
0xba: {  	s3 =	sand.u32 $0x4000, s31;
	s1 =	sadd.s32 s1, s30  }
0xbb: {  	s0 =	sor.u32 s3, s0;
	s1 =	sshll.u32 s1, $0x11  }
0xbc: {  	s0 =	sor.u32 s1, s0  }
0xbd: {  	s0 =	sadd.s32 $0x8F2B, s0  }
0xbe: {  	[sflag:s0] =	ssyncadd.remote.s32 $0x1  }
0xbf: {  	_ =	sfence.sel $0xFFFF  }
0xc0: {  	[dreg:$0x0] =	wrdreg $0xFFFFFFFF;
	(pc) =	sbr.abs _section_cstart, $3  }
0xc1: {  	[dreg:$0x1] =	wrdreg $0xFFFFFFFF  }
0xc2: {  	_ =	task.clear_ibuf [dreg:s8], $0x2FFFF;
	_ =	strace $0x9FFFFFFF  }
0xc3: {  	(tm) =	ssettm $0x7FFFFFFF  }
tec
execute0_lowered:
.L_overlay_start_1:
0x0: {  	(tag) =	ssettag $0x1  }
0x1: {  	s0 =	rddreg [dreg:$0x0]  }
0x2: {  	s1 =	rddreg [dreg:$0x1];
	s2 =	srdreg.scid  }
0x3: {  	s4 =	stileid.u32;
	s12 =	simm.s32 $0x80;
	s13 =	simm.s32 $0x400  }
0x4: {  	s14 =	simm.s32 $0x8000;
	s15 =	simm.s32 $0x1;
	s16 =	simm.s32 $0x10000  }
0x5: {  	s17 =	simm.s32 $0x3;
	s18 =	simm.s32 $0x2;
	s19 =	simm.s32 $0x4  }
0x6: {  	s20 =	simm.s32 $0x0;
	s3 =	sand.u32 $0x1, s2;
	s2 =	simm.s32 $0x0  }
0x7: {  	s4 =	sshll.u32 s4, $0xF;
	s5 =	sshll.u32 s3, $0x6;
	[smem:$0x7FF] =	sst s2  }
0x8: {  	s3 =	ssub.s32 $0x2, s3;
	s4 =	sor.u32 s5, s4;
	_ =	strace $0x80000047  }
0x9: {  	s25 =	sshrl.u32 s3, $0x1;
	s7 =	sor.u32 $0x10, s4;
	s26 =	sadd.s32 s0, s4  }
0xa: {  	s29 =	sadd.s32 s1, s4;
	s9 =	sor.u32 $0x20, s4;
	[dreg:$0x3] =	wrdreg s26  }
.Ltmp0:
0xb: {  	s28 =	sadd.s32 s0, s7;
	[dreg:$0x5] =	wrdreg s29;
	(pc) =	sbr.rel .LBB2_1-.Ltmp0, $4  }
0xc: {  	v0 =	vlaneseq.u32;
	s3 =	ssub.s32 s3, s25;
	s30 =	sadd.s32 s0, s9;
	[dreg:$0x4] =	wrdreg s28  }
0xd: {  	v3 =	vmul.u32 $0xFFFFFFFF, v0;
	s4 =	sor.u32 $0x30, s4;
	s31 =	sadd.s32 s1, s7;
	[dreg:$0x6] =	wrdreg s30  }
0xe: {  	s0 =	sadd.s32 s0, s4;
	s9 =	sadd.s32 s1, s9;
	[dreg:$0x7] =	wrdreg s31  }
0xf: {  	v1 =	vimm.s32 $0x0;
	v2 =	vimm.s32 $0x1;
	v3 =	vadd.s32 $0xF, v3;
	s10 =	sadd.s32 s1, s4;
	s11 =	smax.u32 s3, $0x1;
	[dreg:$0x8] =	wrdreg s0  }
.LBB2_125:
0x10: {  	[hbm4b:s10+s12] =	stream.strided.scatter [tilespmem:s14], [sflag:$0x4], $0x8000, s13, s12, $0x38;
	[tilespmem:$0x18880] =	vst v63  }
0x11: {  	s20 =	sadd.s32 $0x1, s20  }
0x12: {  	_ =	swait.ge [sflag:s17], $0x8000;
	p0 =	sne.s32 s20, s11  }
.Ltmp1:
0x13: {  	[sflag:s17] =	ssyncset.done $0x0;
	(pc) =	sbr.rel @!p0 .LBB2_126-.Ltmp1, $4  }
0x14: {  	[sflag:s17] =	ssyncadd.s32 $0xFFFF8000  }
0x15: {  	_ =	swait.ge [sflag:s19], $0x8000  }
0x16: {  	[sflag:s19] =	ssyncset.done $0x0  }
0x17: {  	[sflag:s19] =	ssyncadd.s32 $0xFFFF8000  }
.LBB2_1:
0x18: {  	s0 =	rddreg [dreg:$0x3]  }
0x19: {  	[tilespmem:s2], [sflag:$0x1] =	stream.strided.gather [hbm4b:s0+s12], $0x8000, s13, s12, $0x38;
	[tilespmem:$0x18880] =	vst v63  }
0x1a: {  	s31 =	rddreg [dreg:$0x4]  }
0x1b: {  	[tilespmem:s14], [sflag:$0x2] =	stream.strided.gather [hbm4b:s31+s12], $0x8000, s13, s12, $0x38;
	[tilespmem:$0x18880] =	vst v63  }
0x1c: {  	_ =	swait.ge [sflag:s15], $0x8000  }
0x1d: {  	[sflag:s15] =	ssyncset.done $0x0  }
0x1e: {  	s0 =	simm.s32 $0x10040;
	[sflag:s15] =	ssyncadd.s32 $0xFFFF8000  }
0x1f: {  	[tilespmem:s0+$0xFFFFFFC0] =	vst v1  }
0x20: {  	[tilespmem:s0+$0x30] =	vst v1  }
0x21: {  	[tilespmem:s0+$0x20] =	vst v1  }
0x22: {  	[tilespmem:s0+$0x10] =	vst v1  }
0x23: {  	[tilespmem:s0+$0x0] =	vst v1  }
0x24: {  	[tilespmem:s0+$0xFFFFFFF0] =	vst v1  }
0x25: {  	s21 =	simm.s32 $0x0;
	[tilespmem:s0+$0xFFFFFFE0] =	vst v1  }
.LBB2_2:
0x26: {  	s21 =	sadd.s32 $0x8, s21;
	[tilespmem:s0+$0xFFFFFFD0] =	vst v1;
	s0 =	sadd.s32 $0x80, s0;
	s1 =	simm.s32 $0x40  }
0x27: {  	[tilespmem:s0+$0xFFFFFFC0] =	vst v1;
	p0 =	slt.u32 s21, $0x78  }
0x28: {  	[tilespmem:s0+$0x30] =	vst v1  }
.Ltmp2:
0x29: {  	[tilespmem:s0+$0x20] =	vst v1;
	(pc) =	sbr.rel @p0 .LBB2_2-.Ltmp2, $4  }
0x2a: {  	[tilespmem:s0+$0x10] =	vst v1  }
0x2b: {  	[tilespmem:s0+$0x0] =	vst v1  }
0x2c: {  	[tilespmem:s0+$0xFFFFFFF0] =	vst v1  }
0x2d: {  	[tilespmem:s0+$0xFFFFFFE0] =	vst v1  }
0x2e: {  	[tilespmem:s0+$0xFFFFFFD0] =	vst v1  }
0x2f: {  	v4 =	vld [tilespmem:s1+$0x30]  }
0x30: {  	v5 =	vld [tilespmem:s1+$0xFFFFFFD0]  }
0x31: {  	v6 =	vld [tilespmem:s1+$0xFFFFFFE0]  }
0x32: {  	v7 =	vld [tilespmem:s1+$0xFFFFFFF0]  }
0x33: {  	v8 =	vld [tilespmem:s1+$0x0];
	_ =	sdelay $0x1  }
0x34: {  	v9 =	vld [tilespmem:s1+$0x10]  }
0x35: {  	v12 =	vld [tilespmem:s1+$0x20]  }
0x36: {  	v13 =	vld [tilespmem:s1+$0xFFFFFFC0];
	v10 =	vshra.s32 v4, $0x1F;
	v11 =	vshra.s32 v5, $0x1F;
	v14 =	vshra.s32 v6, $0x1F  }
0x37: {  	v62 =	vshra.s32 v7, $0x1F;
	v15 =	vshra.s32 v8, $0x1F;
	v10 =	vand.u32 $0x7FE00000, v10  }
0x38: {  	v11 =	vand.u32 $0x7FE00000, v11;
	v4 =	vxor.u32 v4, v10;
	v10 =	vand.u32 $0x7FE00000, v14  }
0x39: {  	v14 =	vand.u32 $0x7FE00000, v62;
	v11 =	vxor.u32 v5, v11;
	v4 =	vshrl.u32 v4, $0x15  }
0x3a: {  	v5 =	vshra.s32 v9, $0x1F;
	v63 =	vxor.u32 v6, v10;
	v16 =	vxor.u32 $0x400, v4  }
0x3b: {  	v6 =	vand.u32 $0x7FE00000, v5;
	v5 =	vshra.s32 v12, $0x1F;
	v10 =	vshra.s32 v13, $0x1F  }
0x3c: {  	v14 =	vxor.u32 v7, v14;
	v4 =	vand.u32 $0x7FE00000, v15;
	v7 =	vand.u32 $0x7FE00000, v5  }
0x3d: {  	v10 =	vand.u32 $0x7FE00000, v10;
	v5 =	vxor.u32 v8, v4;
	v4 =	vxor.u32 v9, v6  }
0x3e: {  	s24 =	simm.s32 $0x0;
	s23 =	simm.s32 $0x7F;
	v8 =	vxor.u32 v13, v10;
	v6 =	vshrl.u32 v11, $0x15;
	v7 =	vxor.u32 v12, v7  }
0x3f: {  	s0 =	simm.s32 $0x107F0;
	s21 =	simm.s32 $0xFFFFFFFF;
	s25 =	simm.s32 $0xC0;
	v9 =	vshrl.u32 v63, $0x15;
	v10 =	vshrl.u32 v8, $0x15;
	v8 =	vshrl.u32 v14, $0x15;
	[tilespmem:v16+s16+$0x0] =	vst.idx.add.s32.msk $0xffff, v2  }
.LBB2_4:
0x40: {  	v12 =	vld [tilespmem:s25+$0x30];
	s24 =	sadd.s32 $0x8, s24;
	v5 =	vshrl.u32 v5, $0x15;
	v4 =	vshrl.u32 v4, $0x15;
	v7 =	vshrl.u32 v7, $0x15  }
0x41: {  	v10 =	vxor.u32 $0x400, v10;
	v6 =	vxor.u32 $0x400, v6;
	v9 =	vxor.u32 $0x400, v9;
	v13 =	vld [tilespmem:s25+$0xFFFFFFD0];
	p0 =	slt.u32 s24, $0x7F8  }
0x42: {  	v8 =	vxor.u32 $0x400, v8;
	v5 =	vxor.u32 $0x400, v5;
	v15 =	vxor.u32 $0x400, v4;
	v14 =	vld [tilespmem:s25+$0xFFFFFFE0]  }
0x43: {  	v16 =	vxor.u32 $0x400, v7;
	v4 =	vld [tilespmem:s25+$0xFFFFFFF0]  }
0x44: {  	v7 =	vld [tilespmem:s25+$0x0]  }
0x45: {  	v17 =	vld [tilespmem:s25+$0x10];
	v18 =	vshra.s32 v12, $0x1F  }
0x46: {  	v11 =	vimm.s32 $0x0;
	v19 =	vshra.s32 v13, $0x1F;
	v20 =	vld [tilespmem:s25+$0x20];
	v18 =	vand.u32 $0x7FE00000, v18  }
0x47: {  	v21 =	vld [tilespmem:s25+$0xFFFFFFC0];
	v19 =	vand.u32 $0x7FE00000, v19;
	v22 =	vshra.s32 v14, $0x1F;
	v12 =	vxor.u32 v12, v18  }
0x48: {  	v18 =	vand.u32 $0x7FE00000, v22;
	v22 =	vshra.s32 v4, $0x1F;
	v12 =	vshrl.u32 v12, $0x15;
	[tilespmem:v10+s16+$0x0] =	vst.idx.add.s32.msk $0xffff, v2  }
0x49: {  	v10 =	vand.u32 $0x7FE00000, v22;
	v22 =	vshra.s32 v7, $0x1F;
	v12 =	vxor.u32 $0x400, v12;
	[tilespmem:v6+s16+$0x0] =	vst.idx.add.s32.msk $0xffff, v2  }
0x4a: {  	v6 =	vxor.u32 v13, v19;
	v13 =	vand.u32 $0x7FE00000, v22;
	v19 =	vshra.s32 v17, $0x1F;
	[tilespmem:v9+s16+$0x0] =	vst.idx.add.s32.msk $0xffff, v2  }
.Ltmp3:
0x4b: {  	v9 =	vxor.u32 v14, v18;
	v14 =	vand.u32 $0x7FE00000, v19;
	v18 =	vshra.s32 v20, $0x1F;
	[tilespmem:v8+s16+$0x0] =	vst.idx.add.s32.msk $0xffff, v2;
	(pc) =	sbr.rel @p0 .LBB2_4-.Ltmp3, $4  }
0x4c: {  	v19 =	vxor.u32 v4, v10;
	v8 =	vshra.s32 v21, $0x1F;
	v10 =	vand.u32 $0x7FE00000, v18;
	[tilespmem:v5+s16+$0x0] =	vst.idx.add.s32.msk $0xffff, v2  }
0x4d: {  	v5 =	vxor.u32 v7, v13;
	v4 =	vxor.u32 v17, v14;
	v8 =	vand.u32 $0x7FE00000, v8;
	[tilespmem:v15+s16+$0x0] =	vst.idx.add.s32.msk $0xffff, v2  }
0x4e: {  	s22 =	simm.s32 $0x0;
	v6 =	vshrl.u32 v6, $0x15;
	v7 =	vxor.u32 v20, v10;
	v8 =	vxor.u32 v21, v8;
	[tilespmem:v12+s16+$0x0] =	vst.idx.add.s32.msk $0xffff, v2  }
0x4f: {  	s25 =	sadd.s32 $0x80, s25;
	v9 =	vshrl.u32 v9, $0x15;
	v10 =	vshrl.u32 v8, $0x15;
	v8 =	vshrl.u32 v19, $0x15;
	[tilespmem:v16+s16+$0x0] =	vst.idx.add.s32.msk $0xffff, v2  }
0x50: {  	v10 =	vxor.u32 $0x400, v10  }
0x51: {  	v6 =	vxor.u32 $0x400, v6  }
0x52: {  	v9 =	vxor.u32 $0x400, v9  }
0x53: {  	v5 =	vshrl.u32 v5, $0x15;
	v8 =	vxor.u32 $0x400, v8  }
0x54: {  	v4 =	vshrl.u32 v4, $0x15;
	v5 =	vxor.u32 $0x400, v5  }
0x55: {  	v7 =	vshrl.u32 v7, $0x15;
	v4 =	vxor.u32 $0x400, v4;
	[tilespmem:v10+s16+$0x0] =	vst.idx.add.s32.msk $0xffff, v2  }
0x56: {  	v7 =	vxor.u32 $0x400, v7;
	[tilespmem:v6+s16+$0x0] =	vst.idx.add.s32.msk $0xffff, v2  }
0x57: {  	[tilespmem:v9+s16+$0x0] =	vst.idx.add.s32.msk $0xffff, v2  }
0x58: {  	[tilespmem:v8+s16+$0x0] =	vst.idx.add.s32.msk $0xffff, v2  }
0x59: {  	[tilespmem:v5+s16+$0x0] =	vst.idx.add.s32.msk $0xffff, v2  }
0x5a: {  	[tilespmem:v4+s16+$0x0] =	vst.idx.add.s32.msk $0xffff, v2  }
0x5b: {  	[tilespmem:v7+s16+$0x0] =	vst.idx.add.s32.msk $0xffff, v2  }
0x5c: {  	v12 =	vld [tilespmem:s0+$0xFFFFFFF0]  }
0x5d: {  	v13 =	vld [tilespmem:s0+$0x0];
	_ =	sdelay $0x3  }
0x5e: {  	(xrf0) =	vadd.scan.msk.s32 $0xffff, v12  }
0x5f: {  	(xrf0) =	vadd.scan.msk.s32 $0xffff, v13  }
0x60: {  	v15 =	vld [tilespmem:s0+$0xFFFFFFE0];
	_ =	sdelay $0x3  }
0x61: {  	s30 =	simm.s32 $0x107B0;
	v5 =	vld [tilespmem:s0+$0xFFFFFFD0];
	v4, _, _ =	vpop (xrf0)  }
0x62: {  	(xrf0) =	vadd.scan.msk.s32 $0xffff, v15;
	v6, _, _ =	vpop (xrf0);
	(v2sf) =	vpush v4, $0xF;
	v4 =	vld [tilespmem:s30+$0xFFFFFFF0]  }
0x63: {  	(v2sf) =	vpush v6, $0xF;
	v6 =	vld [tilespmem:s30+$0x0];
	_ =	sdelay $0x2  }
0x64: {  	(xrf0) =	vadd.scan.msk.s32 $0xffff, v5  }
0x65: {  	(xrf0) =	vadd.scan.msk.s32 $0xffff, v4  }
0x66: {  	v7, _, _ =	vpop (xrf0);
	(xrf0) =	vadd.scan.msk.s32 $0xffff, v6;
	_ =	sdelay $0x2  }
0x67: {  	(v2sf) =	vpush v7, $0xF  }
0x68: {  	v7, _, _ =	vpop (xrf0)  }
0x69: {  	(v2sf) =	vpush v7, $0xF;
	v7, _, _ =	vpop (xrf0)  }
0x6a: {  	v8, _, _ =	vpop (xrf0);
	(v2sf) =	vpush v7, $0xF  }
0x6b: {  	(v2sf) =	vpush v8, $0xF;
	v8 =	vld [tilespmem:s30+$0xFFFFFFE0]  }
0x6c: {  	v10 =	vld [tilespmem:s30+$0xFFFFFFD0]  }
0x6d: {  	s1 =	spop (v2sf)  }
0x6e: {  	s3 =	spop (v2sf)  }
0x6f: {  	s3 =	sadd.s32 $0x0, s3  }
0x70: {  	p0 =	por $0x1, $0x1;
	p1 =	sgt.s32 s3, $0xFFF;
	(xrf0) =	vadd.scan.msk.s32 $0xffff, v8  }
0x71: {  	s26 =	simm.s32 $0x10770;
	p0 =	por !p0, !p1;
	(xrf0) =	vadd.scan.msk.s32 $0xffff, v10  }
0x72: {  	v7 =	vld [tilespmem:s26+$0xFFFFFFF0];
	p0 =	por !p0, !p0  }
0x73: {  	v9 =	vld [tilespmem:s26+$0x0];
	s1 =	sadd.s32 s1, s3;
	s21 =	smov.u32 @p0 s23  }
0x74: {  	p2 =	sgt.s32 s1, $0xFFF;
	p3 =	slt.s32 s21, $0x0  }
0x75: {  	p1 =	por !p2, !p3  }
0x76: {  	s0 =	simm.s32 $0x7E;
	s4 =	spop (v2sf);
	p1 =	por !p1, !p1;
	v14, _, _ =	vpop (xrf0)  }
0x77: {  	s24 =	sadd.s32 s4, s1;
	(xrf0) =	vadd.scan.msk.s32 $0xffff, v7;
	s21 =	smov.u32 @p1 s0;
	v16, _, _ =	vpop (xrf0);
	(v2sf) =	vpush v14, $0xF  }
0x78: {  	(xrf0) =	vadd.scan.msk.s32 $0xffff, v9;
	p3 =	sgt.s32 s24, $0xFFF;
	p4 =	slt.s32 s21, $0x0;
	(v2sf) =	vpush v16, $0xF  }
0x79: {  	s25 =	simm.s32 $0x7D;
	s31 =	spop (v2sf);
	p2 =	por !p3, !p4  }
0x7a: {  	s22 =	smov.u32 @p0 s22;
	v11 =	vpsel p0, v13, v11;
	s23 =	sadd.s32 s31, s24;
	p2 =	por !p2, !p2  }
0x7b: {  	p6 =	sgt.s32 s23, $0xFFF;
	s0 =	simm.s32 $0x8;
	v13 =	vpsel p1, v12, v11;
	v11 =	vld [tilespmem:s26+$0xFFFFFFE0];
	s21 =	smov.u32 @p2 s25  }
0x7c: {  	s22 =	smov.u32 @p1 s3;
	v12 =	vld [tilespmem:s26+$0xFFFFFFD0];
	s3 =	simm.s32 $0x7C;
	p5 =	slt.s32 s21, $0x0  }
0x7d: {  	v63, _, _ =	vpop (xrf0);
	s22 =	smov.u32 @p2 s1;
	s1 =	spop (v2sf);
	p0 =	por !p6, !p5  }
0x7e: {  	v14, _, _ =	vpop (xrf0);
	(v2sf) =	vpush v63, $0xF;
	s25 =	simm.s32 $0x7B;
	v13 =	vpsel p2, v15, v13;
	s28 =	spop (v2sf);
	p0 =	por !p0, !p0  }
.LBB2_6:
0x7f: {  	(v2sf) =	vpush v14, $0xF;
	s4 =	sadd.s32 s23, s28;
	s21 =	smov.u32 @p0 s3;
	s22 =	smov.u32 @p0 s24;
	v13 =	vpsel p0, v5, v13;
	v5 =	vmov v10  }
0x80: {  	(xrf0) =	vadd.scan.msk.s32 $0xffff, v11;
	p0 =	slt.s32 s21, $0x0;
	p1 =	sgt.s32 s4, $0xFFF;
	s1 =	sadd.s32 s1, s4;
	v15 =	vmov v11  }
0x81: {  	s0 =	sadd.s32 $0x4, s0;
	s26 =	sadd.s32 $0xFFFFFFC0, s26;
	(xrf0) =	vadd.scan.msk.s32 $0xffff, v12;
	p0 =	por !p0, !p1;
	v10 =	vmov v12  }
0x82: {  	s3 =	smov.u32 s25;
	p1 =	slt.u32 s0, $0x7C;
	v11 =	vld [tilespmem:s26+$0xFFFFFFF0];
	p0 =	por !p0, !p0  }
0x83: {  	s21 =	smov.u32 @p0 s25;
	v12 =	vpsel p0, v6, v13;
	v6 =	vmov v9;
	v9 =	vld [tilespmem:s26+$0x0]  }
0x84: {  	p3 =	sgt.s32 s1, $0xFFF;
	p2 =	slt.s32 s21, $0x0  }
0x85: {  	s24 =	sadd.s32 $0xFFFFFFFF, s25;
	p2 =	por !p3, !p2  }
0x86: {  	s22 =	smov.u32 @p0 s23;
	v13, _, _ =	vpop (xrf0);
	p0 =	por !p2, !p2;
	s23 =	spop (v2sf)  }
0x87: {  	(xrf0) =	vadd.scan.msk.s32 $0xffff, v11;
	(v2sf) =	vpush v13, $0xF;
	v13, _, _ =	vpop (xrf0);
	s21 =	smov.u32 @p0 s24;
	v16 =	vpsel p0, v4, v12;
	s24 =	sadd.s32 s23, s1;
	s23 =	spop (v2sf);
	v4 =	vmov v7  }
0x88: {  	v7 =	vmov v11;
	(xrf0) =	vadd.scan.msk.s32 $0xffff, v9;
	(v2sf) =	vpush v13, $0xF;
	p2 =	slt.s32 s21, $0x0;
	p3 =	sgt.s32 s24, $0xFFF;
	s23 =	sadd.s32 s23, s24  }
0x89: {  	s22 =	smov.u32 @p0 s4;
	p0 =	por !p3, !p2  }
.Ltmp4:
0x8a: {  	s4 =	sadd.s32 $0xFFFFFFFE, s25;
	p0 =	por !p0, !p0;
	(pc) =	sbr.rel @p1 .LBB2_6-.Ltmp4, $4  }
0x8b: {  	v11 =	vld [tilespmem:s26+$0xFFFFFFE0];
	s21 =	smov.u32 @p0 s4;
	s22 =	smov.u32 @p0 s1  }
0x8c: {  	p3 =	sgt.s32 s23, $0xFFF;
	v12 =	vld [tilespmem:s26+$0xFFFFFFD0];
	p2 =	slt.s32 s21, $0x0  }
0x8d: {  	s25 =	sadd.s32 $0xFFFFFFFC, s25;
	v13, _, _ =	vpop (xrf0);
	s1 =	spop (v2sf);
	p2 =	por !p3, !p2  }
0x8e: {  	s3 =	sadd.s32 $0xFFFFFFFD, s3;
	v14, _, _ =	vpop (xrf0);
	(v2sf) =	vpush v13, $0xF;
	s28 =	spop (v2sf);
	v13 =	vpsel p0, v8, v16;
	p0 =	por !p2, !p2;
	v8 =	vmov v15  }
0x8f: {  	(v2sf) =	vpush v14, $0xF;
	s0 =	sadd.s32 s23, s28;
	s21 =	smov.u32 @p0 s3  }
0x90: {  	(xrf0) =	vadd.scan.msk.s32 $0xffff, v11;
	p1 =	slt.s32 s21, $0x0;
	p2 =	sgt.s32 s0, $0xFFF  }
0x91: {  	p1 =	por !p1, !p2  }
0x92: {  	p5 =	por !p1, !p1  }
0x93: {  	s26 =	sadd.s32 s1, s0;
	s21 =	smov.u32 @p5 s25;
	s1 =	simm.s32 @!p5 $0x0  }
0x94: {  	p4 =	sgt.s32 s26, $0xFFF;
	s1 =	simm.s32 @p5 $0x1;
	p3 =	slt.s32 s21, $0x0  }
0x95: {  	(xrf0) =	vadd.scan.msk.s32 $0xffff, v12;
	[smem:$0x7FB] =	sst s1;
	p1 =	por !p4, !p3  }
0x96: {  	s1 =	sadd.s32 $0xFFFFFFFF, s25;
	v62, _, _ =	vpop (xrf0);
	p1 =	por !p1, !p1;
	s28 =	spop (v2sf)  }
0x97: {  	s3 =	simm.s32 @!p1 $0x0;
	(v2sf) =	vpush v62, $0xF;
	s21 =	smov.u32 @p1 s1;
	s1 =	sadd.s32 s28, s26  }
0x98: {  	s3 =	simm.s32 @p1 $0x1;
	p1 =	slt.s32 s21, $0x0;
	p6 =	sgt.s32 s1, $0xFFF  }
0x99: {  	p1 =	por !p6, !p1  }
0x9a: {  	s4 =	sadd.s32 $0xFFFFFFFE, s25;
	s29 =	spop (v2sf);
	p4 =	por !p1, !p1  }
0x9b: {  	v63, _, _ =	vpop (xrf0);
	[smem:$0x7F9] =	sst s3;
	s3 =	sadd.s32 s29, s1;
	s21 =	smov.u32 @p4 s4  }
0x9c: {  	(v2sf) =	vpush v63, $0xF;
	p3 =	sgt.s32 s3, $0xFFF;
	p2 =	slt.s32 s21, $0x0  }
0x9d: {  	s30 =	spop (v2sf);
	p1 =	por !p3, !p2  }
0x9e: {  	s29 =	sadd.s32 $0xFFFFFFFD, s25;
	s31 =	spop (v2sf);
	p1 =	por !p1, !p1  }
0x9f: {  	s5 =	simm.s32 @!p1 $0x0;
	s28 =	sadd.s32 s3, s31;
	s21 =	smov.u32 @p1 s29  }
0xa0: {  	s5 =	simm.s32 @p1 $0x1;
	p1 =	slt.s32 s21, $0x0;
	p6 =	sgt.s32 s28, $0xFFF  }
0xa1: {  	s4 =	simm.s32 @!p4 $0x0;
	p1 =	por !p1, !p6  }
0xa2: {  	s25 =	sadd.s32 $0xFFFFFFFC, s25;
	s4 =	simm.s32 @p4 $0x1;
	p3 =	por !p1, !p1  }
0xa3: {  	[smem:$0x7FC] =	sst s4;
	s4 =	sadd.s32 s30, s28;
	s21 =	smov.u32 @p3 s25  }
0xa4: {  	p6 =	sgt.s32 s4, $0xFFF;
	p2 =	slt.s32 s21, $0x0  }
0xa5: {  	s6 =	sld [smem:$0x7F9];
	p1 =	por !p6, !p2  }
0xa6: {  	s29 =	sadd.s32 $0xFFFFFFFF, s25;
	p6 =	por !p1, !p1;
	s30 =	spop (v2sf)  }
0xa7: {  	v5 =	vpsel p0, v5, v13;
	[smem:$0x7FA] =	sst s5;
	s21 =	smov.u32 @p6 s29;
	s29 =	sadd.s32 s30, s4  }
0xa8: {  	v5 =	vpsel p5, v6, v5;
	s8 =	sld [smem:$0x7FA];
	p2 =	slt.s32 s21, $0x0;
	p5 =	sgt.s32 s29, $0xFFF  }
0xa9: {  	p1 =	por !p5, !p2;
	p5 =	seq.s32 s6, $0x1  }
0xaa: {  	s22 =	smov.u32 @p0 s24;
	s24 =	sld [smem:$0x7FB];
	s31 =	sadd.s32 $0xFFFFFFFE, s25;
	v4 =	vpsel p5, v4, v5  }
0xab: {  	s7 =	spop (v2sf);
	p2 =	por !p1, !p1;
	v4 =	vpsel p4, v8, v4;
	p4 =	seq.s32 s8, $0x1  }
0xac: {  	s5 =	simm.s32 @!p3 $0x0;
	s30 =	sadd.s32 s7, s29;
	s21 =	smov.u32 @p2 s31;
	v4 =	vpsel p4, v10, v4  }
0xad: {  	s5 =	simm.s32 @p3 $0x1;
	p1 =	sgt.s32 s30, $0xFFF;
	v4 =	vpsel p3, v9, v4;
	p3 =	slt.s32 s21, $0x0  }
0xae: {  	p1 =	por !p1, !p3;
	v4 =	vpsel p6, v7, v4  }
0xaf: {  	v4 =	vpsel p2, v11, v4;
	p1 =	por !p1, !p1  }
0xb0: {  	p0 =	seq.s32 s24, $0x1;
	v4 =	vpsel p1, v12, v4  }
0xb1: {  	s22 =	smov.u32 @p0 s23;
	s30 =	sld [smem:$0x7FC];
	v5 =	vperm.xlane v4, v3  }
0xb2: {  	[smem:$0x7FD] =	sst s5;
	s22 =	smov.u32 @p5 s0;
	s0 =	sadd.s32 $0xFFFFFFFD, s25  }
0xb3: {  	s31 =	sld [smem:$0x7FD];
	s21 =	smov.u32 @p1 s0;
	s0 =	simm.s32 $0x10040;
	(xrf0) =	vadd.scan.msk.s32 $0xffff, v5  }
0xb4: {  	p0 =	seq.s32 s30, $0x1;
	[tilespmem:s0+$0xFFFFFFC0] =	vst v1  }
0xb5: {  	s22 =	smov.u32 @p0 s26;
	[tilespmem:s0+$0x30] =	vst v1  }
0xb6: {  	p0 =	seq.s32 s31, $0x1;
	s22 =	smov.u32 @p4 s1;
	[tilespmem:s0+$0x20] =	vst v1  }
0xb7: {  	s22 =	smov.u32 @p0 s3;
	[tilespmem:s0+$0x10] =	vst v1  }
0xb8: {  	s22 =	smov.u32 @p6 s28;
	[tilespmem:s0+$0x0] =	vst v1  }
0xb9: {  	[tilespmem:s0+$0xFFFFFFF0] =	vst v1;
	s22 =	smov.u32 @p2 s4;
	v5, _, _ =	vpop (xrf0)  }
0xba: {  	s1 =	simm.s32 $0x0;
	[tilespmem:s0+$0xFFFFFFE0] =	vst v1;
	s22 =	smov.u32 @p1 s29;
	v5 =	vperm.xlane v5, v3  }
.LBB2_8:
0xbb: {  	s1 =	sadd.s32 $0x8, s1;
	[tilespmem:s0+$0xFFFFFFD0] =	vst v1;
	s0 =	sadd.s32 $0x80, s0  }
0xbc: {  	[tilespmem:s0+$0xFFFFFFC0] =	vst v1;
	p0 =	slt.u32 s1, $0x78  }
0xbd: {  	[tilespmem:s0+$0x30] =	vst v1  }
.Ltmp5:
0xbe: {  	[tilespmem:s0+$0x20] =	vst v1;
	(pc) =	sbr.rel @p0 .LBB2_8-.Ltmp5, $4  }
0xbf: {  	[tilespmem:s0+$0x10] =	vst v1  }
0xc0: {  	[tilespmem:s0+$0x0] =	vst v1  }
0xc1: {  	[tilespmem:s0+$0xFFFFFFF0] =	vst v1  }
0xc2: {  	[tilespmem:s0+$0xFFFFFFE0] =	vst v1  }
0xc3: {  	v6 =	vadd.s32 s22, v5  }
0xc4: {  	vm0 =	vgt.s32 v6, $0xFFF  }
0xc5: {  	v6 =	vsel vm0, $0x1, v1  }
0xc6: {  	(xrf0) =	vadd.scan.msk.s32 $0xffff, v6;
	_ =	sdelay $0x5  }
0xc7: {  	v6, _, _ =	vpop (xrf0)  }
0xc8: {  	(v2sf) =	vpush v6, $0xF  }
0xc9: {  	[tilespmem:s0+$0xFFFFFFD0] =	vst v1;
	s26 =	simm.s32 $0x40  }
0xca: {  	v7 =	vld [tilespmem:s26+$0xFFFFFFD0]  }
0xcb: {  	v8 =	vld [tilespmem:s26+$0x10]  }
0xcc: {  	v9 =	vld [tilespmem:s26+$0xFFFFFFC0]  }
0xcd: {  	s28 =	simm.s32 $0xC0;
	v10 =	vld [tilespmem:s26+$0xFFFFFFE0]  }
0xce: {  	v24 =	vld [tilespmem:s28+$0x10]  }
0xcf: {  	v27 =	vld [tilespmem:s28+$0xFFFFFFE0];
	_ =	sdelay $0x2  }
0xd0: {  	v11 =	vld [tilespmem:s26+$0xFFFFFFF0];
	v12 =	vshra.s32 v7, $0x1F  }
0xd1: {  	v14 =	vshra.s32 v8, $0x1F;
	v15 =	vshra.s32 v9, $0x1F;
	v16 =	vshra.s32 v10, $0x1F  }
0xd2: {  	v31 =	vshra.s32 v24, $0x1F;
	v33 =	vshra.s32 v27, $0x1F;
	v12 =	vand.u32 $0x7FFFFFFF, v12  }
0xd3: {  	v31 =	vand.u32 $0x7FFFFFFF, v31;
	v61 =	vand.u32 $0x7FFFFFFF, v33;
	v12 =	vxor.u32 v7, v12  }
0xd4: {  	v7 =	vand.u32 $0x7FFFFFFF, v14;
	v14 =	vand.u32 $0x7FFFFFFF, v15;
	v15 =	vshrl.u32 v12, $0x15  }
0xd5: {  	v13 =	vld [tilespmem:s26+$0x0];
	v17 =	vxor.u32 v9, v14;
	v9 =	vand.u32 $0x7FFFFFFF, v16;
	v14 =	vshra.s32 v11, $0x1F;
	s24 =	spop (v2sf)  }
0xd6: {  	s25 =	sshll.u32 s21, $0x4;
	v19 =	vld [tilespmem:s26+$0x20];
	v21 =	vxor.u32 v8, v7;
	v26 =	vshrl.u32 v12, $0xA;
	v18 =	vshrl.u32 v17, $0x15;
	s24 =	sadd.s32 $0xFFFFFFFF, s24  }
0xd7: {  	v14 =	vand.u32 $0x7FFFFFFF, v14;
	v20 =	vxor.u32 v10, v9;
	v23 =	vshrl.u32 v21, $0xA;
	s23 =	sadd.s32 s25, s24  }
0xd8: {  	v26 =	vand.u32 $0x7FF, v26;
	v14 =	vxor.u32 v11, v14;
	v22 =	vshrl.u32 v20, $0xA;
	s21 =	sxor.u32 $0x400, s23  }
0xd9: {  	v23 =	vand.u32 $0x7FF, v23;
	v11 =	vshrl.u32 v14, $0x15;
	v6 =	vmov s21  }
0xda: {  	v22 =	vand.u32 $0x7FF, v22;
	vm2 =	veq.s32 v15, v6;
	v15 =	vshra.s32 v13, $0x1F  }
0xdb: {  	vm1 =	veq.s32 v18, v6;
	vm4 =	veq.s32 v11, v6;
	v11 =	vshra.s32 v19, $0x1F  }
0xdc: {  	v18 =	vld [tilespmem:s26+$0x30];
	v16 =	vmpcnt.ones.xlane vm2;
	v15 =	vand.u32 $0x7FFFFFFF, v15;
	v9 =	vmpcnt.ones.xlane vm4  }
0xdd: {  	v11 =	vand.u32 $0x7FFFFFFF, v11;
	vm7 =	vmmov vm2;
	v15 =	vxor.u32 v13, v15  }
0xde: {  	(v2sf) =	vpush v16, $0x0;
	v13 =	vshrl.u32 v15, $0x15;
	v16 =	vmpcnt.ones.xlane vm1  }
0xdf: {  	vm11 =	vmmov vm4;
	vm0 =	veq.s32 v13, v6;
	v13 =	vshrl.u32 v20, $0x15  }
0xe0: {  	v10 =	vmpcnt.ones.xlane vm0;
	(v2sf) =	vpush v16, $0x0;
	v16 =	vxor.u32 v19, v11  }
0xe1: {  	v7 =	vshra.s32 v18, $0x1F;
	vm6 =	veq.s32 v13, v6;
	(v2sf) =	vpush v9, $0x0  }
0xe2: {  	v8 =	vshrl.u32 v16, $0x15;
	v7 =	vand.u32 $0x7FFFFFFF, v7;
	(v2sf) =	vpush v10, $0x0  }
0xe3: {  	v10 =	vshrl.u32 v21, $0x15;
	vm5 =	veq.s32 v8, v6;
	v18 =	vxor.u32 v18, v7  }
0xe4: {  	vm3 =	veq.s32 v10, v6;
	v7 =	vmpcnt.ones.xlane vm5;
	v11 =	vshrl.u32 v18, $0xA  }
0xe5: {  	v13 =	vshrl.u32 v15, $0xA;
	v10 =	vmpcnt.ones.xlane vm3;
	v19 =	vand.u32 $0x7FF, v11;
	v11 =	vld [tilespmem:s28+$0xFFFFFFD0]  }
0xe6: {  	v30 =	vld [tilespmem:s28+$0x0];
	v13 =	vand.u32 $0x7FF, v13;
	(v2sf) =	vpush v7, $0x0;
	v7 =	vmpcnt.ones.xlane vm6  }
0xe7: {  	v25 =	vld [tilespmem:s28+$0xFFFFFFC0];
	vm10 =	vmmov vm0;
	v9 =	vshrl.u32 v16, $0xA;
	(v2sf) =	vpush v10, $0x0  }
0xe8: {  	v9 =	vand.u32 $0x7FF, v9;
	v8 =	vshrl.u32 v18, $0x15;
	(v2sf) =	vpush v7, $0x0  }
0xe9: {  	v29 =	vld [tilespmem:s28+$0xFFFFFFF0];
	vm9 =	vmmov vm5;
	vm8 =	veq.s32 v8, v6;
	v7 =	vshrl.u32 v17, $0xA  }
0xea: {  	v8 =	vmpcnt.ones.xlane vm8;
	v28 =	vand.u32 $0x7FF, v7;
	v7 =	vshra.s32 v11, $0x1F  }
0xeb: {  	v10 =	vshrl.u32 v14, $0xA;
	[tilespmem:v13+s16+$0x0] =	vst.idx.add.s32.msk vm0, v2;
	v13 =	vshra.s32 v30, $0x1F;
	v7 =	vand.u32 $0x7FFFFFFF, v7  }
0xec: {  	v32 =	vand.u32 $0x7FF, v10;
	v10 =	vshra.s32 v25, $0x1F;
	v7 =	vxor.u32 v11, v7  }
0xed: {  	v60 =	vld [tilespmem:s28+$0x20];
	v10 =	vand.u32 $0x7FFFFFFF, v10;
	(v2sf) =	vpush v8, $0x0;
	v11 =	vshrl.u32 v7, $0x15  }
0xee: {  	[tilespmem:v9+s16+$0x0] =	vst.idx.add.s32.msk vm5, v2;
	v9 =	vxor.u32 v25, v10;
	v10 =	vshra.s32 v29, $0x1F;
	vm2 =	veq.s32 v11, v6  }
0xef: {  	v8 =	vand.u32 $0x7FFFFFFF, v10;
	v10 =	vshrl.u32 v9, $0x15;
	v11 =	vmpcnt.ones.xlane vm2  }
0xf0: {  	[tilespmem:v26+s16+$0x0] =	vst.idx.add.s32.msk vm7, v2;
	v8 =	vxor.u32 v29, v8;
	vm0 =	veq.s32 v10, v6;
	v10 =	vand.u32 $0x7FFFFFFF, v13;
	s1 =	spop (v2sf)  }
0xf1: {  	s25 =	simm.s32 $0x0;
	v13 =	vshrl.u32 v8, $0x15;
	v10 =	vxor.u32 v30, v10;
	[tilespmem:v28+s16+$0x0] =	vst.idx.add.s32.msk vm1, v2;
	s3 =	spop (v2sf);
	(v2sf) =	vpush v11, $0x0  }
0xf2: {  	v62 =	vld [tilespmem:s28+$0x30];
	vm5 =	veq.s32 v13, v6;
	v13 =	vshrl.u32 v10, $0x15;
	[tilespmem:s25+$0x10800] =	vst.msk vm1, v17;
	v17 =	vmpcnt.ones.xlane vm0;
	s3 =	sadd.s32 $0x0, s3  }
0xf3: {  	vm4 =	veq.s32 v13, v6;
	v13 =	vshra.s32 v60, $0x1F;
	s29 =	spop (v2sf);
	[tilespmem:s3+$0x10800] =	vst.msk vm7, v12;
	v12 =	vmpcnt.ones.xlane vm5  }
0xf4: {  	[tilespmem:v19+s16+$0x0] =	vst.idx.add.s32.msk vm8, v2;
	v19 =	vmpcnt.ones.xlane vm4;
	s4 =	spop (v2sf);
	(v2sf) =	vpush v17, $0x0;
	v17 =	vand.u32 $0x7FFFFFFF, v13  }
0xf5: {  	[tilespmem:v22+s16+$0x0] =	vst.idx.add.s32.msk vm6, v2;
	v11 =	vxor.u32 v27, v61;
	(v2sf) =	vpush v12, $0x0;
	v12 =	vxor.u32 v60, v17;
	s30 =	spop (v2sf)  }
0xf6: {  	[tilespmem:v23+s16+$0x0] =	vst.idx.add.s32.msk vm3, v2;
	v27 =	vshrl.u32 v11, $0x15;
	(v2sf) =	vpush v19, $0x0;
	v17 =	vshrl.u32 v12, $0x15;
	s31 =	spop (v2sf)  }
0xf7: {  	[tilespmem:v32+s16+$0x0] =	vst.idx.add.s32.msk vm11, v2;
	s1 =	sadd.s32 s3, s1;
	v13 =	vxor.u32 v24, v31;
	v19 =	vshra.s32 v62, $0x1F;
	vm7 =	veq.s32 v17, v6;
	s26 =	spop (v2sf)  }
0xf8: {  	[tilespmem:s1+$0x10800] =	vst.msk vm6, v20;
	v63 =	vshrl.u32 v13, $0x15;
	v17 =	vand.u32 $0x7FFFFFFF, v19;
	v19 =	vmpcnt.ones.xlane vm7;
	s1 =	sadd.s32 s1, s26  }
0xf9: {  	vm6 =	veq.s32 v27, v6;
	vm1 =	veq.s32 v63, v6;
	v20 =	vshrl.u32 v12, $0xA;
	[tilespmem:s1+$0x10800] =	vst.msk vm11, v14;
	s0 =	sadd.s32 s1, s29  }
0xfa: {  	v22 =	vmpcnt.ones.xlane vm1;
	v14 =	vxor.u32 v62, v17;
	(v2sf) =	vpush v19, $0x0;
	[tilespmem:s0+$0x10800] =	vst.msk vm10, v15;
	s0 =	sadd.s32 s0, s4  }
0xfb: {  	v19 =	vmpcnt.ones.xlane vm6;
	v15 =	vshrl.u32 v14, $0x15;
	v17 =	vshrl.u32 v14, $0xA;
	[tilespmem:s0+$0x10800] =	vst.msk vm3, v21;
	s0 =	sadd.s32 s0, s31  }
0xfc: {  	(v2sf) =	vpush v22, $0x0;
	vm3 =	veq.s32 v15, v6;
	v17 =	vand.u32 $0x7FF, v17;
	[tilespmem:s0+$0x10800] =	vst.msk vm9, v16;
	s0 =	sadd.s32 s0, s30  }
0xfd: {  	s25 =	simm.s32 $0x8;
	s26 =	simm.s32 $0x140;
	s1 =	spop (v2sf);
	v15 =	vmpcnt.ones.xlane vm3;
	v16 =	vshrl.u32 v8, $0xA;
	[tilespmem:s0+$0x10800] =	vst.msk vm8, v18;
	v18 =	vand.u32 $0x7FF, v20  }
.LBB2_10:
0xfe: {  	v20 =	vld [tilespmem:s26+$0xFFFFFFD0];
	s25 =	sadd.s32 $0x8, s25;
	v21 =	vshrl.u32 v11, $0xA;
	v22 =	vshrl.u32 v10, $0xA;
	v23 =	vshrl.u32 v13, $0xA;
	s1 =	sadd.s32 s0, s1  }
0xff: {  	v24 =	vld [tilespmem:s26+$0x10];
	p0 =	slt.u32 s25, $0x7F8;
	v22 =	vand.u32 $0x7FF, v22;
	v23 =	vand.u32 $0x7FF, v23;
	(v2sf) =	vpush v19, $0x0  }
0x100: {  	v25 =	vshrl.u32 v9, $0xA;
	v26 =	vshrl.u32 v7, $0xA;
	v21 =	vand.u32 $0x7FF, v21;
	v19 =	vld [tilespmem:s26+$0xFFFFFFC0];
	s3 =	spop (v2sf)  }
0x101: {  	vm11 =	vmmov vm2;
	v25 =	vand.u32 $0x7FF, v25;
	v26 =	vand.u32 $0x7FF, v26;
	v27 =	vld [tilespmem:s26+$0xFFFFFFE0]  }
0x102: {  	vm10 =	vmmov vm5;
	vm9 =	vmmov vm4;
	vm8 =	vmmov vm7;
	[tilespmem:v18+s16+$0x0] =	vst.idx.add.s32.msk vm7, v2  }
0x103: {  	v18 =	vshra.s32 v20, $0x1F;
	v28 =	vld [tilespmem:s26+$0xFFFFFFF0];
	s0 =	spop (v2sf)  }
0x104: {  	v16 =	vand.u32 $0x7FF, v16;
	v18 =	vand.u32 $0x7FFFFFFF, v18;
	v29 =	vld [tilespmem:s26+$0x0];
	v30 =	vshra.s32 v24, $0x1F;
	s4 =	sadd.s32 s1, s0;
	s0 =	spop (v2sf)  }
0x105: {  	v31 =	vshra.s32 v19, $0x1F;
	v18 =	vxor.u32 v20, v18;
	v20 =	vand.u32 $0x7FFFFFFF, v30;
	s3 =	sadd.s32 s4, s3;
	[tilespmem:v22+s16+$0x0] =	vst.idx.add.s32.msk vm4, v2;
	s28 =	spop (v2sf)  }
0x106: {  	v22 =	vand.u32 $0x7FFFFFFF, v31;
	v30 =	vshrl.u32 v18, $0x15;
	v31 =	vshra.s32 v27, $0x1F;
	[tilespmem:v25+s16+$0x0] =	vst.idx.add.s32.msk vm0, v2  }
0x107: {  	v19 =	vxor.u32 v19, v22;
	vm2 =	veq.s32 v30, v6;
	v22 =	vand.u32 $0x7FFFFFFF, v31;
	[tilespmem:v26+s16+$0x0] =	vst.idx.add.s32.msk vm11, v2  }
0x108: {  	v25 =	vmpcnt.ones.xlane vm2;
	v26 =	vshra.s32 v28, $0x1F;
	[tilespmem:v17+s16+$0x0] =	vst.idx.add.s32.msk vm3, v2;
	(v2sf) =	vpush v15, $0x0  }
0x109: {  	v15 =	vshrl.u32 v19, $0x15;
	v17 =	vand.u32 $0x7FFFFFFF, v26;
	v26 =	vshra.s32 v29, $0x1F;
	v30 =	vld [tilespmem:s26+$0x20];
	[tilespmem:s1+$0x10800] =	vst.msk vm0, v9;
	v9 =	vmovc v19  }
0x10a: {  	vm0 =	veq.s32 v15, v6;
	v15 =	vxor.u32 v28, v17;
	v17 =	vand.u32 $0x7FFFFFFF, v26;
	[tilespmem:v16+s16+$0x0] =	vst.idx.add.s32.msk vm5, v2;
	s1 =	spop (v2sf)  }
0x10b: {  	v16 =	vshrl.u32 v15, $0x15;
	v17 =	vxor.u32 v29, v17;
	(v2sf) =	vpush v25, $0x0;
	[tilespmem:s4+$0x10800] =	vst.msk vm11, v7;
	s4 =	spop (v2sf);
	v7 =	vmovc v18  }
0x10c: {  	v18 =	vmpcnt.ones.xlane vm0;
	vm5 =	veq.s32 v16, v6;
	v16 =	vshrl.u32 v17, $0x15;
	v19 =	vld [tilespmem:s26+$0x30]  }
0x10d: {  	v22 =	vxor.u32 v27, v22;
	v25 =	vmpcnt.ones.xlane vm5;
	vm4 =	veq.s32 v16, v6;
	[tilespmem:v21+s16+$0x0] =	vst.idx.add.s32.msk vm6, v2  }
0x10e: {  	v16 =	vmpcnt.ones.xlane vm4;
	v21 =	vshra.s32 v30, $0x1F;
	(v2sf) =	vpush v18, $0x0;
	[tilespmem:s3+$0x10800] =	vst.msk vm6, v11;
	s29 =	spop (v2sf);
	v11 =	vmovc v22  }
0x10f: {  	v18 =	vshrl.u32 v11, $0x15;
	v21 =	vand.u32 $0x7FFFFFFF, v21;
	(v2sf) =	vpush v25, $0x0;
	s3 =	sadd.s32 s3, s29;
	[tilespmem:v23+s16+$0x0] =	vst.idx.add.s32.msk vm1, v2  }
0x110: {  	v20 =	vxor.u32 v24, v20;
	v21 =	vxor.u32 v30, v21;
	(v2sf) =	vpush v16, $0x0;
	[tilespmem:s3+$0x10800] =	vst.msk vm10, v8;
	s0 =	sadd.s32 s3, s0;
	v8 =	vmovc v15  }
0x111: {  	v15 =	vshrl.u32 v21, $0x15;
	v22 =	vshrl.u32 v21, $0xA;
	v16 =	vshra.s32 v19, $0x1F;
	[tilespmem:s0+$0x10800] =	vst.msk vm9, v10;
	s0 =	sadd.s32 s0, s28;
	v10 =	vmovc v17  }
0x112: {  	v17 =	vshrl.u32 v20, $0x15;
	vm7 =	veq.s32 v15, v6;
	v15 =	vand.u32 $0x7FFFFFFF, v16;
	[tilespmem:s0+$0x10800] =	vst.msk vm1, v13;
	s0 =	sadd.s32 s0, s4;
	v13 =	vmovc v20  }
.Ltmp6:
0x113: {  	vm1 =	veq.s32 v17, v6;
	v16 =	vmpcnt.ones.xlane vm7;
	v15 =	vxor.u32 v19, v15;
	[tilespmem:s0+$0x10800] =	vst.msk vm8, v12;
	s0 =	sadd.s32 s0, s1;
	v12 =	vmovc v21;
	(pc) =	sbr.rel @p0 .LBB2_10-.Ltmp6, $4  }
0x114: {  	v19 =	vmpcnt.ones.xlane vm1;
	v17 =	vshrl.u32 v15, $0x15;
	v20 =	vshrl.u32 v15, $0xA;
	[tilespmem:s0+$0x10800] =	vst.msk vm3, v14;
	v14 =	vmovc v15  }
0x115: {  	vm3 =	veq.s32 v17, v6;
	v17 =	vand.u32 $0x7FF, v20;
	(v2sf) =	vpush v16, $0x0  }
0x116: {  	vm6 =	veq.s32 v18, v6;
	v15 =	vmpcnt.ones.xlane vm3;
	(v2sf) =	vpush v19, $0x0  }
0x117: {  	s26 =	sadd.s32 $0x80, s26;
	v18 =	vand.u32 $0x7FF, v22;
	v16 =	vshrl.u32 v8, $0xA;
	v19 =	vmpcnt.ones.xlane vm6;
	s1 =	spop (v2sf)  }
0x118: {  	_ = 	snop  }
0x119: {  	(v2sf) =	vpush v19, $0x0;
	_ =	sdelay $0x1  }
0x11a: {  	v6 =	vshrl.u32 v10, $0xA  }
0x11b: {  	v59 =	vshrl.u32 v9, $0xA;
	v6 =	vand.u32 $0x7FF, v6  }
0x11c: {  	v20 =	vshrl.u32 v7, $0xA;
	vm2 =	vmmov vm2;
	v19 =	vand.u32 $0x7FF, v59  }
0x11d: {  	vm5 =	vmmov vm5;
	v20 =	vand.u32 $0x7FF, v20  }
0x11e: {  	[tilespmem:v18+s16+$0x0] =	vst.idx.add.s32.msk vm7, v2;
	v16 =	vand.u32 $0x7FF, v16;
	v60 =	vshrl.u32 v13, $0xA  }
0x11f: {  	[tilespmem:v17+s16+$0x0] =	vst.idx.add.s32.msk vm3, v2;
	v61 =	vand.u32 $0x7FF, v60  }
0x120: {  	[tilespmem:v6+s16+$0x0] =	vst.idx.add.s32.msk vm4, v2  }
0x121: {  	s3 =	spop (v2sf);
	v6 =	vshrl.u32 v11, $0xA;
	[tilespmem:v19+s16+$0x0] =	vst.idx.add.s32.msk vm0, v2  }
0x122: {  	s6 =	spop (v2sf);
	[tilespmem:v20+s16+$0x0] =	vst.idx.add.s32.msk vm2, v2;
	v6 =	vand.u32 $0x7FF, v6  }
0x123: {  	s4 =	spop (v2sf);
	[tilespmem:v16+s16+$0x0] =	vst.idx.add.s32.msk vm5, v2  }
0x124: {  	s0 =	sadd.s32 s0, s1;
	[tilespmem:v61+s16+$0x0] =	vst.idx.add.s32.msk vm1, v2;
	s7 =	spop (v2sf)  }
0x125: {  	[tilespmem:s0+$0x10800] =	vst.msk vm0, v9;
	s0 =	sadd.s32 s0, s6;
	s25 =	spop (v2sf)  }
0x126: {  	[tilespmem:s0+$0x10800] =	vst.msk vm2, v7;
	s8 =	spop (v2sf)  }
0x127: {  	s0 =	sadd.s32 s0, s3;
	[tilespmem:v6+s16+$0x0] =	vst.idx.add.s32.msk vm6, v2;
	s26 =	spop (v2sf)  }
0x128: {  	[tilespmem:s0+$0x10800] =	vst.msk vm6, v11;
	s0 =	sadd.s32 s0, s26  }
0x129: {  	vm13 =	vmmov vm4;
	[tilespmem:s0+$0x10800] =	vst.msk vm5, v8;
	s0 =	sadd.s32 s0, s4  }
0x12a: {  	[tilespmem:s0+$0x10800] =	vst.msk vm13, v10;
	s0 =	sadd.s32 s0, s7  }
0x12b: {  	vm14 =	vmmov vm7;
	[tilespmem:s0+$0x10800] =	vst.msk vm1, v13;
	s0 =	sadd.s32 s0, s8  }
0x12c: {  	[tilespmem:s0+$0x10800] =	vst.msk vm14, v12;
	s0 =	sadd.s32 s0, s25  }
0x12d: {  	s1 =	simm.s32 $0x107F0;
	[tilespmem:s0+$0x10800] =	vst.msk vm3, v14  }
0x12e: {  	v6 =	vmov s24;
	v11 =	vld [tilespmem:s1+$0xFFFFFFF0]  }
0x12f: {  	vm15 =	veq.s32 v6, v0;
	v12 =	vld [tilespmem:s1+$0x0]  }
0x130: {  	v4 =	vnsel vm15, $0x0, v4  }
0x131: {  	(xrf0) =	vadd.scan.msk.s32 $0xffff, v4;
	v4 =	vnsel vm15, $0x0, v5  }
0x132: {  	(xrf0) =	vadd.scan.msk.s32 $0xffff, v4  }
0x133: {  	(xrf0) =	vadd.scan.msk.s32 $0xffff, v11  }
0x134: {  	(xrf0) =	vadd.scan.msk.s32 $0xffff, v12;
	_ =	sdelay $0x1  }
0x135: {  	(v2sf) =	vpush v15, $0x0  }
0x136: {  	v4, _, _ =	vpop (xrf0);
	v13 =	vld [tilespmem:s1+$0xFFFFFFE0]  }
0x137: {  	(v2sf) =	vpush v4, $0xF;
	v4, _, _ =	vpop (xrf0)  }
0x138: {  	(v2sf) =	vpush v4, $0xF;
	v5 =	vld [tilespmem:s1+$0xFFFFFFD0];
	v4, _, _ =	vpop (xrf0)  }
0x139: {  	s3 =	simm.s32 $0x107B0;
	v6, _, _ =	vpop (xrf0);
	(v2sf) =	vpush v4, $0xF  }
0x13a: {  	v4 =	vld [tilespmem:s3+$0xFFFFFFF0];
	(v2sf) =	vpush v6, $0xF  }
0x13b: {  	(xrf0) =	vadd.scan.msk.s32 $0xffff, v13;
	_ =	sdelay $0x1  }
0x13c: {  	(xrf0) =	vadd.scan.msk.s32 $0xffff, v5  }
0x13d: {  	v6 =	vld [tilespmem:s3+$0x0]  }
0x13e: {  	(xrf0) =	vadd.scan.msk.s32 $0xffff, v4;
	_ =	sdelay $0x1  }
0x13f: {  	v7, _, _ =	vpop (xrf0)  }
0x140: {  	(v2sf) =	vpush v7, $0xF  }
0x141: {  	(xrf0) =	vadd.scan.msk.s32 $0xffff, v6;
	v7, _, _ =	vpop (xrf0)  }
0x142: {  	s4 =	spop (v2sf);
	(v2sf) =	vpush v7, $0xF  }
0x143: {  	v7, _, _ =	vpop (xrf0)  }
0x144: {  	s25 =	spop (v2sf);
	(v2sf) =	vpush v7, $0xF;
	v7 =	vld [tilespmem:s3+$0xFFFFFFE0]  }
0x145: {  	v10 =	vld [tilespmem:s3+$0xFFFFFFD0];
	s1 =	spop (v2sf)  }
0x146: {  	s1 =	sadd.s32 s1, s22;
	s5 =	spop (v2sf)  }
0x147: {  	s1 =	ssub.s32 s25, s1;
	v8, _, _ =	vpop (xrf0);
	s6 =	spop (v2sf)  }
0x148: {  	s22 =	sadd.s32 $0x1000, s1;
	(v2sf) =	vpush v8, $0xF;
	s1 =	sadd.s32 $0x0, s6  }
0x149: {  	p0 =	por $0x1, $0x1;
	(xrf0) =	vadd.scan.msk.s32 $0xffff, v7;
	p1 =	sge.s32 s1, s22  }
0x14a: {  	s30 =	simm.s32 $0x10770;
	(xrf0) =	vadd.scan.msk.s32 $0xffff, v10;
	p0 =	por !p0, !p1  }
0x14b: {  	s26 =	simm.s32 $0xFFFFFFFF;
	s0 =	simm.s32 $0x7F;
	v8 =	vld [tilespmem:s30+$0xFFFFFFF0];
	p0 =	por !p0, !p0  }
0x14c: {  	v9 =	vld [tilespmem:s30+$0x0];
	s3 =	sadd.s32 s5, s1;
	s26 =	smov.u32 @p0 s0  }
0x14d: {  	p2 =	sge.s32 s3, s22;
	p3 =	slt.s32 s26, $0x0  }
0x14e: {  	p1 =	por !p2, !p3  }
0x14f: {  	s0 =	simm.s32 $0x7E;
	s7 =	spop (v2sf);
	v14, _, _ =	vpop (xrf0);
	p1 =	por !p1, !p1  }
0x150: {  	(xrf0) =	vadd.scan.msk.s32 $0xffff, v8;
	s29 =	sadd.s32 s7, s3;
	v62, _, _ =	vpop (xrf0);
	(v2sf) =	vpush v14, $0xF;
	s26 =	smov.u32 @p1 s0  }
0x151: {  	(xrf0) =	vadd.scan.msk.s32 $0xffff, v9;
	s8 =	spop (v2sf);
	p3 =	sge.s32 s29, s22;
	(v2sf) =	vpush v62, $0xF;
	p4 =	slt.s32 s26, $0x0  }
0x152: {  	s31 =	simm.s32 $0x7D;
	v15 =	vimm.s32 $0x0;
	s24 =	simm.s32 $0x0;
	p2 =	por !p3, !p4  }
0x153: {  	s4 =	simm.s32 $0x7C;
	s24 =	smov.u32 @p0 s24;
	v12 =	vpsel p0, v12, v15;
	p2 =	por !p2, !p2  }
0x154: {  	s28 =	sadd.s32 s8, s29;
	s0 =	simm.s32 $0x8;
	v15 =	vpsel p1, v11, v12;
	v11 =	vld [tilespmem:s30+$0xFFFFFFE0];
	s26 =	smov.u32 @p2 s31  }
0x155: {  	s24 =	smov.u32 @p1 s1;
	p6 =	sge.s32 s28, s22;
	v12 =	vld [tilespmem:s30+$0xFFFFFFD0];
	p5 =	slt.s32 s26, $0x0  }
0x156: {  	v63, _, _ =	vpop (xrf0);
	s1 =	spop (v2sf);
	s24 =	smov.u32 @p2 s3;
	p0 =	por !p6, !p5  }
0x157: {  	v14, _, _ =	vpop (xrf0);
	(v2sf) =	vpush v63, $0xF;
	s31 =	simm.s32 $0x7B;
	v13 =	vpsel p2, v13, v15;
	s3 =	spop (v2sf);
	p0 =	por !p0, !p0  }
.LBB2_12:
0x158: {  	(v2sf) =	vpush v14, $0xF;
	s3 =	sadd.s32 s28, s3;
	s26 =	smov.u32 @p0 s4;
	s24 =	smov.u32 @p0 s29;
	v13 =	vpsel p0, v5, v13;
	v5 =	vmov v10  }
0x159: {  	(xrf0) =	vadd.scan.msk.s32 $0xffff, v11;
	p0 =	slt.s32 s26, $0x0;
	p1 =	sge.s32 s3, s22;
	s1 =	sadd.s32 s1, s3;
	v15 =	vmov v11  }
0x15a: {  	s0 =	sadd.s32 $0x4, s0;
	s30 =	sadd.s32 $0xFFFFFFC0, s30;
	(xrf0) =	vadd.scan.msk.s32 $0xffff, v12;
	p0 =	por !p0, !p1;
	v10 =	vmov v12  }
0x15b: {  	s4 =	smov.u32 s31;
	p1 =	slt.u32 s0, $0x7C;
	v11 =	vld [tilespmem:s30+$0xFFFFFFF0];
	p0 =	por !p0, !p0  }
0x15c: {  	s26 =	smov.u32 @p0 s31;
	v12 =	vpsel p0, v6, v13;
	v6 =	vmov v9;
	v9 =	vld [tilespmem:s30+$0x0]  }
0x15d: {  	p3 =	sge.s32 s1, s22;
	p2 =	slt.s32 s26, $0x0  }
0x15e: {  	s29 =	sadd.s32 $0xFFFFFFFF, s31;
	p2 =	por !p3, !p2  }
0x15f: {  	s24 =	smov.u32 @p0 s28;
	v13, _, _ =	vpop (xrf0);
	p0 =	por !p2, !p2;
	s28 =	spop (v2sf)  }
0x160: {  	(xrf0) =	vadd.scan.msk.s32 $0xffff, v11;
	(v2sf) =	vpush v13, $0xF;
	v13, _, _ =	vpop (xrf0);
	s26 =	smov.u32 @p0 s29;
	v16 =	vpsel p0, v4, v12;
	s29 =	sadd.s32 s28, s1;
	s28 =	spop (v2sf);
	v4 =	vmov v8  }
0x161: {  	v8 =	vmov v11;
	(xrf0) =	vadd.scan.msk.s32 $0xffff, v9;
	(v2sf) =	vpush v13, $0xF;
	p2 =	slt.s32 s26, $0x0;
	p3 =	sge.s32 s29, s22;
	s28 =	sadd.s32 s28, s29  }
0x162: {  	s24 =	smov.u32 @p0 s3;
	p0 =	por !p3, !p2  }
.Ltmp7:
0x163: {  	s3 =	sadd.s32 $0xFFFFFFFE, s31;
	p0 =	por !p0, !p0;
	(pc) =	sbr.rel @p1 .LBB2_12-.Ltmp7, $4  }
0x164: {  	v11 =	vld [tilespmem:s30+$0xFFFFFFE0];
	s26 =	smov.u32 @p0 s3;
	s24 =	smov.u32 @p0 s1  }
0x165: {  	p3 =	sge.s32 s28, s22;
	v12 =	vld [tilespmem:s30+$0xFFFFFFD0];
	p2 =	slt.s32 s26, $0x0  }
0x166: {  	s31 =	sadd.s32 $0xFFFFFFFC, s31;
	v13, _, _ =	vpop (xrf0);
	s1 =	spop (v2sf);
	p2 =	por !p3, !p2  }
0x167: {  	s4 =	sadd.s32 $0xFFFFFFFD, s4;
	v14, _, _ =	vpop (xrf0);
	(v2sf) =	vpush v13, $0xF;
	s3 =	spop (v2sf);
	v13 =	vpsel p0, v7, v16;
	p0 =	por !p2, !p2;
	v7 =	vmov v15  }
0x168: {  	(v2sf) =	vpush v14, $0xF;
	s0 =	sadd.s32 s28, s3;
	s26 =	smov.u32 @p0 s4  }
0x169: {  	(xrf0) =	vadd.scan.msk.s32 $0xffff, v11;
	p1 =	slt.s32 s26, $0x0;
	p2 =	sge.s32 s0, s22  }
0x16a: {  	p1 =	por !p1, !p2  }
0x16b: {  	p4 =	por !p1, !p1  }
0x16c: {  	s30 =	sadd.s32 s1, s0;
	s26 =	smov.u32 @p4 s31;
	s1 =	simm.s32 @!p4 $0x0  }
0x16d: {  	(xrf0) =	vadd.scan.msk.s32 $0xffff, v12;
	p5 =	sge.s32 s30, s22;
	s1 =	simm.s32 @p4 $0x1;
	p3 =	slt.s32 s26, $0x0  }
0x16e: {  	[smem:$0x7F6] =	sst s1;
	p1 =	por !p5, !p3  }
0x16f: {  	s1 =	sadd.s32 $0xFFFFFFFF, s31;
	v62, _, _ =	vpop (xrf0);
	p1 =	por !p1, !p1;
	s5 =	spop (v2sf)  }
0x170: {  	s3 =	simm.s32 @!p1 $0x0;
	(v2sf) =	vpush v62, $0xF;
	s26 =	smov.u32 @p1 s1;
	s1 =	sadd.s32 s5, s30  }
0x171: {  	s3 =	simm.s32 @p1 $0x1;
	p1 =	slt.s32 s26, $0x0;
	p6 =	sge.s32 s1, s22  }
0x172: {  	s4 =	sadd.s32 $0xFFFFFFFE, s31;
	p1 =	por !p6, !p1  }
0x173: {  	v63, _, _ =	vpop (xrf0);
	s6 =	spop (v2sf);
	[smem:$0x7F5] =	sst s3;
	p1 =	por !p1, !p1  }
0x174: {  	(v2sf) =	vpush v63, $0xF;
	s3 =	sadd.s32 s6, s1;
	s5 =	simm.s32 @!p1 $0x0;
	s26 =	smov.u32 @p1 s4  }
0x175: {  	p3 =	sge.s32 s3, s22;
	s5 =	simm.s32 @p1 $0x1;
	p1 =	slt.s32 s26, $0x0  }
0x176: {  	s7 =	spop (v2sf);
	p1 =	por !p3, !p1  }
0x177: {  	s6 =	sadd.s32 $0xFFFFFFFD, s31;
	s8 =	spop (v2sf);
	p3 =	por !p1, !p1  }
0x178: {  	[smem:$0x7F7] =	sst s5;
	s5 =	sadd.s32 s3, s8;
	s26 =	smov.u32 @p3 s6  }
0x179: {  	s6 =	simm.s32 @!p3 $0x0;
	p5 =	slt.s32 s26, $0x0;
	p6 =	sge.s32 s5, s22  }
0x17a: {  	s6 =	simm.s32 @p3 $0x1;
	p1 =	por !p5, !p6  }
0x17b: {  	[smem:$0x7F8] =	sst s6;
	s6 =	sadd.s32 $0xFFFFFFFC, s31;
	p5 =	por !p1, !p1  }
0x17c: {  	s4 =	sadd.s32 s7, s5;
	s26 =	smov.u32 @p5 s6  }
0x17d: {  	p6 =	sge.s32 s4, s22;
	p2 =	slt.s32 s26, $0x0  }
0x17e: {  	s8 =	sld [smem:$0x7F5];
	p1 =	por !p6, !p2  }
0x17f: {  	s31 =	sadd.s32 $0xFFFFFFFF, s6;
	p6 =	por !p1, !p1;
	s7 =	spop (v2sf)  }
0x180: {  	v5 =	vpsel p0, v5, v13;
	s26 =	smov.u32 @p6 s31;
	s7 =	sadd.s32 s7, s4;
	s31 =	sld [smem:$0x7F7]  }
0x181: {  	v5 =	vpsel p4, v6, v5;
	p2 =	slt.s32 s26, $0x0;
	p4 =	sge.s32 s7, s22  }
0x182: {  	p1 =	por !p4, !p2;
	p4 =	seq.s32 s8, $0x1  }
0x183: {  	v4 =	vpsel p4, v4, v5;
	p2 =	seq.s32 s31, $0x1;
	s31 =	spop (v2sf)  }
0x184: {  	s8 =	sadd.s32 $0xFFFFFFFE, s6;
	v4 =	vpsel p2, v7, v4;
	p2 =	por !p1, !p1;
	s31 =	sadd.s32 s31, s7  }
0x185: {  	s26 =	smov.u32 @p2 s8;
	v4 =	vpsel p3, v10, v4;
	p1 =	sge.s32 s31, s22;
	s31 =	sshll.u32 s23, $0x15  }
0x186: {  	s23 =	sld [smem:$0x7F6];
	v4 =	vpsel p5, v9, v4;
	p3 =	slt.s32 s26, $0x0;
	s8 =	sxor.u32 $0x80200000, s31  }
0x187: {  	p1 =	por !p1, !p3;
	v4 =	vpsel p6, v8, v4;
	v6 =	vmov s8  }
0x188: {  	s24 =	smov.u32 @p0 s29;
	s29 =	simm.s32 $0x10040;
	v4 =	vpsel p2, v11, v4;
	p1 =	por !p1, !p1;
	[tilespmem:s25+$0x10800] =	vst v6  }
0x189: {  	p0 =	seq.s32 s23, $0x1;
	v4 =	vpsel p1, v12, v4;
	[tilespmem:s29+$0xFFFFFFC0] =	vst v1  }
0x18a: {  	s24 =	smov.u32 @p0 s28;
	v5 =	vperm.xlane v4, v3;
	s28 =	sld [smem:$0x7F7];
	[tilespmem:s29+$0x30] =	vst v1  }
0x18b: {  	s31 =	sld [smem:$0x7F8]  }
0x18c: {  	(xrf0) =	vadd.scan.msk.s32 $0xffff, v5  }
0x18d: {  	s24 =	smov.u32 @p4 s0;
	p0 =	seq.s32 s28, $0x1  }
0x18e: {  	s24 =	smov.u32 @p0 s30;
	p0 =	seq.s32 s31, $0x1  }
0x18f: {  	[tilespmem:s29+$0x20] =	vst v1;
	s24 =	smov.u32 @p0 s1  }
0x190: {  	[tilespmem:s29+$0x10] =	vst v1;
	s24 =	smov.u32 @p5 s3  }
0x191: {  	[tilespmem:s29+$0x0] =	vst v1;
	s24 =	smov.u32 @p6 s5  }
0x192: {  	s0 =	sadd.s32 $0xFFFFFFFD, s6;
	[tilespmem:s29+$0xFFFFFFF0] =	vst v1;
	s24 =	smov.u32 @p2 s4;
	v5, _, _ =	vpop (xrf0)  }
0x193: {  	s26 =	smov.u32 @p1 s0;
	s0 =	simm.s32 $0x0;
	[tilespmem:s29+$0xFFFFFFE0] =	vst v1;
	s24 =	smov.u32 @p1 s7;
	v5 =	vperm.xlane v5, v3  }
.LBB2_14:
0x194: {  	s0 =	sadd.s32 $0x8, s0;
	[tilespmem:s29+$0xFFFFFFD0] =	vst v1;
	s29 =	sadd.s32 $0x80, s29  }
0x195: {  	[tilespmem:s29+$0xFFFFFFC0] =	vst v1;
	p0 =	slt.u32 s0, $0x38  }
0x196: {  	[tilespmem:s29+$0x30] =	vst v1  }
.Ltmp8:
0x197: {  	[tilespmem:s29+$0x20] =	vst v1;
	(pc) =	sbr.rel @p0 .LBB2_14-.Ltmp8, $4  }
0x198: {  	[tilespmem:s29+$0x10] =	vst v1  }
0x199: {  	[tilespmem:s29+$0x0] =	vst v1  }
0x19a: {  	[tilespmem:s29+$0xFFFFFFF0] =	vst v1  }
0x19b: {  	[tilespmem:s29+$0xFFFFFFE0] =	vst v1  }
0x19c: {  	v6 =	vadd.s32 s24, v5  }
0x19d: {  	vm0 =	vge.s32 v6, s22  }
0x19e: {  	v6 =	vsel vm0, $0x1, v1  }
0x19f: {  	(xrf0) =	vadd.scan.msk.s32 $0xffff, v6;
	_ =	sdelay $0x5  }
0x1a0: {  	v6, _, _ =	vpop (xrf0)  }
0x1a1: {  	(v2sf) =	vpush v6, $0xF;
	_ =	sdelay $0xe  }
0x1a2: {  	s0 =	spop (v2sf)  }
0x1a3: {  	s0 =	sadd.s32 $0xFFFFFFFF, s0  }
0x1a4: {  	v63 =	vmov s0  }
0x1a5: {  	vm15 =	veq.s32 v63, v0  }
0x1a6: {  	v4 =	vnsel vm15, $0x0, v4  }
0x1a7: {  	(xrf0) =	vadd.scan.msk.s32 $0xffff, v4;
	v4 =	vnsel vm15, $0x0, v5  }
0x1a8: {  	(xrf0) =	vadd.scan.msk.s32 $0xffff, v4;
	_ =	sdelay $0x4  }
0x1a9: {  	v4, _, _ =	vpop (xrf0)  }
0x1aa: {  	(v2sf) =	vpush v4, $0xF;
	v4, _, _ =	vpop (xrf0)  }
0x1ab: {  	s1 =	sadd.s32 $0xF, s25;
	(v2sf) =	vpush v4, $0xF  }
0x1ac: {  	s3 =	sand.u32 $0xF, s1  }
0x1ad: {  	s4 =	sshra.s32 s1, $0x1F;
	p0 =	slt.s32 s1, $0x1;
	p1 =	sne.s32 s3, $0x0  }
0x1ae: {  	s25 =	sshrl.u32 s4, $0x1C;
	p0 =	por !p0, !p1  }
0x1af: {  	s3 =	simm.s32 $0x1;
	s1 =	sadd.s32 s25, s1;
	p0 =	por !p0, !p0  }
0x1b0: {  	s1 =	sshra.s32 s1, $0x4;
	s3 =	simm.s32 @!p0 $0x0  }
0x1b1: {  	s28 =	ssub.s32 s1, s3  }
0x1b2: {  	s1 =	sshrl.u32 s28, $0x1F  }
0x1b3: {  	s1 =	sadd.s32 s1, s28  }
0x1b4: {  	s30 =	sshll.u32 s26, $0x4;
	s26 =	sand.u32 $0xFFFFFFFE, s1  }
0x1b5: {  	p0 =	slt.s32 s26, $0x1  }
.Ltmp9:
0x1b6: {  	_ = 	snop;
	(pc) =	sbr.rel @p0 .LBB2_25-.Ltmp9, $3  }
0x1b7: {  	_ =	sdelay $0x1  }
0x1b8: {  	s31 =	sshll.u32 s21, $0xB;
	s23 =	sadd.s32 s30, s0;
	s25 =	spop (v2sf)  }
0x1b9: {  	[tilespmem:s29+$0xFFFFFFD0] =	vst v1;
	s29 =	sor.u32 s31, s23;
	s0 =	spop (v2sf)  }
0x1ba: {  	p2 =	sgt.s32 s26, $0x2  }
.Ltmp10:
0x1bb: {  	_ = 	snop;
	(pc) =	sbr.rel @!p2 .LBB2_17-.Ltmp10, $4  }
0x1bc: {  	_ = 	snop  }
0x1bd: {  	s1 =	simm.s32 $0x10810  }
0x1be: {  	v7 =	vld [tilespmem:s1+$0x0]  }
0x1bf: {  	v4 =	vmov s29;
	p0 =	por $0x0, $0x0;
	p1 =	por $0x0, $0x0;
	v13 =	vld [tilespmem:s1+$0xFFFFFFF0]  }
0x1c0: {  	p2 =	sgt.s32 s26, $0x4  }
.Ltmp11:
0x1c1: {  	_ = 	snop;
	(pc) =	sbr.rel @!p2 .LBB2_19-.Ltmp11, $4  }
0x1c2: {  	s1 =	simm.s32 $0x10830  }
0x1c3: {  	v5 =	vld [tilespmem:s1+$0x0]  }
0x1c4: {  	v6 =	vshrl.u32 v13, $0xA  }
0x1c5: {  	p0 =	por $0x1, $0x1;
	v8 =	vshrl.u32 v7, $0xA;
	v10 =	vand.u32 $0x3FF, v13;
	v13 =	vld [tilespmem:s1+$0xFFFFFFF0];
	vm1 =	veq.s32 v6, v4  }
0x1c6: {  	_ = 	snop  }
0x1c7: {  	p2 =	sgt.s32 s26, $0x6  }
.Ltmp12:
0x1c8: {  	vm0 =	veq.s32 v8, v4;
	(pc) =	sbr.rel @!p2 .LBB2_21-.Ltmp12, $4  }
0x1c9: {  	s1 =	simm.s32 $0x10850;
	v6 =	vand.u32 $0x3FF, v7  }
0x1ca: {  	v9 =	vld [tilespmem:s1+$0x0]  }
0x1cb: {  	[tilespmem:v10+s16+$0x0] =	vst.idx.add.s32.msk vm1, v2;
	v7 =	vshrl.u32 v13, $0xA  }
0x1cc: {  	s30 =	simm.s32 $0x6;
	p1 =	por $0x1, $0x1;
	v12 =	vld [tilespmem:s1+$0xFFFFFFF0];
	v8 =	vshrl.u32 v5, $0xA;
	v11 =	vand.u32 $0x3FF, v13;
	vm2 =	veq.s32 v7, v4  }
.LBB2_22:
0x1cd: {  	s30 =	sadd.s32 $0x2, s30  }
0x1ce: {  	s1 =	sadd.s32 $0x20, s1;
	[tilespmem:v6+s16+$0x0] =	vst.idx.add.s32.msk vm0, v2;
	vm0 =	veq.s32 v8, v4;
	p2 =	slt.s32 s30, s26  }
.Ltmp13:
0x1cf: {  	v6 =	vand.u32 $0x3FF, v5;
	v5 =	vmov v9;
	v9 =	vld [tilespmem:s1+$0x0];
	(pc) =	sbr.rel @p2 .LBB2_22-.Ltmp13, $4  }
0x1d0: {  	_ = 	snop  }
0x1d1: {  	v7 =	vand.u32 $0x3FF, v12  }
0x1d2: {  	v10 =	vshrl.u32 v12, $0xA;
	v12 =	vld [tilespmem:s1+$0xFFFFFFF0]  }
0x1d3: {  	v8 =	vshrl.u32 v5, $0xA;
	[tilespmem:v11+s16+$0x0] =	vst.idx.add.s32.msk vm2, v2;
	vm2 =	veq.s32 v10, v4;
	v11 =	vmov v7  }
0x1d4: {  	_ =	sdelay $0x2  }
0x1d5: {  	v7 =	vmovc v5;
	v5 =	vmovc v9;
	vm1 =	vmmov vm2;
	v10 =	vmov v11;
	v13 =	vmov v12  }
.LBB2_24:
0x1d6: {  	vm2 =	veq.s32 @p0 v8, v4  }
0x1d7: {  	v7 =	vand.u32 @p0 $0x3FF, v7;
	v62 =	vshrl.u32 v13, $0xA;
	vm2 =	vmmov @p0 vm2  }
0x1d8: {  	v63 =	vshrl.u32 v5, $0xA;
	vm3 =	veq.s32 v62, v4;
	v7 =	vpsel p0, v7, v0  }
0x1d9: {  	v9 =	vand.u32 $0x3FF, v13;
	vm4 =	veq.s32 v63, v4  }
0x1da: {  	v4 =	vand.u32 $0x3FF, v5  }
0x1db: {  	[tilespmem:v6+s16+$0x0] =	vst.idx.add.s32.msk @p1 vm0, v2  }
0x1dc: {  	[tilespmem:v10+s16+$0x0] =	vst.idx.add.s32.msk @p0 vm1, v2  }
0x1dd: {  	[tilespmem:v7+s16+$0x0] =	vst.idx.add.s32.msk @p0 vm2, v2  }
0x1de: {  	[tilespmem:v9+s16+$0x0] =	vst.idx.add.s32.msk vm3, v2  }
0x1df: {  	[tilespmem:v4+s16+$0x0] =	vst.idx.add.s32.msk vm4, v2  }
.LBB2_25:
0x1e0: {  	s1 =	ssub.s32 s28, s26  }
0x1e1: {  	p0 =	sgt.s32 s1, $0x0  }
0x1e2: {  	s1 =	sshll.u32 @p0 s26, $0x6  }
0x1e3: {  	s1 =	sshra.s32 @p0 s1, $0x2  }
0x1e4: {  	v4 =	vld @p0 [tilespmem:s1+$0x10800];
	_ =	sdelay $0x4  }
0x1e5: {  	v5 =	vshrl.u32 @p0 v4, $0xA  }
0x1e6: {  	vm0 =	veq.s32 @p0 v5, s29  }
0x1e7: {  	v4 =	vand.u32 @p0 $0x3FF, v4;
	_ =	sdelay $0x1  }
0x1e8: {  	s0 =	sadd.s32 s0, s24  }
0x1e9: {  	s0 =	ssub.s32 s22, s0  }
0x1ea: {  	s22 =	sadd.s32 s25, s0;
	s0 =	simm.s32 @p0 $0x10000;
	v5 =	vimm.s32 @p0 $0x1  }
0x1eb: {  	s7 =	simm.s32 $0x103F0;
	[tilespmem:v4+s0+$0x0] =	vst.idx.add.s32.msk @p0 vm0, v5  }
0x1ec: {  	v12 =	vld [tilespmem:s7+$0xFFFFFFF0]  }
0x1ed: {  	v13 =	vld [tilespmem:s7+$0x0];
	_ =	sdelay $0x3  }
0x1ee: {  	(xrf0) =	vadd.scan.msk.s32 $0xffff, v12  }
0x1ef: {  	(xrf0) =	vadd.scan.msk.s32 $0xffff, v13  }
0x1f0: {  	v15 =	vld [tilespmem:s7+$0xFFFFFFE0];
	_ =	sdelay $0x3  }
0x1f1: {  	s8 =	simm.s32 $0x103B0;
	v5 =	vld [tilespmem:s7+$0xFFFFFFD0];
	v4, _, _ =	vpop (xrf0)  }
0x1f2: {  	(xrf0) =	vadd.scan.msk.s32 $0xffff, v15;
	v6, _, _ =	vpop (xrf0);
	(v2sf) =	vpush v4, $0xF;
	v4 =	vld [tilespmem:s8+$0xFFFFFFF0]  }
0x1f3: {  	(v2sf) =	vpush v6, $0xF;
	v6 =	vld [tilespmem:s8+$0x0];
	_ =	sdelay $0x2  }
0x1f4: {  	(xrf0) =	vadd.scan.msk.s32 $0xffff, v5  }
0x1f5: {  	(xrf0) =	vadd.scan.msk.s32 $0xffff, v4  }
0x1f6: {  	v7, _, _ =	vpop (xrf0);
	(xrf0) =	vadd.scan.msk.s32 $0xffff, v6;
	_ =	sdelay $0x2  }
0x1f7: {  	(v2sf) =	vpush v7, $0xF  }
0x1f8: {  	v7, _, _ =	vpop (xrf0)  }
0x1f9: {  	(v2sf) =	vpush v7, $0xF;
	v7, _, _ =	vpop (xrf0)  }
0x1fa: {  	v8, _, _ =	vpop (xrf0);
	(v2sf) =	vpush v7, $0xF  }
0x1fb: {  	(v2sf) =	vpush v8, $0xF;
	v8 =	vld [tilespmem:s8+$0xFFFFFFE0]  }
0x1fc: {  	v10 =	vld [tilespmem:s8+$0xFFFFFFD0]  }
0x1fd: {  	s3 =	spop (v2sf)  }
0x1fe: {  	s4 =	spop (v2sf)  }
0x1ff: {  	s4 =	sadd.s32 $0x0, s4  }
0x200: {  	p2 =	por $0x1, $0x1;
	p1 =	sge.s32 s4, s22;
	(xrf0) =	vadd.scan.msk.s32 $0xffff, v8  }
0x201: {  	s30 =	simm.s32 $0x10370;
	p0 =	por !p2, !p1;
	(xrf0) =	vadd.scan.msk.s32 $0xffff, v10  }
0x202: {  	s25 =	simm.s32 $0xFFFFFFFF;
	s0 =	simm.s32 $0x3F;
	v7 =	vld [tilespmem:s30+$0xFFFFFFF0];
	p0 =	por !p0, !p0  }
0x203: {  	v9 =	vld [tilespmem:s30+$0x0];
	s1 =	sadd.s32 s3, s4;
	s25 =	smov.u32 @p0 s0  }
0x204: {  	p2 =	sge.s32 s1, s22;
	p3 =	slt.s32 s25, $0x0  }
0x205: {  	p1 =	por !p2, !p3  }
0x206: {  	s26 =	spop (v2sf);
	s0 =	simm.s32 $0x3E;
	p1 =	por !p1, !p1;
	v14, _, _ =	vpop (xrf0)  }
0x207: {  	s28 =	sadd.s32 s26, s1;
	(xrf0) =	vadd.scan.msk.s32 $0xffff, v7;
	s25 =	smov.u32 @p1 s0;
	v16, _, _ =	vpop (xrf0);
	(v2sf) =	vpush v14, $0xF  }
0x208: {  	s24 =	simm.s32 $0x0;
	(xrf0) =	vadd.scan.msk.s32 $0xffff, v9;
	p3 =	sge.s32 s28, s22;
	p4 =	slt.s32 s25, $0x0;
	(v2sf) =	vpush v16, $0xF  }
0x209: {  	v11 =	vimm.s32 $0x0;
	s5 =	simm.s32 $0x3D;
	s31 =	spop (v2sf);
	p2 =	por !p3, !p4  }
0x20a: {  	s29 =	simm.s32 $0x3B;
	v11 =	vpsel p0, v13, v11;
	s26 =	sadd.s32 s31, s28;
	p2 =	por !p2, !p2  }
0x20b: {  	s24 =	smov.u32 @p0 s24;
	p6 =	sge.s32 s26, s22;
	v13 =	vpsel p1, v12, v11;
	v11 =	vld [tilespmem:s30+$0xFFFFFFE0];
	s25 =	smov.u32 @p2 s5  }
0x20c: {  	s0 =	simm.s32 $0x8;
	s24 =	smov.u32 @p1 s4;
	v12 =	vld [tilespmem:s30+$0xFFFFFFD0];
	p5 =	slt.s32 s25, $0x0  }
0x20d: {  	v63, _, _ =	vpop (xrf0);
	s24 =	smov.u32 @p2 s1;
	s1 =	spop (v2sf);
	p0 =	por !p6, !p5  }
0x20e: {  	s4 =	simm.s32 $0x3C;
	v14, _, _ =	vpop (xrf0);
	(v2sf) =	vpush v63, $0xF;
	v13 =	vpsel p2, v15, v13;
	s3 =	spop (v2sf);
	p0 =	por !p0, !p0  }
.LBB2_26:
0x20f: {  	(v2sf) =	vpush v14, $0xF;
	s3 =	sadd.s32 s26, s3;
	s25 =	smov.u32 @p0 s4;
	s24 =	smov.u32 @p0 s28;
	v13 =	vpsel p0, v5, v13;
	v5 =	vmov v10  }
0x210: {  	(xrf0) =	vadd.scan.msk.s32 $0xffff, v11;
	p0 =	slt.s32 s25, $0x0;
	p1 =	sge.s32 s3, s22;
	s1 =	sadd.s32 s1, s3;
	v15 =	vmov v11  }
0x211: {  	s0 =	sadd.s32 $0x4, s0;
	s30 =	sadd.s32 $0xFFFFFFC0, s30;
	(xrf0) =	vadd.scan.msk.s32 $0xffff, v12;
	p0 =	por !p0, !p1;
	v10 =	vmov v12  }
0x212: {  	s4 =	smov.u32 s29;
	p1 =	slt.u32 s0, $0x3C;
	v11 =	vld [tilespmem:s30+$0xFFFFFFF0];
	p0 =	por !p0, !p0  }
0x213: {  	s25 =	smov.u32 @p0 s29;
	v12 =	vpsel p0, v6, v13;
	v6 =	vmov v9;
	v9 =	vld [tilespmem:s30+$0x0]  }
0x214: {  	p3 =	sge.s32 s1, s22;
	p2 =	slt.s32 s25, $0x0  }
0x215: {  	s5 =	sadd.s32 $0xFFFFFFFF, s29;
	p2 =	por !p3, !p2  }
0x216: {  	s24 =	smov.u32 @p0 s26;
	v13, _, _ =	vpop (xrf0);
	p0 =	por !p2, !p2;
	s6 =	spop (v2sf)  }
0x217: {  	(xrf0) =	vadd.scan.msk.s32 $0xffff, v11;
	(v2sf) =	vpush v13, $0xF;
	v13, _, _ =	vpop (xrf0);
	s25 =	smov.u32 @p0 s5;
	v16 =	vpsel p0, v4, v12;
	s28 =	sadd.s32 s6, s1;
	s5 =	spop (v2sf);
	v4 =	vmov v7  }
0x218: {  	v7 =	vmov v11;
	(xrf0) =	vadd.scan.msk.s32 $0xffff, v9;
	(v2sf) =	vpush v13, $0xF;
	p2 =	slt.s32 s25, $0x0;
	p3 =	sge.s32 s28, s22;
	s26 =	sadd.s32 s5, s28  }
0x219: {  	s24 =	smov.u32 @p0 s3;
	p0 =	por !p3, !p2  }
.Ltmp14:
0x21a: {  	s3 =	sadd.s32 $0xFFFFFFFE, s29;
	p0 =	por !p0, !p0;
	(pc) =	sbr.rel @p1 .LBB2_26-.Ltmp14, $4  }
0x21b: {  	v11 =	vld [tilespmem:s30+$0xFFFFFFE0];
	s25 =	smov.u32 @p0 s3;
	s24 =	smov.u32 @p0 s1  }
0x21c: {  	p3 =	sge.s32 s26, s22;
	v12 =	vld [tilespmem:s30+$0xFFFFFFD0];
	p2 =	slt.s32 s25, $0x0  }
0x21d: {  	s29 =	sadd.s32 $0xFFFFFFFC, s29;
	v13, _, _ =	vpop (xrf0);
	s1 =	spop (v2sf);
	p2 =	por !p3, !p2  }
0x21e: {  	s4 =	sadd.s32 $0xFFFFFFFD, s4;
	v14, _, _ =	vpop (xrf0);
	(v2sf) =	vpush v13, $0xF;
	s3 =	spop (v2sf);
	v13 =	vpsel p0, v8, v16;
	p0 =	por !p2, !p2;
	v8 =	vmov v15  }
0x21f: {  	(v2sf) =	vpush v14, $0xF;
	s0 =	sadd.s32 s26, s3;
	s25 =	smov.u32 @p0 s4  }
0x220: {  	(xrf0) =	vadd.scan.msk.s32 $0xffff, v11;
	p1 =	slt.s32 s25, $0x0;
	p2 =	sge.s32 s0, s22  }
0x221: {  	p1 =	por !p1, !p2  }
0x222: {  	p5 =	por !p1, !p1  }
0x223: {  	s30 =	sadd.s32 s1, s0;
	s25 =	smov.u32 @p5 s29;
	s1 =	simm.s32 @!p5 $0x0  }
0x224: {  	(xrf0) =	vadd.scan.msk.s32 $0xffff, v12;
	p4 =	sge.s32 s30, s22;
	s1 =	simm.s32 @p5 $0x1;
	p3 =	slt.s32 s25, $0x0  }
0x225: {  	[smem:$0x7F2] =	sst s1;
	p1 =	por !p4, !p3  }
0x226: {  	s1 =	sadd.s32 $0xFFFFFFFF, s29;
	v14, _, _ =	vpop (xrf0);
	p1 =	por !p1, !p1;
	s6 =	spop (v2sf)  }
0x227: {  	s3 =	simm.s32 @!p1 $0x0;
	(v2sf) =	vpush v14, $0xF;
	s25 =	smov.u32 @p1 s1;
	s1 =	sadd.s32 s6, s30  }
0x228: {  	s3 =	simm.s32 @p1 $0x1;
	p1 =	slt.s32 s25, $0x0;
	p6 =	sge.s32 s1, s22  }
0x229: {  	p1 =	por !p6, !p1  }
0x22a: {  	s4 =	sadd.s32 $0xFFFFFFFE, s29;
	v14, _, _ =	vpop (xrf0);
	s7 =	spop (v2sf);
	p4 =	por !p1, !p1  }
0x22b: {  	(v2sf) =	vpush v14, $0xF;
	[smem:$0x7F0] =	sst s3;
	s3 =	sadd.s32 s7, s1;
	s25 =	smov.u32 @p4 s4  }
0x22c: {  	s6 =	sadd.s32 $0xFFFFFFFD, s29;
	p3 =	sge.s32 s3, s22;
	p2 =	slt.s32 s25, $0x0  }
0x22d: {  	s4 =	simm.s32 @!p4 $0x0;
	s8 =	spop (v2sf);
	p1 =	por !p3, !p2  }
0x22e: {  	s4 =	simm.s32 @p4 $0x1;
	s5 =	spop (v2sf);
	p1 =	por !p1, !p1  }
0x22f: {  	s7 =	simm.s32 @!p1 $0x0;
	s5 =	sadd.s32 s3, s5;
	s25 =	smov.u32 @p1 s6  }
0x230: {  	s7 =	simm.s32 @p1 $0x1;
	p1 =	slt.s32 s25, $0x0;
	p6 =	sge.s32 s5, s22  }
0x231: {  	[smem:$0x7F3] =	sst s4;
	s6 =	sadd.s32 $0xFFFFFFFC, s29;
	p1 =	por !p1, !p6  }
0x232: {  	s29 =	sld [smem:$0x7F0];
	s4 =	sadd.s32 s8, s5;
	p3 =	por !p1, !p1  }
0x233: {  	[smem:$0x7F1] =	sst s7;
	s25 =	smov.u32 @p3 s6;
	s7 =	simm.s32 @!p3 $0x0  }
0x234: {  	p6 =	sge.s32 s4, s22;
	s7 =	simm.s32 @p3 $0x1;
	p2 =	slt.s32 s25, $0x0  }
0x235: {  	[smem:$0x7F4] =	sst s7;
	p1 =	por !p6, !p2  }
0x236: {  	s7 =	sadd.s32 $0xFFFFFFFF, s6;
	p6 =	por !p1, !p1;
	s8 =	spop (v2sf)  }
0x237: {  	v5 =	vpsel p0, v5, v13;
	s25 =	smov.u32 @p6 s7;
	s7 =	sadd.s32 s8, s4  }
0x238: {  	v5 =	vpsel p5, v6, v5;
	s31 =	sld [smem:$0x7F1];
	p2 =	slt.s32 s25, $0x0;
	p5 =	sge.s32 s7, s22  }
0x239: {  	p1 =	por !p5, !p2;
	p5 =	seq.s32 s29, $0x1  }
0x23a: {  	s8 =	spop (v2sf);
	v4 =	vpsel p5, v4, v5  }
0x23b: {  	s29 =	sadd.s32 $0xFFFFFFFE, s6;
	p1 =	por !p1, !p1;
	v4 =	vpsel p4, v8, v4;
	p4 =	seq.s32 s31, $0x1  }
0x23c: {  	s8 =	sadd.s32 s8, s7;
	s25 =	smov.u32 @p1 s29;
	v4 =	vpsel p4, v10, v4  }
0x23d: {  	p2 =	sge.s32 s8, s22;
	v4 =	vpsel p3, v9, v4;
	p3 =	slt.s32 s25, $0x0  }
0x23e: {  	s31 =	sld [smem:$0x7F2];
	p2 =	por !p2, !p3;
	v4 =	vpsel p6, v7, v4  }
0x23f: {  	v4 =	vpsel p1, v11, v4;
	p2 =	por !p2, !p2  }
0x240: {  	v4 =	vpsel p2, v12, v4  }
0x241: {  	s24 =	smov.u32 @p0 s28;
	p0 =	seq.s32 s31, $0x1;
	v4 =	vperm.xlane v4, v3  }
0x242: {  	s24 =	smov.u32 @p0 s26;
	s26 =	sld [smem:$0x7F3]  }
0x243: {  	(xrf0) =	vadd.scan.msk.s32 $0xffff, v4  }
0x244: {  	s28 =	sld [smem:$0x7F4]  }
0x245: {  	s24 =	smov.u32 @p5 s0;
	p0 =	seq.s32 s26, $0x1  }
0x246: {  	s24 =	smov.u32 @p0 s30  }
0x247: {  	p0 =	seq.s32 s28, $0x1;
	s24 =	smov.u32 @p4 s1  }
0x248: {  	s24 =	smov.u32 @p0 s3  }
0x249: {  	s24 =	smov.u32 @p6 s5;
	v4, _, _ =	vpop (xrf0)  }
0x24a: {  	s24 =	smov.u32 @p1 s4;
	v4 =	vperm.xlane v4, v3  }
0x24b: {  	s24 =	smov.u32 @p2 s7  }
0x24c: {  	v5 =	vadd.s32 s24, v4  }
0x24d: {  	vm0 =	vge.s32 v5, s22  }
0x24e: {  	v5 =	vsel vm0, $0x1, v1  }
0x24f: {  	(xrf0) =	vadd.scan.msk.s32 $0xffff, v5;
	_ =	sdelay $0x5  }
0x250: {  	v5, _, _ =	vpop (xrf0)  }
0x251: {  	(v2sf) =	vpush v5, $0xF;
	_ =	sdelay $0xd  }
0x252: {  	s0 =	sadd.s32 $0xFFFFFFFD, s6  }
0x253: {  	s31 =	sshll.u32 s23, $0xA;
	s25 =	smov.u32 @p2 s0;
	s29 =	spop (v2sf)  }
0x254: {  	s0 =	sshll.u32 s25, $0x4;
	s30 =	sshll.u32 s21, $0x15;
	s26 =	sadd.s32 $0xFFFFFFFF, s29  }
0x255: {  	s1 =	sor.u32 s30, s31;
	s0 =	sadd.s32 s0, s26  }
0x256: {  	s21 =	simm.s32 $0x40;
	s0 =	sor.u32 s0, s1  }
0x257: {  	v7 =	vld [tilespmem:s21+$0x30];
	s1 =	sxor.u32 $0x7FFFFFFF, s0;
	p0 =	slt.s32 s0, $0x0;
	s3 =	smov.u32 s0  }
0x258: {  	v12 =	vld [tilespmem:s21+$0xFFFFFFD0];
	s3 =	smov.u32 @p0 s1  }
0x259: {  	v11 =	vld [tilespmem:s21+$0xFFFFFFE0];
	v5 =	vmov s3  }
0x25a: {  	v10 =	vld [tilespmem:s21+$0xFFFFFFF0];
	v5 =	vbroadcast v5, $0x0  }
0x25b: {  	v9 =	vld [tilespmem:s21+$0x0]  }
0x25c: {  	v8 =	vld [tilespmem:s21+$0x10];
	vm0 =	vge.f32 v7, v5  }
0x25d: {  	v6 =	vld [tilespmem:s21+$0x20];
	vm1 =	vge.f32 v12, v5;
	v13 =	vnsel vm0, $0x0, v7  }
0x25e: {  	s23 =	simm.s32 $0xC0;
	s1 =	simm.s32 $0x0;
	v7 =	vld [tilespmem:s21+$0xFFFFFFC0];
	v12 =	vnsel vm1, $0x0, v12;
	vm0 =	vge.f32 v11, v5;
	[tilespmem:s21+$0x30] =	vst v13  }
.LBB2_28:
0x25f: {  	v13 =	vld [tilespmem:s23+$0x30];
	s1 =	sadd.s32 $0x8, s1;
	[tilespmem:s21+$0xFFFFFFD0] =	vst v12;
	v11 =	vnsel vm0, $0x0, v11;
	vm0 =	vge.f32 v10, v5  }
0x260: {  	v12 =	vld [tilespmem:s23+$0xFFFFFFD0];
	p0 =	slt.u32 s1, $0x7F8;
	[tilespmem:s21+$0xFFFFFFE0] =	vst v11;
	v10 =	vnsel vm0, $0x0, v10;
	vm0 =	vge.f32 v9, v5  }
0x261: {  	v11 =	vld [tilespmem:s23+$0xFFFFFFE0];
	[tilespmem:s21+$0xFFFFFFF0] =	vst v10;
	v9 =	vnsel vm0, $0x0, v9;
	vm0 =	vge.f32 v8, v5  }
.Ltmp15:
0x262: {  	v10 =	vld [tilespmem:s23+$0xFFFFFFF0];
	[tilespmem:s21+$0x0] =	vst v9;
	v8 =	vnsel vm0, $0x0, v8;
	vm0 =	vge.f32 v6, v5;
	(pc) =	sbr.rel @p0 .LBB2_28-.Ltmp15, $4  }
0x263: {  	v9 =	vld [tilespmem:s23+$0x0];
	vm1 =	vge.f32 v7, v5;
	[tilespmem:s21+$0x10] =	vst v8;
	v6 =	vnsel vm0, $0x0, v6  }
0x264: {  	v8 =	vld [tilespmem:s23+$0x10];
	vm0 =	vge.f32 v13, v5;
	v7 =	vnsel vm1, $0x0, v7;
	[tilespmem:s21+$0x20] =	vst v6  }
0x265: {  	vm1 =	vge.f32 v12, v5;
	v6 =	vld [tilespmem:s23+$0x20];
	v13 =	vnsel vm0, $0x0, v13;
	[tilespmem:s21+$0xFFFFFFC0] =	vst v7;
	s21 =	smov.u32 s23  }
0x266: {  	s23 =	sadd.s32 $0x80, s23;
	v7 =	vld [tilespmem:s21+$0xFFFFFFC0];
	v12 =	vnsel vm1, $0x0, v12;
	vm0 =	vge.f32 v11, v5;
	[tilespmem:s21+$0x30] =	vst v13  }
0x267: {  	v13 =	vmov s26  }
0x268: {  	vm1 =	veq.s32 v13, v0  }
0x269: {  	v4 =	vnsel vm1, $0x0, v4  }
0x26a: {  	(xrf0) =	vadd.scan.msk.s32 $0xffff, v4;
	_ =	sdelay $0x5  }
0x26b: {  	v4, _, _ =	vpop (xrf0)  }
0x26c: {  	(v2sf) =	vpush v4, $0xF;
	_ =	sdelay $0xe  }
0x26d: {  	vm11 =	vge.f32 v10, v5;
	s3 =	ssub.s32 s24, s22;
	vm12 =	vge.f32 v9, v5;
	vm15 =	vge.f32 v7, v5;
	s1 =	spop (v2sf)  }
0x26e: {  	[tilespmem:s21+$0xFFFFFFD0] =	vst v12;
	vm13 =	vge.f32 v8, v5;
	vm14 =	vge.f32 v6, v5;
	v5 =	vnsel vm15, $0x0, v7;
	s1 =	sadd.s32 s1, s3  }
0x26f: {  	[tilespmem:s21+$0xFFFFFFC0] =	vst v5;
	v4 =	vnsel vm0, $0x0, v11;
	p0 =	slt.s32 s1, $0x1  }
.Ltmp16:
0x270: {  	[tilespmem:s21+$0xFFFFFFE0] =	vst v4;
	v4 =	vnsel vm11, $0x0, v10;
	(pc) =	sbr.rel @p0 .LBB2_32-.Ltmp16, $4  }
0x271: {  	[tilespmem:s21+$0xFFFFFFF0] =	vst v4;
	v4 =	vnsel vm12, $0x0, v9  }
0x272: {  	[tilespmem:s21+$0x0] =	vst v4;
	v4 =	vnsel vm13, $0x0, v8  }
0x273: {  	[tilespmem:s21+$0x10] =	vst v4;
	v4 =	vnsel vm14, $0x0, v6  }
0x274: {  	[tilespmem:s21+$0x20] =	vst v4  }
0x275: {  	v4 =	vmov s0;
	s0 =	simm.s32 $0x1FFC0  }
.LBB2_31:
0x276: {  	s3 =	sshra.s32 s0, $0x2  }
0x277: {  	v5 =	vld [tilespmem:s3+$0x0];
	_ =	sdelay $0x4  }
0x278: {  	v6 =	vshra.s32 v5, $0x1F  }
0x279: {  	v6 =	vand.u32 $0x7FFFFFFF, v6  }
0x27a: {  	v6 =	vxor.u32 v5, v6  }
0x27b: {  	vm0 =	veq.s32 v6, v4  }
0x27c: {  	v6 =	vsel vm0, $0x1, v1  }
0x27d: {  	v7 =	vperm.xlane v6, v3;
	_ =	sdelay $0x1  }
0x27e: {  	(xrf0) =	vadd.scan.msk.s32 $0xffff, v7  }
0x27f: {  	(xrf0) =	vadd.scan.msk.s32 $0xffff, v6;
	_ =	sdelay $0x4  }
0x280: {  	v6, _, _ =	vpop (xrf0)  }
0x281: {  	v7, _, _ =	vpop (xrf0)  }
0x282: {  	(v2sf) =	vpush v7, $0xF;
	_ =	sdelay $0xd  }
0x283: {  	v6 =	vperm.xlane v6, v3  }
0x284: {  	s4 =	spop (v2sf)  }
0x285: {  	p0 =	seq.s32 s0, $0x0;
	vm1 =	vle.s32 v6, s1;
	s1 =	ssub.s32 s1, s4  }
0x286: {  	p1 =	sgt.s32 @!p0 s1, $0x0  }
0x287: {  	p0 =	por p0, !p1  }
.Ltmp17:
0x288: {  	_ = 	snop;
	(pc) =	sbr.rel @!p0 .LBB2_31-.Ltmp17, $4  }
0x289: {  	_ = 	snop  }
0x28a: {  	vm0 =	vmand vm1, vm0  }
0x28b: {  	v5 =	vsel vm0, $0x0, v5  }
0x28c: {  	s0 =	sadd.s32 $0xFFFFFFC0, s0;
	[tilespmem:s3+$0x0] =	vst v5  }
.LBB2_32:
0x28d: {  	s0 =	rddreg [dreg:$0x5]  }
0x28e: {  	[hbm4b:s0+s12] =	stream.strided.scatter [tilespmem:s2], [sflag:$0x3], $0x8000, s13, s12, $0x38;
	[tilespmem:$0x18880] =	vst v63  }
0x28f: {  	_ =	swait.ge [sflag:s17], $0x8000  }
0x290: {  	[sflag:s17] =	ssyncset.done $0x0  }
0x291: {  	s31 =	rddreg [dreg:$0x6];
	[sflag:s17] =	ssyncadd.s32 $0xFFFF8000  }
0x292: {  	[tilespmem:s2], [sflag:$0x1] =	stream.strided.gather [hbm4b:s31+s12], $0x8000, s13, s12, $0x38;
	[tilespmem:$0x18880] =	vst v63  }
0x293: {  	_ =	swait.ge [sflag:s18], $0x8000  }
0x294: {  	[sflag:s18] =	ssyncset.done $0x0  }
0x295: {  	s0 =	simm.s32 $0x10040;
	[sflag:s18] =	ssyncadd.s32 $0xFFFF8000  }
0x296: {  	[tilespmem:s0+$0xFFFFFFC0] =	vst v1  }
0x297: {  	[tilespmem:s0+$0x30] =	vst v1  }
0x298: {  	[tilespmem:s0+$0x20] =	vst v1  }
0x299: {  	[tilespmem:s0+$0x10] =	vst v1  }
0x29a: {  	[tilespmem:s0+$0x0] =	vst v1  }
0x29b: {  	[tilespmem:s0+$0xFFFFFFF0] =	vst v1  }
0x29c: {  	s21 =	simm.s32 $0x0;
	[tilespmem:s0+$0xFFFFFFE0] =	vst v1  }
.LBB2_33:
0x29d: {  	s21 =	sadd.s32 $0x8, s21;
	[tilespmem:s0+$0xFFFFFFD0] =	vst v1;
	s0 =	sadd.s32 $0x80, s0;
	s1 =	simm.s32 $0x8040  }
0x29e: {  	[tilespmem:s0+$0xFFFFFFC0] =	vst v1;
	p0 =	slt.u32 s21, $0x78  }
0x29f: {  	[tilespmem:s0+$0x30] =	vst v1  }
.Ltmp18:
0x2a0: {  	[tilespmem:s0+$0x20] =	vst v1;
	(pc) =	sbr.rel @p0 .LBB2_33-.Ltmp18, $4  }
0x2a1: {  	[tilespmem:s0+$0x10] =	vst v1  }
0x2a2: {  	[tilespmem:s0+$0x0] =	vst v1  }
0x2a3: {  	[tilespmem:s0+$0xFFFFFFF0] =	vst v1  }
0x2a4: {  	[tilespmem:s0+$0xFFFFFFE0] =	vst v1  }
0x2a5: {  	[tilespmem:s0+$0xFFFFFFD0] =	vst v1  }
0x2a6: {  	v4 =	vld [tilespmem:s1+$0x30]  }
0x2a7: {  	v5 =	vld [tilespmem:s1+$0xFFFFFFD0]  }
0x2a8: {  	v6 =	vld [tilespmem:s1+$0xFFFFFFE0]  }
0x2a9: {  	v7 =	vld [tilespmem:s1+$0xFFFFFFF0]  }
0x2aa: {  	v8 =	vld [tilespmem:s1+$0x0];
	_ =	sdelay $0x1  }
0x2ab: {  	v9 =	vld [tilespmem:s1+$0x10]  }
0x2ac: {  	v12 =	vld [tilespmem:s1+$0x20]  }
0x2ad: {  	v13 =	vld [tilespmem:s1+$0xFFFFFFC0];
	v10 =	vshra.s32 v4, $0x1F;
	v11 =	vshra.s32 v5, $0x1F;
	v14 =	vshra.s32 v6, $0x1F  }
0x2ae: {  	v62 =	vshra.s32 v7, $0x1F;
	v15 =	vshra.s32 v8, $0x1F;
	v10 =	vand.u32 $0x7FE00000, v10  }
0x2af: {  	v11 =	vand.u32 $0x7FE00000, v11;
	v4 =	vxor.u32 v4, v10;
	v10 =	vand.u32 $0x7FE00000, v14  }
0x2b0: {  	v14 =	vand.u32 $0x7FE00000, v62;
	v11 =	vxor.u32 v5, v11;
	v4 =	vshrl.u32 v4, $0x15  }
0x2b1: {  	v5 =	vshra.s32 v9, $0x1F;
	v63 =	vxor.u32 v6, v10;
	v16 =	vxor.u32 $0x400, v4  }
0x2b2: {  	v6 =	vand.u32 $0x7FE00000, v5;
	v5 =	vshra.s32 v12, $0x1F;
	v10 =	vshra.s32 v13, $0x1F  }
0x2b3: {  	v14 =	vxor.u32 v7, v14;
	v4 =	vand.u32 $0x7FE00000, v15;
	v7 =	vand.u32 $0x7FE00000, v5  }
0x2b4: {  	v10 =	vand.u32 $0x7FE00000, v10;
	v5 =	vxor.u32 v8, v4;
	v4 =	vxor.u32 v9, v6  }
0x2b5: {  	v8 =	vxor.u32 v13, v10;
	v6 =	vshrl.u32 v11, $0x15;
	v7 =	vxor.u32 v12, v7  }
0x2b6: {  	s0 =	simm.s32 $0x0;
	s23 =	simm.s32 $0x80C0;
	v9 =	vshrl.u32 v63, $0x15;
	v10 =	vshrl.u32 v8, $0x15;
	v8 =	vshrl.u32 v14, $0x15;
	[tilespmem:v16+s16+$0x0] =	vst.idx.add.s32.msk $0xffff, v2  }
.LBB2_35:
0x2b7: {  	v12 =	vld [tilespmem:s23+$0x30];
	s0 =	sadd.s32 $0x8, s0;
	v5 =	vshrl.u32 v5, $0x15;
	v4 =	vshrl.u32 v4, $0x15;
	v7 =	vshrl.u32 v7, $0x15  }
0x2b8: {  	v10 =	vxor.u32 $0x400, v10;
	v6 =	vxor.u32 $0x400, v6;
	v9 =	vxor.u32 $0x400, v9;
	v13 =	vld [tilespmem:s23+$0xFFFFFFD0];
	p0 =	slt.u32 s0, $0x7F8  }
0x2b9: {  	v8 =	vxor.u32 $0x400, v8;
	v5 =	vxor.u32 $0x400, v5;
	v15 =	vxor.u32 $0x400, v4;
	v14 =	vld [tilespmem:s23+$0xFFFFFFE0]  }
0x2ba: {  	v16 =	vxor.u32 $0x400, v7;
	v4 =	vld [tilespmem:s23+$0xFFFFFFF0]  }
0x2bb: {  	v7 =	vld [tilespmem:s23+$0x0]  }
0x2bc: {  	v17 =	vld [tilespmem:s23+$0x10];
	v18 =	vshra.s32 v12, $0x1F  }
0x2bd: {  	v11 =	vimm.s32 $0x0;
	v19 =	vshra.s32 v13, $0x1F;
	v20 =	vld [tilespmem:s23+$0x20];
	v18 =	vand.u32 $0x7FE00000, v18  }
0x2be: {  	v21 =	vld [tilespmem:s23+$0xFFFFFFC0];
	v19 =	vand.u32 $0x7FE00000, v19;
	v22 =	vshra.s32 v14, $0x1F;
	v12 =	vxor.u32 v12, v18  }
0x2bf: {  	v18 =	vand.u32 $0x7FE00000, v22;
	v22 =	vshra.s32 v4, $0x1F;
	v12 =	vshrl.u32 v12, $0x15;
	[tilespmem:v10+s16+$0x0] =	vst.idx.add.s32.msk $0xffff, v2  }
0x2c0: {  	v10 =	vand.u32 $0x7FE00000, v22;
	v22 =	vshra.s32 v7, $0x1F;
	v12 =	vxor.u32 $0x400, v12;
	[tilespmem:v6+s16+$0x0] =	vst.idx.add.s32.msk $0xffff, v2  }
0x2c1: {  	v6 =	vxor.u32 v13, v19;
	v13 =	vand.u32 $0x7FE00000, v22;
	v19 =	vshra.s32 v17, $0x1F;
	[tilespmem:v9+s16+$0x0] =	vst.idx.add.s32.msk $0xffff, v2  }
.Ltmp19:
0x2c2: {  	v9 =	vxor.u32 v14, v18;
	v14 =	vand.u32 $0x7FE00000, v19;
	v18 =	vshra.s32 v20, $0x1F;
	[tilespmem:v8+s16+$0x0] =	vst.idx.add.s32.msk $0xffff, v2;
	(pc) =	sbr.rel @p0 .LBB2_35-.Ltmp19, $4  }
0x2c3: {  	v19 =	vxor.u32 v4, v10;
	v8 =	vshra.s32 v21, $0x1F;
	v10 =	vand.u32 $0x7FE00000, v18;
	[tilespmem:v5+s16+$0x0] =	vst.idx.add.s32.msk $0xffff, v2  }
0x2c4: {  	s24 =	simm.s32 $0x7F;
	s1 =	simm.s32 $0x107F0;
	v5 =	vxor.u32 v7, v13;
	v4 =	vxor.u32 v17, v14;
	v8 =	vand.u32 $0x7FE00000, v8;
	[tilespmem:v15+s16+$0x0] =	vst.idx.add.s32.msk $0xffff, v2  }
0x2c5: {  	s21 =	simm.s32 $0xFFFFFFFF;
	s22 =	simm.s32 $0x0;
	v6 =	vshrl.u32 v6, $0x15;
	v7 =	vxor.u32 v20, v10;
	v8 =	vxor.u32 v21, v8;
	[tilespmem:v12+s16+$0x0] =	vst.idx.add.s32.msk $0xffff, v2  }
0x2c6: {  	s23 =	sadd.s32 $0x80, s23;
	v9 =	vshrl.u32 v9, $0x15;
	v10 =	vshrl.u32 v8, $0x15;
	v8 =	vshrl.u32 v19, $0x15;
	[tilespmem:v16+s16+$0x0] =	vst.idx.add.s32.msk $0xffff, v2  }
0x2c7: {  	v10 =	vxor.u32 $0x400, v10  }
0x2c8: {  	v6 =	vxor.u32 $0x400, v6  }
0x2c9: {  	v9 =	vxor.u32 $0x400, v9  }
0x2ca: {  	v5 =	vshrl.u32 v5, $0x15;
	v8 =	vxor.u32 $0x400, v8  }
0x2cb: {  	v4 =	vshrl.u32 v4, $0x15;
	v5 =	vxor.u32 $0x400, v5  }
0x2cc: {  	v7 =	vshrl.u32 v7, $0x15;
	v4 =	vxor.u32 $0x400, v4;
	[tilespmem:v10+s16+$0x0] =	vst.idx.add.s32.msk $0xffff, v2  }
0x2cd: {  	v7 =	vxor.u32 $0x400, v7;
	[tilespmem:v6+s16+$0x0] =	vst.idx.add.s32.msk $0xffff, v2  }
0x2ce: {  	[tilespmem:v9+s16+$0x0] =	vst.idx.add.s32.msk $0xffff, v2  }
0x2cf: {  	[tilespmem:v8+s16+$0x0] =	vst.idx.add.s32.msk $0xffff, v2  }
0x2d0: {  	[tilespmem:v5+s16+$0x0] =	vst.idx.add.s32.msk $0xffff, v2  }
0x2d1: {  	[tilespmem:v4+s16+$0x0] =	vst.idx.add.s32.msk $0xffff, v2  }
0x2d2: {  	[tilespmem:v7+s16+$0x0] =	vst.idx.add.s32.msk $0xffff, v2  }
0x2d3: {  	v12 =	vld [tilespmem:s1+$0xFFFFFFF0]  }
0x2d4: {  	v13 =	vld [tilespmem:s1+$0x0];
	_ =	sdelay $0x3  }
0x2d5: {  	(xrf0) =	vadd.scan.msk.s32 $0xffff, v12  }
0x2d6: {  	(xrf0) =	vadd.scan.msk.s32 $0xffff, v13  }
0x2d7: {  	v15 =	vld [tilespmem:s1+$0xFFFFFFE0];
	_ =	sdelay $0x3  }
0x2d8: {  	s0 =	simm.s32 $0x107B0;
	v5 =	vld [tilespmem:s1+$0xFFFFFFD0];
	v4, _, _ =	vpop (xrf0)  }
0x2d9: {  	(xrf0) =	vadd.scan.msk.s32 $0xffff, v15;
	v6, _, _ =	vpop (xrf0);
	(v2sf) =	vpush v4, $0xF;
	v4 =	vld [tilespmem:s0+$0xFFFFFFF0]  }
0x2da: {  	(v2sf) =	vpush v6, $0xF;
	v6 =	vld [tilespmem:s0+$0x0];
	_ =	sdelay $0x2  }
0x2db: {  	(xrf0) =	vadd.scan.msk.s32 $0xffff, v5  }
0x2dc: {  	(xrf0) =	vadd.scan.msk.s32 $0xffff, v4  }
0x2dd: {  	v7, _, _ =	vpop (xrf0);
	(xrf0) =	vadd.scan.msk.s32 $0xffff, v6;
	_ =	sdelay $0x2  }
0x2de: {  	(v2sf) =	vpush v7, $0xF  }
0x2df: {  	v7, _, _ =	vpop (xrf0)  }
0x2e0: {  	(v2sf) =	vpush v7, $0xF;
	v7, _, _ =	vpop (xrf0)  }
0x2e1: {  	v8, _, _ =	vpop (xrf0);
	(v2sf) =	vpush v7, $0xF  }
0x2e2: {  	(v2sf) =	vpush v8, $0xF;
	v8 =	vld [tilespmem:s0+$0xFFFFFFE0]  }
0x2e3: {  	v10 =	vld [tilespmem:s0+$0xFFFFFFD0]  }
0x2e4: {  	s30 =	spop (v2sf)  }
0x2e5: {  	s3 =	spop (v2sf)  }
0x2e6: {  	s3 =	sadd.s32 $0x0, s3  }
0x2e7: {  	p0 =	por $0x1, $0x1;
	p1 =	sgt.s32 s3, $0xFFF;
	(xrf0) =	vadd.scan.msk.s32 $0xffff, v8  }
0x2e8: {  	s26 =	simm.s32 $0x10770;
	p0 =	por !p0, !p1;
	(xrf0) =	vadd.scan.msk.s32 $0xffff, v10  }
0x2e9: {  	v7 =	vld [tilespmem:s26+$0xFFFFFFF0];
	p0 =	por !p0, !p0  }
0x2ea: {  	v9 =	vld [tilespmem:s26+$0x0];
	s1 =	sadd.s32 s30, s3;
	s21 =	smov.u32 @p0 s24  }
0x2eb: {  	p2 =	sgt.s32 s1, $0xFFF;
	p3 =	slt.s32 s21, $0x0  }
0x2ec: {  	p1 =	por !p2, !p3  }
0x2ed: {  	s0 =	simm.s32 $0x7E;
	s4 =	spop (v2sf);
	p1 =	por !p1, !p1;
	v14, _, _ =	vpop (xrf0)  }
0x2ee: {  	(xrf0) =	vadd.scan.msk.s32 $0xffff, v7;
	s24 =	sadd.s32 s4, s1;
	s21 =	smov.u32 @p1 s0;
	v16, _, _ =	vpop (xrf0);
	(v2sf) =	vpush v14, $0xF  }
0x2ef: {  	(xrf0) =	vadd.scan.msk.s32 $0xffff, v9;
	p3 =	sgt.s32 s24, $0xFFF;
	p4 =	slt.s32 s21, $0x0;
	(v2sf) =	vpush v16, $0xF  }
0x2f0: {  	s5 =	simm.s32 $0x7D;
	s25 =	simm.s32 $0x7B;
	p2 =	por !p3, !p4  }
0x2f1: {  	s22 =	smov.u32 @p0 s22;
	v11 =	vpsel p0, v13, v11;
	s31 =	spop (v2sf);
	p2 =	por !p2, !p2  }
0x2f2: {  	s4 =	simm.s32 $0x7C;
	s23 =	sadd.s32 s31, s24;
	v13 =	vpsel p1, v12, v11;
	v11 =	vld [tilespmem:s26+$0xFFFFFFE0];
	s21 =	smov.u32 @p2 s5  }
0x2f3: {  	p6 =	sgt.s32 s23, $0xFFF;
	s22 =	smov.u32 @p1 s3;
	v12 =	vld [tilespmem:s26+$0xFFFFFFD0];
	p5 =	slt.s32 s21, $0x0  }
0x2f4: {  	v63, _, _ =	vpop (xrf0);
	s22 =	smov.u32 @p2 s1;
	s1 =	spop (v2sf);
	p0 =	por !p6, !p5  }
0x2f5: {  	s0 =	simm.s32 $0x8;
	v14, _, _ =	vpop (xrf0);
	(v2sf) =	vpush v63, $0xF;
	v13 =	vpsel p2, v15, v13;
	s3 =	spop (v2sf);
	p0 =	por !p0, !p0  }
.LBB2_37:
0x2f6: {  	(v2sf) =	vpush v14, $0xF;
	s3 =	sadd.s32 s23, s3;
	s21 =	smov.u32 @p0 s4;
	s22 =	smov.u32 @p0 s24;
	v13 =	vpsel p0, v5, v13;
	v5 =	vmov v10  }
0x2f7: {  	(xrf0) =	vadd.scan.msk.s32 $0xffff, v11;
	p0 =	slt.s32 s21, $0x0;
	p1 =	sgt.s32 s3, $0xFFF;
	s1 =	sadd.s32 s1, s3;
	v15 =	vmov v11  }
0x2f8: {  	s0 =	sadd.s32 $0x4, s0;
	s26 =	sadd.s32 $0xFFFFFFC0, s26;
	(xrf0) =	vadd.scan.msk.s32 $0xffff, v12;
	p0 =	por !p0, !p1;
	v10 =	vmov v12  }
0x2f9: {  	s4 =	smov.u32 s25;
	p1 =	slt.u32 s0, $0x7C;
	v11 =	vld [tilespmem:s26+$0xFFFFFFF0];
	p0 =	por !p0, !p0  }
0x2fa: {  	s21 =	smov.u32 @p0 s25;
	v12 =	vpsel p0, v6, v13;
	v6 =	vmov v9;
	v9 =	vld [tilespmem:s26+$0x0]  }
0x2fb: {  	p3 =	sgt.s32 s1, $0xFFF;
	p2 =	slt.s32 s21, $0x0  }
0x2fc: {  	s5 =	sadd.s32 $0xFFFFFFFF, s25;
	p2 =	por !p3, !p2  }
0x2fd: {  	s22 =	smov.u32 @p0 s23;
	v13, _, _ =	vpop (xrf0);
	p0 =	por !p2, !p2;
	s6 =	spop (v2sf)  }
0x2fe: {  	(xrf0) =	vadd.scan.msk.s32 $0xffff, v11;
	(v2sf) =	vpush v13, $0xF;
	v13, _, _ =	vpop (xrf0);
	s21 =	smov.u32 @p0 s5;
	v16 =	vpsel p0, v4, v12;
	s24 =	sadd.s32 s6, s1;
	s5 =	spop (v2sf);
	v4 =	vmov v7  }
0x2ff: {  	v7 =	vmov v11;
	(xrf0) =	vadd.scan.msk.s32 $0xffff, v9;
	(v2sf) =	vpush v13, $0xF;
	p2 =	slt.s32 s21, $0x0;
	p3 =	sgt.s32 s24, $0xFFF;
	s23 =	sadd.s32 s5, s24  }
0x300: {  	s22 =	smov.u32 @p0 s3;
	p0 =	por !p3, !p2  }
.Ltmp20:
0x301: {  	s3 =	sadd.s32 $0xFFFFFFFE, s25;
	p0 =	por !p0, !p0;
	(pc) =	sbr.rel @p1 .LBB2_37-.Ltmp20, $4  }
0x302: {  	v11 =	vld [tilespmem:s26+$0xFFFFFFE0];
	s21 =	smov.u32 @p0 s3;
	s22 =	smov.u32 @p0 s1  }
0x303: {  	p3 =	sgt.s32 s23, $0xFFF;
	v12 =	vld [tilespmem:s26+$0xFFFFFFD0];
	p2 =	slt.s32 s21, $0x0  }
0x304: {  	s25 =	sadd.s32 $0xFFFFFFFC, s25;
	v13, _, _ =	vpop (xrf0);
	s1 =	spop (v2sf);
	p2 =	por !p3, !p2  }
0x305: {  	s4 =	sadd.s32 $0xFFFFFFFD, s4;
	v14, _, _ =	vpop (xrf0);
	(v2sf) =	vpush v13, $0xF;
	s3 =	spop (v2sf);
	v13 =	vpsel p0, v8, v16;
	p0 =	por !p2, !p2;
	v8 =	vmov v15  }
0x306: {  	(v2sf) =	vpush v14, $0xF;
	s0 =	sadd.s32 s23, s3;
	s21 =	smov.u32 @p0 s4  }
0x307: {  	(xrf0) =	vadd.scan.msk.s32 $0xffff, v11;
	p1 =	slt.s32 s21, $0x0;
	p2 =	sgt.s32 s0, $0xFFF  }
0x308: {  	p1 =	por !p1, !p2  }
0x309: {  	p5 =	por !p1, !p1  }
0x30a: {  	s26 =	sadd.s32 s1, s0;
	s21 =	smov.u32 @p5 s25;
	s1 =	simm.s32 @!p5 $0x0  }
0x30b: {  	p4 =	sgt.s32 s26, $0xFFF;
	s1 =	simm.s32 @p5 $0x1;
	p3 =	slt.s32 s21, $0x0  }
0x30c: {  	(xrf0) =	vadd.scan.msk.s32 $0xffff, v12;
	[smem:$0x7ED] =	sst s1;
	p1 =	por !p4, !p3  }
0x30d: {  	s1 =	sadd.s32 $0xFFFFFFFF, s25;
	v62, _, _ =	vpop (xrf0);
	p1 =	por !p1, !p1;
	s8 =	spop (v2sf)  }
0x30e: {  	s3 =	simm.s32 @!p1 $0x0;
	(v2sf) =	vpush v62, $0xF;
	s21 =	smov.u32 @p1 s1;
	s1 =	sadd.s32 s8, s26  }
0x30f: {  	s3 =	simm.s32 @p1 $0x1;
	p1 =	slt.s32 s21, $0x0;
	p6 =	sgt.s32 s1, $0xFFF  }
0x310: {  	s4 =	sadd.s32 $0xFFFFFFFE, s25;
	p1 =	por !p6, !p1  }
0x311: {  	s6 =	sadd.s32 $0xFFFFFFFD, s25;
	s28 =	spop (v2sf);
	p4 =	por !p1, !p1  }
0x312: {  	v63, _, _ =	vpop (xrf0);
	[smem:$0x7EB] =	sst s3;
	s3 =	sadd.s32 s28, s1;
	s21 =	smov.u32 @p4 s4  }
0x313: {  	(v2sf) =	vpush v63, $0xF;
	p3 =	sgt.s32 s3, $0xFFF;
	s30 =	sld [smem:$0x7EB];
	p2 =	slt.s32 s21, $0x0  }
0x314: {  	s4 =	simm.s32 @!p4 $0x0;
	s29 =	spop (v2sf);
	p1 =	por !p3, !p2  }
0x315: {  	s4 =	simm.s32 @p4 $0x1;
	s5 =	spop (v2sf);
	p1 =	por !p1, !p1  }
0x316: {  	s7 =	simm.s32 @!p1 $0x0;
	s5 =	sadd.s32 s3, s5;
	s21 =	smov.u32 @p1 s6  }
0x317: {  	s7 =	simm.s32 @p1 $0x1;
	p1 =	slt.s32 s21, $0x0;
	p6 =	sgt.s32 s5, $0xFFF  }
0x318: {  	[smem:$0x7EE] =	sst s4;
	p1 =	por !p1, !p6  }
0x319: {  	s6 =	sadd.s32 $0xFFFFFFFC, s25;
	s4 =	sadd.s32 s29, s5;
	p3 =	por !p1, !p1  }
0x31a: {  	[smem:$0x7EC] =	sst s7;
	s21 =	smov.u32 @p3 s6;
	s7 =	simm.s32 @!p3 $0x0  }
0x31b: {  	p6 =	sgt.s32 s4, $0xFFF;
	s7 =	simm.s32 @p3 $0x1;
	p2 =	slt.s32 s21, $0x0  }
0x31c: {  	[smem:$0x7EF] =	sst s7;
	p1 =	por !p6, !p2  }
0x31d: {  	s7 =	sadd.s32 $0xFFFFFFFF, s6;
	p6 =	por !p1, !p1;
	s8 =	spop (v2sf)  }
0x31e: {  	v5 =	vpsel p0, v5, v13;
	s21 =	smov.u32 @p6 s7;
	s7 =	sadd.s32 s8, s4  }
0x31f: {  	v5 =	vpsel p5, v6, v5;
	s28 =	sld [smem:$0x7EC];
	p2 =	slt.s32 s21, $0x0;
	p5 =	sgt.s32 s7, $0xFFF  }
0x320: {  	p1 =	por !p5, !p2;
	p5 =	seq.s32 s30, $0x1  }
0x321: {  	s25 =	sadd.s32 $0xFFFFFFFE, s6;
	v4 =	vpsel p5, v4, v5  }
0x322: {  	s31 =	spop (v2sf);
	p2 =	por !p1, !p1;
	v4 =	vpsel p4, v8, v4;
	p4 =	seq.s32 s28, $0x1  }
0x323: {  	s8 =	sadd.s32 s31, s7;
	s21 =	smov.u32 @p2 s25;
	v4 =	vpsel p4, v10, v4  }
0x324: {  	s29 =	sld [smem:$0x7ED];
	p1 =	sgt.s32 s8, $0xFFF;
	v4 =	vpsel p3, v9, v4;
	p3 =	slt.s32 s21, $0x0  }
0x325: {  	p1 =	por !p1, !p3;
	v4 =	vpsel p6, v7, v4  }
0x326: {  	v4 =	vpsel p2, v11, v4;
	p1 =	por !p1, !p1  }
0x327: {  	s22 =	smov.u32 @p0 s24;
	p0 =	seq.s32 s29, $0x1;
	v4 =	vpsel p1, v12, v4  }
0x328: {  	s22 =	smov.u32 @p0 s23;
	s30 =	sld [smem:$0x7EE];
	v5 =	vperm.xlane v4, v3  }
0x329: {  	s22 =	smov.u32 @p5 s0;
	s0 =	sadd.s32 $0xFFFFFFFD, s6  }
0x32a: {  	s31 =	sld [smem:$0x7EF];
	s21 =	smov.u32 @p1 s0;
	s0 =	simm.s32 $0x10040;
	(xrf0) =	vadd.scan.msk.s32 $0xffff, v5  }
0x32b: {  	p0 =	seq.s32 s30, $0x1;
	[tilespmem:s0+$0xFFFFFFC0] =	vst v1  }
0x32c: {  	s22 =	smov.u32 @p0 s26;
	[tilespmem:s0+$0x30] =	vst v1  }
0x32d: {  	p0 =	seq.s32 s31, $0x1;
	s22 =	smov.u32 @p4 s1;
	[tilespmem:s0+$0x20] =	vst v1  }
0x32e: {  	s22 =	smov.u32 @p0 s3;
	[tilespmem:s0+$0x10] =	vst v1  }
0x32f: {  	s22 =	smov.u32 @p6 s5;
	[tilespmem:s0+$0x0] =	vst v1  }
0x330: {  	s22 =	smov.u32 @p2 s4;
	[tilespmem:s0+$0xFFFFFFF0] =	vst v1;
	v5, _, _ =	vpop (xrf0)  }
0x331: {  	s1 =	simm.s32 $0x0;
	[tilespmem:s0+$0xFFFFFFE0] =	vst v1;
	s22 =	smov.u32 @p1 s7;
	v5 =	vperm.xlane v5, v3  }
.LBB2_39:
0x332: {  	s1 =	sadd.s32 $0x8, s1;
	[tilespmem:s0+$0xFFFFFFD0] =	vst v1;
	s0 =	sadd.s32 $0x80, s0  }
0x333: {  	[tilespmem:s0+$0xFFFFFFC0] =	vst v1;
	p0 =	slt.u32 s1, $0x78  }
0x334: {  	[tilespmem:s0+$0x30] =	vst v1  }
.Ltmp21:
0x335: {  	[tilespmem:s0+$0x20] =	vst v1;
	(pc) =	sbr.rel @p0 .LBB2_39-.Ltmp21, $4  }
0x336: {  	[tilespmem:s0+$0x10] =	vst v1  }
0x337: {  	[tilespmem:s0+$0x0] =	vst v1  }
0x338: {  	[tilespmem:s0+$0xFFFFFFF0] =	vst v1  }
0x339: {  	[tilespmem:s0+$0xFFFFFFE0] =	vst v1  }
0x33a: {  	v6 =	vadd.s32 s22, v5  }
0x33b: {  	vm0 =	vgt.s32 v6, $0xFFF  }
0x33c: {  	v6 =	vsel vm0, $0x1, v1  }
0x33d: {  	(xrf0) =	vadd.scan.msk.s32 $0xffff, v6;
	_ =	sdelay $0x5  }
0x33e: {  	v6, _, _ =	vpop (xrf0)  }
0x33f: {  	(v2sf) =	vpush v6, $0xF  }
0x340: {  	[tilespmem:s0+$0xFFFFFFD0] =	vst v1;
	s28 =	simm.s32 $0x8040  }
0x341: {  	v7 =	vld [tilespmem:s28+$0xFFFFFFD0]  }
0x342: {  	v8 =	vld [tilespmem:s28+$0x10]  }
0x343: {  	v9 =	vld [tilespmem:s28+$0xFFFFFFC0]  }
0x344: {  	s29 =	simm.s32 $0x80C0;
	v10 =	vld [tilespmem:s28+$0xFFFFFFE0]  }
0x345: {  	v24 =	vld [tilespmem:s29+$0x10]  }
0x346: {  	v27 =	vld [tilespmem:s29+$0xFFFFFFE0];
	_ =	sdelay $0x2  }
0x347: {  	v11 =	vld [tilespmem:s28+$0xFFFFFFF0];
	v12 =	vshra.s32 v7, $0x1F  }
0x348: {  	v14 =	vshra.s32 v8, $0x1F;
	v15 =	vshra.s32 v9, $0x1F;
	v16 =	vshra.s32 v10, $0x1F  }
0x349: {  	v31 =	vshra.s32 v24, $0x1F;
	v33 =	vshra.s32 v27, $0x1F;
	v12 =	vand.u32 $0x7FFFFFFF, v12  }
0x34a: {  	v31 =	vand.u32 $0x7FFFFFFF, v31;
	v61 =	vand.u32 $0x7FFFFFFF, v33;
	v12 =	vxor.u32 v7, v12  }
0x34b: {  	v7 =	vand.u32 $0x7FFFFFFF, v14;
	v14 =	vand.u32 $0x7FFFFFFF, v15;
	v15 =	vshrl.u32 v12, $0x15  }
0x34c: {  	v13 =	vld [tilespmem:s28+$0x0];
	v17 =	vxor.u32 v9, v14;
	v9 =	vand.u32 $0x7FFFFFFF, v16;
	v14 =	vshra.s32 v11, $0x1F;
	s25 =	spop (v2sf)  }
0x34d: {  	s26 =	sshll.u32 s21, $0x4;
	v19 =	vld [tilespmem:s28+$0x20];
	v21 =	vxor.u32 v8, v7;
	v26 =	vshrl.u32 v12, $0xA;
	v18 =	vshrl.u32 v17, $0x15;
	s24 =	sadd.s32 $0xFFFFFFFF, s25  }
0x34e: {  	v14 =	vand.u32 $0x7FFFFFFF, v14;
	v20 =	vxor.u32 v10, v9;
	v23 =	vshrl.u32 v21, $0xA;
	s23 =	sadd.s32 s26, s24  }
0x34f: {  	v26 =	vand.u32 $0x7FF, v26;
	v14 =	vxor.u32 v11, v14;
	v22 =	vshrl.u32 v20, $0xA;
	s21 =	sxor.u32 $0x400, s23  }
0x350: {  	v23 =	vand.u32 $0x7FF, v23;
	v11 =	vshrl.u32 v14, $0x15;
	v6 =	vmov s21  }
0x351: {  	v22 =	vand.u32 $0x7FF, v22;
	vm2 =	veq.s32 v15, v6;
	v15 =	vshra.s32 v13, $0x1F  }
0x352: {  	vm1 =	veq.s32 v18, v6;
	vm4 =	veq.s32 v11, v6;
	v11 =	vshra.s32 v19, $0x1F  }
0x353: {  	v18 =	vld [tilespmem:s28+$0x30];
	v16 =	vmpcnt.ones.xlane vm2;
	v15 =	vand.u32 $0x7FFFFFFF, v15;
	v9 =	vmpcnt.ones.xlane vm4  }
0x354: {  	v11 =	vand.u32 $0x7FFFFFFF, v11;
	vm7 =	vmmov vm2;
	v15 =	vxor.u32 v13, v15  }
0x355: {  	(v2sf) =	vpush v16, $0x0;
	v13 =	vshrl.u32 v15, $0x15;
	v16 =	vmpcnt.ones.xlane vm1  }
0x356: {  	vm11 =	vmmov vm4;
	vm0 =	veq.s32 v13, v6;
	v13 =	vshrl.u32 v20, $0x15  }
0x357: {  	v10 =	vmpcnt.ones.xlane vm0;
	(v2sf) =	vpush v16, $0x0;
	v16 =	vxor.u32 v19, v11  }
0x358: {  	v7 =	vshra.s32 v18, $0x1F;
	vm6 =	veq.s32 v13, v6;
	(v2sf) =	vpush v9, $0x0  }
0x359: {  	v8 =	vshrl.u32 v16, $0x15;
	v7 =	vand.u32 $0x7FFFFFFF, v7;
	(v2sf) =	vpush v10, $0x0  }
0x35a: {  	v10 =	vshrl.u32 v21, $0x15;
	vm5 =	veq.s32 v8, v6;
	v18 =	vxor.u32 v18, v7  }
0x35b: {  	vm3 =	veq.s32 v10, v6;
	v7 =	vmpcnt.ones.xlane vm5;
	v11 =	vshrl.u32 v18, $0xA  }
0x35c: {  	v13 =	vshrl.u32 v15, $0xA;
	v10 =	vmpcnt.ones.xlane vm3;
	v19 =	vand.u32 $0x7FF, v11;
	v11 =	vld [tilespmem:s29+$0xFFFFFFD0]  }
0x35d: {  	v30 =	vld [tilespmem:s29+$0x0];
	v13 =	vand.u32 $0x7FF, v13;
	(v2sf) =	vpush v7, $0x0;
	v7 =	vmpcnt.ones.xlane vm6  }
0x35e: {  	v25 =	vld [tilespmem:s29+$0xFFFFFFC0];
	vm10 =	vmmov vm0;
	v9 =	vshrl.u32 v16, $0xA;
	(v2sf) =	vpush v10, $0x0  }
0x35f: {  	v9 =	vand.u32 $0x7FF, v9;
	v8 =	vshrl.u32 v18, $0x15;
	(v2sf) =	vpush v7, $0x0  }
0x360: {  	v29 =	vld [tilespmem:s29+$0xFFFFFFF0];
	vm9 =	vmmov vm5;
	vm8 =	veq.s32 v8, v6;
	v7 =	vshrl.u32 v17, $0xA  }
0x361: {  	v8 =	vmpcnt.ones.xlane vm8;
	v28 =	vand.u32 $0x7FF, v7;
	v7 =	vshra.s32 v11, $0x1F  }
0x362: {  	v10 =	vshrl.u32 v14, $0xA;
	[tilespmem:v13+s16+$0x0] =	vst.idx.add.s32.msk vm0, v2;
	v13 =	vshra.s32 v30, $0x1F;
	v7 =	vand.u32 $0x7FFFFFFF, v7  }
0x363: {  	v32 =	vand.u32 $0x7FF, v10;
	v10 =	vshra.s32 v25, $0x1F;
	v7 =	vxor.u32 v11, v7  }
0x364: {  	v60 =	vld [tilespmem:s29+$0x20];
	v10 =	vand.u32 $0x7FFFFFFF, v10;
	(v2sf) =	vpush v8, $0x0;
	v11 =	vshrl.u32 v7, $0x15  }
0x365: {  	[tilespmem:v9+s16+$0x0] =	vst.idx.add.s32.msk vm5, v2;
	v9 =	vxor.u32 v25, v10;
	v10 =	vshra.s32 v29, $0x1F;
	vm2 =	veq.s32 v11, v6  }
0x366: {  	v8 =	vand.u32 $0x7FFFFFFF, v10;
	v10 =	vshrl.u32 v9, $0x15;
	v11 =	vmpcnt.ones.xlane vm2  }
0x367: {  	[tilespmem:v26+s16+$0x0] =	vst.idx.add.s32.msk vm7, v2;
	v8 =	vxor.u32 v29, v8;
	vm0 =	veq.s32 v10, v6;
	v10 =	vand.u32 $0x7FFFFFFF, v13;
	s1 =	spop (v2sf)  }
0x368: {  	s25 =	simm.s32 $0x0;
	v13 =	vshrl.u32 v8, $0x15;
	v10 =	vxor.u32 v30, v10;
	[tilespmem:v28+s16+$0x0] =	vst.idx.add.s32.msk vm1, v2;
	s3 =	spop (v2sf);
	(v2sf) =	vpush v11, $0x0  }
0x369: {  	v62 =	vld [tilespmem:s29+$0x30];
	vm5 =	veq.s32 v13, v6;
	v13 =	vshrl.u32 v10, $0x15;
	[tilespmem:s25+$0x10800] =	vst.msk vm1, v17;
	v17 =	vmpcnt.ones.xlane vm0;
	s3 =	sadd.s32 $0x0, s3  }
0x36a: {  	vm4 =	veq.s32 v13, v6;
	v13 =	vshra.s32 v60, $0x1F;
	s30 =	spop (v2sf);
	[tilespmem:s3+$0x10800] =	vst.msk vm7, v12;
	v12 =	vmpcnt.ones.xlane vm5  }
0x36b: {  	[tilespmem:v19+s16+$0x0] =	vst.idx.add.s32.msk vm8, v2;
	v19 =	vmpcnt.ones.xlane vm4;
	s4 =	spop (v2sf);
	(v2sf) =	vpush v17, $0x0;
	v17 =	vand.u32 $0x7FFFFFFF, v13  }
0x36c: {  	[tilespmem:v22+s16+$0x0] =	vst.idx.add.s32.msk vm6, v2;
	v11 =	vxor.u32 v27, v61;
	(v2sf) =	vpush v12, $0x0;
	v12 =	vxor.u32 v60, v17;
	s5 =	spop (v2sf)  }
0x36d: {  	[tilespmem:v23+s16+$0x0] =	vst.idx.add.s32.msk vm3, v2;
	v27 =	vshrl.u32 v11, $0x15;
	(v2sf) =	vpush v19, $0x0;
	v17 =	vshrl.u32 v12, $0x15;
	s31 =	spop (v2sf)  }
0x36e: {  	[tilespmem:v32+s16+$0x0] =	vst.idx.add.s32.msk vm11, v2;
	s1 =	sadd.s32 s3, s1;
	v13 =	vxor.u32 v24, v31;
	v19 =	vshra.s32 v62, $0x1F;
	vm7 =	veq.s32 v17, v6;
	s6 =	spop (v2sf)  }
0x36f: {  	[tilespmem:s1+$0x10800] =	vst.msk vm6, v20;
	v63 =	vshrl.u32 v13, $0x15;
	v17 =	vand.u32 $0x7FFFFFFF, v19;
	v19 =	vmpcnt.ones.xlane vm7;
	s1 =	sadd.s32 s1, s6  }
0x370: {  	vm6 =	veq.s32 v27, v6;
	vm1 =	veq.s32 v63, v6;
	v20 =	vshrl.u32 v12, $0xA;
	[tilespmem:s1+$0x10800] =	vst.msk vm11, v14;
	s0 =	sadd.s32 s1, s30  }
0x371: {  	v22 =	vmpcnt.ones.xlane vm1;
	v14 =	vxor.u32 v62, v17;
	(v2sf) =	vpush v19, $0x0;
	[tilespmem:s0+$0x10800] =	vst.msk vm10, v15;
	s0 =	sadd.s32 s0, s4  }
0x372: {  	v19 =	vmpcnt.ones.xlane vm6;
	v15 =	vshrl.u32 v14, $0x15;
	v17 =	vshrl.u32 v14, $0xA;
	[tilespmem:s0+$0x10800] =	vst.msk vm3, v21;
	s0 =	sadd.s32 s0, s31  }
0x373: {  	(v2sf) =	vpush v22, $0x0;
	vm3 =	veq.s32 v15, v6;
	v17 =	vand.u32 $0x7FF, v17;
	[tilespmem:s0+$0x10800] =	vst.msk vm9, v16;
	s0 =	sadd.s32 s0, s5  }
0x374: {  	s26 =	simm.s32 $0x8140;
	s25 =	simm.s32 $0x8;
	s1 =	spop (v2sf);
	v15 =	vmpcnt.ones.xlane vm3;
	v16 =	vshrl.u32 v8, $0xA;
	[tilespmem:s0+$0x10800] =	vst.msk vm8, v18;
	v18 =	vand.u32 $0x7FF, v20  }
.LBB2_41:
0x375: {  	v20 =	vld [tilespmem:s26+$0xFFFFFFD0];
	s25 =	sadd.s32 $0x8, s25;
	v21 =	vshrl.u32 v11, $0xA;
	v22 =	vshrl.u32 v10, $0xA;
	v23 =	vshrl.u32 v13, $0xA;
	s1 =	sadd.s32 s0, s1  }
0x376: {  	v24 =	vld [tilespmem:s26+$0x10];
	p0 =	slt.u32 s25, $0x7F8;
	v22 =	vand.u32 $0x7FF, v22;
	v23 =	vand.u32 $0x7FF, v23;
	(v2sf) =	vpush v19, $0x0  }
0x377: {  	v25 =	vshrl.u32 v9, $0xA;
	v26 =	vshrl.u32 v7, $0xA;
	v21 =	vand.u32 $0x7FF, v21;
	v19 =	vld [tilespmem:s26+$0xFFFFFFC0];
	s3 =	spop (v2sf)  }
0x378: {  	vm11 =	vmmov vm2;
	v25 =	vand.u32 $0x7FF, v25;
	v26 =	vand.u32 $0x7FF, v26;
	v27 =	vld [tilespmem:s26+$0xFFFFFFE0]  }
0x379: {  	vm10 =	vmmov vm5;
	vm9 =	vmmov vm4;
	vm8 =	vmmov vm7;
	[tilespmem:v18+s16+$0x0] =	vst.idx.add.s32.msk vm7, v2  }
0x37a: {  	v18 =	vshra.s32 v20, $0x1F;
	v28 =	vld [tilespmem:s26+$0xFFFFFFF0];
	s0 =	spop (v2sf)  }
0x37b: {  	v16 =	vand.u32 $0x7FF, v16;
	v18 =	vand.u32 $0x7FFFFFFF, v18;
	v29 =	vld [tilespmem:s26+$0x0];
	v30 =	vshra.s32 v24, $0x1F;
	s4 =	sadd.s32 s1, s0;
	s0 =	spop (v2sf)  }
0x37c: {  	v31 =	vshra.s32 v19, $0x1F;
	v18 =	vxor.u32 v20, v18;
	v20 =	vand.u32 $0x7FFFFFFF, v30;
	s3 =	sadd.s32 s4, s3;
	[tilespmem:v22+s16+$0x0] =	vst.idx.add.s32.msk vm4, v2;
	s28 =	spop (v2sf)  }
0x37d: {  	v22 =	vand.u32 $0x7FFFFFFF, v31;
	v30 =	vshrl.u32 v18, $0x15;
	v31 =	vshra.s32 v27, $0x1F;
	[tilespmem:v25+s16+$0x0] =	vst.idx.add.s32.msk vm0, v2  }
0x37e: {  	v19 =	vxor.u32 v19, v22;
	vm2 =	veq.s32 v30, v6;
	v22 =	vand.u32 $0x7FFFFFFF, v31;
	[tilespmem:v26+s16+$0x0] =	vst.idx.add.s32.msk vm11, v2  }
0x37f: {  	v25 =	vmpcnt.ones.xlane vm2;
	v26 =	vshra.s32 v28, $0x1F;
	[tilespmem:v17+s16+$0x0] =	vst.idx.add.s32.msk vm3, v2;
	(v2sf) =	vpush v15, $0x0  }
0x380: {  	v15 =	vshrl.u32 v19, $0x15;
	v17 =	vand.u32 $0x7FFFFFFF, v26;
	v26 =	vshra.s32 v29, $0x1F;
	v30 =	vld [tilespmem:s26+$0x20];
	[tilespmem:s1+$0x10800] =	vst.msk vm0, v9;
	v9 =	vmovc v19  }
0x381: {  	vm0 =	veq.s32 v15, v6;
	v15 =	vxor.u32 v28, v17;
	v17 =	vand.u32 $0x7FFFFFFF, v26;
	[tilespmem:v16+s16+$0x0] =	vst.idx.add.s32.msk vm5, v2;
	s1 =	spop (v2sf)  }
0x382: {  	v16 =	vshrl.u32 v15, $0x15;
	v17 =	vxor.u32 v29, v17;
	(v2sf) =	vpush v25, $0x0;
	[tilespmem:s4+$0x10800] =	vst.msk vm11, v7;
	s4 =	spop (v2sf);
	v7 =	vmovc v18  }
0x383: {  	v18 =	vmpcnt.ones.xlane vm0;
	vm5 =	veq.s32 v16, v6;
	v16 =	vshrl.u32 v17, $0x15;
	v19 =	vld [tilespmem:s26+$0x30]  }
0x384: {  	v22 =	vxor.u32 v27, v22;
	v25 =	vmpcnt.ones.xlane vm5;
	vm4 =	veq.s32 v16, v6;
	[tilespmem:v21+s16+$0x0] =	vst.idx.add.s32.msk vm6, v2  }
0x385: {  	v16 =	vmpcnt.ones.xlane vm4;
	v21 =	vshra.s32 v30, $0x1F;
	(v2sf) =	vpush v18, $0x0;
	[tilespmem:s3+$0x10800] =	vst.msk vm6, v11;
	s5 =	spop (v2sf);
	v11 =	vmovc v22  }
0x386: {  	v18 =	vshrl.u32 v11, $0x15;
	v21 =	vand.u32 $0x7FFFFFFF, v21;
	(v2sf) =	vpush v25, $0x0;
	s3 =	sadd.s32 s3, s5;
	[tilespmem:v23+s16+$0x0] =	vst.idx.add.s32.msk vm1, v2  }
0x387: {  	v20 =	vxor.u32 v24, v20;
	v21 =	vxor.u32 v30, v21;
	(v2sf) =	vpush v16, $0x0;
	[tilespmem:s3+$0x10800] =	vst.msk vm10, v8;
	s0 =	sadd.s32 s3, s0;
	v8 =	vmovc v15  }
0x388: {  	v15 =	vshrl.u32 v21, $0x15;
	v22 =	vshrl.u32 v21, $0xA;
	v16 =	vshra.s32 v19, $0x1F;
	[tilespmem:s0+$0x10800] =	vst.msk vm9, v10;
	s0 =	sadd.s32 s0, s28;
	v10 =	vmovc v17  }
0x389: {  	v17 =	vshrl.u32 v20, $0x15;
	vm7 =	veq.s32 v15, v6;
	v15 =	vand.u32 $0x7FFFFFFF, v16;
	[tilespmem:s0+$0x10800] =	vst.msk vm1, v13;
	s0 =	sadd.s32 s0, s4;
	v13 =	vmovc v20  }
.Ltmp22:
0x38a: {  	vm1 =	veq.s32 v17, v6;
	v16 =	vmpcnt.ones.xlane vm7;
	v15 =	vxor.u32 v19, v15;
	[tilespmem:s0+$0x10800] =	vst.msk vm8, v12;
	s0 =	sadd.s32 s0, s1;
	v12 =	vmovc v21;
	(pc) =	sbr.rel @p0 .LBB2_41-.Ltmp22, $4  }
0x38b: {  	v19 =	vmpcnt.ones.xlane vm1;
	v17 =	vshrl.u32 v15, $0x15;
	v20 =	vshrl.u32 v15, $0xA;
	[tilespmem:s0+$0x10800] =	vst.msk vm3, v14;
	v14 =	vmovc v15  }
0x38c: {  	vm3 =	veq.s32 v17, v6;
	v17 =	vand.u32 $0x7FF, v20;
	(v2sf) =	vpush v16, $0x0  }
0x38d: {  	vm6 =	veq.s32 v18, v6;
	v15 =	vmpcnt.ones.xlane vm3;
	(v2sf) =	vpush v19, $0x0  }
0x38e: {  	s26 =	sadd.s32 $0x80, s26;
	v18 =	vand.u32 $0x7FF, v22;
	v16 =	vshrl.u32 v8, $0xA;
	v19 =	vmpcnt.ones.xlane vm6;
	s1 =	spop (v2sf)  }
0x38f: {  	_ = 	snop  }
0x390: {  	(v2sf) =	vpush v19, $0x0;
	_ =	sdelay $0x1  }
0x391: {  	v6 =	vshrl.u32 v10, $0xA  }
0x392: {  	v59 =	vshrl.u32 v9, $0xA;
	v6 =	vand.u32 $0x7FF, v6  }
0x393: {  	v20 =	vshrl.u32 v7, $0xA;
	vm2 =	vmmov vm2;
	v19 =	vand.u32 $0x7FF, v59  }
0x394: {  	vm5 =	vmmov vm5;
	v20 =	vand.u32 $0x7FF, v20  }
0x395: {  	[tilespmem:v18+s16+$0x0] =	vst.idx.add.s32.msk vm7, v2;
	v16 =	vand.u32 $0x7FF, v16;
	v60 =	vshrl.u32 v13, $0xA  }
0x396: {  	[tilespmem:v17+s16+$0x0] =	vst.idx.add.s32.msk vm3, v2;
	v61 =	vand.u32 $0x7FF, v60  }
0x397: {  	[tilespmem:v6+s16+$0x0] =	vst.idx.add.s32.msk vm4, v2  }
0x398: {  	s3 =	spop (v2sf);
	v6 =	vshrl.u32 v11, $0xA;
	[tilespmem:v19+s16+$0x0] =	vst.idx.add.s32.msk vm0, v2  }
0x399: {  	s8 =	spop (v2sf);
	[tilespmem:v20+s16+$0x0] =	vst.idx.add.s32.msk vm2, v2;
	v6 =	vand.u32 $0x7FF, v6  }
0x39a: {  	s4 =	spop (v2sf);
	[tilespmem:v16+s16+$0x0] =	vst.idx.add.s32.msk vm5, v2  }
0x39b: {  	s0 =	sadd.s32 s0, s1;
	[tilespmem:v61+s16+$0x0] =	vst.idx.add.s32.msk vm1, v2;
	s25 =	spop (v2sf)  }
0x39c: {  	[tilespmem:s0+$0x10800] =	vst.msk vm0, v9;
	s0 =	sadd.s32 s0, s8;
	s5 =	spop (v2sf)  }
0x39d: {  	[tilespmem:s0+$0x10800] =	vst.msk vm2, v7;
	s26 =	spop (v2sf)  }
0x39e: {  	s0 =	sadd.s32 s0, s3;
	[tilespmem:v6+s16+$0x0] =	vst.idx.add.s32.msk vm6, v2;
	s6 =	spop (v2sf)  }
0x39f: {  	[tilespmem:s0+$0x10800] =	vst.msk vm6, v11;
	s0 =	sadd.s32 s0, s6  }
0x3a0: {  	vm13 =	vmmov vm4;
	[tilespmem:s0+$0x10800] =	vst.msk vm5, v8;
	s0 =	sadd.s32 s0, s4  }
0x3a1: {  	[tilespmem:s0+$0x10800] =	vst.msk vm13, v10;
	s0 =	sadd.s32 s0, s25  }
0x3a2: {  	vm14 =	vmmov vm7;
	[tilespmem:s0+$0x10800] =	vst.msk vm1, v13;
	s0 =	sadd.s32 s0, s26  }
0x3a3: {  	[tilespmem:s0+$0x10800] =	vst.msk vm14, v12;
	s0 =	sadd.s32 s0, s5  }
0x3a4: {  	s1 =	simm.s32 $0x107F0;
	[tilespmem:s0+$0x10800] =	vst.msk vm3, v14  }
0x3a5: {  	v6 =	vmov s24;
	v11 =	vld [tilespmem:s1+$0xFFFFFFF0]  }
0x3a6: {  	vm15 =	veq.s32 v6, v0;
	v12 =	vld [tilespmem:s1+$0x0]  }
0x3a7: {  	v4 =	vnsel vm15, $0x0, v4  }
0x3a8: {  	(xrf0) =	vadd.scan.msk.s32 $0xffff, v4;
	v4 =	vnsel vm15, $0x0, v5  }
0x3a9: {  	(xrf0) =	vadd.scan.msk.s32 $0xffff, v4  }
0x3aa: {  	(xrf0) =	vadd.scan.msk.s32 $0xffff, v11  }
0x3ab: {  	(xrf0) =	vadd.scan.msk.s32 $0xffff, v12;
	_ =	sdelay $0x1  }
0x3ac: {  	(v2sf) =	vpush v15, $0x0  }
0x3ad: {  	v4, _, _ =	vpop (xrf0);
	v13 =	vld [tilespmem:s1+$0xFFFFFFE0]  }
0x3ae: {  	(v2sf) =	vpush v4, $0xF;
	v4, _, _ =	vpop (xrf0)  }
0x3af: {  	(v2sf) =	vpush v4, $0xF;
	v5 =	vld [tilespmem:s1+$0xFFFFFFD0];
	v4, _, _ =	vpop (xrf0)  }
0x3b0: {  	s3 =	simm.s32 $0x107B0;
	v6, _, _ =	vpop (xrf0);
	(v2sf) =	vpush v4, $0xF  }
0x3b1: {  	v4 =	vld [tilespmem:s3+$0xFFFFFFF0];
	(v2sf) =	vpush v6, $0xF  }
0x3b2: {  	(xrf0) =	vadd.scan.msk.s32 $0xffff, v13;
	_ =	sdelay $0x1  }
0x3b3: {  	(xrf0) =	vadd.scan.msk.s32 $0xffff, v5  }
0x3b4: {  	v6 =	vld [tilespmem:s3+$0x0]  }
0x3b5: {  	(xrf0) =	vadd.scan.msk.s32 $0xffff, v4;
	_ =	sdelay $0x1  }
0x3b6: {  	v7, _, _ =	vpop (xrf0)  }
0x3b7: {  	(v2sf) =	vpush v7, $0xF  }
0x3b8: {  	(xrf0) =	vadd.scan.msk.s32 $0xffff, v6;
	v7, _, _ =	vpop (xrf0)  }
0x3b9: {  	s4 =	spop (v2sf);
	(v2sf) =	vpush v7, $0xF  }
0x3ba: {  	v7, _, _ =	vpop (xrf0)  }
0x3bb: {  	s25 =	spop (v2sf);
	(v2sf) =	vpush v7, $0xF;
	v7 =	vld [tilespmem:s3+$0xFFFFFFE0]  }
0x3bc: {  	v10 =	vld [tilespmem:s3+$0xFFFFFFD0];
	s1 =	spop (v2sf)  }
0x3bd: {  	s1 =	sadd.s32 s1, s22;
	s5 =	spop (v2sf)  }
0x3be: {  	s1 =	ssub.s32 s25, s1;
	v8, _, _ =	vpop (xrf0);
	s6 =	spop (v2sf)  }
0x3bf: {  	s22 =	sadd.s32 $0x1000, s1;
	(v2sf) =	vpush v8, $0xF;
	s1 =	sadd.s32 $0x0, s6  }
0x3c0: {  	p0 =	por $0x1, $0x1;
	(xrf0) =	vadd.scan.msk.s32 $0xffff, v7;
	p1 =	sge.s32 s1, s22  }
0x3c1: {  	s30 =	simm.s32 $0x10770;
	(xrf0) =	vadd.scan.msk.s32 $0xffff, v10;
	p0 =	por !p0, !p1  }
0x3c2: {  	s26 =	simm.s32 $0xFFFFFFFF;
	s0 =	simm.s32 $0x7F;
	v8 =	vld [tilespmem:s30+$0xFFFFFFF0];
	p0 =	por !p0, !p0  }
0x3c3: {  	v9 =	vld [tilespmem:s30+$0x0];
	s3 =	sadd.s32 s5, s1;
	s26 =	smov.u32 @p0 s0  }
0x3c4: {  	p2 =	sge.s32 s3, s22;
	p3 =	slt.s32 s26, $0x0  }
0x3c5: {  	p1 =	por !p2, !p3  }
0x3c6: {  	s0 =	simm.s32 $0x7E;
	s7 =	spop (v2sf);
	v14, _, _ =	vpop (xrf0);
	p1 =	por !p1, !p1  }
0x3c7: {  	(xrf0) =	vadd.scan.msk.s32 $0xffff, v8;
	s29 =	sadd.s32 s7, s3;
	v62, _, _ =	vpop (xrf0);
	(v2sf) =	vpush v14, $0xF;
	s26 =	smov.u32 @p1 s0  }
0x3c8: {  	(xrf0) =	vadd.scan.msk.s32 $0xffff, v9;
	s8 =	spop (v2sf);
	p3 =	sge.s32 s29, s22;
	(v2sf) =	vpush v62, $0xF;
	p4 =	slt.s32 s26, $0x0  }
0x3c9: {  	s31 =	simm.s32 $0x7B;
	v15 =	vimm.s32 $0x0;
	s24 =	simm.s32 $0x0;
	p2 =	por !p3, !p4  }
0x3ca: {  	s4 =	simm.s32 $0x7C;
	s5 =	simm.s32 $0x7D;
	v12 =	vpsel p0, v12, v15;
	p2 =	por !p2, !p2  }
0x3cb: {  	s24 =	smov.u32 @p0 s24;
	s28 =	sadd.s32 s8, s29;
	v15 =	vpsel p1, v11, v12;
	v11 =	vld [tilespmem:s30+$0xFFFFFFE0];
	s26 =	smov.u32 @p2 s5  }
0x3cc: {  	s0 =	simm.s32 $0x8;
	p6 =	sge.s32 s28, s22;
	v12 =	vld [tilespmem:s30+$0xFFFFFFD0];
	p5 =	slt.s32 s26, $0x0  }
0x3cd: {  	s24 =	smov.u32 @p1 s1;
	v63, _, _ =	vpop (xrf0);
	s1 =	spop (v2sf);
	p0 =	por !p6, !p5  }
0x3ce: {  	v14, _, _ =	vpop (xrf0);
	(v2sf) =	vpush v63, $0xF;
	s24 =	smov.u32 @p2 s3;
	v13 =	vpsel p2, v13, v15;
	s3 =	spop (v2sf);
	p0 =	por !p0, !p0  }
.LBB2_43:
0x3cf: {  	(v2sf) =	vpush v14, $0xF;
	s3 =	sadd.s32 s28, s3;
	s26 =	smov.u32 @p0 s4;
	s24 =	smov.u32 @p0 s29;
	v13 =	vpsel p0, v5, v13;
	v5 =	vmov v10  }
0x3d0: {  	(xrf0) =	vadd.scan.msk.s32 $0xffff, v11;
	p0 =	slt.s32 s26, $0x0;
	p1 =	sge.s32 s3, s22;
	s1 =	sadd.s32 s1, s3;
	v15 =	vmov v11  }
0x3d1: {  	s0 =	sadd.s32 $0x4, s0;
	s30 =	sadd.s32 $0xFFFFFFC0, s30;
	(xrf0) =	vadd.scan.msk.s32 $0xffff, v12;
	p0 =	por !p0, !p1;
	v10 =	vmov v12  }
0x3d2: {  	s4 =	smov.u32 s31;
	p1 =	slt.u32 s0, $0x7C;
	v11 =	vld [tilespmem:s30+$0xFFFFFFF0];
	p0 =	por !p0, !p0  }
0x3d3: {  	s26 =	smov.u32 @p0 s31;
	v12 =	vpsel p0, v6, v13;
	v6 =	vmov v9;
	v9 =	vld [tilespmem:s30+$0x0]  }
0x3d4: {  	p3 =	sge.s32 s1, s22;
	p2 =	slt.s32 s26, $0x0  }
0x3d5: {  	s5 =	sadd.s32 $0xFFFFFFFF, s31;
	p2 =	por !p3, !p2  }
0x3d6: {  	s24 =	smov.u32 @p0 s28;
	v13, _, _ =	vpop (xrf0);
	p0 =	por !p2, !p2;
	s6 =	spop (v2sf)  }
0x3d7: {  	(xrf0) =	vadd.scan.msk.s32 $0xffff, v11;
	(v2sf) =	vpush v13, $0xF;
	v13, _, _ =	vpop (xrf0);
	s26 =	smov.u32 @p0 s5;
	v16 =	vpsel p0, v4, v12;
	s29 =	sadd.s32 s6, s1;
	s5 =	spop (v2sf);
	v4 =	vmov v8  }
0x3d8: {  	v8 =	vmov v11;
	(xrf0) =	vadd.scan.msk.s32 $0xffff, v9;
	(v2sf) =	vpush v13, $0xF;
	p2 =	slt.s32 s26, $0x0;
	p3 =	sge.s32 s29, s22;
	s28 =	sadd.s32 s5, s29  }
0x3d9: {  	s24 =	smov.u32 @p0 s3;
	p0 =	por !p3, !p2  }
.Ltmp23:
0x3da: {  	s3 =	sadd.s32 $0xFFFFFFFE, s31;
	p0 =	por !p0, !p0;
	(pc) =	sbr.rel @p1 .LBB2_43-.Ltmp23, $4  }
0x3db: {  	v11 =	vld [tilespmem:s30+$0xFFFFFFE0];
	s26 =	smov.u32 @p0 s3;
	s24 =	smov.u32 @p0 s1  }
0x3dc: {  	p3 =	sge.s32 s28, s22;
	v12 =	vld [tilespmem:s30+$0xFFFFFFD0];
	p2 =	slt.s32 s26, $0x0  }
0x3dd: {  	s31 =	sadd.s32 $0xFFFFFFFC, s31;
	v13, _, _ =	vpop (xrf0);
	s1 =	spop (v2sf);
	p2 =	por !p3, !p2  }
0x3de: {  	s4 =	sadd.s32 $0xFFFFFFFD, s4;
	v14, _, _ =	vpop (xrf0);
	(v2sf) =	vpush v13, $0xF;
	s3 =	spop (v2sf);
	v13 =	vpsel p0, v7, v16;
	p0 =	por !p2, !p2;
	v7 =	vmov v15  }
0x3df: {  	(v2sf) =	vpush v14, $0xF;
	s0 =	sadd.s32 s28, s3;
	s26 =	smov.u32 @p0 s4  }
0x3e0: {  	(xrf0) =	vadd.scan.msk.s32 $0xffff, v11;
	p1 =	slt.s32 s26, $0x0;
	p2 =	sge.s32 s0, s22  }
0x3e1: {  	p1 =	por !p1, !p2  }
0x3e2: {  	p4 =	por !p1, !p1  }
0x3e3: {  	s30 =	sadd.s32 s1, s0;
	s26 =	smov.u32 @p4 s31;
	s1 =	simm.s32 @!p4 $0x0  }
0x3e4: {  	p5 =	sge.s32 s30, s22;
	s1 =	simm.s32 @p4 $0x1;
	p3 =	slt.s32 s26, $0x0  }
0x3e5: {  	[smem:$0x7E8] =	sst s1;
	p1 =	por !p5, !p3  }
0x3e6: {  	(xrf0) =	vadd.scan.msk.s32 $0xffff, v12;
	s1 =	sadd.s32 $0xFFFFFFFF, s31;
	v62, _, _ =	vpop (xrf0);
	p1 =	por !p1, !p1;
	s5 =	spop (v2sf)  }
0x3e7: {  	s3 =	simm.s32 @!p1 $0x0;
	(v2sf) =	vpush v62, $0xF;
	s26 =	smov.u32 @p1 s1;
	s1 =	sadd.s32 s5, s30  }
0x3e8: {  	s3 =	simm.s32 @p1 $0x1;
	p1 =	slt.s32 s26, $0x0;
	p6 =	sge.s32 s1, s22  }
0x3e9: {  	s4 =	sadd.s32 $0xFFFFFFFE, s31;
	p1 =	por !p6, !p1  }
0x3ea: {  	s6 =	spop (v2sf);
	[smem:$0x7E7] =	sst s3;
	p1 =	por !p1, !p1  }
0x3eb: {  	s3 =	sadd.s32 s6, s1;
	s5 =	simm.s32 @!p1 $0x0;
	s26 =	smov.u32 @p1 s4  }
0x3ec: {  	v63, _, _ =	vpop (xrf0);
	p3 =	sge.s32 s3, s22;
	s5 =	simm.s32 @p1 $0x1;
	p1 =	slt.s32 s26, $0x0  }
0x3ed: {  	(v2sf) =	vpush v63, $0xF;
	s7 =	spop (v2sf);
	p1 =	por !p3, !p1  }
0x3ee: {  	s6 =	sadd.s32 $0xFFFFFFFD, s31;
	s8 =	spop (v2sf);
	p3 =	por !p1, !p1  }
0x3ef: {  	[smem:$0x7E9] =	sst s5;
	s5 =	sadd.s32 s3, s8;
	s26 =	smov.u32 @p3 s6  }
0x3f0: {  	s6 =	simm.s32 @!p3 $0x0;
	p5 =	slt.s32 s26, $0x0;
	p6 =	sge.s32 s5, s22  }
0x3f1: {  	s6 =	simm.s32 @p3 $0x1;
	p1 =	por !p5, !p6  }
0x3f2: {  	[smem:$0x7EA] =	sst s6;
	s6 =	sadd.s32 $0xFFFFFFFC, s31;
	p5 =	por !p1, !p1  }
0x3f3: {  	s4 =	sadd.s32 s7, s5;
	s26 =	smov.u32 @p5 s6  }
0x3f4: {  	p6 =	sge.s32 s4, s22;
	p2 =	slt.s32 s26, $0x0  }
0x3f5: {  	s31 =	sld [smem:$0x7E7];
	p1 =	por !p6, !p2  }
0x3f6: {  	s7 =	sadd.s32 $0xFFFFFFFF, s6;
	p6 =	por !p1, !p1;
	s8 =	spop (v2sf)  }
0x3f7: {  	v5 =	vpsel p0, v5, v13;
	s26 =	smov.u32 @p6 s7;
	s7 =	sadd.s32 s8, s4  }
0x3f8: {  	v5 =	vpsel p4, v6, v5;
	p2 =	slt.s32 s26, $0x0;
	p4 =	sge.s32 s7, s22  }
0x3f9: {  	p1 =	por !p4, !p2;
	p4 =	seq.s32 s31, $0x1;
	s31 =	sld [smem:$0x7E9]  }
0x3fa: {  	_ =	sdelay $0x1  }
0x3fb: {  	s8 =	spop (v2sf);
	v4 =	vpsel p4, v4, v5;
	p2 =	seq.s32 s31, $0x1  }
0x3fc: {  	s8 =	sadd.s32 s8, s7;
	s31 =	sadd.s32 $0xFFFFFFFE, s6;
	v4 =	vpsel p2, v7, v4;
	p2 =	por !p1, !p1  }
0x3fd: {  	p1 =	sge.s32 s8, s22;
	s26 =	smov.u32 @p2 s31;
	v4 =	vpsel p3, v10, v4;
	s31 =	sshll.u32 s23, $0x15  }
0x3fe: {  	s23 =	sld [smem:$0x7E8];
	v4 =	vpsel p5, v9, v4;
	p3 =	slt.s32 s26, $0x0;
	s8 =	sxor.u32 $0x80200000, s31  }
0x3ff: {  	p1 =	por !p1, !p3;
	v4 =	vpsel p6, v8, v4;
	v6 =	vmov s8  }
0x400: {  	s24 =	smov.u32 @p0 s29;
	s29 =	simm.s32 $0x10040;
	v4 =	vpsel p2, v11, v4;
	p1 =	por !p1, !p1;
	[tilespmem:s25+$0x10800] =	vst v6  }
0x401: {  	p0 =	seq.s32 s23, $0x1;
	v4 =	vpsel p1, v12, v4;
	[tilespmem:s29+$0xFFFFFFC0] =	vst v1  }
0x402: {  	s24 =	smov.u32 @p0 s28;
	v5 =	vperm.xlane v4, v3;
	s28 =	sld [smem:$0x7E9];
	[tilespmem:s29+$0x30] =	vst v1  }
0x403: {  	s31 =	sld [smem:$0x7EA]  }
0x404: {  	(xrf0) =	vadd.scan.msk.s32 $0xffff, v5  }
0x405: {  	s24 =	smov.u32 @p4 s0;
	p0 =	seq.s32 s28, $0x1  }
0x406: {  	s24 =	smov.u32 @p0 s30;
	p0 =	seq.s32 s31, $0x1  }
0x407: {  	[tilespmem:s29+$0x20] =	vst v1;
	s24 =	smov.u32 @p0 s1  }
0x408: {  	[tilespmem:s29+$0x10] =	vst v1;
	s24 =	smov.u32 @p5 s3  }
0x409: {  	[tilespmem:s29+$0x0] =	vst v1;
	s24 =	smov.u32 @p6 s5  }
0x40a: {  	s0 =	sadd.s32 $0xFFFFFFFD, s6;
	[tilespmem:s29+$0xFFFFFFF0] =	vst v1;
	s24 =	smov.u32 @p2 s4;
	v5, _, _ =	vpop (xrf0)  }
0x40b: {  	s26 =	smov.u32 @p1 s0;
	s0 =	simm.s32 $0x0;
	[tilespmem:s29+$0xFFFFFFE0] =	vst v1;
	s24 =	smov.u32 @p1 s7;
	v5 =	vperm.xlane v5, v3  }
.LBB2_45:
0x40c: {  	s0 =	sadd.s32 $0x8, s0;
	[tilespmem:s29+$0xFFFFFFD0] =	vst v1;
	s29 =	sadd.s32 $0x80, s29  }
0x40d: {  	[tilespmem:s29+$0xFFFFFFC0] =	vst v1;
	p0 =	slt.u32 s0, $0x38  }
0x40e: {  	[tilespmem:s29+$0x30] =	vst v1  }
.Ltmp24:
0x40f: {  	[tilespmem:s29+$0x20] =	vst v1;
	(pc) =	sbr.rel @p0 .LBB2_45-.Ltmp24, $4  }
0x410: {  	[tilespmem:s29+$0x10] =	vst v1  }
0x411: {  	[tilespmem:s29+$0x0] =	vst v1  }
0x412: {  	[tilespmem:s29+$0xFFFFFFF0] =	vst v1  }
0x413: {  	[tilespmem:s29+$0xFFFFFFE0] =	vst v1  }
0x414: {  	v6 =	vadd.s32 s24, v5  }
0x415: {  	vm0 =	vge.s32 v6, s22  }
0x416: {  	v6 =	vsel vm0, $0x1, v1  }
0x417: {  	(xrf0) =	vadd.scan.msk.s32 $0xffff, v6;
	_ =	sdelay $0x5  }
0x418: {  	v6, _, _ =	vpop (xrf0)  }
0x419: {  	(v2sf) =	vpush v6, $0xF;
	_ =	sdelay $0xe  }
0x41a: {  	s0 =	spop (v2sf)  }
0x41b: {  	s0 =	sadd.s32 $0xFFFFFFFF, s0  }
0x41c: {  	v63 =	vmov s0  }
0x41d: {  	vm15 =	veq.s32 v63, v0  }
0x41e: {  	v4 =	vnsel vm15, $0x0, v4  }
0x41f: {  	(xrf0) =	vadd.scan.msk.s32 $0xffff, v4;
	v4 =	vnsel vm15, $0x0, v5  }
0x420: {  	(xrf0) =	vadd.scan.msk.s32 $0xffff, v4;
	_ =	sdelay $0x4  }
0x421: {  	v4, _, _ =	vpop (xrf0)  }
0x422: {  	(v2sf) =	vpush v4, $0xF;
	v4, _, _ =	vpop (xrf0)  }
0x423: {  	s1 =	sadd.s32 $0xF, s25;
	(v2sf) =	vpush v4, $0xF  }
0x424: {  	s3 =	sand.u32 $0xF, s1  }
0x425: {  	s4 =	sshra.s32 s1, $0x1F;
	p0 =	slt.s32 s1, $0x1;
	p1 =	sne.s32 s3, $0x0  }
0x426: {  	s25 =	sshrl.u32 s4, $0x1C;
	p0 =	por !p0, !p1  }
0x427: {  	s3 =	simm.s32 $0x1;
	s1 =	sadd.s32 s25, s1;
	p0 =	por !p0, !p0  }
0x428: {  	s1 =	sshra.s32 s1, $0x4;
	s3 =	simm.s32 @!p0 $0x0  }
0x429: {  	s28 =	ssub.s32 s1, s3  }
0x42a: {  	s1 =	sshrl.u32 s28, $0x1F  }
0x42b: {  	s1 =	sadd.s32 s1, s28  }
0x42c: {  	s30 =	sshll.u32 s26, $0x4;
	s26 =	sand.u32 $0xFFFFFFFE, s1  }
0x42d: {  	p0 =	slt.s32 s26, $0x1  }
.Ltmp25:
0x42e: {  	_ = 	snop;
	(pc) =	sbr.rel @p0 .LBB2_56-.Ltmp25, $3  }
0x42f: {  	_ =	sdelay $0x1  }
0x430: {  	s31 =	sshll.u32 s21, $0xB;
	s23 =	sadd.s32 s30, s0;
	s25 =	spop (v2sf)  }
0x431: {  	[tilespmem:s29+$0xFFFFFFD0] =	vst v1;
	s29 =	sor.u32 s31, s23;
	s0 =	spop (v2sf)  }
0x432: {  	p2 =	sgt.s32 s26, $0x2  }
.Ltmp26:
0x433: {  	_ = 	snop;
	(pc) =	sbr.rel @!p2 .LBB2_48-.Ltmp26, $4  }
0x434: {  	_ = 	snop  }
0x435: {  	s1 =	simm.s32 $0x10810  }
0x436: {  	v7 =	vld [tilespmem:s1+$0x0]  }
0x437: {  	v4 =	vmov s29;
	p0 =	por $0x0, $0x0;
	p1 =	por $0x0, $0x0;
	v13 =	vld [tilespmem:s1+$0xFFFFFFF0]  }
0x438: {  	p2 =	sgt.s32 s26, $0x4  }
.Ltmp27:
0x439: {  	_ = 	snop;
	(pc) =	sbr.rel @!p2 .LBB2_50-.Ltmp27, $4  }
0x43a: {  	s1 =	simm.s32 $0x10830  }
0x43b: {  	v5 =	vld [tilespmem:s1+$0x0]  }
0x43c: {  	v6 =	vshrl.u32 v13, $0xA  }
0x43d: {  	p0 =	por $0x1, $0x1;
	v8 =	vshrl.u32 v7, $0xA;
	v10 =	vand.u32 $0x3FF, v13;
	v13 =	vld [tilespmem:s1+$0xFFFFFFF0];
	vm1 =	veq.s32 v6, v4  }
0x43e: {  	_ = 	snop  }
0x43f: {  	p2 =	sgt.s32 s26, $0x6  }
.Ltmp28:
0x440: {  	vm0 =	veq.s32 v8, v4;
	(pc) =	sbr.rel @!p2 .LBB2_52-.Ltmp28, $4  }
0x441: {  	s1 =	simm.s32 $0x10850;
	v6 =	vand.u32 $0x3FF, v7  }
0x442: {  	v9 =	vld [tilespmem:s1+$0x0]  }
0x443: {  	[tilespmem:v10+s16+$0x0] =	vst.idx.add.s32.msk vm1, v2;
	v7 =	vshrl.u32 v13, $0xA  }
0x444: {  	s30 =	simm.s32 $0x6;
	p1 =	por $0x1, $0x1;
	v12 =	vld [tilespmem:s1+$0xFFFFFFF0];
	v8 =	vshrl.u32 v5, $0xA;
	v11 =	vand.u32 $0x3FF, v13;
	vm2 =	veq.s32 v7, v4  }
.LBB2_53:
0x445: {  	s30 =	sadd.s32 $0x2, s30  }
0x446: {  	s1 =	sadd.s32 $0x20, s1;
	[tilespmem:v6+s16+$0x0] =	vst.idx.add.s32.msk vm0, v2;
	vm0 =	veq.s32 v8, v4;
	p2 =	slt.s32 s30, s26  }
.Ltmp29:
0x447: {  	v6 =	vand.u32 $0x3FF, v5;
	v5 =	vmov v9;
	v9 =	vld [tilespmem:s1+$0x0];
	(pc) =	sbr.rel @p2 .LBB2_53-.Ltmp29, $4  }
0x448: {  	_ = 	snop  }
0x449: {  	v7 =	vand.u32 $0x3FF, v12  }
0x44a: {  	v10 =	vshrl.u32 v12, $0xA;
	v12 =	vld [tilespmem:s1+$0xFFFFFFF0]  }
0x44b: {  	v8 =	vshrl.u32 v5, $0xA;
	[tilespmem:v11+s16+$0x0] =	vst.idx.add.s32.msk vm2, v2;
	vm2 =	veq.s32 v10, v4;
	v11 =	vmov v7  }
0x44c: {  	_ =	sdelay $0x2  }
0x44d: {  	v7 =	vmovc v5;
	v5 =	vmovc v9;
	vm1 =	vmmov vm2;
	v10 =	vmov v11;
	v13 =	vmov v12  }
.LBB2_55:
0x44e: {  	vm2 =	veq.s32 @p0 v8, v4  }
0x44f: {  	v7 =	vand.u32 @p0 $0x3FF, v7;
	v62 =	vshrl.u32 v13, $0xA;
	vm2 =	vmmov @p0 vm2  }
0x450: {  	v63 =	vshrl.u32 v5, $0xA;
	vm3 =	veq.s32 v62, v4;
	v7 =	vpsel p0, v7, v0  }
0x451: {  	v9 =	vand.u32 $0x3FF, v13;
	vm4 =	veq.s32 v63, v4  }
0x452: {  	v4 =	vand.u32 $0x3FF, v5  }
0x453: {  	[tilespmem:v6+s16+$0x0] =	vst.idx.add.s32.msk @p1 vm0, v2  }
0x454: {  	[tilespmem:v10+s16+$0x0] =	vst.idx.add.s32.msk @p0 vm1, v2  }
0x455: {  	[tilespmem:v7+s16+$0x0] =	vst.idx.add.s32.msk @p0 vm2, v2  }
0x456: {  	[tilespmem:v9+s16+$0x0] =	vst.idx.add.s32.msk vm3, v2  }
0x457: {  	[tilespmem:v4+s16+$0x0] =	vst.idx.add.s32.msk vm4, v2  }
.LBB2_56:
0x458: {  	s1 =	ssub.s32 s28, s26  }
0x459: {  	p0 =	sgt.s32 s1, $0x0  }
0x45a: {  	s1 =	sshll.u32 @p0 s26, $0x6  }
0x45b: {  	s1 =	sshra.s32 @p0 s1, $0x2  }
0x45c: {  	v4 =	vld @p0 [tilespmem:s1+$0x10800];
	_ =	sdelay $0x4  }
0x45d: {  	v5 =	vshrl.u32 @p0 v4, $0xA  }
0x45e: {  	vm0 =	veq.s32 @p0 v5, s29  }
0x45f: {  	v4 =	vand.u32 @p0 $0x3FF, v4;
	_ =	sdelay $0x1  }
0x460: {  	s0 =	sadd.s32 s0, s24  }
0x461: {  	s0 =	ssub.s32 s22, s0  }
0x462: {  	s22 =	sadd.s32 s25, s0;
	s0 =	simm.s32 @p0 $0x10000;
	v5 =	vimm.s32 @p0 $0x1  }
0x463: {  	s7 =	simm.s32 $0x103F0;
	[tilespmem:v4+s0+$0x0] =	vst.idx.add.s32.msk @p0 vm0, v5  }
0x464: {  	v12 =	vld [tilespmem:s7+$0xFFFFFFF0]  }
0x465: {  	v13 =	vld [tilespmem:s7+$0x0];
	_ =	sdelay $0x3  }
0x466: {  	(xrf0) =	vadd.scan.msk.s32 $0xffff, v12  }
0x467: {  	(xrf0) =	vadd.scan.msk.s32 $0xffff, v13  }
0x468: {  	v15 =	vld [tilespmem:s7+$0xFFFFFFE0];
	_ =	sdelay $0x3  }
0x469: {  	s8 =	simm.s32 $0x103B0;
	v5 =	vld [tilespmem:s7+$0xFFFFFFD0];
	v4, _, _ =	vpop (xrf0)  }
0x46a: {  	(xrf0) =	vadd.scan.msk.s32 $0xffff, v15;
	v6, _, _ =	vpop (xrf0);
	(v2sf) =	vpush v4, $0xF;
	v4 =	vld [tilespmem:s8+$0xFFFFFFF0]  }
0x46b: {  	(v2sf) =	vpush v6, $0xF;
	v6 =	vld [tilespmem:s8+$0x0];
	_ =	sdelay $0x2  }
0x46c: {  	(xrf0) =	vadd.scan.msk.s32 $0xffff, v5  }
0x46d: {  	(xrf0) =	vadd.scan.msk.s32 $0xffff, v4  }
0x46e: {  	v7, _, _ =	vpop (xrf0);
	(xrf0) =	vadd.scan.msk.s32 $0xffff, v6;
	_ =	sdelay $0x2  }
0x46f: {  	(v2sf) =	vpush v7, $0xF  }
0x470: {  	v7, _, _ =	vpop (xrf0)  }
0x471: {  	(v2sf) =	vpush v7, $0xF;
	v7, _, _ =	vpop (xrf0)  }
0x472: {  	v8, _, _ =	vpop (xrf0);
	(v2sf) =	vpush v7, $0xF  }
0x473: {  	(v2sf) =	vpush v8, $0xF;
	v8 =	vld [tilespmem:s8+$0xFFFFFFE0]  }
0x474: {  	v10 =	vld [tilespmem:s8+$0xFFFFFFD0]  }
0x475: {  	s3 =	spop (v2sf)  }
0x476: {  	s4 =	spop (v2sf)  }
0x477: {  	s4 =	sadd.s32 $0x0, s4  }
0x478: {  	p2 =	por $0x1, $0x1;
	p1 =	sge.s32 s4, s22;
	(xrf0) =	vadd.scan.msk.s32 $0xffff, v8  }
0x479: {  	s30 =	simm.s32 $0x10370;
	p0 =	por !p2, !p1;
	(xrf0) =	vadd.scan.msk.s32 $0xffff, v10  }
0x47a: {  	s25 =	simm.s32 $0xFFFFFFFF;
	s0 =	simm.s32 $0x3F;
	v7 =	vld [tilespmem:s30+$0xFFFFFFF0];
	p0 =	por !p0, !p0  }
0x47b: {  	v9 =	vld [tilespmem:s30+$0x0];
	s1 =	sadd.s32 s3, s4;
	s25 =	smov.u32 @p0 s0  }
0x47c: {  	p2 =	sge.s32 s1, s22;
	p3 =	slt.s32 s25, $0x0  }
0x47d: {  	p1 =	por !p2, !p3  }
0x47e: {  	s26 =	spop (v2sf);
	s0 =	simm.s32 $0x3E;
	p1 =	por !p1, !p1;
	v14, _, _ =	vpop (xrf0)  }
0x47f: {  	s28 =	sadd.s32 s26, s1;
	(xrf0) =	vadd.scan.msk.s32 $0xffff, v7;
	s25 =	smov.u32 @p1 s0;
	v16, _, _ =	vpop (xrf0);
	(v2sf) =	vpush v14, $0xF  }
0x480: {  	s24 =	simm.s32 $0x0;
	(xrf0) =	vadd.scan.msk.s32 $0xffff, v9;
	p3 =	sge.s32 s28, s22;
	p4 =	slt.s32 s25, $0x0;
	(v2sf) =	vpush v16, $0xF  }
0x481: {  	v11 =	vimm.s32 $0x0;
	s5 =	simm.s32 $0x3D;
	s31 =	spop (v2sf);
	p2 =	por !p3, !p4  }
0x482: {  	s29 =	simm.s32 $0x3B;
	v11 =	vpsel p0, v13, v11;
	s26 =	sadd.s32 s31, s28;
	p2 =	por !p2, !p2  }
0x483: {  	s24 =	smov.u32 @p0 s24;
	p6 =	sge.s32 s26, s22;
	v13 =	vpsel p1, v12, v11;
	v11 =	vld [tilespmem:s30+$0xFFFFFFE0];
	s25 =	smov.u32 @p2 s5  }
0x484: {  	s0 =	simm.s32 $0x8;
	s24 =	smov.u32 @p1 s4;
	v12 =	vld [tilespmem:s30+$0xFFFFFFD0];
	p5 =	slt.s32 s25, $0x0  }
0x485: {  	v63, _, _ =	vpop (xrf0);
	s24 =	smov.u32 @p2 s1;
	s1 =	spop (v2sf);
	p0 =	por !p6, !p5  }
0x486: {  	s4 =	simm.s32 $0x3C;
	v14, _, _ =	vpop (xrf0);
	(v2sf) =	vpush v63, $0xF;
	v13 =	vpsel p2, v15, v13;
	s3 =	spop (v2sf);
	p0 =	por !p0, !p0  }
.LBB2_57:
0x487: {  	(v2sf) =	vpush v14, $0xF;
	s3 =	sadd.s32 s26, s3;
	s25 =	smov.u32 @p0 s4;
	s24 =	smov.u32 @p0 s28;
	v13 =	vpsel p0, v5, v13;
	v5 =	vmov v10  }
0x488: {  	(xrf0) =	vadd.scan.msk.s32 $0xffff, v11;
	p0 =	slt.s32 s25, $0x0;
	p1 =	sge.s32 s3, s22;
	s1 =	sadd.s32 s1, s3;
	v15 =	vmov v11  }
0x489: {  	s0 =	sadd.s32 $0x4, s0;
	s30 =	sadd.s32 $0xFFFFFFC0, s30;
	(xrf0) =	vadd.scan.msk.s32 $0xffff, v12;
	p0 =	por !p0, !p1;
	v10 =	vmov v12  }
0x48a: {  	s4 =	smov.u32 s29;
	p1 =	slt.u32 s0, $0x3C;
	v11 =	vld [tilespmem:s30+$0xFFFFFFF0];
	p0 =	por !p0, !p0  }
0x48b: {  	s25 =	smov.u32 @p0 s29;
	v12 =	vpsel p0, v6, v13;
	v6 =	vmov v9;
	v9 =	vld [tilespmem:s30+$0x0]  }
0x48c: {  	p3 =	sge.s32 s1, s22;
	p2 =	slt.s32 s25, $0x0  }
0x48d: {  	s5 =	sadd.s32 $0xFFFFFFFF, s29;
	p2 =	por !p3, !p2  }
0x48e: {  	s24 =	smov.u32 @p0 s26;
	v13, _, _ =	vpop (xrf0);
	p0 =	por !p2, !p2;
	s6 =	spop (v2sf)  }
0x48f: {  	(xrf0) =	vadd.scan.msk.s32 $0xffff, v11;
	(v2sf) =	vpush v13, $0xF;
	v13, _, _ =	vpop (xrf0);
	s25 =	smov.u32 @p0 s5;
	v16 =	vpsel p0, v4, v12;
	s28 =	sadd.s32 s6, s1;
	s5 =	spop (v2sf);
	v4 =	vmov v7  }
0x490: {  	v7 =	vmov v11;
	(xrf0) =	vadd.scan.msk.s32 $0xffff, v9;
	(v2sf) =	vpush v13, $0xF;
	p2 =	slt.s32 s25, $0x0;
	p3 =	sge.s32 s28, s22;
	s26 =	sadd.s32 s5, s28  }
0x491: {  	s24 =	smov.u32 @p0 s3;
	p0 =	por !p3, !p2  }
.Ltmp30:
0x492: {  	s3 =	sadd.s32 $0xFFFFFFFE, s29;
	p0 =	por !p0, !p0;
	(pc) =	sbr.rel @p1 .LBB2_57-.Ltmp30, $4  }
0x493: {  	v11 =	vld [tilespmem:s30+$0xFFFFFFE0];
	s25 =	smov.u32 @p0 s3;
	s24 =	smov.u32 @p0 s1  }
0x494: {  	p3 =	sge.s32 s26, s22;
	v12 =	vld [tilespmem:s30+$0xFFFFFFD0];
	p2 =	slt.s32 s25, $0x0  }
0x495: {  	s29 =	sadd.s32 $0xFFFFFFFC, s29;
	v13, _, _ =	vpop (xrf0);
	s1 =	spop (v2sf);
	p2 =	por !p3, !p2  }
0x496: {  	s4 =	sadd.s32 $0xFFFFFFFD, s4;
	v14, _, _ =	vpop (xrf0);
	(v2sf) =	vpush v13, $0xF;
	s3 =	spop (v2sf);
	v13 =	vpsel p0, v8, v16;
	p0 =	por !p2, !p2;
	v8 =	vmov v15  }
0x497: {  	(v2sf) =	vpush v14, $0xF;
	s0 =	sadd.s32 s26, s3;
	s25 =	smov.u32 @p0 s4  }
0x498: {  	(xrf0) =	vadd.scan.msk.s32 $0xffff, v11;
	p1 =	slt.s32 s25, $0x0;
	p2 =	sge.s32 s0, s22  }
0x499: {  	p1 =	por !p1, !p2  }
0x49a: {  	p5 =	por !p1, !p1  }
0x49b: {  	s30 =	sadd.s32 s1, s0;
	s25 =	smov.u32 @p5 s29;
	s1 =	simm.s32 @!p5 $0x0  }
0x49c: {  	(xrf0) =	vadd.scan.msk.s32 $0xffff, v12;
	p4 =	sge.s32 s30, s22;
	s1 =	simm.s32 @p5 $0x1;
	p3 =	slt.s32 s25, $0x0  }
0x49d: {  	[smem:$0x7E4] =	sst s1;
	p1 =	por !p4, !p3  }
0x49e: {  	s1 =	sadd.s32 $0xFFFFFFFF, s29;
	v14, _, _ =	vpop (xrf0);
	p1 =	por !p1, !p1;
	s6 =	spop (v2sf)  }
0x49f: {  	s3 =	simm.s32 @!p1 $0x0;
	(v2sf) =	vpush v14, $0xF;
	s25 =	smov.u32 @p1 s1;
	s1 =	sadd.s32 s6, s30  }
0x4a0: {  	s3 =	simm.s32 @p1 $0x1;
	p1 =	slt.s32 s25, $0x0;
	p6 =	sge.s32 s1, s22  }
0x4a1: {  	p1 =	por !p6, !p1  }
0x4a2: {  	s4 =	sadd.s32 $0xFFFFFFFE, s29;
	v14, _, _ =	vpop (xrf0);
	s7 =	spop (v2sf);
	p4 =	por !p1, !p1  }
0x4a3: {  	(v2sf) =	vpush v14, $0xF;
	[smem:$0x7E2] =	sst s3;
	s3 =	sadd.s32 s7, s1;
	s25 =	smov.u32 @p4 s4  }
0x4a4: {  	s6 =	sadd.s32 $0xFFFFFFFD, s29;
	p3 =	sge.s32 s3, s22;
	p2 =	slt.s32 s25, $0x0  }
0x4a5: {  	s4 =	simm.s32 @!p4 $0x0;
	s8 =	spop (v2sf);
	p1 =	por !p3, !p2  }
0x4a6: {  	s4 =	simm.s32 @p4 $0x1;
	s5 =	spop (v2sf);
	p1 =	por !p1, !p1  }
0x4a7: {  	s7 =	simm.s32 @!p1 $0x0;
	s5 =	sadd.s32 s3, s5;
	s25 =	smov.u32 @p1 s6  }
0x4a8: {  	s7 =	simm.s32 @p1 $0x1;
	p1 =	slt.s32 s25, $0x0;
	p6 =	sge.s32 s5, s22  }
0x4a9: {  	[smem:$0x7E5] =	sst s4;
	s6 =	sadd.s32 $0xFFFFFFFC, s29;
	p1 =	por !p1, !p6  }
0x4aa: {  	s29 =	sld [smem:$0x7E2];
	s4 =	sadd.s32 s8, s5;
	p3 =	por !p1, !p1  }
0x4ab: {  	[smem:$0x7E3] =	sst s7;
	s25 =	smov.u32 @p3 s6;
	s7 =	simm.s32 @!p3 $0x0  }
0x4ac: {  	p6 =	sge.s32 s4, s22;
	s7 =	simm.s32 @p3 $0x1;
	p2 =	slt.s32 s25, $0x0  }
0x4ad: {  	[smem:$0x7E6] =	sst s7;
	p1 =	por !p6, !p2  }
0x4ae: {  	s7 =	sadd.s32 $0xFFFFFFFF, s6;
	p6 =	por !p1, !p1;
	s8 =	spop (v2sf)  }
0x4af: {  	v5 =	vpsel p0, v5, v13;
	s25 =	smov.u32 @p6 s7;
	s7 =	sadd.s32 s8, s4  }
0x4b0: {  	v5 =	vpsel p5, v6, v5;
	s31 =	sld [smem:$0x7E3];
	p2 =	slt.s32 s25, $0x0;
	p5 =	sge.s32 s7, s22  }
0x4b1: {  	p1 =	por !p5, !p2;
	p5 =	seq.s32 s29, $0x1  }
0x4b2: {  	s8 =	spop (v2sf);
	v4 =	vpsel p5, v4, v5  }
0x4b3: {  	s29 =	sadd.s32 $0xFFFFFFFE, s6;
	p1 =	por !p1, !p1;
	v4 =	vpsel p4, v8, v4;
	p4 =	seq.s32 s31, $0x1  }
0x4b4: {  	s8 =	sadd.s32 s8, s7;
	s25 =	smov.u32 @p1 s29;
	v4 =	vpsel p4, v10, v4  }
0x4b5: {  	p2 =	sge.s32 s8, s22;
	v4 =	vpsel p3, v9, v4;
	p3 =	slt.s32 s25, $0x0  }
0x4b6: {  	s31 =	sld [smem:$0x7E4];
	p2 =	por !p2, !p3;
	v4 =	vpsel p6, v7, v4  }
0x4b7: {  	v4 =	vpsel p1, v11, v4;
	p2 =	por !p2, !p2  }
0x4b8: {  	v4 =	vpsel p2, v12, v4  }
0x4b9: {  	s24 =	smov.u32 @p0 s28;
	p0 =	seq.s32 s31, $0x1;
	v4 =	vperm.xlane v4, v3  }
0x4ba: {  	s24 =	smov.u32 @p0 s26;
	s26 =	sld [smem:$0x7E5]  }
0x4bb: {  	(xrf0) =	vadd.scan.msk.s32 $0xffff, v4  }
0x4bc: {  	s28 =	sld [smem:$0x7E6]  }
0x4bd: {  	s24 =	smov.u32 @p5 s0;
	p0 =	seq.s32 s26, $0x1  }
0x4be: {  	s24 =	smov.u32 @p0 s30  }
0x4bf: {  	p0 =	seq.s32 s28, $0x1;
	s24 =	smov.u32 @p4 s1  }
0x4c0: {  	s24 =	smov.u32 @p0 s3  }
0x4c1: {  	s24 =	smov.u32 @p6 s5;
	v4, _, _ =	vpop (xrf0)  }
0x4c2: {  	s24 =	smov.u32 @p1 s4;
	v4 =	vperm.xlane v4, v3  }
0x4c3: {  	s24 =	smov.u32 @p2 s7  }
0x4c4: {  	v5 =	vadd.s32 s24, v4  }
0x4c5: {  	vm0 =	vge.s32 v5, s22  }
0x4c6: {  	v5 =	vsel vm0, $0x1, v1  }
0x4c7: {  	(xrf0) =	vadd.scan.msk.s32 $0xffff, v5;
	_ =	sdelay $0x5  }
0x4c8: {  	v5, _, _ =	vpop (xrf0)  }
0x4c9: {  	(v2sf) =	vpush v5, $0xF;
	_ =	sdelay $0xd  }
0x4ca: {  	s0 =	sadd.s32 $0xFFFFFFFD, s6  }
0x4cb: {  	s31 =	sshll.u32 s23, $0xA;
	s25 =	smov.u32 @p2 s0;
	s29 =	spop (v2sf)  }
0x4cc: {  	s0 =	sshll.u32 s25, $0x4;
	s30 =	sshll.u32 s21, $0x15;
	s26 =	sadd.s32 $0xFFFFFFFF, s29  }
0x4cd: {  	s1 =	sor.u32 s30, s31;
	s0 =	sadd.s32 s0, s26  }
0x4ce: {  	s21 =	simm.s32 $0x8040;
	s0 =	sor.u32 s0, s1  }
0x4cf: {  	v7 =	vld [tilespmem:s21+$0x30];
	s1 =	sxor.u32 $0x7FFFFFFF, s0;
	p0 =	slt.s32 s0, $0x0;
	s3 =	smov.u32 s0  }
0x4d0: {  	v12 =	vld [tilespmem:s21+$0xFFFFFFD0];
	s3 =	smov.u32 @p0 s1  }
0x4d1: {  	v11 =	vld [tilespmem:s21+$0xFFFFFFE0];
	v5 =	vmov s3  }
0x4d2: {  	v10 =	vld [tilespmem:s21+$0xFFFFFFF0];
	v5 =	vbroadcast v5, $0x0  }
0x4d3: {  	v9 =	vld [tilespmem:s21+$0x0]  }
0x4d4: {  	v8 =	vld [tilespmem:s21+$0x10];
	vm0 =	vge.f32 v7, v5  }
0x4d5: {  	v6 =	vld [tilespmem:s21+$0x20];
	vm1 =	vge.f32 v12, v5;
	v13 =	vnsel vm0, $0x0, v7  }
0x4d6: {  	s23 =	simm.s32 $0x80C0;
	s1 =	simm.s32 $0x0;
	v7 =	vld [tilespmem:s21+$0xFFFFFFC0];
	v12 =	vnsel vm1, $0x0, v12;
	vm0 =	vge.f32 v11, v5;
	[tilespmem:s21+$0x30] =	vst v13  }
.LBB2_59:
0x4d7: {  	v13 =	vld [tilespmem:s23+$0x30];
	s1 =	sadd.s32 $0x8, s1;
	[tilespmem:s21+$0xFFFFFFD0] =	vst v12;
	v11 =	vnsel vm0, $0x0, v11;
	vm0 =	vge.f32 v10, v5  }
0x4d8: {  	v12 =	vld [tilespmem:s23+$0xFFFFFFD0];
	p0 =	slt.u32 s1, $0x7F8;
	[tilespmem:s21+$0xFFFFFFE0] =	vst v11;
	v10 =	vnsel vm0, $0x0, v10;
	vm0 =	vge.f32 v9, v5  }
0x4d9: {  	v11 =	vld [tilespmem:s23+$0xFFFFFFE0];
	[tilespmem:s21+$0xFFFFFFF0] =	vst v10;
	v9 =	vnsel vm0, $0x0, v9;
	vm0 =	vge.f32 v8, v5  }
.Ltmp31:
0x4da: {  	v10 =	vld [tilespmem:s23+$0xFFFFFFF0];
	[tilespmem:s21+$0x0] =	vst v9;
	v8 =	vnsel vm0, $0x0, v8;
	vm0 =	vge.f32 v6, v5;
	(pc) =	sbr.rel @p0 .LBB2_59-.Ltmp31, $4  }
0x4db: {  	v9 =	vld [tilespmem:s23+$0x0];
	vm1 =	vge.f32 v7, v5;
	[tilespmem:s21+$0x10] =	vst v8;
	v6 =	vnsel vm0, $0x0, v6  }
0x4dc: {  	v8 =	vld [tilespmem:s23+$0x10];
	vm0 =	vge.f32 v13, v5;
	v7 =	vnsel vm1, $0x0, v7;
	[tilespmem:s21+$0x20] =	vst v6  }
0x4dd: {  	vm1 =	vge.f32 v12, v5;
	v6 =	vld [tilespmem:s23+$0x20];
	v13 =	vnsel vm0, $0x0, v13;
	[tilespmem:s21+$0xFFFFFFC0] =	vst v7;
	s21 =	smov.u32 s23  }
0x4de: {  	s23 =	sadd.s32 $0x80, s23;
	v7 =	vld [tilespmem:s21+$0xFFFFFFC0];
	v12 =	vnsel vm1, $0x0, v12;
	vm0 =	vge.f32 v11, v5;
	[tilespmem:s21+$0x30] =	vst v13  }
0x4df: {  	v13 =	vmov s26  }
0x4e0: {  	vm1 =	veq.s32 v13, v0  }
0x4e1: {  	v4 =	vnsel vm1, $0x0, v4  }
0x4e2: {  	(xrf0) =	vadd.scan.msk.s32 $0xffff, v4;
	_ =	sdelay $0x5  }
0x4e3: {  	v4, _, _ =	vpop (xrf0)  }
0x4e4: {  	(v2sf) =	vpush v4, $0xF;
	_ =	sdelay $0xe  }
0x4e5: {  	vm11 =	vge.f32 v10, v5;
	s3 =	ssub.s32 s24, s22;
	vm12 =	vge.f32 v9, v5;
	vm15 =	vge.f32 v7, v5;
	s1 =	spop (v2sf)  }
0x4e6: {  	[tilespmem:s21+$0xFFFFFFD0] =	vst v12;
	vm13 =	vge.f32 v8, v5;
	vm14 =	vge.f32 v6, v5;
	v5 =	vnsel vm15, $0x0, v7;
	s1 =	sadd.s32 s1, s3  }
0x4e7: {  	[tilespmem:s21+$0xFFFFFFC0] =	vst v5;
	v4 =	vnsel vm0, $0x0, v11;
	p0 =	slt.s32 s1, $0x1  }
.Ltmp32:
0x4e8: {  	[tilespmem:s21+$0xFFFFFFE0] =	vst v4;
	v4 =	vnsel vm11, $0x0, v10;
	(pc) =	sbr.rel @p0 .LBB2_63-.Ltmp32, $4  }
0x4e9: {  	[tilespmem:s21+$0xFFFFFFF0] =	vst v4;
	v4 =	vnsel vm12, $0x0, v9  }
0x4ea: {  	[tilespmem:s21+$0x0] =	vst v4;
	v4 =	vnsel vm13, $0x0, v8  }
0x4eb: {  	[tilespmem:s21+$0x10] =	vst v4;
	v4 =	vnsel vm14, $0x0, v6  }
0x4ec: {  	[tilespmem:s21+$0x20] =	vst v4  }
0x4ed: {  	v4 =	vmov s0;
	s0 =	simm.s32 $0x1FFC0  }
.LBB2_62:
0x4ee: {  	s3 =	sshra.s32 s0, $0x2  }
0x4ef: {  	v5 =	vld [tilespmem:s3+$0x8000];
	_ =	sdelay $0x4  }
0x4f0: {  	v6 =	vshra.s32 v5, $0x1F  }
0x4f1: {  	v6 =	vand.u32 $0x7FFFFFFF, v6  }
0x4f2: {  	v6 =	vxor.u32 v5, v6  }
0x4f3: {  	vm0 =	veq.s32 v6, v4  }
0x4f4: {  	v6 =	vsel vm0, $0x1, v1  }
0x4f5: {  	v7 =	vperm.xlane v6, v3;
	_ =	sdelay $0x1  }
0x4f6: {  	(xrf0) =	vadd.scan.msk.s32 $0xffff, v7  }
0x4f7: {  	(xrf0) =	vadd.scan.msk.s32 $0xffff, v6;
	_ =	sdelay $0x4  }
0x4f8: {  	v6, _, _ =	vpop (xrf0)  }
0x4f9: {  	v7, _, _ =	vpop (xrf0)  }
0x4fa: {  	(v2sf) =	vpush v7, $0xF;
	_ =	sdelay $0xd  }
0x4fb: {  	v6 =	vperm.xlane v6, v3  }
0x4fc: {  	s4 =	spop (v2sf)  }
0x4fd: {  	p0 =	seq.s32 s0, $0x0;
	vm1 =	vle.s32 v6, s1;
	s1 =	ssub.s32 s1, s4  }
0x4fe: {  	p1 =	sgt.s32 @!p0 s1, $0x0  }
0x4ff: {  	p0 =	por p0, !p1  }
.Ltmp33:
0x500: {  	_ = 	snop;
	(pc) =	sbr.rel @!p0 .LBB2_62-.Ltmp33, $4  }
0x501: {  	_ = 	snop  }
0x502: {  	vm0 =	vmand vm1, vm0  }
0x503: {  	v5 =	vsel vm0, $0x0, v5  }
0x504: {  	s0 =	sadd.s32 $0xFFFFFFC0, s0;
	[tilespmem:s3+$0x8000] =	vst v5  }
.LBB2_63:
0x505: {  	s0 =	rddreg [dreg:$0x7]  }
0x506: {  	[hbm4b:s0+s12] =	stream.strided.scatter [tilespmem:s14], [sflag:$0x4], $0x8000, s13, s12, $0x38;
	[tilespmem:$0x18880] =	vst v63  }
0x507: {  	_ =	swait.ge [sflag:s19], $0x8000  }
0x508: {  	[sflag:s19] =	ssyncset.done $0x0  }
0x509: {  	s31 =	rddreg [dreg:$0x8];
	[sflag:s19] =	ssyncadd.s32 $0xFFFF8000  }
0x50a: {  	[tilespmem:s14], [sflag:$0x2] =	stream.strided.gather [hbm4b:s31+s12], $0x8000, s13, s12, $0x38;
	[tilespmem:$0x18880] =	vst v63  }
0x50b: {  	_ =	swait.ge [sflag:s15], $0x8000  }
0x50c: {  	[sflag:s15] =	ssyncset.done $0x0  }
0x50d: {  	s0 =	simm.s32 $0x10040;
	[sflag:s15] =	ssyncadd.s32 $0xFFFF8000  }
0x50e: {  	[tilespmem:s0+$0xFFFFFFC0] =	vst v1  }
0x50f: {  	[tilespmem:s0+$0x30] =	vst v1  }
0x510: {  	[tilespmem:s0+$0x20] =	vst v1  }
0x511: {  	[tilespmem:s0+$0x10] =	vst v1  }
0x512: {  	[tilespmem:s0+$0x0] =	vst v1  }
0x513: {  	[tilespmem:s0+$0xFFFFFFF0] =	vst v1  }
0x514: {  	s1 =	simm.s32 $0x0;
	[tilespmem:s0+$0xFFFFFFE0] =	vst v1  }
.LBB2_64:
0x515: {  	s1 =	sadd.s32 $0x8, s1;
	[tilespmem:s0+$0xFFFFFFD0] =	vst v1;
	s0 =	sadd.s32 $0x80, s0  }
0x516: {  	[tilespmem:s0+$0xFFFFFFC0] =	vst v1;
	p0 =	slt.u32 s1, $0x78  }
0x517: {  	[tilespmem:s0+$0x30] =	vst v1  }
.Ltmp34:
0x518: {  	[tilespmem:s0+$0x20] =	vst v1;
	(pc) =	sbr.rel @p0 .LBB2_64-.Ltmp34, $4  }
0x519: {  	[tilespmem:s0+$0x10] =	vst v1  }
0x51a: {  	[tilespmem:s0+$0x0] =	vst v1  }
0x51b: {  	[tilespmem:s0+$0xFFFFFFF0] =	vst v1  }
0x51c: {  	[tilespmem:s0+$0xFFFFFFE0] =	vst v1  }
0x51d: {  	[tilespmem:s0+$0xFFFFFFD0] =	vst v1;
	s31 =	simm.s32 $0x40  }
0x51e: {  	v4 =	vld [tilespmem:s31+$0x30]  }
0x51f: {  	v5 =	vld [tilespmem:s31+$0xFFFFFFD0]  }
0x520: {  	v6 =	vld [tilespmem:s31+$0xFFFFFFE0]  }
0x521: {  	v7 =	vld [tilespmem:s31+$0xFFFFFFF0]  }
0x522: {  	v8 =	vld [tilespmem:s31+$0x0];
	_ =	sdelay $0x1  }
0x523: {  	v9 =	vld [tilespmem:s31+$0x10]  }
0x524: {  	v12 =	vld [tilespmem:s31+$0x20]  }
0x525: {  	v13 =	vld [tilespmem:s31+$0xFFFFFFC0];
	v10 =	vshra.s32 v4, $0x1F;
	v11 =	vshra.s32 v5, $0x1F;
	v14 =	vshra.s32 v6, $0x1F  }
0x526: {  	v62 =	vshra.s32 v7, $0x1F;
	v15 =	vshra.s32 v8, $0x1F;
	v10 =	vand.u32 $0x7FE00000, v10  }
0x527: {  	v11 =	vand.u32 $0x7FE00000, v11;
	v4 =	vxor.u32 v4, v10;
	v10 =	vand.u32 $0x7FE00000, v14  }
0x528: {  	v14 =	vand.u32 $0x7FE00000, v62;
	v11 =	vxor.u32 v5, v11;
	v4 =	vshrl.u32 v4, $0x15  }
0x529: {  	v5 =	vshra.s32 v9, $0x1F;
	v63 =	vxor.u32 v6, v10;
	v16 =	vxor.u32 $0x400, v4  }
0x52a: {  	v6 =	vand.u32 $0x7FE00000, v5;
	v5 =	vshra.s32 v12, $0x1F;
	v10 =	vshra.s32 v13, $0x1F  }
0x52b: {  	v14 =	vxor.u32 v7, v14;
	v4 =	vand.u32 $0x7FE00000, v15;
	v7 =	vand.u32 $0x7FE00000, v5  }
0x52c: {  	v10 =	vand.u32 $0x7FE00000, v10;
	v5 =	vxor.u32 v8, v4;
	v4 =	vxor.u32 v9, v6  }
0x52d: {  	v8 =	vxor.u32 v13, v10;
	v6 =	vshrl.u32 v11, $0x15;
	v7 =	vxor.u32 v12, v7  }
0x52e: {  	s0 =	simm.s32 $0x0;
	s23 =	simm.s32 $0xC0;
	v9 =	vshrl.u32 v63, $0x15;
	v10 =	vshrl.u32 v8, $0x15;
	v8 =	vshrl.u32 v14, $0x15;
	[tilespmem:v16+s16+$0x0] =	vst.idx.add.s32.msk $0xffff, v2  }
.LBB2_66:
0x52f: {  	v12 =	vld [tilespmem:s23+$0x30];
	s0 =	sadd.s32 $0x8, s0;
	v5 =	vshrl.u32 v5, $0x15;
	v4 =	vshrl.u32 v4, $0x15;
	v7 =	vshrl.u32 v7, $0x15  }
0x530: {  	v10 =	vxor.u32 $0x400, v10;
	v6 =	vxor.u32 $0x400, v6;
	v9 =	vxor.u32 $0x400, v9;
	v13 =	vld [tilespmem:s23+$0xFFFFFFD0];
	p0 =	slt.u32 s0, $0x7F8  }
0x531: {  	v8 =	vxor.u32 $0x400, v8;
	v5 =	vxor.u32 $0x400, v5;
	v15 =	vxor.u32 $0x400, v4;
	v14 =	vld [tilespmem:s23+$0xFFFFFFE0]  }
0x532: {  	v16 =	vxor.u32 $0x400, v7;
	v4 =	vld [tilespmem:s23+$0xFFFFFFF0]  }
0x533: {  	v7 =	vld [tilespmem:s23+$0x0]  }
0x534: {  	v17 =	vld [tilespmem:s23+$0x10];
	v18 =	vshra.s32 v12, $0x1F  }
0x535: {  	v11 =	vimm.s32 $0x0;
	v19 =	vshra.s32 v13, $0x1F;
	v20 =	vld [tilespmem:s23+$0x20];
	v18 =	vand.u32 $0x7FE00000, v18  }
0x536: {  	v21 =	vld [tilespmem:s23+$0xFFFFFFC0];
	v19 =	vand.u32 $0x7FE00000, v19;
	v22 =	vshra.s32 v14, $0x1F;
	v12 =	vxor.u32 v12, v18  }
0x537: {  	v18 =	vand.u32 $0x7FE00000, v22;
	v22 =	vshra.s32 v4, $0x1F;
	v12 =	vshrl.u32 v12, $0x15;
	[tilespmem:v10+s16+$0x0] =	vst.idx.add.s32.msk $0xffff, v2  }
0x538: {  	v10 =	vand.u32 $0x7FE00000, v22;
	v22 =	vshra.s32 v7, $0x1F;
	v12 =	vxor.u32 $0x400, v12;
	[tilespmem:v6+s16+$0x0] =	vst.idx.add.s32.msk $0xffff, v2  }
0x539: {  	v6 =	vxor.u32 v13, v19;
	v13 =	vand.u32 $0x7FE00000, v22;
	v19 =	vshra.s32 v17, $0x1F;
	[tilespmem:v9+s16+$0x0] =	vst.idx.add.s32.msk $0xffff, v2  }
.Ltmp35:
0x53a: {  	v9 =	vxor.u32 v14, v18;
	v14 =	vand.u32 $0x7FE00000, v19;
	v18 =	vshra.s32 v20, $0x1F;
	[tilespmem:v8+s16+$0x0] =	vst.idx.add.s32.msk $0xffff, v2;
	(pc) =	sbr.rel @p0 .LBB2_66-.Ltmp35, $4  }
0x53b: {  	v19 =	vxor.u32 v4, v10;
	v8 =	vshra.s32 v21, $0x1F;
	v10 =	vand.u32 $0x7FE00000, v18;
	[tilespmem:v5+s16+$0x0] =	vst.idx.add.s32.msk $0xffff, v2  }
0x53c: {  	s24 =	simm.s32 $0x7F;
	s1 =	simm.s32 $0x107F0;
	v5 =	vxor.u32 v7, v13;
	v4 =	vxor.u32 v17, v14;
	v8 =	vand.u32 $0x7FE00000, v8;
	[tilespmem:v15+s16+$0x0] =	vst.idx.add.s32.msk $0xffff, v2  }
0x53d: {  	s21 =	simm.s32 $0xFFFFFFFF;
	s22 =	simm.s32 $0x0;
	v6 =	vshrl.u32 v6, $0x15;
	v7 =	vxor.u32 v20, v10;
	v8 =	vxor.u32 v21, v8;
	[tilespmem:v12+s16+$0x0] =	vst.idx.add.s32.msk $0xffff, v2  }
0x53e: {  	s23 =	sadd.s32 $0x80, s23;
	v9 =	vshrl.u32 v9, $0x15;
	v10 =	vshrl.u32 v8, $0x15;
	v8 =	vshrl.u32 v19, $0x15;
	[tilespmem:v16+s16+$0x0] =	vst.idx.add.s32.msk $0xffff, v2  }
0x53f: {  	v10 =	vxor.u32 $0x400, v10  }
0x540: {  	v6 =	vxor.u32 $0x400, v6  }
0x541: {  	v9 =	vxor.u32 $0x400, v9  }
0x542: {  	v5 =	vshrl.u32 v5, $0x15;
	v8 =	vxor.u32 $0x400, v8  }
0x543: {  	v4 =	vshrl.u32 v4, $0x15;
	v5 =	vxor.u32 $0x400, v5  }
0x544: {  	v7 =	vshrl.u32 v7, $0x15;
	v4 =	vxor.u32 $0x400, v4;
	[tilespmem:v10+s16+$0x0] =	vst.idx.add.s32.msk $0xffff, v2  }
0x545: {  	v7 =	vxor.u32 $0x400, v7;
	[tilespmem:v6+s16+$0x0] =	vst.idx.add.s32.msk $0xffff, v2  }
0x546: {  	[tilespmem:v9+s16+$0x0] =	vst.idx.add.s32.msk $0xffff, v2  }
0x547: {  	[tilespmem:v8+s16+$0x0] =	vst.idx.add.s32.msk $0xffff, v2  }
0x548: {  	[tilespmem:v5+s16+$0x0] =	vst.idx.add.s32.msk $0xffff, v2  }
0x549: {  	[tilespmem:v4+s16+$0x0] =	vst.idx.add.s32.msk $0xffff, v2  }
0x54a: {  	[tilespmem:v7+s16+$0x0] =	vst.idx.add.s32.msk $0xffff, v2  }
0x54b: {  	v12 =	vld [tilespmem:s1+$0xFFFFFFF0]  }
0x54c: {  	v13 =	vld [tilespmem:s1+$0x0];
	_ =	sdelay $0x3  }
0x54d: {  	(xrf0) =	vadd.scan.msk.s32 $0xffff, v12  }
0x54e: {  	(xrf0) =	vadd.scan.msk.s32 $0xffff, v13  }
0x54f: {  	v15 =	vld [tilespmem:s1+$0xFFFFFFE0];
	_ =	sdelay $0x3  }
0x550: {  	s0 =	simm.s32 $0x107B0;
	v5 =	vld [tilespmem:s1+$0xFFFFFFD0];
	v4, _, _ =	vpop (xrf0)  }
0x551: {  	(xrf0) =	vadd.scan.msk.s32 $0xffff, v15;
	v6, _, _ =	vpop (xrf0);
	(v2sf) =	vpush v4, $0xF;
	v4 =	vld [tilespmem:s0+$0xFFFFFFF0]  }
0x552: {  	(v2sf) =	vpush v6, $0xF;
	v6 =	vld [tilespmem:s0+$0x0];
	_ =	sdelay $0x2  }
0x553: {  	(xrf0) =	vadd.scan.msk.s32 $0xffff, v5  }
0x554: {  	(xrf0) =	vadd.scan.msk.s32 $0xffff, v4  }
0x555: {  	v7, _, _ =	vpop (xrf0);
	(xrf0) =	vadd.scan.msk.s32 $0xffff, v6;
	_ =	sdelay $0x2  }
0x556: {  	(v2sf) =	vpush v7, $0xF  }
0x557: {  	v7, _, _ =	vpop (xrf0)  }
0x558: {  	(v2sf) =	vpush v7, $0xF;
	v7, _, _ =	vpop (xrf0)  }
0x559: {  	v8, _, _ =	vpop (xrf0);
	(v2sf) =	vpush v7, $0xF  }
0x55a: {  	(v2sf) =	vpush v8, $0xF;
	v8 =	vld [tilespmem:s0+$0xFFFFFFE0]  }
0x55b: {  	v10 =	vld [tilespmem:s0+$0xFFFFFFD0]  }
0x55c: {  	s30 =	spop (v2sf)  }
0x55d: {  	s3 =	spop (v2sf)  }
0x55e: {  	s3 =	sadd.s32 $0x0, s3  }
0x55f: {  	p0 =	por $0x1, $0x1;
	p1 =	sgt.s32 s3, $0xFFF;
	(xrf0) =	vadd.scan.msk.s32 $0xffff, v8  }
0x560: {  	s26 =	simm.s32 $0x10770;
	p0 =	por !p0, !p1;
	(xrf0) =	vadd.scan.msk.s32 $0xffff, v10  }
0x561: {  	v7 =	vld [tilespmem:s26+$0xFFFFFFF0];
	p0 =	por !p0, !p0  }
0x562: {  	v9 =	vld [tilespmem:s26+$0x0];
	s1 =	sadd.s32 s30, s3;
	s21 =	smov.u32 @p0 s24  }
0x563: {  	p2 =	sgt.s32 s1, $0xFFF;
	p3 =	slt.s32 s21, $0x0  }
0x564: {  	p1 =	por !p2, !p3  }
0x565: {  	s0 =	simm.s32 $0x7E;
	s4 =	spop (v2sf);
	p1 =	por !p1, !p1;
	v14, _, _ =	vpop (xrf0)  }
0x566: {  	(xrf0) =	vadd.scan.msk.s32 $0xffff, v7;
	s24 =	sadd.s32 s4, s1;
	s21 =	smov.u32 @p1 s0;
	v16, _, _ =	vpop (xrf0);
	(v2sf) =	vpush v14, $0xF  }
0x567: {  	(xrf0) =	vadd.scan.msk.s32 $0xffff, v9;
	p3 =	sgt.s32 s24, $0xFFF;
	p4 =	slt.s32 s21, $0x0;
	(v2sf) =	vpush v16, $0xF  }
0x568: {  	s5 =	simm.s32 $0x7D;
	s25 =	simm.s32 $0x7B;
	p2 =	por !p3, !p4  }
0x569: {  	s22 =	smov.u32 @p0 s22;
	v11 =	vpsel p0, v13, v11;
	s31 =	spop (v2sf);
	p2 =	por !p2, !p2  }
0x56a: {  	s4 =	simm.s32 $0x7C;
	s23 =	sadd.s32 s31, s24;
	v13 =	vpsel p1, v12, v11;
	v11 =	vld [tilespmem:s26+$0xFFFFFFE0];
	s21 =	smov.u32 @p2 s5  }
0x56b: {  	p6 =	sgt.s32 s23, $0xFFF;
	s22 =	smov.u32 @p1 s3;
	v12 =	vld [tilespmem:s26+$0xFFFFFFD0];
	p5 =	slt.s32 s21, $0x0  }
0x56c: {  	v63, _, _ =	vpop (xrf0);
	s22 =	smov.u32 @p2 s1;
	s1 =	spop (v2sf);
	p0 =	por !p6, !p5  }
0x56d: {  	s0 =	simm.s32 $0x8;
	v14, _, _ =	vpop (xrf0);
	(v2sf) =	vpush v63, $0xF;
	v13 =	vpsel p2, v15, v13;
	s3 =	spop (v2sf);
	p0 =	por !p0, !p0  }
.LBB2_68:
0x56e: {  	(v2sf) =	vpush v14, $0xF;
	s3 =	sadd.s32 s23, s3;
	s21 =	smov.u32 @p0 s4;
	s22 =	smov.u32 @p0 s24;
	v13 =	vpsel p0, v5, v13;
	v5 =	vmov v10  }
0x56f: {  	(xrf0) =	vadd.scan.msk.s32 $0xffff, v11;
	p0 =	slt.s32 s21, $0x0;
	p1 =	sgt.s32 s3, $0xFFF;
	s1 =	sadd.s32 s1, s3;
	v15 =	vmov v11  }
0x570: {  	s0 =	sadd.s32 $0x4, s0;
	s26 =	sadd.s32 $0xFFFFFFC0, s26;
	(xrf0) =	vadd.scan.msk.s32 $0xffff, v12;
	p0 =	por !p0, !p1;
	v10 =	vmov v12  }
0x571: {  	s4 =	smov.u32 s25;
	p1 =	slt.u32 s0, $0x7C;
	v11 =	vld [tilespmem:s26+$0xFFFFFFF0];
	p0 =	por !p0, !p0  }
0x572: {  	s21 =	smov.u32 @p0 s25;
	v12 =	vpsel p0, v6, v13;
	v6 =	vmov v9;
	v9 =	vld [tilespmem:s26+$0x0]  }
0x573: {  	p3 =	sgt.s32 s1, $0xFFF;
	p2 =	slt.s32 s21, $0x0  }
0x574: {  	s5 =	sadd.s32 $0xFFFFFFFF, s25;
	p2 =	por !p3, !p2  }
0x575: {  	s22 =	smov.u32 @p0 s23;
	v13, _, _ =	vpop (xrf0);
	p0 =	por !p2, !p2;
	s6 =	spop (v2sf)  }
0x576: {  	(xrf0) =	vadd.scan.msk.s32 $0xffff, v11;
	(v2sf) =	vpush v13, $0xF;
	v13, _, _ =	vpop (xrf0);
	s21 =	smov.u32 @p0 s5;
	v16 =	vpsel p0, v4, v12;
	s24 =	sadd.s32 s6, s1;
	s5 =	spop (v2sf);
	v4 =	vmov v7  }
0x577: {  	v7 =	vmov v11;
	(xrf0) =	vadd.scan.msk.s32 $0xffff, v9;
	(v2sf) =	vpush v13, $0xF;
	p2 =	slt.s32 s21, $0x0;
	p3 =	sgt.s32 s24, $0xFFF;
	s23 =	sadd.s32 s5, s24  }
0x578: {  	s22 =	smov.u32 @p0 s3;
	p0 =	por !p3, !p2  }
.Ltmp36:
0x579: {  	s3 =	sadd.s32 $0xFFFFFFFE, s25;
	p0 =	por !p0, !p0;
	(pc) =	sbr.rel @p1 .LBB2_68-.Ltmp36, $4  }
0x57a: {  	v11 =	vld [tilespmem:s26+$0xFFFFFFE0];
	s21 =	smov.u32 @p0 s3;
	s22 =	smov.u32 @p0 s1  }
0x57b: {  	p3 =	sgt.s32 s23, $0xFFF;
	v12 =	vld [tilespmem:s26+$0xFFFFFFD0];
	p2 =	slt.s32 s21, $0x0  }
0x57c: {  	s25 =	sadd.s32 $0xFFFFFFFC, s25;
	v13, _, _ =	vpop (xrf0);
	s1 =	spop (v2sf);
	p2 =	por !p3, !p2  }
0x57d: {  	s4 =	sadd.s32 $0xFFFFFFFD, s4;
	v14, _, _ =	vpop (xrf0);
	(v2sf) =	vpush v13, $0xF;
	s3 =	spop (v2sf);
	v13 =	vpsel p0, v8, v16;
	p0 =	por !p2, !p2;
	v8 =	vmov v15  }
0x57e: {  	(v2sf) =	vpush v14, $0xF;
	s0 =	sadd.s32 s23, s3;
	s21 =	smov.u32 @p0 s4  }
0x57f: {  	(xrf0) =	vadd.scan.msk.s32 $0xffff, v11;
	p1 =	slt.s32 s21, $0x0;
	p2 =	sgt.s32 s0, $0xFFF  }
0x580: {  	p1 =	por !p1, !p2  }
0x581: {  	p5 =	por !p1, !p1  }
0x582: {  	s26 =	sadd.s32 s1, s0;
	s21 =	smov.u32 @p5 s25;
	s1 =	simm.s32 @!p5 $0x0  }
0x583: {  	p4 =	sgt.s32 s26, $0xFFF;
	s1 =	simm.s32 @p5 $0x1;
	p3 =	slt.s32 s21, $0x0  }
0x584: {  	(xrf0) =	vadd.scan.msk.s32 $0xffff, v12;
	[smem:$0x7DF] =	sst s1;
	p1 =	por !p4, !p3  }
0x585: {  	s1 =	sadd.s32 $0xFFFFFFFF, s25;
	v62, _, _ =	vpop (xrf0);
	p1 =	por !p1, !p1;
	s8 =	spop (v2sf)  }
0x586: {  	s3 =	simm.s32 @!p1 $0x0;
	(v2sf) =	vpush v62, $0xF;
	s21 =	smov.u32 @p1 s1;
	s1 =	sadd.s32 s8, s26  }
0x587: {  	s3 =	simm.s32 @p1 $0x1;
	p1 =	slt.s32 s21, $0x0;
	p6 =	sgt.s32 s1, $0xFFF  }
0x588: {  	s4 =	sadd.s32 $0xFFFFFFFE, s25;
	p1 =	por !p6, !p1  }
0x589: {  	s6 =	sadd.s32 $0xFFFFFFFD, s25;
	s28 =	spop (v2sf);
	p4 =	por !p1, !p1  }
0x58a: {  	v63, _, _ =	vpop (xrf0);
	[smem:$0x7DD] =	sst s3;
	s3 =	sadd.s32 s28, s1;
	s21 =	smov.u32 @p4 s4  }
0x58b: {  	(v2sf) =	vpush v63, $0xF;
	p3 =	sgt.s32 s3, $0xFFF;
	s30 =	sld [smem:$0x7DD];
	p2 =	slt.s32 s21, $0x0  }
0x58c: {  	s4 =	simm.s32 @!p4 $0x0;
	s29 =	spop (v2sf);
	p1 =	por !p3, !p2  }
0x58d: {  	s4 =	simm.s32 @p4 $0x1;
	s5 =	spop (v2sf);
	p1 =	por !p1, !p1  }
0x58e: {  	s7 =	simm.s32 @!p1 $0x0;
	s5 =	sadd.s32 s3, s5;
	s21 =	smov.u32 @p1 s6  }
0x58f: {  	s7 =	simm.s32 @p1 $0x1;
	p1 =	slt.s32 s21, $0x0;
	p6 =	sgt.s32 s5, $0xFFF  }
0x590: {  	[smem:$0x7E0] =	sst s4;
	p1 =	por !p1, !p6  }
0x591: {  	s6 =	sadd.s32 $0xFFFFFFFC, s25;
	s4 =	sadd.s32 s29, s5;
	p3 =	por !p1, !p1  }
0x592: {  	[smem:$0x7DE] =	sst s7;
	s21 =	smov.u32 @p3 s6;
	s7 =	simm.s32 @!p3 $0x0  }
0x593: {  	p6 =	sgt.s32 s4, $0xFFF;
	s7 =	simm.s32 @p3 $0x1;
	p2 =	slt.s32 s21, $0x0  }
0x594: {  	[smem:$0x7E1] =	sst s7;
	p1 =	por !p6, !p2  }
0x595: {  	s7 =	sadd.s32 $0xFFFFFFFF, s6;
	p6 =	por !p1, !p1;
	s8 =	spop (v2sf)  }
0x596: {  	v5 =	vpsel p0, v5, v13;
	s21 =	smov.u32 @p6 s7;
	s7 =	sadd.s32 s8, s4  }
0x597: {  	v5 =	vpsel p5, v6, v5;
	s28 =	sld [smem:$0x7DE];
	p2 =	slt.s32 s21, $0x0;
	p5 =	sgt.s32 s7, $0xFFF  }
0x598: {  	p1 =	por !p5, !p2;
	p5 =	seq.s32 s30, $0x1  }
0x599: {  	s25 =	sadd.s32 $0xFFFFFFFE, s6;
	v4 =	vpsel p5, v4, v5  }
0x59a: {  	s31 =	spop (v2sf);
	p2 =	por !p1, !p1;
	v4 =	vpsel p4, v8, v4;
	p4 =	seq.s32 s28, $0x1  }
0x59b: {  	s8 =	sadd.s32 s31, s7;
	s21 =	smov.u32 @p2 s25;
	v4 =	vpsel p4, v10, v4  }
0x59c: {  	s29 =	sld [smem:$0x7DF];
	p1 =	sgt.s32 s8, $0xFFF;
	v4 =	vpsel p3, v9, v4;
	p3 =	slt.s32 s21, $0x0  }
0x59d: {  	p1 =	por !p1, !p3;
	v4 =	vpsel p6, v7, v4  }
0x59e: {  	v4 =	vpsel p2, v11, v4;
	p1 =	por !p1, !p1  }
0x59f: {  	s22 =	smov.u32 @p0 s24;
	p0 =	seq.s32 s29, $0x1;
	v4 =	vpsel p1, v12, v4  }
0x5a0: {  	s22 =	smov.u32 @p0 s23;
	s30 =	sld [smem:$0x7E0];
	v5 =	vperm.xlane v4, v3  }
0x5a1: {  	s22 =	smov.u32 @p5 s0;
	s0 =	sadd.s32 $0xFFFFFFFD, s6  }
0x5a2: {  	s31 =	sld [smem:$0x7E1];
	s21 =	smov.u32 @p1 s0;
	s0 =	simm.s32 $0x10040;
	(xrf0) =	vadd.scan.msk.s32 $0xffff, v5  }
0x5a3: {  	p0 =	seq.s32 s30, $0x1;
	[tilespmem:s0+$0xFFFFFFC0] =	vst v1  }
0x5a4: {  	s22 =	smov.u32 @p0 s26;
	[tilespmem:s0+$0x30] =	vst v1  }
0x5a5: {  	p0 =	seq.s32 s31, $0x1;
	s22 =	smov.u32 @p4 s1;
	[tilespmem:s0+$0x20] =	vst v1  }
0x5a6: {  	s22 =	smov.u32 @p0 s3;
	[tilespmem:s0+$0x10] =	vst v1  }
0x5a7: {  	s22 =	smov.u32 @p6 s5;
	[tilespmem:s0+$0x0] =	vst v1  }
0x5a8: {  	s22 =	smov.u32 @p2 s4;
	[tilespmem:s0+$0xFFFFFFF0] =	vst v1;
	v5, _, _ =	vpop (xrf0)  }
0x5a9: {  	s1 =	simm.s32 $0x0;
	[tilespmem:s0+$0xFFFFFFE0] =	vst v1;
	s22 =	smov.u32 @p1 s7;
	v5 =	vperm.xlane v5, v3  }
.LBB2_70:
0x5aa: {  	s1 =	sadd.s32 $0x8, s1;
	[tilespmem:s0+$0xFFFFFFD0] =	vst v1;
	s0 =	sadd.s32 $0x80, s0  }
0x5ab: {  	[tilespmem:s0+$0xFFFFFFC0] =	vst v1;
	p0 =	slt.u32 s1, $0x78  }
0x5ac: {  	[tilespmem:s0+$0x30] =	vst v1  }
.Ltmp37:
0x5ad: {  	[tilespmem:s0+$0x20] =	vst v1;
	(pc) =	sbr.rel @p0 .LBB2_70-.Ltmp37, $4  }
0x5ae: {  	[tilespmem:s0+$0x10] =	vst v1  }
0x5af: {  	[tilespmem:s0+$0x0] =	vst v1  }
0x5b0: {  	[tilespmem:s0+$0xFFFFFFF0] =	vst v1  }
0x5b1: {  	[tilespmem:s0+$0xFFFFFFE0] =	vst v1  }
0x5b2: {  	v6 =	vadd.s32 s22, v5  }
0x5b3: {  	vm0 =	vgt.s32 v6, $0xFFF  }
0x5b4: {  	v6 =	vsel vm0, $0x1, v1  }
0x5b5: {  	(xrf0) =	vadd.scan.msk.s32 $0xffff, v6;
	_ =	sdelay $0x5  }
0x5b6: {  	v6, _, _ =	vpop (xrf0)  }
0x5b7: {  	(v2sf) =	vpush v6, $0xF  }
0x5b8: {  	[tilespmem:s0+$0xFFFFFFD0] =	vst v1;
	s28 =	simm.s32 $0x40  }
0x5b9: {  	v7 =	vld [tilespmem:s28+$0xFFFFFFD0]  }
0x5ba: {  	v8 =	vld [tilespmem:s28+$0x10]  }
0x5bb: {  	v9 =	vld [tilespmem:s28+$0xFFFFFFC0]  }
0x5bc: {  	s29 =	simm.s32 $0xC0;
	v10 =	vld [tilespmem:s28+$0xFFFFFFE0]  }
0x5bd: {  	v24 =	vld [tilespmem:s29+$0x10]  }
0x5be: {  	v27 =	vld [tilespmem:s29+$0xFFFFFFE0];
	_ =	sdelay $0x2  }
0x5bf: {  	v11 =	vld [tilespmem:s28+$0xFFFFFFF0];
	v12 =	vshra.s32 v7, $0x1F  }
0x5c0: {  	v14 =	vshra.s32 v8, $0x1F;
	v15 =	vshra.s32 v9, $0x1F;
	v16 =	vshra.s32 v10, $0x1F  }
0x5c1: {  	v31 =	vshra.s32 v24, $0x1F;
	v33 =	vshra.s32 v27, $0x1F;
	v12 =	vand.u32 $0x7FFFFFFF, v12  }
0x5c2: {  	v31 =	vand.u32 $0x7FFFFFFF, v31;
	v61 =	vand.u32 $0x7FFFFFFF, v33;
	v12 =	vxor.u32 v7, v12  }
0x5c3: {  	v7 =	vand.u32 $0x7FFFFFFF, v14;
	v14 =	vand.u32 $0x7FFFFFFF, v15;
	v15 =	vshrl.u32 v12, $0x15  }
0x5c4: {  	v13 =	vld [tilespmem:s28+$0x0];
	v17 =	vxor.u32 v9, v14;
	v9 =	vand.u32 $0x7FFFFFFF, v16;
	v14 =	vshra.s32 v11, $0x1F;
	s25 =	spop (v2sf)  }
0x5c5: {  	s26 =	sshll.u32 s21, $0x4;
	v19 =	vld [tilespmem:s28+$0x20];
	v21 =	vxor.u32 v8, v7;
	v26 =	vshrl.u32 v12, $0xA;
	v18 =	vshrl.u32 v17, $0x15;
	s24 =	sadd.s32 $0xFFFFFFFF, s25  }
0x5c6: {  	v14 =	vand.u32 $0x7FFFFFFF, v14;
	v20 =	vxor.u32 v10, v9;
	v23 =	vshrl.u32 v21, $0xA;
	s23 =	sadd.s32 s26, s24  }
0x5c7: {  	v26 =	vand.u32 $0x7FF, v26;
	v14 =	vxor.u32 v11, v14;
	v22 =	vshrl.u32 v20, $0xA;
	s21 =	sxor.u32 $0x400, s23  }
0x5c8: {  	v23 =	vand.u32 $0x7FF, v23;
	v11 =	vshrl.u32 v14, $0x15;
	v6 =	vmov s21  }
0x5c9: {  	v22 =	vand.u32 $0x7FF, v22;
	vm2 =	veq.s32 v15, v6;
	v15 =	vshra.s32 v13, $0x1F  }
0x5ca: {  	vm1 =	veq.s32 v18, v6;
	vm4 =	veq.s32 v11, v6;
	v11 =	vshra.s32 v19, $0x1F  }
0x5cb: {  	v18 =	vld [tilespmem:s28+$0x30];
	v16 =	vmpcnt.ones.xlane vm2;
	v15 =	vand.u32 $0x7FFFFFFF, v15;
	v9 =	vmpcnt.ones.xlane vm4  }
0x5cc: {  	v11 =	vand.u32 $0x7FFFFFFF, v11;
	vm7 =	vmmov vm2;
	v15 =	vxor.u32 v13, v15  }
0x5cd: {  	(v2sf) =	vpush v16, $0x0;
	v13 =	vshrl.u32 v15, $0x15;
	v16 =	vmpcnt.ones.xlane vm1  }
0x5ce: {  	vm11 =	vmmov vm4;
	vm0 =	veq.s32 v13, v6;
	v13 =	vshrl.u32 v20, $0x15  }
0x5cf: {  	v10 =	vmpcnt.ones.xlane vm0;
	(v2sf) =	vpush v16, $0x0;
	v16 =	vxor.u32 v19, v11  }
0x5d0: {  	v7 =	vshra.s32 v18, $0x1F;
	vm6 =	veq.s32 v13, v6;
	(v2sf) =	vpush v9, $0x0  }
0x5d1: {  	v8 =	vshrl.u32 v16, $0x15;
	v7 =	vand.u32 $0x7FFFFFFF, v7;
	(v2sf) =	vpush v10, $0x0  }
0x5d2: {  	v10 =	vshrl.u32 v21, $0x15;
	vm5 =	veq.s32 v8, v6;
	v18 =	vxor.u32 v18, v7  }
0x5d3: {  	vm3 =	veq.s32 v10, v6;
	v7 =	vmpcnt.ones.xlane vm5;
	v11 =	vshrl.u32 v18, $0xA  }
0x5d4: {  	v13 =	vshrl.u32 v15, $0xA;
	v10 =	vmpcnt.ones.xlane vm3;
	v19 =	vand.u32 $0x7FF, v11;
	v11 =	vld [tilespmem:s29+$0xFFFFFFD0]  }
0x5d5: {  	v30 =	vld [tilespmem:s29+$0x0];
	v13 =	vand.u32 $0x7FF, v13;
	(v2sf) =	vpush v7, $0x0;
	v7 =	vmpcnt.ones.xlane vm6  }
0x5d6: {  	v25 =	vld [tilespmem:s29+$0xFFFFFFC0];
	vm10 =	vmmov vm0;
	v9 =	vshrl.u32 v16, $0xA;
	(v2sf) =	vpush v10, $0x0  }
0x5d7: {  	v9 =	vand.u32 $0x7FF, v9;
	v8 =	vshrl.u32 v18, $0x15;
	(v2sf) =	vpush v7, $0x0  }
0x5d8: {  	v29 =	vld [tilespmem:s29+$0xFFFFFFF0];
	vm9 =	vmmov vm5;
	vm8 =	veq.s32 v8, v6;
	v7 =	vshrl.u32 v17, $0xA  }
0x5d9: {  	v8 =	vmpcnt.ones.xlane vm8;
	v28 =	vand.u32 $0x7FF, v7;
	v7 =	vshra.s32 v11, $0x1F  }
0x5da: {  	v10 =	vshrl.u32 v14, $0xA;
	[tilespmem:v13+s16+$0x0] =	vst.idx.add.s32.msk vm0, v2;
	v13 =	vshra.s32 v30, $0x1F;
	v7 =	vand.u32 $0x7FFFFFFF, v7  }
0x5db: {  	v32 =	vand.u32 $0x7FF, v10;
	v10 =	vshra.s32 v25, $0x1F;
	v7 =	vxor.u32 v11, v7  }
0x5dc: {  	v60 =	vld [tilespmem:s29+$0x20];
	v10 =	vand.u32 $0x7FFFFFFF, v10;
	(v2sf) =	vpush v8, $0x0;
	v11 =	vshrl.u32 v7, $0x15  }
0x5dd: {  	[tilespmem:v9+s16+$0x0] =	vst.idx.add.s32.msk vm5, v2;
	v9 =	vxor.u32 v25, v10;
	v10 =	vshra.s32 v29, $0x1F;
	vm2 =	veq.s32 v11, v6  }
0x5de: {  	v8 =	vand.u32 $0x7FFFFFFF, v10;
	v10 =	vshrl.u32 v9, $0x15;
	v11 =	vmpcnt.ones.xlane vm2  }
0x5df: {  	[tilespmem:v26+s16+$0x0] =	vst.idx.add.s32.msk vm7, v2;
	v8 =	vxor.u32 v29, v8;
	vm0 =	veq.s32 v10, v6;
	v10 =	vand.u32 $0x7FFFFFFF, v13;
	s1 =	spop (v2sf)  }
0x5e0: {  	s25 =	simm.s32 $0x0;
	v13 =	vshrl.u32 v8, $0x15;
	v10 =	vxor.u32 v30, v10;
	[tilespmem:v28+s16+$0x0] =	vst.idx.add.s32.msk vm1, v2;
	s3 =	spop (v2sf);
	(v2sf) =	vpush v11, $0x0  }
0x5e1: {  	v62 =	vld [tilespmem:s29+$0x30];
	vm5 =	veq.s32 v13, v6;
	v13 =	vshrl.u32 v10, $0x15;
	[tilespmem:s25+$0x10800] =	vst.msk vm1, v17;
	v17 =	vmpcnt.ones.xlane vm0;
	s3 =	sadd.s32 $0x0, s3  }
0x5e2: {  	vm4 =	veq.s32 v13, v6;
	v13 =	vshra.s32 v60, $0x1F;
	s30 =	spop (v2sf);
	[tilespmem:s3+$0x10800] =	vst.msk vm7, v12;
	v12 =	vmpcnt.ones.xlane vm5  }
0x5e3: {  	[tilespmem:v19+s16+$0x0] =	vst.idx.add.s32.msk vm8, v2;
	v19 =	vmpcnt.ones.xlane vm4;
	s4 =	spop (v2sf);
	(v2sf) =	vpush v17, $0x0;
	v17 =	vand.u32 $0x7FFFFFFF, v13  }
0x5e4: {  	[tilespmem:v22+s16+$0x0] =	vst.idx.add.s32.msk vm6, v2;
	v11 =	vxor.u32 v27, v61;
	(v2sf) =	vpush v12, $0x0;
	v12 =	vxor.u32 v60, v17;
	s5 =	spop (v2sf)  }
0x5e5: {  	[tilespmem:v23+s16+$0x0] =	vst.idx.add.s32.msk vm3, v2;
	v27 =	vshrl.u32 v11, $0x15;
	(v2sf) =	vpush v19, $0x0;
	v17 =	vshrl.u32 v12, $0x15;
	s31 =	spop (v2sf)  }
0x5e6: {  	[tilespmem:v32+s16+$0x0] =	vst.idx.add.s32.msk vm11, v2;
	s1 =	sadd.s32 s3, s1;
	v13 =	vxor.u32 v24, v31;
	v19 =	vshra.s32 v62, $0x1F;
	vm7 =	veq.s32 v17, v6;
	s6 =	spop (v2sf)  }
0x5e7: {  	[tilespmem:s1+$0x10800] =	vst.msk vm6, v20;
	v63 =	vshrl.u32 v13, $0x15;
	v17 =	vand.u32 $0x7FFFFFFF, v19;
	v19 =	vmpcnt.ones.xlane vm7;
	s1 =	sadd.s32 s1, s6  }
0x5e8: {  	vm6 =	veq.s32 v27, v6;
	vm1 =	veq.s32 v63, v6;
	v20 =	vshrl.u32 v12, $0xA;
	[tilespmem:s1+$0x10800] =	vst.msk vm11, v14;
	s0 =	sadd.s32 s1, s30  }
0x5e9: {  	v22 =	vmpcnt.ones.xlane vm1;
	v14 =	vxor.u32 v62, v17;
	(v2sf) =	vpush v19, $0x0;
	[tilespmem:s0+$0x10800] =	vst.msk vm10, v15;
	s0 =	sadd.s32 s0, s4  }
0x5ea: {  	v19 =	vmpcnt.ones.xlane vm6;
	v15 =	vshrl.u32 v14, $0x15;
	v17 =	vshrl.u32 v14, $0xA;
	[tilespmem:s0+$0x10800] =	vst.msk vm3, v21;
	s0 =	sadd.s32 s0, s31  }
0x5eb: {  	(v2sf) =	vpush v22, $0x0;
	vm3 =	veq.s32 v15, v6;
	v17 =	vand.u32 $0x7FF, v17;
	[tilespmem:s0+$0x10800] =	vst.msk vm9, v16;
	s0 =	sadd.s32 s0, s5  }
0x5ec: {  	s26 =	simm.s32 $0x140;
	s25 =	simm.s32 $0x8;
	s1 =	spop (v2sf);
	v15 =	vmpcnt.ones.xlane vm3;
	v16 =	vshrl.u32 v8, $0xA;
	[tilespmem:s0+$0x10800] =	vst.msk vm8, v18;
	v18 =	vand.u32 $0x7FF, v20  }
.LBB2_72:
0x5ed: {  	v20 =	vld [tilespmem:s26+$0xFFFFFFD0];
	s25 =	sadd.s32 $0x8, s25;
	v21 =	vshrl.u32 v11, $0xA;
	v22 =	vshrl.u32 v10, $0xA;
	v23 =	vshrl.u32 v13, $0xA;
	s1 =	sadd.s32 s0, s1  }
0x5ee: {  	v24 =	vld [tilespmem:s26+$0x10];
	p0 =	slt.u32 s25, $0x7F8;
	v22 =	vand.u32 $0x7FF, v22;
	v23 =	vand.u32 $0x7FF, v23;
	(v2sf) =	vpush v19, $0x0  }
0x5ef: {  	v25 =	vshrl.u32 v9, $0xA;
	v26 =	vshrl.u32 v7, $0xA;
	v21 =	vand.u32 $0x7FF, v21;
	v19 =	vld [tilespmem:s26+$0xFFFFFFC0];
	s3 =	spop (v2sf)  }
0x5f0: {  	vm11 =	vmmov vm2;
	v25 =	vand.u32 $0x7FF, v25;
	v26 =	vand.u32 $0x7FF, v26;
	v27 =	vld [tilespmem:s26+$0xFFFFFFE0]  }
0x5f1: {  	vm10 =	vmmov vm5;
	vm9 =	vmmov vm4;
	vm8 =	vmmov vm7;
	[tilespmem:v18+s16+$0x0] =	vst.idx.add.s32.msk vm7, v2  }
0x5f2: {  	v18 =	vshra.s32 v20, $0x1F;
	v28 =	vld [tilespmem:s26+$0xFFFFFFF0];
	s0 =	spop (v2sf)  }
0x5f3: {  	v16 =	vand.u32 $0x7FF, v16;
	v18 =	vand.u32 $0x7FFFFFFF, v18;
	v29 =	vld [tilespmem:s26+$0x0];
	v30 =	vshra.s32 v24, $0x1F;
	s4 =	sadd.s32 s1, s0;
	s0 =	spop (v2sf)  }
0x5f4: {  	v31 =	vshra.s32 v19, $0x1F;
	v18 =	vxor.u32 v20, v18;
	v20 =	vand.u32 $0x7FFFFFFF, v30;
	s3 =	sadd.s32 s4, s3;
	[tilespmem:v22+s16+$0x0] =	vst.idx.add.s32.msk vm4, v2;
	s28 =	spop (v2sf)  }
0x5f5: {  	v22 =	vand.u32 $0x7FFFFFFF, v31;
	v30 =	vshrl.u32 v18, $0x15;
	v31 =	vshra.s32 v27, $0x1F;
	[tilespmem:v25+s16+$0x0] =	vst.idx.add.s32.msk vm0, v2  }
0x5f6: {  	v19 =	vxor.u32 v19, v22;
	vm2 =	veq.s32 v30, v6;
	v22 =	vand.u32 $0x7FFFFFFF, v31;
	[tilespmem:v26+s16+$0x0] =	vst.idx.add.s32.msk vm11, v2  }
0x5f7: {  	v25 =	vmpcnt.ones.xlane vm2;
	v26 =	vshra.s32 v28, $0x1F;
	[tilespmem:v17+s16+$0x0] =	vst.idx.add.s32.msk vm3, v2;
	(v2sf) =	vpush v15, $0x0  }
0x5f8: {  	v15 =	vshrl.u32 v19, $0x15;
	v17 =	vand.u32 $0x7FFFFFFF, v26;
	v26 =	vshra.s32 v29, $0x1F;
	v30 =	vld [tilespmem:s26+$0x20];
	[tilespmem:s1+$0x10800] =	vst.msk vm0, v9;
	v9 =	vmovc v19  }
0x5f9: {  	vm0 =	veq.s32 v15, v6;
	v15 =	vxor.u32 v28, v17;
	v17 =	vand.u32 $0x7FFFFFFF, v26;
	[tilespmem:v16+s16+$0x0] =	vst.idx.add.s32.msk vm5, v2;
	s1 =	spop (v2sf)  }
0x5fa: {  	v16 =	vshrl.u32 v15, $0x15;
	v17 =	vxor.u32 v29, v17;
	(v2sf) =	vpush v25, $0x0;
	[tilespmem:s4+$0x10800] =	vst.msk vm11, v7;
	s4 =	spop (v2sf);
	v7 =	vmovc v18  }
0x5fb: {  	v18 =	vmpcnt.ones.xlane vm0;
	vm5 =	veq.s32 v16, v6;
	v16 =	vshrl.u32 v17, $0x15;
	v19 =	vld [tilespmem:s26+$0x30]  }
0x5fc: {  	v22 =	vxor.u32 v27, v22;
	v25 =	vmpcnt.ones.xlane vm5;
	vm4 =	veq.s32 v16, v6;
	[tilespmem:v21+s16+$0x0] =	vst.idx.add.s32.msk vm6, v2  }
0x5fd: {  	v16 =	vmpcnt.ones.xlane vm4;
	v21 =	vshra.s32 v30, $0x1F;
	(v2sf) =	vpush v18, $0x0;
	[tilespmem:s3+$0x10800] =	vst.msk vm6, v11;
	s5 =	spop (v2sf);
	v11 =	vmovc v22  }
0x5fe: {  	v18 =	vshrl.u32 v11, $0x15;
	v21 =	vand.u32 $0x7FFFFFFF, v21;
	(v2sf) =	vpush v25, $0x0;
	s3 =	sadd.s32 s3, s5;
	[tilespmem:v23+s16+$0x0] =	vst.idx.add.s32.msk vm1, v2  }
0x5ff: {  	v20 =	vxor.u32 v24, v20;
	v21 =	vxor.u32 v30, v21;
	(v2sf) =	vpush v16, $0x0;
	[tilespmem:s3+$0x10800] =	vst.msk vm10, v8;
	s0 =	sadd.s32 s3, s0;
	v8 =	vmovc v15  }
0x600: {  	v15 =	vshrl.u32 v21, $0x15;
	v22 =	vshrl.u32 v21, $0xA;
	v16 =	vshra.s32 v19, $0x1F;
	[tilespmem:s0+$0x10800] =	vst.msk vm9, v10;
	s0 =	sadd.s32 s0, s28;
	v10 =	vmovc v17  }
0x601: {  	v17 =	vshrl.u32 v20, $0x15;
	vm7 =	veq.s32 v15, v6;
	v15 =	vand.u32 $0x7FFFFFFF, v16;
	[tilespmem:s0+$0x10800] =	vst.msk vm1, v13;
	s0 =	sadd.s32 s0, s4;
	v13 =	vmovc v20  }
.Ltmp38:
0x602: {  	vm1 =	veq.s32 v17, v6;
	v16 =	vmpcnt.ones.xlane vm7;
	v15 =	vxor.u32 v19, v15;
	[tilespmem:s0+$0x10800] =	vst.msk vm8, v12;
	s0 =	sadd.s32 s0, s1;
	v12 =	vmovc v21;
	(pc) =	sbr.rel @p0 .LBB2_72-.Ltmp38, $4  }
0x603: {  	v19 =	vmpcnt.ones.xlane vm1;
	v17 =	vshrl.u32 v15, $0x15;
	v20 =	vshrl.u32 v15, $0xA;
	[tilespmem:s0+$0x10800] =	vst.msk vm3, v14;
	v14 =	vmovc v15  }
0x604: {  	vm3 =	veq.s32 v17, v6;
	v17 =	vand.u32 $0x7FF, v20;
	(v2sf) =	vpush v16, $0x0  }
0x605: {  	vm6 =	veq.s32 v18, v6;
	v15 =	vmpcnt.ones.xlane vm3;
	(v2sf) =	vpush v19, $0x0  }
0x606: {  	s26 =	sadd.s32 $0x80, s26;
	v18 =	vand.u32 $0x7FF, v22;
	v16 =	vshrl.u32 v8, $0xA;
	v19 =	vmpcnt.ones.xlane vm6;
	s1 =	spop (v2sf)  }
0x607: {  	_ = 	snop  }
0x608: {  	(v2sf) =	vpush v19, $0x0;
	_ =	sdelay $0x1  }
0x609: {  	v6 =	vshrl.u32 v10, $0xA  }
0x60a: {  	v59 =	vshrl.u32 v9, $0xA;
	v6 =	vand.u32 $0x7FF, v6  }
0x60b: {  	v20 =	vshrl.u32 v7, $0xA;
	vm2 =	vmmov vm2;
	v19 =	vand.u32 $0x7FF, v59  }
0x60c: {  	vm5 =	vmmov vm5;
	v20 =	vand.u32 $0x7FF, v20  }
0x60d: {  	[tilespmem:v18+s16+$0x0] =	vst.idx.add.s32.msk vm7, v2;
	v16 =	vand.u32 $0x7FF, v16;
	v60 =	vshrl.u32 v13, $0xA  }
0x60e: {  	[tilespmem:v17+s16+$0x0] =	vst.idx.add.s32.msk vm3, v2;
	v61 =	vand.u32 $0x7FF, v60  }
0x60f: {  	[tilespmem:v6+s16+$0x0] =	vst.idx.add.s32.msk vm4, v2  }
0x610: {  	s3 =	spop (v2sf);
	v6 =	vshrl.u32 v11, $0xA;
	[tilespmem:v19+s16+$0x0] =	vst.idx.add.s32.msk vm0, v2  }
0x611: {  	s8 =	spop (v2sf);
	[tilespmem:v20+s16+$0x0] =	vst.idx.add.s32.msk vm2, v2;
	v6 =	vand.u32 $0x7FF, v6  }
0x612: {  	s4 =	spop (v2sf);
	[tilespmem:v16+s16+$0x0] =	vst.idx.add.s32.msk vm5, v2  }
0x613: {  	s0 =	sadd.s32 s0, s1;
	[tilespmem:v61+s16+$0x0] =	vst.idx.add.s32.msk vm1, v2;
	s25 =	spop (v2sf)  }
0x614: {  	[tilespmem:s0+$0x10800] =	vst.msk vm0, v9;
	s0 =	sadd.s32 s0, s8;
	s5 =	spop (v2sf)  }
0x615: {  	[tilespmem:s0+$0x10800] =	vst.msk vm2, v7;
	s26 =	spop (v2sf)  }
0x616: {  	s0 =	sadd.s32 s0, s3;
	[tilespmem:v6+s16+$0x0] =	vst.idx.add.s32.msk vm6, v2;
	s6 =	spop (v2sf)  }
0x617: {  	[tilespmem:s0+$0x10800] =	vst.msk vm6, v11;
	s0 =	sadd.s32 s0, s6  }
0x618: {  	vm13 =	vmmov vm4;
	[tilespmem:s0+$0x10800] =	vst.msk vm5, v8;
	s0 =	sadd.s32 s0, s4  }
0x619: {  	[tilespmem:s0+$0x10800] =	vst.msk vm13, v10;
	s0 =	sadd.s32 s0, s25  }
0x61a: {  	vm14 =	vmmov vm7;
	[tilespmem:s0+$0x10800] =	vst.msk vm1, v13;
	s0 =	sadd.s32 s0, s26  }
0x61b: {  	[tilespmem:s0+$0x10800] =	vst.msk vm14, v12;
	s0 =	sadd.s32 s0, s5  }
0x61c: {  	s1 =	simm.s32 $0x107F0;
	[tilespmem:s0+$0x10800] =	vst.msk vm3, v14  }
0x61d: {  	v6 =	vmov s24;
	v11 =	vld [tilespmem:s1+$0xFFFFFFF0]  }
0x61e: {  	vm15 =	veq.s32 v6, v0;
	v12 =	vld [tilespmem:s1+$0x0]  }
0x61f: {  	v4 =	vnsel vm15, $0x0, v4  }
0x620: {  	(xrf0) =	vadd.scan.msk.s32 $0xffff, v4;
	v4 =	vnsel vm15, $0x0, v5  }
0x621: {  	(xrf0) =	vadd.scan.msk.s32 $0xffff, v4  }
0x622: {  	(xrf0) =	vadd.scan.msk.s32 $0xffff, v11  }
0x623: {  	(xrf0) =	vadd.scan.msk.s32 $0xffff, v12;
	_ =	sdelay $0x1  }
0x624: {  	(v2sf) =	vpush v15, $0x0  }
0x625: {  	v4, _, _ =	vpop (xrf0);
	v13 =	vld [tilespmem:s1+$0xFFFFFFE0]  }
0x626: {  	(v2sf) =	vpush v4, $0xF;
	v4, _, _ =	vpop (xrf0)  }
0x627: {  	(v2sf) =	vpush v4, $0xF;
	v5 =	vld [tilespmem:s1+$0xFFFFFFD0];
	v4, _, _ =	vpop (xrf0)  }
0x628: {  	s3 =	simm.s32 $0x107B0;
	v6, _, _ =	vpop (xrf0);
	(v2sf) =	vpush v4, $0xF  }
0x629: {  	v4 =	vld [tilespmem:s3+$0xFFFFFFF0];
	(v2sf) =	vpush v6, $0xF  }
0x62a: {  	(xrf0) =	vadd.scan.msk.s32 $0xffff, v13;
	_ =	sdelay $0x1  }
0x62b: {  	(xrf0) =	vadd.scan.msk.s32 $0xffff, v5  }
0x62c: {  	v6 =	vld [tilespmem:s3+$0x0]  }
0x62d: {  	(xrf0) =	vadd.scan.msk.s32 $0xffff, v4;
	_ =	sdelay $0x1  }
0x62e: {  	v7, _, _ =	vpop (xrf0)  }
0x62f: {  	(v2sf) =	vpush v7, $0xF  }
0x630: {  	(xrf0) =	vadd.scan.msk.s32 $0xffff, v6;
	v7, _, _ =	vpop (xrf0)  }
0x631: {  	s4 =	spop (v2sf);
	(v2sf) =	vpush v7, $0xF  }
0x632: {  	v7, _, _ =	vpop (xrf0)  }
0x633: {  	s25 =	spop (v2sf);
	(v2sf) =	vpush v7, $0xF;
	v7 =	vld [tilespmem:s3+$0xFFFFFFE0]  }
0x634: {  	v10 =	vld [tilespmem:s3+$0xFFFFFFD0];
	s1 =	spop (v2sf)  }
0x635: {  	s1 =	sadd.s32 s1, s22;
	s5 =	spop (v2sf)  }
0x636: {  	s1 =	ssub.s32 s25, s1;
	v8, _, _ =	vpop (xrf0);
	s6 =	spop (v2sf)  }
0x637: {  	s22 =	sadd.s32 $0x1000, s1;
	(v2sf) =	vpush v8, $0xF;
	s1 =	sadd.s32 $0x0, s6  }
0x638: {  	p0 =	por $0x1, $0x1;
	(xrf0) =	vadd.scan.msk.s32 $0xffff, v7;
	p1 =	sge.s32 s1, s22  }
0x639: {  	s30 =	simm.s32 $0x10770;
	(xrf0) =	vadd.scan.msk.s32 $0xffff, v10;
	p0 =	por !p0, !p1  }
0x63a: {  	s26 =	simm.s32 $0xFFFFFFFF;
	s0 =	simm.s32 $0x7F;
	v8 =	vld [tilespmem:s30+$0xFFFFFFF0];
	p0 =	por !p0, !p0  }
0x63b: {  	v9 =	vld [tilespmem:s30+$0x0];
	s3 =	sadd.s32 s5, s1;
	s26 =	smov.u32 @p0 s0  }
0x63c: {  	p2 =	sge.s32 s3, s22;
	p3 =	slt.s32 s26, $0x0  }
0x63d: {  	p1 =	por !p2, !p3  }
0x63e: {  	s0 =	simm.s32 $0x7E;
	s7 =	spop (v2sf);
	v14, _, _ =	vpop (xrf0);
	p1 =	por !p1, !p1  }
0x63f: {  	(xrf0) =	vadd.scan.msk.s32 $0xffff, v8;
	s29 =	sadd.s32 s7, s3;
	v62, _, _ =	vpop (xrf0);
	(v2sf) =	vpush v14, $0xF;
	s26 =	smov.u32 @p1 s0  }
0x640: {  	(xrf0) =	vadd.scan.msk.s32 $0xffff, v9;
	s8 =	spop (v2sf);
	p3 =	sge.s32 s29, s22;
	(v2sf) =	vpush v62, $0xF;
	p4 =	slt.s32 s26, $0x0  }
0x641: {  	s31 =	simm.s32 $0x7B;
	v15 =	vimm.s32 $0x0;
	s24 =	simm.s32 $0x0;
	p2 =	por !p3, !p4  }
0x642: {  	s4 =	simm.s32 $0x7C;
	s5 =	simm.s32 $0x7D;
	v12 =	vpsel p0, v12, v15;
	p2 =	por !p2, !p2  }
0x643: {  	s24 =	smov.u32 @p0 s24;
	s28 =	sadd.s32 s8, s29;
	v15 =	vpsel p1, v11, v12;
	v11 =	vld [tilespmem:s30+$0xFFFFFFE0];
	s26 =	smov.u32 @p2 s5  }
0x644: {  	s0 =	simm.s32 $0x8;
	p6 =	sge.s32 s28, s22;
	v12 =	vld [tilespmem:s30+$0xFFFFFFD0];
	p5 =	slt.s32 s26, $0x0  }
0x645: {  	s24 =	smov.u32 @p1 s1;
	v63, _, _ =	vpop (xrf0);
	s1 =	spop (v2sf);
	p0 =	por !p6, !p5  }
0x646: {  	v14, _, _ =	vpop (xrf0);
	(v2sf) =	vpush v63, $0xF;
	s24 =	smov.u32 @p2 s3;
	v13 =	vpsel p2, v13, v15;
	s3 =	spop (v2sf);
	p0 =	por !p0, !p0  }
.LBB2_74:
0x647: {  	(v2sf) =	vpush v14, $0xF;
	s3 =	sadd.s32 s28, s3;
	s26 =	smov.u32 @p0 s4;
	s24 =	smov.u32 @p0 s29;
	v13 =	vpsel p0, v5, v13;
	v5 =	vmov v10  }
0x648: {  	(xrf0) =	vadd.scan.msk.s32 $0xffff, v11;
	p0 =	slt.s32 s26, $0x0;
	p1 =	sge.s32 s3, s22;
	s1 =	sadd.s32 s1, s3;
	v15 =	vmov v11  }
0x649: {  	s0 =	sadd.s32 $0x4, s0;
	s30 =	sadd.s32 $0xFFFFFFC0, s30;
	(xrf0) =	vadd.scan.msk.s32 $0xffff, v12;
	p0 =	por !p0, !p1;
	v10 =	vmov v12  }
0x64a: {  	s4 =	smov.u32 s31;
	p1 =	slt.u32 s0, $0x7C;
	v11 =	vld [tilespmem:s30+$0xFFFFFFF0];
	p0 =	por !p0, !p0  }
0x64b: {  	s26 =	smov.u32 @p0 s31;
	v12 =	vpsel p0, v6, v13;
	v6 =	vmov v9;
	v9 =	vld [tilespmem:s30+$0x0]  }
0x64c: {  	p3 =	sge.s32 s1, s22;
	p2 =	slt.s32 s26, $0x0  }
0x64d: {  	s5 =	sadd.s32 $0xFFFFFFFF, s31;
	p2 =	por !p3, !p2  }
0x64e: {  	s24 =	smov.u32 @p0 s28;
	v13, _, _ =	vpop (xrf0);
	p0 =	por !p2, !p2;
	s6 =	spop (v2sf)  }
0x64f: {  	(xrf0) =	vadd.scan.msk.s32 $0xffff, v11;
	(v2sf) =	vpush v13, $0xF;
	v13, _, _ =	vpop (xrf0);
	s26 =	smov.u32 @p0 s5;
	v16 =	vpsel p0, v4, v12;
	s29 =	sadd.s32 s6, s1;
	s5 =	spop (v2sf);
	v4 =	vmov v8  }
0x650: {  	v8 =	vmov v11;
	(xrf0) =	vadd.scan.msk.s32 $0xffff, v9;
	(v2sf) =	vpush v13, $0xF;
	p2 =	slt.s32 s26, $0x0;
	p3 =	sge.s32 s29, s22;
	s28 =	sadd.s32 s5, s29  }
0x651: {  	s24 =	smov.u32 @p0 s3;
	p0 =	por !p3, !p2  }
.Ltmp39:
0x652: {  	s3 =	sadd.s32 $0xFFFFFFFE, s31;
	p0 =	por !p0, !p0;
	(pc) =	sbr.rel @p1 .LBB2_74-.Ltmp39, $4  }
0x653: {  	v11 =	vld [tilespmem:s30+$0xFFFFFFE0];
	s26 =	smov.u32 @p0 s3;
	s24 =	smov.u32 @p0 s1  }
0x654: {  	p3 =	sge.s32 s28, s22;
	v12 =	vld [tilespmem:s30+$0xFFFFFFD0];
	p2 =	slt.s32 s26, $0x0  }
0x655: {  	s31 =	sadd.s32 $0xFFFFFFFC, s31;
	v13, _, _ =	vpop (xrf0);
	s1 =	spop (v2sf);
	p2 =	por !p3, !p2  }
0x656: {  	s4 =	sadd.s32 $0xFFFFFFFD, s4;
	v14, _, _ =	vpop (xrf0);
	(v2sf) =	vpush v13, $0xF;
	s3 =	spop (v2sf);
	v13 =	vpsel p0, v7, v16;
	p0 =	por !p2, !p2;
	v7 =	vmov v15  }
0x657: {  	(v2sf) =	vpush v14, $0xF;
	s0 =	sadd.s32 s28, s3;
	s26 =	smov.u32 @p0 s4  }
0x658: {  	(xrf0) =	vadd.scan.msk.s32 $0xffff, v11;
	p1 =	slt.s32 s26, $0x0;
	p2 =	sge.s32 s0, s22  }
0x659: {  	p1 =	por !p1, !p2  }
0x65a: {  	p4 =	por !p1, !p1  }
0x65b: {  	s30 =	sadd.s32 s1, s0;
	s26 =	smov.u32 @p4 s31;
	s1 =	simm.s32 @!p4 $0x0  }
0x65c: {  	p5 =	sge.s32 s30, s22;
	s1 =	simm.s32 @p4 $0x1;
	p3 =	slt.s32 s26, $0x0  }
0x65d: {  	[smem:$0x7DA] =	sst s1;
	p1 =	por !p5, !p3  }
0x65e: {  	(xrf0) =	vadd.scan.msk.s32 $0xffff, v12;
	s1 =	sadd.s32 $0xFFFFFFFF, s31;
	v62, _, _ =	vpop (xrf0);
	p1 =	por !p1, !p1;
	s5 =	spop (v2sf)  }
0x65f: {  	s3 =	simm.s32 @!p1 $0x0;
	(v2sf) =	vpush v62, $0xF;
	s26 =	smov.u32 @p1 s1;
	s1 =	sadd.s32 s5, s30  }
0x660: {  	s3 =	simm.s32 @p1 $0x1;
	p1 =	slt.s32 s26, $0x0;
	p6 =	sge.s32 s1, s22  }
0x661: {  	s4 =	sadd.s32 $0xFFFFFFFE, s31;
	p1 =	por !p6, !p1  }
0x662: {  	s6 =	spop (v2sf);
	[smem:$0x7D9] =	sst s3;
	p1 =	por !p1, !p1  }
0x663: {  	s3 =	sadd.s32 s6, s1;
	s5 =	simm.s32 @!p1 $0x0;
	s26 =	smov.u32 @p1 s4  }
0x664: {  	v63, _, _ =	vpop (xrf0);
	p3 =	sge.s32 s3, s22;
	s5 =	simm.s32 @p1 $0x1;
	p1 =	slt.s32 s26, $0x0  }
0x665: {  	(v2sf) =	vpush v63, $0xF;
	s7 =	spop (v2sf);
	p1 =	por !p3, !p1  }
0x666: {  	s6 =	sadd.s32 $0xFFFFFFFD, s31;
	s8 =	spop (v2sf);
	p3 =	por !p1, !p1  }
0x667: {  	[smem:$0x7DB] =	sst s5;
	s5 =	sadd.s32 s3, s8;
	s26 =	smov.u32 @p3 s6  }
0x668: {  	s6 =	simm.s32 @!p3 $0x0;
	p5 =	slt.s32 s26, $0x0;
	p6 =	sge.s32 s5, s22  }
0x669: {  	s6 =	simm.s32 @p3 $0x1;
	p1 =	por !p5, !p6  }
0x66a: {  	[smem:$0x7DC] =	sst s6;
	s6 =	sadd.s32 $0xFFFFFFFC, s31;
	p5 =	por !p1, !p1  }
0x66b: {  	s4 =	sadd.s32 s7, s5;
	s26 =	smov.u32 @p5 s6  }
0x66c: {  	p6 =	sge.s32 s4, s22;
	p2 =	slt.s32 s26, $0x0  }
0x66d: {  	s31 =	sld [smem:$0x7D9];
	p1 =	por !p6, !p2  }
0x66e: {  	s7 =	sadd.s32 $0xFFFFFFFF, s6;
	p6 =	por !p1, !p1;
	s8 =	spop (v2sf)  }
0x66f: {  	v5 =	vpsel p0, v5, v13;
	s26 =	smov.u32 @p6 s7;
	s7 =	sadd.s32 s8, s4  }
0x670: {  	v5 =	vpsel p4, v6, v5;
	p2 =	slt.s32 s26, $0x0;
	p4 =	sge.s32 s7, s22  }
0x671: {  	p1 =	por !p4, !p2;
	p4 =	seq.s32 s31, $0x1;
	s31 =	sld [smem:$0x7DB]  }
0x672: {  	_ =	sdelay $0x1  }
0x673: {  	s8 =	spop (v2sf);
	v4 =	vpsel p4, v4, v5;
	p2 =	seq.s32 s31, $0x1  }
0x674: {  	s8 =	sadd.s32 s8, s7;
	s31 =	sadd.s32 $0xFFFFFFFE, s6;
	v4 =	vpsel p2, v7, v4;
	p2 =	por !p1, !p1  }
0x675: {  	p1 =	sge.s32 s8, s22;
	s26 =	smov.u32 @p2 s31;
	v4 =	vpsel p3, v10, v4;
	s31 =	sshll.u32 s23, $0x15  }
0x676: {  	s23 =	sld [smem:$0x7DA];
	v4 =	vpsel p5, v9, v4;
	p3 =	slt.s32 s26, $0x0;
	s8 =	sxor.u32 $0x80200000, s31  }
0x677: {  	p1 =	por !p1, !p3;
	v4 =	vpsel p6, v8, v4;
	v6 =	vmov s8  }
0x678: {  	s24 =	smov.u32 @p0 s29;
	s29 =	simm.s32 $0x10040;
	v4 =	vpsel p2, v11, v4;
	p1 =	por !p1, !p1;
	[tilespmem:s25+$0x10800] =	vst v6  }
0x679: {  	p0 =	seq.s32 s23, $0x1;
	v4 =	vpsel p1, v12, v4;
	[tilespmem:s29+$0xFFFFFFC0] =	vst v1  }
0x67a: {  	s24 =	smov.u32 @p0 s28;
	v5 =	vperm.xlane v4, v3;
	s28 =	sld [smem:$0x7DB];
	[tilespmem:s29+$0x30] =	vst v1  }
0x67b: {  	s31 =	sld [smem:$0x7DC]  }
0x67c: {  	(xrf0) =	vadd.scan.msk.s32 $0xffff, v5  }
0x67d: {  	s24 =	smov.u32 @p4 s0;
	p0 =	seq.s32 s28, $0x1  }
0x67e: {  	s24 =	smov.u32 @p0 s30;
	p0 =	seq.s32 s31, $0x1  }
0x67f: {  	[tilespmem:s29+$0x20] =	vst v1;
	s24 =	smov.u32 @p0 s1  }
0x680: {  	[tilespmem:s29+$0x10] =	vst v1;
	s24 =	smov.u32 @p5 s3  }
0x681: {  	[tilespmem:s29+$0x0] =	vst v1;
	s24 =	smov.u32 @p6 s5  }
0x682: {  	s0 =	sadd.s32 $0xFFFFFFFD, s6;
	[tilespmem:s29+$0xFFFFFFF0] =	vst v1;
	s24 =	smov.u32 @p2 s4;
	v5, _, _ =	vpop (xrf0)  }
0x683: {  	s26 =	smov.u32 @p1 s0;
	s0 =	simm.s32 $0x0;
	[tilespmem:s29+$0xFFFFFFE0] =	vst v1;
	s24 =	smov.u32 @p1 s7;
	v5 =	vperm.xlane v5, v3  }
.LBB2_76:
0x684: {  	s0 =	sadd.s32 $0x8, s0;
	[tilespmem:s29+$0xFFFFFFD0] =	vst v1;
	s29 =	sadd.s32 $0x80, s29  }
0x685: {  	[tilespmem:s29+$0xFFFFFFC0] =	vst v1;
	p0 =	slt.u32 s0, $0x38  }
0x686: {  	[tilespmem:s29+$0x30] =	vst v1  }
.Ltmp40:
0x687: {  	[tilespmem:s29+$0x20] =	vst v1;
	(pc) =	sbr.rel @p0 .LBB2_76-.Ltmp40, $4  }
0x688: {  	[tilespmem:s29+$0x10] =	vst v1  }
0x689: {  	[tilespmem:s29+$0x0] =	vst v1  }
0x68a: {  	[tilespmem:s29+$0xFFFFFFF0] =	vst v1  }
0x68b: {  	[tilespmem:s29+$0xFFFFFFE0] =	vst v1  }
0x68c: {  	v6 =	vadd.s32 s24, v5  }
0x68d: {  	vm0 =	vge.s32 v6, s22  }
0x68e: {  	v6 =	vsel vm0, $0x1, v1  }
0x68f: {  	(xrf0) =	vadd.scan.msk.s32 $0xffff, v6;
	_ =	sdelay $0x5  }
0x690: {  	v6, _, _ =	vpop (xrf0)  }
0x691: {  	(v2sf) =	vpush v6, $0xF;
	_ =	sdelay $0xe  }
0x692: {  	s0 =	spop (v2sf)  }
0x693: {  	s0 =	sadd.s32 $0xFFFFFFFF, s0  }
0x694: {  	v63 =	vmov s0  }
0x695: {  	vm15 =	veq.s32 v63, v0  }
0x696: {  	v4 =	vnsel vm15, $0x0, v4  }
0x697: {  	(xrf0) =	vadd.scan.msk.s32 $0xffff, v4;
	v4 =	vnsel vm15, $0x0, v5  }
0x698: {  	(xrf0) =	vadd.scan.msk.s32 $0xffff, v4;
	_ =	sdelay $0x4  }
0x699: {  	v4, _, _ =	vpop (xrf0)  }
0x69a: {  	(v2sf) =	vpush v4, $0xF;
	v4, _, _ =	vpop (xrf0)  }
0x69b: {  	s1 =	sadd.s32 $0xF, s25;
	(v2sf) =	vpush v4, $0xF  }
0x69c: {  	s3 =	sand.u32 $0xF, s1  }
0x69d: {  	s4 =	sshra.s32 s1, $0x1F;
	p0 =	slt.s32 s1, $0x1;
	p1 =	sne.s32 s3, $0x0  }
0x69e: {  	s25 =	sshrl.u32 s4, $0x1C;
	p0 =	por !p0, !p1  }
0x69f: {  	s3 =	simm.s32 $0x1;
	s1 =	sadd.s32 s25, s1;
	p0 =	por !p0, !p0  }
0x6a0: {  	s1 =	sshra.s32 s1, $0x4;
	s3 =	simm.s32 @!p0 $0x0  }
0x6a1: {  	s28 =	ssub.s32 s1, s3  }
0x6a2: {  	s1 =	sshrl.u32 s28, $0x1F  }
0x6a3: {  	s1 =	sadd.s32 s1, s28  }
0x6a4: {  	s30 =	sshll.u32 s26, $0x4;
	s26 =	sand.u32 $0xFFFFFFFE, s1  }
0x6a5: {  	p0 =	slt.s32 s26, $0x1  }
.Ltmp41:
0x6a6: {  	_ = 	snop;
	(pc) =	sbr.rel @p0 .LBB2_87-.Ltmp41, $3  }
0x6a7: {  	_ =	sdelay $0x1  }
0x6a8: {  	s31 =	sshll.u32 s21, $0xB;
	s23 =	sadd.s32 s30, s0;
	s25 =	spop (v2sf)  }
0x6a9: {  	[tilespmem:s29+$0xFFFFFFD0] =	vst v1;
	s29 =	sor.u32 s31, s23;
	s0 =	spop (v2sf)  }
0x6aa: {  	p2 =	sgt.s32 s26, $0x2  }
.Ltmp42:
0x6ab: {  	_ = 	snop;
	(pc) =	sbr.rel @!p2 .LBB2_79-.Ltmp42, $4  }
0x6ac: {  	_ = 	snop  }
0x6ad: {  	s1 =	simm.s32 $0x10810  }
0x6ae: {  	v7 =	vld [tilespmem:s1+$0x0]  }
0x6af: {  	v4 =	vmov s29;
	p0 =	por $0x0, $0x0;
	p1 =	por $0x0, $0x0;
	v13 =	vld [tilespmem:s1+$0xFFFFFFF0]  }
0x6b0: {  	p2 =	sgt.s32 s26, $0x4  }
.Ltmp43:
0x6b1: {  	_ = 	snop;
	(pc) =	sbr.rel @!p2 .LBB2_81-.Ltmp43, $4  }
0x6b2: {  	s1 =	simm.s32 $0x10830  }
0x6b3: {  	v5 =	vld [tilespmem:s1+$0x0]  }
0x6b4: {  	v6 =	vshrl.u32 v13, $0xA  }
0x6b5: {  	p0 =	por $0x1, $0x1;
	v8 =	vshrl.u32 v7, $0xA;
	v10 =	vand.u32 $0x3FF, v13;
	v13 =	vld [tilespmem:s1+$0xFFFFFFF0];
	vm1 =	veq.s32 v6, v4  }
0x6b6: {  	_ = 	snop  }
0x6b7: {  	p2 =	sgt.s32 s26, $0x6  }
.Ltmp44:
0x6b8: {  	vm0 =	veq.s32 v8, v4;
	(pc) =	sbr.rel @!p2 .LBB2_83-.Ltmp44, $4  }
0x6b9: {  	s1 =	simm.s32 $0x10850;
	v6 =	vand.u32 $0x3FF, v7  }
0x6ba: {  	v9 =	vld [tilespmem:s1+$0x0]  }
0x6bb: {  	[tilespmem:v10+s16+$0x0] =	vst.idx.add.s32.msk vm1, v2;
	v7 =	vshrl.u32 v13, $0xA  }
0x6bc: {  	s30 =	simm.s32 $0x6;
	p1 =	por $0x1, $0x1;
	v12 =	vld [tilespmem:s1+$0xFFFFFFF0];
	v8 =	vshrl.u32 v5, $0xA;
	v11 =	vand.u32 $0x3FF, v13;
	vm2 =	veq.s32 v7, v4  }
.LBB2_84:
0x6bd: {  	s30 =	sadd.s32 $0x2, s30  }
0x6be: {  	s1 =	sadd.s32 $0x20, s1;
	[tilespmem:v6+s16+$0x0] =	vst.idx.add.s32.msk vm0, v2;
	vm0 =	veq.s32 v8, v4;
	p2 =	slt.s32 s30, s26  }
.Ltmp45:
0x6bf: {  	v6 =	vand.u32 $0x3FF, v5;
	v5 =	vmov v9;
	v9 =	vld [tilespmem:s1+$0x0];
	(pc) =	sbr.rel @p2 .LBB2_84-.Ltmp45, $4  }
0x6c0: {  	_ = 	snop  }
0x6c1: {  	v7 =	vand.u32 $0x3FF, v12  }
0x6c2: {  	v10 =	vshrl.u32 v12, $0xA;
	v12 =	vld [tilespmem:s1+$0xFFFFFFF0]  }
0x6c3: {  	v8 =	vshrl.u32 v5, $0xA;
	[tilespmem:v11+s16+$0x0] =	vst.idx.add.s32.msk vm2, v2;
	vm2 =	veq.s32 v10, v4;
	v11 =	vmov v7  }
0x6c4: {  	_ =	sdelay $0x2  }
0x6c5: {  	v7 =	vmovc v5;
	v5 =	vmovc v9;
	vm1 =	vmmov vm2;
	v10 =	vmov v11;
	v13 =	vmov v12  }
.LBB2_86:
0x6c6: {  	vm2 =	veq.s32 @p0 v8, v4  }
0x6c7: {  	v7 =	vand.u32 @p0 $0x3FF, v7;
	v62 =	vshrl.u32 v13, $0xA;
	vm2 =	vmmov @p0 vm2  }
0x6c8: {  	v63 =	vshrl.u32 v5, $0xA;
	vm3 =	veq.s32 v62, v4;
	v7 =	vpsel p0, v7, v0  }
0x6c9: {  	v9 =	vand.u32 $0x3FF, v13;
	vm4 =	veq.s32 v63, v4  }
0x6ca: {  	v4 =	vand.u32 $0x3FF, v5  }
0x6cb: {  	[tilespmem:v6+s16+$0x0] =	vst.idx.add.s32.msk @p1 vm0, v2  }
0x6cc: {  	[tilespmem:v10+s16+$0x0] =	vst.idx.add.s32.msk @p0 vm1, v2  }
0x6cd: {  	[tilespmem:v7+s16+$0x0] =	vst.idx.add.s32.msk @p0 vm2, v2  }
0x6ce: {  	[tilespmem:v9+s16+$0x0] =	vst.idx.add.s32.msk vm3, v2  }
0x6cf: {  	[tilespmem:v4+s16+$0x0] =	vst.idx.add.s32.msk vm4, v2  }
.LBB2_87:
0x6d0: {  	s1 =	ssub.s32 s28, s26  }
0x6d1: {  	p0 =	sgt.s32 s1, $0x0  }
0x6d2: {  	s1 =	sshll.u32 @p0 s26, $0x6  }
0x6d3: {  	s1 =	sshra.s32 @p0 s1, $0x2  }
0x6d4: {  	v4 =	vld @p0 [tilespmem:s1+$0x10800];
	_ =	sdelay $0x4  }
0x6d5: {  	v5 =	vshrl.u32 @p0 v4, $0xA  }
0x6d6: {  	vm0 =	veq.s32 @p0 v5, s29  }
0x6d7: {  	v4 =	vand.u32 @p0 $0x3FF, v4;
	_ =	sdelay $0x1  }
0x6d8: {  	s0 =	sadd.s32 s0, s24  }
0x6d9: {  	s0 =	ssub.s32 s22, s0  }
0x6da: {  	s22 =	sadd.s32 s25, s0;
	s0 =	simm.s32 @p0 $0x10000;
	v5 =	vimm.s32 @p0 $0x1  }
0x6db: {  	s7 =	simm.s32 $0x103F0;
	[tilespmem:v4+s0+$0x0] =	vst.idx.add.s32.msk @p0 vm0, v5  }
0x6dc: {  	v12 =	vld [tilespmem:s7+$0xFFFFFFF0]  }
0x6dd: {  	v13 =	vld [tilespmem:s7+$0x0];
	_ =	sdelay $0x3  }
0x6de: {  	(xrf0) =	vadd.scan.msk.s32 $0xffff, v12  }
0x6df: {  	(xrf0) =	vadd.scan.msk.s32 $0xffff, v13  }
0x6e0: {  	v15 =	vld [tilespmem:s7+$0xFFFFFFE0];
	_ =	sdelay $0x3  }
0x6e1: {  	s8 =	simm.s32 $0x103B0;
	v5 =	vld [tilespmem:s7+$0xFFFFFFD0];
	v4, _, _ =	vpop (xrf0)  }
0x6e2: {  	(xrf0) =	vadd.scan.msk.s32 $0xffff, v15;
	v6, _, _ =	vpop (xrf0);
	(v2sf) =	vpush v4, $0xF;
	v4 =	vld [tilespmem:s8+$0xFFFFFFF0]  }
0x6e3: {  	(v2sf) =	vpush v6, $0xF;
	v6 =	vld [tilespmem:s8+$0x0];
	_ =	sdelay $0x2  }
0x6e4: {  	(xrf0) =	vadd.scan.msk.s32 $0xffff, v5  }
0x6e5: {  	(xrf0) =	vadd.scan.msk.s32 $0xffff, v4  }
0x6e6: {  	v7, _, _ =	vpop (xrf0);
	(xrf0) =	vadd.scan.msk.s32 $0xffff, v6;
	_ =	sdelay $0x2  }
0x6e7: {  	(v2sf) =	vpush v7, $0xF  }
0x6e8: {  	v7, _, _ =	vpop (xrf0)  }
0x6e9: {  	(v2sf) =	vpush v7, $0xF;
	v7, _, _ =	vpop (xrf0)  }
0x6ea: {  	v8, _, _ =	vpop (xrf0);
	(v2sf) =	vpush v7, $0xF  }
0x6eb: {  	(v2sf) =	vpush v8, $0xF;
	v8 =	vld [tilespmem:s8+$0xFFFFFFE0]  }
0x6ec: {  	v10 =	vld [tilespmem:s8+$0xFFFFFFD0]  }
0x6ed: {  	s3 =	spop (v2sf)  }
0x6ee: {  	s4 =	spop (v2sf)  }
0x6ef: {  	s4 =	sadd.s32 $0x0, s4  }
0x6f0: {  	p2 =	por $0x1, $0x1;
	p1 =	sge.s32 s4, s22;
	(xrf0) =	vadd.scan.msk.s32 $0xffff, v8  }
0x6f1: {  	s30 =	simm.s32 $0x10370;
	p0 =	por !p2, !p1;
	(xrf0) =	vadd.scan.msk.s32 $0xffff, v10  }
0x6f2: {  	s25 =	simm.s32 $0xFFFFFFFF;
	s0 =	simm.s32 $0x3F;
	v7 =	vld [tilespmem:s30+$0xFFFFFFF0];
	p0 =	por !p0, !p0  }
0x6f3: {  	v9 =	vld [tilespmem:s30+$0x0];
	s1 =	sadd.s32 s3, s4;
	s25 =	smov.u32 @p0 s0  }
0x6f4: {  	p2 =	sge.s32 s1, s22;
	p3 =	slt.s32 s25, $0x0  }
0x6f5: {  	p1 =	por !p2, !p3  }
0x6f6: {  	s26 =	spop (v2sf);
	s0 =	simm.s32 $0x3E;
	p1 =	por !p1, !p1;
	v14, _, _ =	vpop (xrf0)  }
0x6f7: {  	s28 =	sadd.s32 s26, s1;
	(xrf0) =	vadd.scan.msk.s32 $0xffff, v7;
	s25 =	smov.u32 @p1 s0;
	v16, _, _ =	vpop (xrf0);
	(v2sf) =	vpush v14, $0xF  }
0x6f8: {  	s24 =	simm.s32 $0x0;
	(xrf0) =	vadd.scan.msk.s32 $0xffff, v9;
	p3 =	sge.s32 s28, s22;
	p4 =	slt.s32 s25, $0x0;
	(v2sf) =	vpush v16, $0xF  }
0x6f9: {  	v11 =	vimm.s32 $0x0;
	s5 =	simm.s32 $0x3D;
	s31 =	spop (v2sf);
	p2 =	por !p3, !p4  }
0x6fa: {  	s29 =	simm.s32 $0x3B;
	v11 =	vpsel p0, v13, v11;
	s26 =	sadd.s32 s31, s28;
	p2 =	por !p2, !p2  }
0x6fb: {  	s24 =	smov.u32 @p0 s24;
	p6 =	sge.s32 s26, s22;
	v13 =	vpsel p1, v12, v11;
	v11 =	vld [tilespmem:s30+$0xFFFFFFE0];
	s25 =	smov.u32 @p2 s5  }
0x6fc: {  	s0 =	simm.s32 $0x8;
	s24 =	smov.u32 @p1 s4;
	v12 =	vld [tilespmem:s30+$0xFFFFFFD0];
	p5 =	slt.s32 s25, $0x0  }
0x6fd: {  	v63, _, _ =	vpop (xrf0);
	s24 =	smov.u32 @p2 s1;
	s1 =	spop (v2sf);
	p0 =	por !p6, !p5  }
0x6fe: {  	s4 =	simm.s32 $0x3C;
	v14, _, _ =	vpop (xrf0);
	(v2sf) =	vpush v63, $0xF;
	v13 =	vpsel p2, v15, v13;
	s3 =	spop (v2sf);
	p0 =	por !p0, !p0  }
.LBB2_88:
0x6ff: {  	(v2sf) =	vpush v14, $0xF;
	s3 =	sadd.s32 s26, s3;
	s25 =	smov.u32 @p0 s4;
	s24 =	smov.u32 @p0 s28;
	v13 =	vpsel p0, v5, v13;
	v5 =	vmov v10  }
0x700: {  	(xrf0) =	vadd.scan.msk.s32 $0xffff, v11;
	p0 =	slt.s32 s25, $0x0;
	p1 =	sge.s32 s3, s22;
	s1 =	sadd.s32 s1, s3;
	v15 =	vmov v11  }
0x701: {  	s0 =	sadd.s32 $0x4, s0;
	s30 =	sadd.s32 $0xFFFFFFC0, s30;
	(xrf0) =	vadd.scan.msk.s32 $0xffff, v12;
	p0 =	por !p0, !p1;
	v10 =	vmov v12  }
0x702: {  	s4 =	smov.u32 s29;
	p1 =	slt.u32 s0, $0x3C;
	v11 =	vld [tilespmem:s30+$0xFFFFFFF0];
	p0 =	por !p0, !p0  }
0x703: {  	s25 =	smov.u32 @p0 s29;
	v12 =	vpsel p0, v6, v13;
	v6 =	vmov v9;
	v9 =	vld [tilespmem:s30+$0x0]  }
0x704: {  	p3 =	sge.s32 s1, s22;
	p2 =	slt.s32 s25, $0x0  }
0x705: {  	s5 =	sadd.s32 $0xFFFFFFFF, s29;
	p2 =	por !p3, !p2  }
0x706: {  	s24 =	smov.u32 @p0 s26;
	v13, _, _ =	vpop (xrf0);
	p0 =	por !p2, !p2;
	s6 =	spop (v2sf)  }
0x707: {  	(xrf0) =	vadd.scan.msk.s32 $0xffff, v11;
	(v2sf) =	vpush v13, $0xF;
	v13, _, _ =	vpop (xrf0);
	s25 =	smov.u32 @p0 s5;
	v16 =	vpsel p0, v4, v12;
	s28 =	sadd.s32 s6, s1;
	s5 =	spop (v2sf);
	v4 =	vmov v7  }
0x708: {  	v7 =	vmov v11;
	(xrf0) =	vadd.scan.msk.s32 $0xffff, v9;
	(v2sf) =	vpush v13, $0xF;
	p2 =	slt.s32 s25, $0x0;
	p3 =	sge.s32 s28, s22;
	s26 =	sadd.s32 s5, s28  }
0x709: {  	s24 =	smov.u32 @p0 s3;
	p0 =	por !p3, !p2  }
.Ltmp46:
0x70a: {  	s3 =	sadd.s32 $0xFFFFFFFE, s29;
	p0 =	por !p0, !p0;
	(pc) =	sbr.rel @p1 .LBB2_88-.Ltmp46, $4  }
0x70b: {  	v11 =	vld [tilespmem:s30+$0xFFFFFFE0];
	s25 =	smov.u32 @p0 s3;
	s24 =	smov.u32 @p0 s1  }
0x70c: {  	p3 =	sge.s32 s26, s22;
	v12 =	vld [tilespmem:s30+$0xFFFFFFD0];
	p2 =	slt.s32 s25, $0x0  }
0x70d: {  	s29 =	sadd.s32 $0xFFFFFFFC, s29;
	v13, _, _ =	vpop (xrf0);
	s1 =	spop (v2sf);
	p2 =	por !p3, !p2  }
0x70e: {  	s4 =	sadd.s32 $0xFFFFFFFD, s4;
	v14, _, _ =	vpop (xrf0);
	(v2sf) =	vpush v13, $0xF;
	s3 =	spop (v2sf);
	v13 =	vpsel p0, v8, v16;
	p0 =	por !p2, !p2;
	v8 =	vmov v15  }
0x70f: {  	(v2sf) =	vpush v14, $0xF;
	s0 =	sadd.s32 s26, s3;
	s25 =	smov.u32 @p0 s4  }
0x710: {  	(xrf0) =	vadd.scan.msk.s32 $0xffff, v11;
	p1 =	slt.s32 s25, $0x0;
	p2 =	sge.s32 s0, s22  }
0x711: {  	p1 =	por !p1, !p2  }
0x712: {  	p5 =	por !p1, !p1  }
0x713: {  	s30 =	sadd.s32 s1, s0;
	s25 =	smov.u32 @p5 s29;
	s1 =	simm.s32 @!p5 $0x0  }
0x714: {  	(xrf0) =	vadd.scan.msk.s32 $0xffff, v12;
	p4 =	sge.s32 s30, s22;
	s1 =	simm.s32 @p5 $0x1;
	p3 =	slt.s32 s25, $0x0  }
0x715: {  	[smem:$0x7D6] =	sst s1;
	p1 =	por !p4, !p3  }
0x716: {  	s1 =	sadd.s32 $0xFFFFFFFF, s29;
	v14, _, _ =	vpop (xrf0);
	p1 =	por !p1, !p1;
	s6 =	spop (v2sf)  }
0x717: {  	s3 =	simm.s32 @!p1 $0x0;
	(v2sf) =	vpush v14, $0xF;
	s25 =	smov.u32 @p1 s1;
	s1 =	sadd.s32 s6, s30  }
0x718: {  	s3 =	simm.s32 @p1 $0x1;
	p1 =	slt.s32 s25, $0x0;
	p6 =	sge.s32 s1, s22  }
0x719: {  	p1 =	por !p6, !p1  }
0x71a: {  	s4 =	sadd.s32 $0xFFFFFFFE, s29;
	v14, _, _ =	vpop (xrf0);
	s7 =	spop (v2sf);
	p4 =	por !p1, !p1  }
0x71b: {  	(v2sf) =	vpush v14, $0xF;
	[smem:$0x7D4] =	sst s3;
	s3 =	sadd.s32 s7, s1;
	s25 =	smov.u32 @p4 s4  }
0x71c: {  	s6 =	sadd.s32 $0xFFFFFFFD, s29;
	p3 =	sge.s32 s3, s22;
	p2 =	slt.s32 s25, $0x0  }
0x71d: {  	s4 =	simm.s32 @!p4 $0x0;
	s8 =	spop (v2sf);
	p1 =	por !p3, !p2  }
0x71e: {  	s4 =	simm.s32 @p4 $0x1;
	s5 =	spop (v2sf);
	p1 =	por !p1, !p1  }
0x71f: {  	s7 =	simm.s32 @!p1 $0x0;
	s5 =	sadd.s32 s3, s5;
	s25 =	smov.u32 @p1 s6  }
0x720: {  	s7 =	simm.s32 @p1 $0x1;
	p1 =	slt.s32 s25, $0x0;
	p6 =	sge.s32 s5, s22  }
0x721: {  	[smem:$0x7D7] =	sst s4;
	s6 =	sadd.s32 $0xFFFFFFFC, s29;
	p1 =	por !p1, !p6  }
0x722: {  	s29 =	sld [smem:$0x7D4];
	s4 =	sadd.s32 s8, s5;
	p3 =	por !p1, !p1  }
0x723: {  	[smem:$0x7D5] =	sst s7;
	s25 =	smov.u32 @p3 s6;
	s7 =	simm.s32 @!p3 $0x0  }
0x724: {  	p6 =	sge.s32 s4, s22;
	s7 =	simm.s32 @p3 $0x1;
	p2 =	slt.s32 s25, $0x0  }
0x725: {  	[smem:$0x7D8] =	sst s7;
	p1 =	por !p6, !p2  }
0x726: {  	s7 =	sadd.s32 $0xFFFFFFFF, s6;
	p6 =	por !p1, !p1;
	s8 =	spop (v2sf)  }
0x727: {  	v5 =	vpsel p0, v5, v13;
	s25 =	smov.u32 @p6 s7;
	s7 =	sadd.s32 s8, s4  }
0x728: {  	v5 =	vpsel p5, v6, v5;
	s31 =	sld [smem:$0x7D5];
	p2 =	slt.s32 s25, $0x0;
	p5 =	sge.s32 s7, s22  }
0x729: {  	p1 =	por !p5, !p2;
	p5 =	seq.s32 s29, $0x1  }
0x72a: {  	s8 =	spop (v2sf);
	v4 =	vpsel p5, v4, v5  }
0x72b: {  	s29 =	sadd.s32 $0xFFFFFFFE, s6;
	p1 =	por !p1, !p1;
	v4 =	vpsel p4, v8, v4;
	p4 =	seq.s32 s31, $0x1  }
0x72c: {  	s8 =	sadd.s32 s8, s7;
	s25 =	smov.u32 @p1 s29;
	v4 =	vpsel p4, v10, v4  }
0x72d: {  	p2 =	sge.s32 s8, s22;
	v4 =	vpsel p3, v9, v4;
	p3 =	slt.s32 s25, $0x0  }
0x72e: {  	s31 =	sld [smem:$0x7D6];
	p2 =	por !p2, !p3;
	v4 =	vpsel p6, v7, v4  }
0x72f: {  	v4 =	vpsel p1, v11, v4;
	p2 =	por !p2, !p2  }
0x730: {  	v4 =	vpsel p2, v12, v4  }
0x731: {  	s24 =	smov.u32 @p0 s28;
	p0 =	seq.s32 s31, $0x1;
	v4 =	vperm.xlane v4, v3  }
0x732: {  	s24 =	smov.u32 @p0 s26;
	s26 =	sld [smem:$0x7D7]  }
0x733: {  	(xrf0) =	vadd.scan.msk.s32 $0xffff, v4  }
0x734: {  	s28 =	sld [smem:$0x7D8]  }
0x735: {  	s24 =	smov.u32 @p5 s0;
	p0 =	seq.s32 s26, $0x1  }
0x736: {  	s24 =	smov.u32 @p0 s30  }
0x737: {  	p0 =	seq.s32 s28, $0x1;
	s24 =	smov.u32 @p4 s1  }
0x738: {  	s24 =	smov.u32 @p0 s3  }
0x739: {  	s24 =	smov.u32 @p6 s5;
	v4, _, _ =	vpop (xrf0)  }
0x73a: {  	s24 =	smov.u32 @p1 s4;
	v4 =	vperm.xlane v4, v3  }
0x73b: {  	s24 =	smov.u32 @p2 s7  }
0x73c: {  	v5 =	vadd.s32 s24, v4  }
0x73d: {  	vm0 =	vge.s32 v5, s22  }
0x73e: {  	v5 =	vsel vm0, $0x1, v1  }
0x73f: {  	(xrf0) =	vadd.scan.msk.s32 $0xffff, v5;
	_ =	sdelay $0x5  }
0x740: {  	v5, _, _ =	vpop (xrf0)  }
0x741: {  	(v2sf) =	vpush v5, $0xF;
	_ =	sdelay $0xd  }
0x742: {  	s0 =	sadd.s32 $0xFFFFFFFD, s6  }
0x743: {  	s31 =	sshll.u32 s23, $0xA;
	s25 =	smov.u32 @p2 s0;
	s29 =	spop (v2sf)  }
0x744: {  	s0 =	sshll.u32 s25, $0x4;
	s30 =	sshll.u32 s21, $0x15;
	s26 =	sadd.s32 $0xFFFFFFFF, s29  }
0x745: {  	s1 =	sor.u32 s30, s31;
	s0 =	sadd.s32 s0, s26  }
0x746: {  	s21 =	simm.s32 $0x40;
	s0 =	sor.u32 s0, s1  }
0x747: {  	v7 =	vld [tilespmem:s21+$0x30];
	s1 =	sxor.u32 $0x7FFFFFFF, s0;
	p0 =	slt.s32 s0, $0x0;
	s3 =	smov.u32 s0  }
0x748: {  	v12 =	vld [tilespmem:s21+$0xFFFFFFD0];
	s3 =	smov.u32 @p0 s1  }
0x749: {  	v11 =	vld [tilespmem:s21+$0xFFFFFFE0];
	v5 =	vmov s3  }
0x74a: {  	v10 =	vld [tilespmem:s21+$0xFFFFFFF0];
	v5 =	vbroadcast v5, $0x0  }
0x74b: {  	v9 =	vld [tilespmem:s21+$0x0]  }
0x74c: {  	v8 =	vld [tilespmem:s21+$0x10];
	vm0 =	vge.f32 v7, v5  }
0x74d: {  	v6 =	vld [tilespmem:s21+$0x20];
	vm1 =	vge.f32 v12, v5;
	v13 =	vnsel vm0, $0x0, v7  }
0x74e: {  	s23 =	simm.s32 $0xC0;
	s1 =	simm.s32 $0x0;
	v7 =	vld [tilespmem:s21+$0xFFFFFFC0];
	v12 =	vnsel vm1, $0x0, v12;
	vm0 =	vge.f32 v11, v5;
	[tilespmem:s21+$0x30] =	vst v13  }
.LBB2_90:
0x74f: {  	v13 =	vld [tilespmem:s23+$0x30];
	s1 =	sadd.s32 $0x8, s1;
	[tilespmem:s21+$0xFFFFFFD0] =	vst v12;
	v11 =	vnsel vm0, $0x0, v11;
	vm0 =	vge.f32 v10, v5  }
0x750: {  	v12 =	vld [tilespmem:s23+$0xFFFFFFD0];
	p0 =	slt.u32 s1, $0x7F8;
	[tilespmem:s21+$0xFFFFFFE0] =	vst v11;
	v10 =	vnsel vm0, $0x0, v10;
	vm0 =	vge.f32 v9, v5  }
0x751: {  	v11 =	vld [tilespmem:s23+$0xFFFFFFE0];
	[tilespmem:s21+$0xFFFFFFF0] =	vst v10;
	v9 =	vnsel vm0, $0x0, v9;
	vm0 =	vge.f32 v8, v5  }
.Ltmp47:
0x752: {  	v10 =	vld [tilespmem:s23+$0xFFFFFFF0];
	[tilespmem:s21+$0x0] =	vst v9;
	v8 =	vnsel vm0, $0x0, v8;
	vm0 =	vge.f32 v6, v5;
	(pc) =	sbr.rel @p0 .LBB2_90-.Ltmp47, $4  }
0x753: {  	v9 =	vld [tilespmem:s23+$0x0];
	vm1 =	vge.f32 v7, v5;
	[tilespmem:s21+$0x10] =	vst v8;
	v6 =	vnsel vm0, $0x0, v6  }
0x754: {  	v8 =	vld [tilespmem:s23+$0x10];
	vm0 =	vge.f32 v13, v5;
	v7 =	vnsel vm1, $0x0, v7;
	[tilespmem:s21+$0x20] =	vst v6  }
0x755: {  	vm1 =	vge.f32 v12, v5;
	v6 =	vld [tilespmem:s23+$0x20];
	v13 =	vnsel vm0, $0x0, v13;
	[tilespmem:s21+$0xFFFFFFC0] =	vst v7;
	s21 =	smov.u32 s23  }
0x756: {  	s23 =	sadd.s32 $0x80, s23;
	v7 =	vld [tilespmem:s21+$0xFFFFFFC0];
	v12 =	vnsel vm1, $0x0, v12;
	vm0 =	vge.f32 v11, v5;
	[tilespmem:s21+$0x30] =	vst v13  }
0x757: {  	v13 =	vmov s26  }
0x758: {  	vm1 =	veq.s32 v13, v0  }
0x759: {  	v4 =	vnsel vm1, $0x0, v4  }
0x75a: {  	(xrf0) =	vadd.scan.msk.s32 $0xffff, v4;
	_ =	sdelay $0x5  }
0x75b: {  	v4, _, _ =	vpop (xrf0)  }
0x75c: {  	(v2sf) =	vpush v4, $0xF;
	_ =	sdelay $0xe  }
0x75d: {  	vm11 =	vge.f32 v10, v5;
	s3 =	ssub.s32 s24, s22;
	vm12 =	vge.f32 v9, v5;
	vm15 =	vge.f32 v7, v5;
	s1 =	spop (v2sf)  }
0x75e: {  	[tilespmem:s21+$0xFFFFFFD0] =	vst v12;
	vm13 =	vge.f32 v8, v5;
	vm14 =	vge.f32 v6, v5;
	v5 =	vnsel vm15, $0x0, v7;
	s1 =	sadd.s32 s1, s3  }
0x75f: {  	[tilespmem:s21+$0xFFFFFFC0] =	vst v5;
	v4 =	vnsel vm0, $0x0, v11;
	p0 =	slt.s32 s1, $0x1  }
.Ltmp48:
0x760: {  	[tilespmem:s21+$0xFFFFFFE0] =	vst v4;
	v4 =	vnsel vm11, $0x0, v10;
	(pc) =	sbr.rel @p0 .LBB2_94-.Ltmp48, $4  }
0x761: {  	[tilespmem:s21+$0xFFFFFFF0] =	vst v4;
	v4 =	vnsel vm12, $0x0, v9  }
0x762: {  	[tilespmem:s21+$0x0] =	vst v4;
	v4 =	vnsel vm13, $0x0, v8  }
0x763: {  	[tilespmem:s21+$0x10] =	vst v4;
	v4 =	vnsel vm14, $0x0, v6  }
0x764: {  	[tilespmem:s21+$0x20] =	vst v4  }
0x765: {  	v4 =	vmov s0;
	s0 =	simm.s32 $0x1FFC0  }
.LBB2_93:
0x766: {  	s3 =	sshra.s32 s0, $0x2  }
0x767: {  	v5 =	vld [tilespmem:s3+$0x0];
	_ =	sdelay $0x4  }
0x768: {  	v6 =	vshra.s32 v5, $0x1F  }
0x769: {  	v6 =	vand.u32 $0x7FFFFFFF, v6  }
0x76a: {  	v6 =	vxor.u32 v5, v6  }
0x76b: {  	vm0 =	veq.s32 v6, v4  }
0x76c: {  	v6 =	vsel vm0, $0x1, v1  }
0x76d: {  	v7 =	vperm.xlane v6, v3;
	_ =	sdelay $0x1  }
0x76e: {  	(xrf0) =	vadd.scan.msk.s32 $0xffff, v7  }
0x76f: {  	(xrf0) =	vadd.scan.msk.s32 $0xffff, v6;
	_ =	sdelay $0x4  }
0x770: {  	v6, _, _ =	vpop (xrf0)  }
0x771: {  	v7, _, _ =	vpop (xrf0)  }
0x772: {  	(v2sf) =	vpush v7, $0xF;
	_ =	sdelay $0xd  }
0x773: {  	v6 =	vperm.xlane v6, v3  }
0x774: {  	s4 =	spop (v2sf)  }
0x775: {  	p0 =	seq.s32 s0, $0x0;
	vm1 =	vle.s32 v6, s1;
	s1 =	ssub.s32 s1, s4  }
0x776: {  	p1 =	sgt.s32 @!p0 s1, $0x0  }
0x777: {  	p0 =	por p0, !p1  }
.Ltmp49:
0x778: {  	_ = 	snop;
	(pc) =	sbr.rel @!p0 .LBB2_93-.Ltmp49, $4  }
0x779: {  	_ = 	snop  }
0x77a: {  	vm0 =	vmand vm1, vm0  }
0x77b: {  	v5 =	vsel vm0, $0x0, v5  }
0x77c: {  	s0 =	sadd.s32 $0xFFFFFFC0, s0;
	[tilespmem:s3+$0x0] =	vst v5  }
.LBB2_94:
0x77d: {  	[hbm4b:s9+s12] =	stream.strided.scatter [tilespmem:s2], [sflag:$0x3], $0x8000, s13, s12, $0x38;
	[tilespmem:$0x18880] =	vst v63  }
0x77e: {  	_ =	swait.ge [sflag:s18], $0x8000  }
0x77f: {  	[sflag:s18] =	ssyncset.done $0x0  }
0x780: {  	s0 =	simm.s32 $0x10040;
	[sflag:s18] =	ssyncadd.s32 $0xFFFF8000  }
0x781: {  	[tilespmem:s0+$0xFFFFFFC0] =	vst v1  }
0x782: {  	[tilespmem:s0+$0x30] =	vst v1  }
0x783: {  	[tilespmem:s0+$0x20] =	vst v1  }
0x784: {  	[tilespmem:s0+$0x10] =	vst v1  }
0x785: {  	[tilespmem:s0+$0x0] =	vst v1  }
0x786: {  	[tilespmem:s0+$0xFFFFFFF0] =	vst v1  }
0x787: {  	s1 =	simm.s32 $0x0;
	[tilespmem:s0+$0xFFFFFFE0] =	vst v1  }
.LBB2_95:
0x788: {  	s1 =	sadd.s32 $0x8, s1;
	[tilespmem:s0+$0xFFFFFFD0] =	vst v1;
	s0 =	sadd.s32 $0x80, s0  }
0x789: {  	[tilespmem:s0+$0xFFFFFFC0] =	vst v1;
	p0 =	slt.u32 s1, $0x78  }
0x78a: {  	[tilespmem:s0+$0x30] =	vst v1  }
.Ltmp50:
0x78b: {  	[tilespmem:s0+$0x20] =	vst v1;
	(pc) =	sbr.rel @p0 .LBB2_95-.Ltmp50, $4  }
0x78c: {  	[tilespmem:s0+$0x10] =	vst v1  }
0x78d: {  	[tilespmem:s0+$0x0] =	vst v1  }
0x78e: {  	[tilespmem:s0+$0xFFFFFFF0] =	vst v1  }
0x78f: {  	[tilespmem:s0+$0xFFFFFFE0] =	vst v1  }
0x790: {  	[tilespmem:s0+$0xFFFFFFD0] =	vst v1;
	s31 =	simm.s32 $0x8040  }
0x791: {  	v4 =	vld [tilespmem:s31+$0x30]  }
0x792: {  	v5 =	vld [tilespmem:s31+$0xFFFFFFD0]  }
0x793: {  	v6 =	vld [tilespmem:s31+$0xFFFFFFE0]  }
0x794: {  	v7 =	vld [tilespmem:s31+$0xFFFFFFF0]  }
0x795: {  	v8 =	vld [tilespmem:s31+$0x0];
	_ =	sdelay $0x1  }
0x796: {  	v9 =	vld [tilespmem:s31+$0x10]  }
0x797: {  	v12 =	vld [tilespmem:s31+$0x20]  }
0x798: {  	v13 =	vld [tilespmem:s31+$0xFFFFFFC0];
	v10 =	vshra.s32 v4, $0x1F;
	v11 =	vshra.s32 v5, $0x1F;
	v14 =	vshra.s32 v6, $0x1F  }
0x799: {  	v62 =	vshra.s32 v7, $0x1F;
	v15 =	vshra.s32 v8, $0x1F;
	v10 =	vand.u32 $0x7FE00000, v10  }
0x79a: {  	v11 =	vand.u32 $0x7FE00000, v11;
	v4 =	vxor.u32 v4, v10;
	v10 =	vand.u32 $0x7FE00000, v14  }
0x79b: {  	v14 =	vand.u32 $0x7FE00000, v62;
	v11 =	vxor.u32 v5, v11;
	v4 =	vshrl.u32 v4, $0x15  }
0x79c: {  	v5 =	vshra.s32 v9, $0x1F;
	v63 =	vxor.u32 v6, v10;
	v16 =	vxor.u32 $0x400, v4  }
0x79d: {  	v6 =	vand.u32 $0x7FE00000, v5;
	v5 =	vshra.s32 v12, $0x1F;
	v10 =	vshra.s32 v13, $0x1F  }
0x79e: {  	v14 =	vxor.u32 v7, v14;
	v4 =	vand.u32 $0x7FE00000, v15;
	v7 =	vand.u32 $0x7FE00000, v5  }
0x79f: {  	v10 =	vand.u32 $0x7FE00000, v10;
	v5 =	vxor.u32 v8, v4;
	v4 =	vxor.u32 v9, v6  }
0x7a0: {  	v8 =	vxor.u32 v13, v10;
	v6 =	vshrl.u32 v11, $0x15;
	v7 =	vxor.u32 v12, v7  }
0x7a1: {  	s0 =	simm.s32 $0x0;
	s23 =	simm.s32 $0x80C0;
	v9 =	vshrl.u32 v63, $0x15;
	v10 =	vshrl.u32 v8, $0x15;
	v8 =	vshrl.u32 v14, $0x15;
	[tilespmem:v16+s16+$0x0] =	vst.idx.add.s32.msk $0xffff, v2  }
.LBB2_97:
0x7a2: {  	v12 =	vld [tilespmem:s23+$0x30];
	s0 =	sadd.s32 $0x8, s0;
	v5 =	vshrl.u32 v5, $0x15;
	v4 =	vshrl.u32 v4, $0x15;
	v7 =	vshrl.u32 v7, $0x15  }
0x7a3: {  	v10 =	vxor.u32 $0x400, v10;
	v6 =	vxor.u32 $0x400, v6;
	v9 =	vxor.u32 $0x400, v9;
	v13 =	vld [tilespmem:s23+$0xFFFFFFD0];
	p0 =	slt.u32 s0, $0x7F8  }
0x7a4: {  	v8 =	vxor.u32 $0x400, v8;
	v5 =	vxor.u32 $0x400, v5;
	v15 =	vxor.u32 $0x400, v4;
	v14 =	vld [tilespmem:s23+$0xFFFFFFE0]  }
0x7a5: {  	v16 =	vxor.u32 $0x400, v7;
	v4 =	vld [tilespmem:s23+$0xFFFFFFF0]  }
0x7a6: {  	v7 =	vld [tilespmem:s23+$0x0]  }
0x7a7: {  	v17 =	vld [tilespmem:s23+$0x10];
	v18 =	vshra.s32 v12, $0x1F  }
0x7a8: {  	v11 =	vimm.s32 $0x0;
	v19 =	vshra.s32 v13, $0x1F;
	v20 =	vld [tilespmem:s23+$0x20];
	v18 =	vand.u32 $0x7FE00000, v18  }
0x7a9: {  	v21 =	vld [tilespmem:s23+$0xFFFFFFC0];
	v19 =	vand.u32 $0x7FE00000, v19;
	v22 =	vshra.s32 v14, $0x1F;
	v12 =	vxor.u32 v12, v18  }
0x7aa: {  	v18 =	vand.u32 $0x7FE00000, v22;
	v22 =	vshra.s32 v4, $0x1F;
	v12 =	vshrl.u32 v12, $0x15;
	[tilespmem:v10+s16+$0x0] =	vst.idx.add.s32.msk $0xffff, v2  }
0x7ab: {  	v10 =	vand.u32 $0x7FE00000, v22;
	v22 =	vshra.s32 v7, $0x1F;
	v12 =	vxor.u32 $0x400, v12;
	[tilespmem:v6+s16+$0x0] =	vst.idx.add.s32.msk $0xffff, v2  }
0x7ac: {  	v6 =	vxor.u32 v13, v19;
	v13 =	vand.u32 $0x7FE00000, v22;
	v19 =	vshra.s32 v17, $0x1F;
	[tilespmem:v9+s16+$0x0] =	vst.idx.add.s32.msk $0xffff, v2  }
.Ltmp51:
0x7ad: {  	v9 =	vxor.u32 v14, v18;
	v14 =	vand.u32 $0x7FE00000, v19;
	v18 =	vshra.s32 v20, $0x1F;
	[tilespmem:v8+s16+$0x0] =	vst.idx.add.s32.msk $0xffff, v2;
	(pc) =	sbr.rel @p0 .LBB2_97-.Ltmp51, $4  }
0x7ae: {  	v19 =	vxor.u32 v4, v10;
	v8 =	vshra.s32 v21, $0x1F;
	v10 =	vand.u32 $0x7FE00000, v18;
	[tilespmem:v5+s16+$0x0] =	vst.idx.add.s32.msk $0xffff, v2  }
0x7af: {  	s24 =	simm.s32 $0x7F;
	s1 =	simm.s32 $0x107F0;
	v5 =	vxor.u32 v7, v13;
	v4 =	vxor.u32 v17, v14;
	v8 =	vand.u32 $0x7FE00000, v8;
	[tilespmem:v15+s16+$0x0] =	vst.idx.add.s32.msk $0xffff, v2  }
0x7b0: {  	s21 =	simm.s32 $0xFFFFFFFF;
	s22 =	simm.s32 $0x0;
	v6 =	vshrl.u32 v6, $0x15;
	v7 =	vxor.u32 v20, v10;
	v8 =	vxor.u32 v21, v8;
	[tilespmem:v12+s16+$0x0] =	vst.idx.add.s32.msk $0xffff, v2  }
0x7b1: {  	s23 =	sadd.s32 $0x80, s23;
	v9 =	vshrl.u32 v9, $0x15;
	v10 =	vshrl.u32 v8, $0x15;
	v8 =	vshrl.u32 v19, $0x15;
	[tilespmem:v16+s16+$0x0] =	vst.idx.add.s32.msk $0xffff, v2  }
0x7b2: {  	v10 =	vxor.u32 $0x400, v10  }
0x7b3: {  	v6 =	vxor.u32 $0x400, v6  }
0x7b4: {  	v9 =	vxor.u32 $0x400, v9  }
0x7b5: {  	v5 =	vshrl.u32 v5, $0x15;
	v8 =	vxor.u32 $0x400, v8  }
0x7b6: {  	v4 =	vshrl.u32 v4, $0x15;
	v5 =	vxor.u32 $0x400, v5  }
0x7b7: {  	v7 =	vshrl.u32 v7, $0x15;
	v4 =	vxor.u32 $0x400, v4;
	[tilespmem:v10+s16+$0x0] =	vst.idx.add.s32.msk $0xffff, v2  }
0x7b8: {  	v7 =	vxor.u32 $0x400, v7;
	[tilespmem:v6+s16+$0x0] =	vst.idx.add.s32.msk $0xffff, v2  }
0x7b9: {  	[tilespmem:v9+s16+$0x0] =	vst.idx.add.s32.msk $0xffff, v2  }
0x7ba: {  	[tilespmem:v8+s16+$0x0] =	vst.idx.add.s32.msk $0xffff, v2  }
0x7bb: {  	[tilespmem:v5+s16+$0x0] =	vst.idx.add.s32.msk $0xffff, v2  }
0x7bc: {  	[tilespmem:v4+s16+$0x0] =	vst.idx.add.s32.msk $0xffff, v2  }
0x7bd: {  	[tilespmem:v7+s16+$0x0] =	vst.idx.add.s32.msk $0xffff, v2  }
0x7be: {  	v12 =	vld [tilespmem:s1+$0xFFFFFFF0]  }
0x7bf: {  	v13 =	vld [tilespmem:s1+$0x0];
	_ =	sdelay $0x3  }
0x7c0: {  	(xrf0) =	vadd.scan.msk.s32 $0xffff, v12  }
0x7c1: {  	(xrf0) =	vadd.scan.msk.s32 $0xffff, v13  }
0x7c2: {  	v15 =	vld [tilespmem:s1+$0xFFFFFFE0];
	_ =	sdelay $0x3  }
0x7c3: {  	s0 =	simm.s32 $0x107B0;
	v5 =	vld [tilespmem:s1+$0xFFFFFFD0];
	v4, _, _ =	vpop (xrf0)  }
0x7c4: {  	(xrf0) =	vadd.scan.msk.s32 $0xffff, v15;
	v6, _, _ =	vpop (xrf0);
	(v2sf) =	vpush v4, $0xF;
	v4 =	vld [tilespmem:s0+$0xFFFFFFF0]  }
0x7c5: {  	(v2sf) =	vpush v6, $0xF;
	v6 =	vld [tilespmem:s0+$0x0];
	_ =	sdelay $0x2  }
0x7c6: {  	(xrf0) =	vadd.scan.msk.s32 $0xffff, v5  }
0x7c7: {  	(xrf0) =	vadd.scan.msk.s32 $0xffff, v4  }
0x7c8: {  	v7, _, _ =	vpop (xrf0);
	(xrf0) =	vadd.scan.msk.s32 $0xffff, v6;
	_ =	sdelay $0x2  }
0x7c9: {  	(v2sf) =	vpush v7, $0xF  }
0x7ca: {  	v7, _, _ =	vpop (xrf0)  }
0x7cb: {  	(v2sf) =	vpush v7, $0xF;
	v7, _, _ =	vpop (xrf0)  }
0x7cc: {  	v8, _, _ =	vpop (xrf0);
	(v2sf) =	vpush v7, $0xF  }
0x7cd: {  	(v2sf) =	vpush v8, $0xF;
	v8 =	vld [tilespmem:s0+$0xFFFFFFE0]  }
0x7ce: {  	v10 =	vld [tilespmem:s0+$0xFFFFFFD0]  }
0x7cf: {  	s30 =	spop (v2sf)  }
0x7d0: {  	s3 =	spop (v2sf)  }
0x7d1: {  	s3 =	sadd.s32 $0x0, s3  }
0x7d2: {  	p0 =	por $0x1, $0x1;
	p1 =	sgt.s32 s3, $0xFFF;
	(xrf0) =	vadd.scan.msk.s32 $0xffff, v8  }
0x7d3: {  	s26 =	simm.s32 $0x10770;
	p0 =	por !p0, !p1;
	(xrf0) =	vadd.scan.msk.s32 $0xffff, v10  }
0x7d4: {  	v7 =	vld [tilespmem:s26+$0xFFFFFFF0];
	p0 =	por !p0, !p0  }
0x7d5: {  	v9 =	vld [tilespmem:s26+$0x0];
	s1 =	sadd.s32 s30, s3;
	s21 =	smov.u32 @p0 s24  }
0x7d6: {  	p2 =	sgt.s32 s1, $0xFFF;
	p3 =	slt.s32 s21, $0x0  }
0x7d7: {  	p1 =	por !p2, !p3  }
0x7d8: {  	s0 =	simm.s32 $0x7E;
	s4 =	spop (v2sf);
	p1 =	por !p1, !p1;
	v14, _, _ =	vpop (xrf0)  }
0x7d9: {  	(xrf0) =	vadd.scan.msk.s32 $0xffff, v7;
	s24 =	sadd.s32 s4, s1;
	s21 =	smov.u32 @p1 s0;
	v16, _, _ =	vpop (xrf0);
	(v2sf) =	vpush v14, $0xF  }
0x7da: {  	(xrf0) =	vadd.scan.msk.s32 $0xffff, v9;
	p3 =	sgt.s32 s24, $0xFFF;
	p4 =	slt.s32 s21, $0x0;
	(v2sf) =	vpush v16, $0xF  }
0x7db: {  	s5 =	simm.s32 $0x7D;
	s25 =	simm.s32 $0x7B;
	p2 =	por !p3, !p4  }
0x7dc: {  	s22 =	smov.u32 @p0 s22;
	v11 =	vpsel p0, v13, v11;
	s31 =	spop (v2sf);
	p2 =	por !p2, !p2  }
0x7dd: {  	s4 =	simm.s32 $0x7C;
	s23 =	sadd.s32 s31, s24;
	v13 =	vpsel p1, v12, v11;
	v11 =	vld [tilespmem:s26+$0xFFFFFFE0];
	s21 =	smov.u32 @p2 s5  }
0x7de: {  	p6 =	sgt.s32 s23, $0xFFF;
	s22 =	smov.u32 @p1 s3;
	v12 =	vld [tilespmem:s26+$0xFFFFFFD0];
	p5 =	slt.s32 s21, $0x0  }
0x7df: {  	v63, _, _ =	vpop (xrf0);
	s22 =	smov.u32 @p2 s1;
	s1 =	spop (v2sf);
	p0 =	por !p6, !p5  }
0x7e0: {  	s0 =	simm.s32 $0x8;
	v14, _, _ =	vpop (xrf0);
	(v2sf) =	vpush v63, $0xF;
	v13 =	vpsel p2, v15, v13;
	s3 =	spop (v2sf);
	p0 =	por !p0, !p0  }
.LBB2_99:
0x7e1: {  	(v2sf) =	vpush v14, $0xF;
	s3 =	sadd.s32 s23, s3;
	s21 =	smov.u32 @p0 s4;
	s22 =	smov.u32 @p0 s24;
	v13 =	vpsel p0, v5, v13;
	v5 =	vmov v10  }
0x7e2: {  	(xrf0) =	vadd.scan.msk.s32 $0xffff, v11;
	p0 =	slt.s32 s21, $0x0;
	p1 =	sgt.s32 s3, $0xFFF;
	s1 =	sadd.s32 s1, s3;
	v15 =	vmov v11  }
0x7e3: {  	s0 =	sadd.s32 $0x4, s0;
	s26 =	sadd.s32 $0xFFFFFFC0, s26;
	(xrf0) =	vadd.scan.msk.s32 $0xffff, v12;
	p0 =	por !p0, !p1;
	v10 =	vmov v12  }
0x7e4: {  	s4 =	smov.u32 s25;
	p1 =	slt.u32 s0, $0x7C;
	v11 =	vld [tilespmem:s26+$0xFFFFFFF0];
	p0 =	por !p0, !p0  }
0x7e5: {  	s21 =	smov.u32 @p0 s25;
	v12 =	vpsel p0, v6, v13;
	v6 =	vmov v9;
	v9 =	vld [tilespmem:s26+$0x0]  }
0x7e6: {  	p3 =	sgt.s32 s1, $0xFFF;
	p2 =	slt.s32 s21, $0x0  }
0x7e7: {  	s5 =	sadd.s32 $0xFFFFFFFF, s25;
	p2 =	por !p3, !p2  }
0x7e8: {  	s22 =	smov.u32 @p0 s23;
	v13, _, _ =	vpop (xrf0);
	p0 =	por !p2, !p2;
	s6 =	spop (v2sf)  }
0x7e9: {  	(xrf0) =	vadd.scan.msk.s32 $0xffff, v11;
	(v2sf) =	vpush v13, $0xF;
	v13, _, _ =	vpop (xrf0);
	s21 =	smov.u32 @p0 s5;
	v16 =	vpsel p0, v4, v12;
	s24 =	sadd.s32 s6, s1;
	s5 =	spop (v2sf);
	v4 =	vmov v7  }
0x7ea: {  	v7 =	vmov v11;
	(xrf0) =	vadd.scan.msk.s32 $0xffff, v9;
	(v2sf) =	vpush v13, $0xF;
	p2 =	slt.s32 s21, $0x0;
	p3 =	sgt.s32 s24, $0xFFF;
	s23 =	sadd.s32 s5, s24  }
0x7eb: {  	s22 =	smov.u32 @p0 s3;
	p0 =	por !p3, !p2  }
.Ltmp52:
0x7ec: {  	s3 =	sadd.s32 $0xFFFFFFFE, s25;
	p0 =	por !p0, !p0;
	(pc) =	sbr.rel @p1 .LBB2_99-.Ltmp52, $4  }
0x7ed: {  	v11 =	vld [tilespmem:s26+$0xFFFFFFE0];
	s21 =	smov.u32 @p0 s3;
	s22 =	smov.u32 @p0 s1  }
0x7ee: {  	p3 =	sgt.s32 s23, $0xFFF;
	v12 =	vld [tilespmem:s26+$0xFFFFFFD0];
	p2 =	slt.s32 s21, $0x0  }
0x7ef: {  	s25 =	sadd.s32 $0xFFFFFFFC, s25;
	v13, _, _ =	vpop (xrf0);
	s1 =	spop (v2sf);
	p2 =	por !p3, !p2  }
0x7f0: {  	s4 =	sadd.s32 $0xFFFFFFFD, s4;
	v14, _, _ =	vpop (xrf0);
	(v2sf) =	vpush v13, $0xF;
	s3 =	spop (v2sf);
	v13 =	vpsel p0, v8, v16;
	p0 =	por !p2, !p2;
	v8 =	vmov v15  }
0x7f1: {  	(v2sf) =	vpush v14, $0xF;
	s0 =	sadd.s32 s23, s3;
	s21 =	smov.u32 @p0 s4  }
0x7f2: {  	(xrf0) =	vadd.scan.msk.s32 $0xffff, v11;
	p1 =	slt.s32 s21, $0x0;
	p2 =	sgt.s32 s0, $0xFFF  }
0x7f3: {  	p1 =	por !p1, !p2  }
0x7f4: {  	p5 =	por !p1, !p1  }
0x7f5: {  	s26 =	sadd.s32 s1, s0;
	s21 =	smov.u32 @p5 s25;
	s1 =	simm.s32 @!p5 $0x0  }
0x7f6: {  	p4 =	sgt.s32 s26, $0xFFF;
	s1 =	simm.s32 @p5 $0x1;
	p3 =	slt.s32 s21, $0x0  }
0x7f7: {  	(xrf0) =	vadd.scan.msk.s32 $0xffff, v12;
	[smem:$0x7D1] =	sst s1;
	p1 =	por !p4, !p3  }
0x7f8: {  	s1 =	sadd.s32 $0xFFFFFFFF, s25;
	v62, _, _ =	vpop (xrf0);
	p1 =	por !p1, !p1;
	s8 =	spop (v2sf)  }
0x7f9: {  	s3 =	simm.s32 @!p1 $0x0;
	(v2sf) =	vpush v62, $0xF;
	s21 =	smov.u32 @p1 s1;
	s1 =	sadd.s32 s8, s26  }
0x7fa: {  	s3 =	simm.s32 @p1 $0x1;
	p1 =	slt.s32 s21, $0x0;
	p6 =	sgt.s32 s1, $0xFFF  }
0x7fb: {  	s4 =	sadd.s32 $0xFFFFFFFE, s25;
	p1 =	por !p6, !p1  }
0x7fc: {  	s6 =	sadd.s32 $0xFFFFFFFD, s25;
	s28 =	spop (v2sf);
	p4 =	por !p1, !p1  }
0x7fd: {  	v63, _, _ =	vpop (xrf0);
	[smem:$0x7CF] =	sst s3;
	s3 =	sadd.s32 s28, s1;
	s21 =	smov.u32 @p4 s4  }
0x7fe: {  	(v2sf) =	vpush v63, $0xF;
	p3 =	sgt.s32 s3, $0xFFF;
	s30 =	sld [smem:$0x7CF];
	p2 =	slt.s32 s21, $0x0  }
0x7ff: {  	s4 =	simm.s32 @!p4 $0x0;
	s29 =	spop (v2sf);
	p1 =	por !p3, !p2  }
0x800: {  	s4 =	simm.s32 @p4 $0x1;
	s5 =	spop (v2sf);
	p1 =	por !p1, !p1  }
0x801: {  	s7 =	simm.s32 @!p1 $0x0;
	s5 =	sadd.s32 s3, s5;
	s21 =	smov.u32 @p1 s6  }
0x802: {  	s7 =	simm.s32 @p1 $0x1;
	p1 =	slt.s32 s21, $0x0;
	p6 =	sgt.s32 s5, $0xFFF  }
0x803: {  	[smem:$0x7D2] =	sst s4;
	p1 =	por !p1, !p6  }
0x804: {  	s6 =	sadd.s32 $0xFFFFFFFC, s25;
	s4 =	sadd.s32 s29, s5;
	p3 =	por !p1, !p1  }
0x805: {  	[smem:$0x7D0] =	sst s7;
	s21 =	smov.u32 @p3 s6;
	s7 =	simm.s32 @!p3 $0x0  }
0x806: {  	p6 =	sgt.s32 s4, $0xFFF;
	s7 =	simm.s32 @p3 $0x1;
	p2 =	slt.s32 s21, $0x0  }
0x807: {  	[smem:$0x7D3] =	sst s7;
	p1 =	por !p6, !p2  }
0x808: {  	s7 =	sadd.s32 $0xFFFFFFFF, s6;
	p6 =	por !p1, !p1;
	s8 =	spop (v2sf)  }
0x809: {  	v5 =	vpsel p0, v5, v13;
	s21 =	smov.u32 @p6 s7;
	s7 =	sadd.s32 s8, s4  }
0x80a: {  	v5 =	vpsel p5, v6, v5;
	s28 =	sld [smem:$0x7D0];
	p2 =	slt.s32 s21, $0x0;
	p5 =	sgt.s32 s7, $0xFFF  }
0x80b: {  	p1 =	por !p5, !p2;
	p5 =	seq.s32 s30, $0x1  }
0x80c: {  	s25 =	sadd.s32 $0xFFFFFFFE, s6;
	v4 =	vpsel p5, v4, v5  }
0x80d: {  	s31 =	spop (v2sf);
	p2 =	por !p1, !p1;
	v4 =	vpsel p4, v8, v4;
	p4 =	seq.s32 s28, $0x1  }
0x80e: {  	s8 =	sadd.s32 s31, s7;
	s21 =	smov.u32 @p2 s25;
	v4 =	vpsel p4, v10, v4  }
0x80f: {  	s29 =	sld [smem:$0x7D1];
	p1 =	sgt.s32 s8, $0xFFF;
	v4 =	vpsel p3, v9, v4;
	p3 =	slt.s32 s21, $0x0  }
0x810: {  	p1 =	por !p1, !p3;
	v4 =	vpsel p6, v7, v4  }
0x811: {  	v4 =	vpsel p2, v11, v4;
	p1 =	por !p1, !p1  }
0x812: {  	s22 =	smov.u32 @p0 s24;
	p0 =	seq.s32 s29, $0x1;
	v4 =	vpsel p1, v12, v4  }
0x813: {  	s22 =	smov.u32 @p0 s23;
	s30 =	sld [smem:$0x7D2];
	v5 =	vperm.xlane v4, v3  }
0x814: {  	s22 =	smov.u32 @p5 s0;
	s0 =	sadd.s32 $0xFFFFFFFD, s6  }
0x815: {  	s31 =	sld [smem:$0x7D3];
	s21 =	smov.u32 @p1 s0;
	s0 =	simm.s32 $0x10040;
	(xrf0) =	vadd.scan.msk.s32 $0xffff, v5  }
0x816: {  	p0 =	seq.s32 s30, $0x1;
	[tilespmem:s0+$0xFFFFFFC0] =	vst v1  }
0x817: {  	s22 =	smov.u32 @p0 s26;
	[tilespmem:s0+$0x30] =	vst v1  }
0x818: {  	p0 =	seq.s32 s31, $0x1;
	s22 =	smov.u32 @p4 s1;
	[tilespmem:s0+$0x20] =	vst v1  }
0x819: {  	s22 =	smov.u32 @p0 s3;
	[tilespmem:s0+$0x10] =	vst v1  }
0x81a: {  	s22 =	smov.u32 @p6 s5;
	[tilespmem:s0+$0x0] =	vst v1  }
0x81b: {  	s22 =	smov.u32 @p2 s4;
	[tilespmem:s0+$0xFFFFFFF0] =	vst v1;
	v5, _, _ =	vpop (xrf0)  }
0x81c: {  	s1 =	simm.s32 $0x0;
	[tilespmem:s0+$0xFFFFFFE0] =	vst v1;
	s22 =	smov.u32 @p1 s7;
	v5 =	vperm.xlane v5, v3  }
.LBB2_101:
0x81d: {  	s1 =	sadd.s32 $0x8, s1;
	[tilespmem:s0+$0xFFFFFFD0] =	vst v1;
	s0 =	sadd.s32 $0x80, s0  }
0x81e: {  	[tilespmem:s0+$0xFFFFFFC0] =	vst v1;
	p0 =	slt.u32 s1, $0x78  }
0x81f: {  	[tilespmem:s0+$0x30] =	vst v1  }
.Ltmp53:
0x820: {  	[tilespmem:s0+$0x20] =	vst v1;
	(pc) =	sbr.rel @p0 .LBB2_101-.Ltmp53, $4  }
0x821: {  	[tilespmem:s0+$0x10] =	vst v1  }
0x822: {  	[tilespmem:s0+$0x0] =	vst v1  }
0x823: {  	[tilespmem:s0+$0xFFFFFFF0] =	vst v1  }
0x824: {  	[tilespmem:s0+$0xFFFFFFE0] =	vst v1  }
0x825: {  	v6 =	vadd.s32 s22, v5  }
0x826: {  	vm0 =	vgt.s32 v6, $0xFFF  }
0x827: {  	v6 =	vsel vm0, $0x1, v1  }
0x828: {  	(xrf0) =	vadd.scan.msk.s32 $0xffff, v6;
	_ =	sdelay $0x5  }
0x829: {  	v6, _, _ =	vpop (xrf0)  }
0x82a: {  	(v2sf) =	vpush v6, $0xF  }
0x82b: {  	[tilespmem:s0+$0xFFFFFFD0] =	vst v1;
	s28 =	simm.s32 $0x8040  }
0x82c: {  	v7 =	vld [tilespmem:s28+$0xFFFFFFD0]  }
0x82d: {  	v8 =	vld [tilespmem:s28+$0x10]  }
0x82e: {  	v9 =	vld [tilespmem:s28+$0xFFFFFFC0]  }
0x82f: {  	s29 =	simm.s32 $0x80C0;
	v10 =	vld [tilespmem:s28+$0xFFFFFFE0]  }
0x830: {  	v24 =	vld [tilespmem:s29+$0x10]  }
0x831: {  	v27 =	vld [tilespmem:s29+$0xFFFFFFE0];
	_ =	sdelay $0x2  }
0x832: {  	v11 =	vld [tilespmem:s28+$0xFFFFFFF0];
	v12 =	vshra.s32 v7, $0x1F  }
0x833: {  	v14 =	vshra.s32 v8, $0x1F;
	v15 =	vshra.s32 v9, $0x1F;
	v16 =	vshra.s32 v10, $0x1F  }
0x834: {  	v31 =	vshra.s32 v24, $0x1F;
	v33 =	vshra.s32 v27, $0x1F;
	v12 =	vand.u32 $0x7FFFFFFF, v12  }
0x835: {  	v31 =	vand.u32 $0x7FFFFFFF, v31;
	v61 =	vand.u32 $0x7FFFFFFF, v33;
	v12 =	vxor.u32 v7, v12  }
0x836: {  	v7 =	vand.u32 $0x7FFFFFFF, v14;
	v14 =	vand.u32 $0x7FFFFFFF, v15;
	v15 =	vshrl.u32 v12, $0x15  }
0x837: {  	v13 =	vld [tilespmem:s28+$0x0];
	v17 =	vxor.u32 v9, v14;
	v9 =	vand.u32 $0x7FFFFFFF, v16;
	v14 =	vshra.s32 v11, $0x1F;
	s25 =	spop (v2sf)  }
0x838: {  	s26 =	sshll.u32 s21, $0x4;
	v19 =	vld [tilespmem:s28+$0x20];
	v21 =	vxor.u32 v8, v7;
	v26 =	vshrl.u32 v12, $0xA;
	v18 =	vshrl.u32 v17, $0x15;
	s24 =	sadd.s32 $0xFFFFFFFF, s25  }
0x839: {  	v14 =	vand.u32 $0x7FFFFFFF, v14;
	v20 =	vxor.u32 v10, v9;
	v23 =	vshrl.u32 v21, $0xA;
	s23 =	sadd.s32 s26, s24  }
0x83a: {  	v26 =	vand.u32 $0x7FF, v26;
	v14 =	vxor.u32 v11, v14;
	v22 =	vshrl.u32 v20, $0xA;
	s21 =	sxor.u32 $0x400, s23  }
0x83b: {  	v23 =	vand.u32 $0x7FF, v23;
	v11 =	vshrl.u32 v14, $0x15;
	v6 =	vmov s21  }
0x83c: {  	v22 =	vand.u32 $0x7FF, v22;
	vm2 =	veq.s32 v15, v6;
	v15 =	vshra.s32 v13, $0x1F  }
0x83d: {  	vm1 =	veq.s32 v18, v6;
	vm4 =	veq.s32 v11, v6;
	v11 =	vshra.s32 v19, $0x1F  }
0x83e: {  	v18 =	vld [tilespmem:s28+$0x30];
	v16 =	vmpcnt.ones.xlane vm2;
	v15 =	vand.u32 $0x7FFFFFFF, v15;
	v9 =	vmpcnt.ones.xlane vm4  }
0x83f: {  	v11 =	vand.u32 $0x7FFFFFFF, v11;
	vm7 =	vmmov vm2;
	v15 =	vxor.u32 v13, v15  }
0x840: {  	(v2sf) =	vpush v16, $0x0;
	v13 =	vshrl.u32 v15, $0x15;
	v16 =	vmpcnt.ones.xlane vm1  }
0x841: {  	vm11 =	vmmov vm4;
	vm0 =	veq.s32 v13, v6;
	v13 =	vshrl.u32 v20, $0x15  }
0x842: {  	v10 =	vmpcnt.ones.xlane vm0;
	(v2sf) =	vpush v16, $0x0;
	v16 =	vxor.u32 v19, v11  }
0x843: {  	v7 =	vshra.s32 v18, $0x1F;
	vm6 =	veq.s32 v13, v6;
	(v2sf) =	vpush v9, $0x0  }
0x844: {  	v8 =	vshrl.u32 v16, $0x15;
	v7 =	vand.u32 $0x7FFFFFFF, v7;
	(v2sf) =	vpush v10, $0x0  }
0x845: {  	v10 =	vshrl.u32 v21, $0x15;
	vm5 =	veq.s32 v8, v6;
	v18 =	vxor.u32 v18, v7  }
0x846: {  	vm3 =	veq.s32 v10, v6;
	v7 =	vmpcnt.ones.xlane vm5;
	v11 =	vshrl.u32 v18, $0xA  }
0x847: {  	v13 =	vshrl.u32 v15, $0xA;
	v10 =	vmpcnt.ones.xlane vm3;
	v19 =	vand.u32 $0x7FF, v11;
	v11 =	vld [tilespmem:s29+$0xFFFFFFD0]  }
0x848: {  	v30 =	vld [tilespmem:s29+$0x0];
	v13 =	vand.u32 $0x7FF, v13;
	(v2sf) =	vpush v7, $0x0;
	v7 =	vmpcnt.ones.xlane vm6  }
0x849: {  	v25 =	vld [tilespmem:s29+$0xFFFFFFC0];
	vm10 =	vmmov vm0;
	v9 =	vshrl.u32 v16, $0xA;
	(v2sf) =	vpush v10, $0x0  }
0x84a: {  	v9 =	vand.u32 $0x7FF, v9;
	v8 =	vshrl.u32 v18, $0x15;
	(v2sf) =	vpush v7, $0x0  }
0x84b: {  	v29 =	vld [tilespmem:s29+$0xFFFFFFF0];
	vm9 =	vmmov vm5;
	vm8 =	veq.s32 v8, v6;
	v7 =	vshrl.u32 v17, $0xA  }
0x84c: {  	v8 =	vmpcnt.ones.xlane vm8;
	v28 =	vand.u32 $0x7FF, v7;
	v7 =	vshra.s32 v11, $0x1F  }
0x84d: {  	v10 =	vshrl.u32 v14, $0xA;
	[tilespmem:v13+s16+$0x0] =	vst.idx.add.s32.msk vm0, v2;
	v13 =	vshra.s32 v30, $0x1F;
	v7 =	vand.u32 $0x7FFFFFFF, v7  }
0x84e: {  	v32 =	vand.u32 $0x7FF, v10;
	v10 =	vshra.s32 v25, $0x1F;
	v7 =	vxor.u32 v11, v7  }
0x84f: {  	v60 =	vld [tilespmem:s29+$0x20];
	v10 =	vand.u32 $0x7FFFFFFF, v10;
	(v2sf) =	vpush v8, $0x0;
	v11 =	vshrl.u32 v7, $0x15  }
0x850: {  	[tilespmem:v9+s16+$0x0] =	vst.idx.add.s32.msk vm5, v2;
	v9 =	vxor.u32 v25, v10;
	v10 =	vshra.s32 v29, $0x1F;
	vm2 =	veq.s32 v11, v6  }
0x851: {  	v8 =	vand.u32 $0x7FFFFFFF, v10;
	v10 =	vshrl.u32 v9, $0x15;
	v11 =	vmpcnt.ones.xlane vm2  }
0x852: {  	[tilespmem:v26+s16+$0x0] =	vst.idx.add.s32.msk vm7, v2;
	v8 =	vxor.u32 v29, v8;
	vm0 =	veq.s32 v10, v6;
	v10 =	vand.u32 $0x7FFFFFFF, v13;
	s1 =	spop (v2sf)  }
0x853: {  	s25 =	simm.s32 $0x0;
	v13 =	vshrl.u32 v8, $0x15;
	v10 =	vxor.u32 v30, v10;
	[tilespmem:v28+s16+$0x0] =	vst.idx.add.s32.msk vm1, v2;
	s3 =	spop (v2sf);
	(v2sf) =	vpush v11, $0x0  }
0x854: {  	v62 =	vld [tilespmem:s29+$0x30];
	vm5 =	veq.s32 v13, v6;
	v13 =	vshrl.u32 v10, $0x15;
	[tilespmem:s25+$0x10800] =	vst.msk vm1, v17;
	v17 =	vmpcnt.ones.xlane vm0;
	s3 =	sadd.s32 $0x0, s3  }
0x855: {  	vm4 =	veq.s32 v13, v6;
	v13 =	vshra.s32 v60, $0x1F;
	s30 =	spop (v2sf);
	[tilespmem:s3+$0x10800] =	vst.msk vm7, v12;
	v12 =	vmpcnt.ones.xlane vm5  }
0x856: {  	[tilespmem:v19+s16+$0x0] =	vst.idx.add.s32.msk vm8, v2;
	v19 =	vmpcnt.ones.xlane vm4;
	s4 =	spop (v2sf);
	(v2sf) =	vpush v17, $0x0;
	v17 =	vand.u32 $0x7FFFFFFF, v13  }
0x857: {  	[tilespmem:v22+s16+$0x0] =	vst.idx.add.s32.msk vm6, v2;
	v11 =	vxor.u32 v27, v61;
	(v2sf) =	vpush v12, $0x0;
	v12 =	vxor.u32 v60, v17;
	s5 =	spop (v2sf)  }
0x858: {  	[tilespmem:v23+s16+$0x0] =	vst.idx.add.s32.msk vm3, v2;
	v27 =	vshrl.u32 v11, $0x15;
	(v2sf) =	vpush v19, $0x0;
	v17 =	vshrl.u32 v12, $0x15;
	s31 =	spop (v2sf)  }
0x859: {  	[tilespmem:v32+s16+$0x0] =	vst.idx.add.s32.msk vm11, v2;
	s1 =	sadd.s32 s3, s1;
	v13 =	vxor.u32 v24, v31;
	v19 =	vshra.s32 v62, $0x1F;
	vm7 =	veq.s32 v17, v6;
	s6 =	spop (v2sf)  }
0x85a: {  	[tilespmem:s1+$0x10800] =	vst.msk vm6, v20;
	v63 =	vshrl.u32 v13, $0x15;
	v17 =	vand.u32 $0x7FFFFFFF, v19;
	v19 =	vmpcnt.ones.xlane vm7;
	s1 =	sadd.s32 s1, s6  }
0x85b: {  	vm6 =	veq.s32 v27, v6;
	vm1 =	veq.s32 v63, v6;
	v20 =	vshrl.u32 v12, $0xA;
	[tilespmem:s1+$0x10800] =	vst.msk vm11, v14;
	s0 =	sadd.s32 s1, s30  }
0x85c: {  	v22 =	vmpcnt.ones.xlane vm1;
	v14 =	vxor.u32 v62, v17;
	(v2sf) =	vpush v19, $0x0;
	[tilespmem:s0+$0x10800] =	vst.msk vm10, v15;
	s0 =	sadd.s32 s0, s4  }
0x85d: {  	v19 =	vmpcnt.ones.xlane vm6;
	v15 =	vshrl.u32 v14, $0x15;
	v17 =	vshrl.u32 v14, $0xA;
	[tilespmem:s0+$0x10800] =	vst.msk vm3, v21;
	s0 =	sadd.s32 s0, s31  }
0x85e: {  	(v2sf) =	vpush v22, $0x0;
	vm3 =	veq.s32 v15, v6;
	v17 =	vand.u32 $0x7FF, v17;
	[tilespmem:s0+$0x10800] =	vst.msk vm9, v16;
	s0 =	sadd.s32 s0, s5  }
0x85f: {  	s26 =	simm.s32 $0x8140;
	s25 =	simm.s32 $0x8;
	s1 =	spop (v2sf);
	v15 =	vmpcnt.ones.xlane vm3;
	v16 =	vshrl.u32 v8, $0xA;
	[tilespmem:s0+$0x10800] =	vst.msk vm8, v18;
	v18 =	vand.u32 $0x7FF, v20  }
.LBB2_103:
0x860: {  	v20 =	vld [tilespmem:s26+$0xFFFFFFD0];
	s25 =	sadd.s32 $0x8, s25;
	v21 =	vshrl.u32 v11, $0xA;
	v22 =	vshrl.u32 v10, $0xA;
	v23 =	vshrl.u32 v13, $0xA;
	s1 =	sadd.s32 s0, s1  }
0x861: {  	v24 =	vld [tilespmem:s26+$0x10];
	p0 =	slt.u32 s25, $0x7F8;
	v22 =	vand.u32 $0x7FF, v22;
	v23 =	vand.u32 $0x7FF, v23;
	(v2sf) =	vpush v19, $0x0  }
0x862: {  	v25 =	vshrl.u32 v9, $0xA;
	v26 =	vshrl.u32 v7, $0xA;
	v21 =	vand.u32 $0x7FF, v21;
	v19 =	vld [tilespmem:s26+$0xFFFFFFC0];
	s3 =	spop (v2sf)  }
0x863: {  	vm11 =	vmmov vm2;
	v25 =	vand.u32 $0x7FF, v25;
	v26 =	vand.u32 $0x7FF, v26;
	v27 =	vld [tilespmem:s26+$0xFFFFFFE0]  }
0x864: {  	vm10 =	vmmov vm5;
	vm9 =	vmmov vm4;
	vm8 =	vmmov vm7;
	[tilespmem:v18+s16+$0x0] =	vst.idx.add.s32.msk vm7, v2  }
0x865: {  	v18 =	vshra.s32 v20, $0x1F;
	v28 =	vld [tilespmem:s26+$0xFFFFFFF0];
	s0 =	spop (v2sf)  }
0x866: {  	v16 =	vand.u32 $0x7FF, v16;
	v18 =	vand.u32 $0x7FFFFFFF, v18;
	v29 =	vld [tilespmem:s26+$0x0];
	v30 =	vshra.s32 v24, $0x1F;
	s4 =	sadd.s32 s1, s0;
	s0 =	spop (v2sf)  }
0x867: {  	v31 =	vshra.s32 v19, $0x1F;
	v18 =	vxor.u32 v20, v18;
	v20 =	vand.u32 $0x7FFFFFFF, v30;
	s3 =	sadd.s32 s4, s3;
	[tilespmem:v22+s16+$0x0] =	vst.idx.add.s32.msk vm4, v2;
	s28 =	spop (v2sf)  }
0x868: {  	v22 =	vand.u32 $0x7FFFFFFF, v31;
	v30 =	vshrl.u32 v18, $0x15;
	v31 =	vshra.s32 v27, $0x1F;
	[tilespmem:v25+s16+$0x0] =	vst.idx.add.s32.msk vm0, v2  }
0x869: {  	v19 =	vxor.u32 v19, v22;
	vm2 =	veq.s32 v30, v6;
	v22 =	vand.u32 $0x7FFFFFFF, v31;
	[tilespmem:v26+s16+$0x0] =	vst.idx.add.s32.msk vm11, v2  }
0x86a: {  	v25 =	vmpcnt.ones.xlane vm2;
	v26 =	vshra.s32 v28, $0x1F;
	[tilespmem:v17+s16+$0x0] =	vst.idx.add.s32.msk vm3, v2;
	(v2sf) =	vpush v15, $0x0  }
0x86b: {  	v15 =	vshrl.u32 v19, $0x15;
	v17 =	vand.u32 $0x7FFFFFFF, v26;
	v26 =	vshra.s32 v29, $0x1F;
	v30 =	vld [tilespmem:s26+$0x20];
	[tilespmem:s1+$0x10800] =	vst.msk vm0, v9;
	v9 =	vmovc v19  }
0x86c: {  	vm0 =	veq.s32 v15, v6;
	v15 =	vxor.u32 v28, v17;
	v17 =	vand.u32 $0x7FFFFFFF, v26;
	[tilespmem:v16+s16+$0x0] =	vst.idx.add.s32.msk vm5, v2;
	s1 =	spop (v2sf)  }
0x86d: {  	v16 =	vshrl.u32 v15, $0x15;
	v17 =	vxor.u32 v29, v17;
	(v2sf) =	vpush v25, $0x0;
	[tilespmem:s4+$0x10800] =	vst.msk vm11, v7;
	s4 =	spop (v2sf);
	v7 =	vmovc v18  }
0x86e: {  	v18 =	vmpcnt.ones.xlane vm0;
	vm5 =	veq.s32 v16, v6;
	v16 =	vshrl.u32 v17, $0x15;
	v19 =	vld [tilespmem:s26+$0x30]  }
0x86f: {  	v22 =	vxor.u32 v27, v22;
	v25 =	vmpcnt.ones.xlane vm5;
	vm4 =	veq.s32 v16, v6;
	[tilespmem:v21+s16+$0x0] =	vst.idx.add.s32.msk vm6, v2  }
0x870: {  	v16 =	vmpcnt.ones.xlane vm4;
	v21 =	vshra.s32 v30, $0x1F;
	(v2sf) =	vpush v18, $0x0;
	[tilespmem:s3+$0x10800] =	vst.msk vm6, v11;
	s5 =	spop (v2sf);
	v11 =	vmovc v22  }
0x871: {  	v18 =	vshrl.u32 v11, $0x15;
	v21 =	vand.u32 $0x7FFFFFFF, v21;
	(v2sf) =	vpush v25, $0x0;
	s3 =	sadd.s32 s3, s5;
	[tilespmem:v23+s16+$0x0] =	vst.idx.add.s32.msk vm1, v2  }
0x872: {  	v20 =	vxor.u32 v24, v20;
	v21 =	vxor.u32 v30, v21;
	(v2sf) =	vpush v16, $0x0;
	[tilespmem:s3+$0x10800] =	vst.msk vm10, v8;
	s0 =	sadd.s32 s3, s0;
	v8 =	vmovc v15  }
0x873: {  	v15 =	vshrl.u32 v21, $0x15;
	v22 =	vshrl.u32 v21, $0xA;
	v16 =	vshra.s32 v19, $0x1F;
	[tilespmem:s0+$0x10800] =	vst.msk vm9, v10;
	s0 =	sadd.s32 s0, s28;
	v10 =	vmovc v17  }
0x874: {  	v17 =	vshrl.u32 v20, $0x15;
	vm7 =	veq.s32 v15, v6;
	v15 =	vand.u32 $0x7FFFFFFF, v16;
	[tilespmem:s0+$0x10800] =	vst.msk vm1, v13;
	s0 =	sadd.s32 s0, s4;
	v13 =	vmovc v20  }
.Ltmp54:
0x875: {  	vm1 =	veq.s32 v17, v6;
	v16 =	vmpcnt.ones.xlane vm7;
	v15 =	vxor.u32 v19, v15;
	[tilespmem:s0+$0x10800] =	vst.msk vm8, v12;
	s0 =	sadd.s32 s0, s1;
	v12 =	vmovc v21;
	(pc) =	sbr.rel @p0 .LBB2_103-.Ltmp54, $4  }
0x876: {  	v19 =	vmpcnt.ones.xlane vm1;
	v17 =	vshrl.u32 v15, $0x15;
	v20 =	vshrl.u32 v15, $0xA;
	[tilespmem:s0+$0x10800] =	vst.msk vm3, v14;
	v14 =	vmovc v15  }
0x877: {  	vm3 =	veq.s32 v17, v6;
	v17 =	vand.u32 $0x7FF, v20;
	(v2sf) =	vpush v16, $0x0  }
0x878: {  	vm6 =	veq.s32 v18, v6;
	v15 =	vmpcnt.ones.xlane vm3;
	(v2sf) =	vpush v19, $0x0  }
0x879: {  	s26 =	sadd.s32 $0x80, s26;
	v18 =	vand.u32 $0x7FF, v22;
	v16 =	vshrl.u32 v8, $0xA;
	v19 =	vmpcnt.ones.xlane vm6;
	s1 =	spop (v2sf)  }
0x87a: {  	_ = 	snop  }
0x87b: {  	(v2sf) =	vpush v19, $0x0;
	_ =	sdelay $0x1  }
0x87c: {  	v6 =	vshrl.u32 v10, $0xA  }
0x87d: {  	v59 =	vshrl.u32 v9, $0xA;
	v6 =	vand.u32 $0x7FF, v6  }
0x87e: {  	v20 =	vshrl.u32 v7, $0xA;
	vm2 =	vmmov vm2;
	v19 =	vand.u32 $0x7FF, v59  }
0x87f: {  	vm5 =	vmmov vm5;
	v20 =	vand.u32 $0x7FF, v20  }
0x880: {  	[tilespmem:v18+s16+$0x0] =	vst.idx.add.s32.msk vm7, v2;
	v16 =	vand.u32 $0x7FF, v16;
	v60 =	vshrl.u32 v13, $0xA  }
0x881: {  	[tilespmem:v17+s16+$0x0] =	vst.idx.add.s32.msk vm3, v2;
	v61 =	vand.u32 $0x7FF, v60  }
0x882: {  	[tilespmem:v6+s16+$0x0] =	vst.idx.add.s32.msk vm4, v2  }
0x883: {  	s3 =	spop (v2sf);
	v6 =	vshrl.u32 v11, $0xA;
	[tilespmem:v19+s16+$0x0] =	vst.idx.add.s32.msk vm0, v2  }
0x884: {  	s8 =	spop (v2sf);
	[tilespmem:v20+s16+$0x0] =	vst.idx.add.s32.msk vm2, v2;
	v6 =	vand.u32 $0x7FF, v6  }
0x885: {  	s4 =	spop (v2sf);
	[tilespmem:v16+s16+$0x0] =	vst.idx.add.s32.msk vm5, v2  }
0x886: {  	s0 =	sadd.s32 s0, s1;
	[tilespmem:v61+s16+$0x0] =	vst.idx.add.s32.msk vm1, v2;
	s25 =	spop (v2sf)  }
0x887: {  	[tilespmem:s0+$0x10800] =	vst.msk vm0, v9;
	s0 =	sadd.s32 s0, s8;
	s5 =	spop (v2sf)  }
0x888: {  	[tilespmem:s0+$0x10800] =	vst.msk vm2, v7;
	s26 =	spop (v2sf)  }
0x889: {  	s0 =	sadd.s32 s0, s3;
	[tilespmem:v6+s16+$0x0] =	vst.idx.add.s32.msk vm6, v2;
	s6 =	spop (v2sf)  }
0x88a: {  	[tilespmem:s0+$0x10800] =	vst.msk vm6, v11;
	s0 =	sadd.s32 s0, s6  }
0x88b: {  	vm13 =	vmmov vm4;
	[tilespmem:s0+$0x10800] =	vst.msk vm5, v8;
	s0 =	sadd.s32 s0, s4  }
0x88c: {  	[tilespmem:s0+$0x10800] =	vst.msk vm13, v10;
	s0 =	sadd.s32 s0, s25  }
0x88d: {  	vm14 =	vmmov vm7;
	[tilespmem:s0+$0x10800] =	vst.msk vm1, v13;
	s0 =	sadd.s32 s0, s26  }
0x88e: {  	[tilespmem:s0+$0x10800] =	vst.msk vm14, v12;
	s0 =	sadd.s32 s0, s5  }
0x88f: {  	s1 =	simm.s32 $0x107F0;
	[tilespmem:s0+$0x10800] =	vst.msk vm3, v14  }
0x890: {  	v6 =	vmov s24;
	v11 =	vld [tilespmem:s1+$0xFFFFFFF0]  }
0x891: {  	vm15 =	veq.s32 v6, v0;
	v12 =	vld [tilespmem:s1+$0x0]  }
0x892: {  	v4 =	vnsel vm15, $0x0, v4  }
0x893: {  	(xrf0) =	vadd.scan.msk.s32 $0xffff, v4;
	v4 =	vnsel vm15, $0x0, v5  }
0x894: {  	(xrf0) =	vadd.scan.msk.s32 $0xffff, v4  }
0x895: {  	(xrf0) =	vadd.scan.msk.s32 $0xffff, v11  }
0x896: {  	(xrf0) =	vadd.scan.msk.s32 $0xffff, v12;
	_ =	sdelay $0x1  }
0x897: {  	(v2sf) =	vpush v15, $0x0  }
0x898: {  	v4, _, _ =	vpop (xrf0);
	v13 =	vld [tilespmem:s1+$0xFFFFFFE0]  }
0x899: {  	(v2sf) =	vpush v4, $0xF;
	v4, _, _ =	vpop (xrf0)  }
0x89a: {  	(v2sf) =	vpush v4, $0xF;
	v5 =	vld [tilespmem:s1+$0xFFFFFFD0];
	v4, _, _ =	vpop (xrf0)  }
0x89b: {  	s3 =	simm.s32 $0x107B0;
	v6, _, _ =	vpop (xrf0);
	(v2sf) =	vpush v4, $0xF  }
0x89c: {  	v4 =	vld [tilespmem:s3+$0xFFFFFFF0];
	(v2sf) =	vpush v6, $0xF  }
0x89d: {  	(xrf0) =	vadd.scan.msk.s32 $0xffff, v13;
	_ =	sdelay $0x1  }
0x89e: {  	(xrf0) =	vadd.scan.msk.s32 $0xffff, v5  }
0x89f: {  	v6 =	vld [tilespmem:s3+$0x0]  }
0x8a0: {  	(xrf0) =	vadd.scan.msk.s32 $0xffff, v4;
	_ =	sdelay $0x1  }
0x8a1: {  	v7, _, _ =	vpop (xrf0)  }
0x8a2: {  	(v2sf) =	vpush v7, $0xF  }
0x8a3: {  	(xrf0) =	vadd.scan.msk.s32 $0xffff, v6;
	v7, _, _ =	vpop (xrf0)  }
0x8a4: {  	s4 =	spop (v2sf);
	(v2sf) =	vpush v7, $0xF  }
0x8a5: {  	v7, _, _ =	vpop (xrf0)  }
0x8a6: {  	s25 =	spop (v2sf);
	(v2sf) =	vpush v7, $0xF;
	v7 =	vld [tilespmem:s3+$0xFFFFFFE0]  }
0x8a7: {  	v10 =	vld [tilespmem:s3+$0xFFFFFFD0];
	s1 =	spop (v2sf)  }
0x8a8: {  	s1 =	sadd.s32 s1, s22;
	s5 =	spop (v2sf)  }
0x8a9: {  	s1 =	ssub.s32 s25, s1;
	v8, _, _ =	vpop (xrf0);
	s6 =	spop (v2sf)  }
0x8aa: {  	s22 =	sadd.s32 $0x1000, s1;
	(v2sf) =	vpush v8, $0xF;
	s1 =	sadd.s32 $0x0, s6  }
0x8ab: {  	p0 =	por $0x1, $0x1;
	(xrf0) =	vadd.scan.msk.s32 $0xffff, v7;
	p1 =	sge.s32 s1, s22  }
0x8ac: {  	s30 =	simm.s32 $0x10770;
	(xrf0) =	vadd.scan.msk.s32 $0xffff, v10;
	p0 =	por !p0, !p1  }
0x8ad: {  	s26 =	simm.s32 $0xFFFFFFFF;
	s0 =	simm.s32 $0x7F;
	v8 =	vld [tilespmem:s30+$0xFFFFFFF0];
	p0 =	por !p0, !p0  }
0x8ae: {  	v9 =	vld [tilespmem:s30+$0x0];
	s3 =	sadd.s32 s5, s1;
	s26 =	smov.u32 @p0 s0  }
0x8af: {  	p2 =	sge.s32 s3, s22;
	p3 =	slt.s32 s26, $0x0  }
0x8b0: {  	p1 =	por !p2, !p3  }
0x8b1: {  	s0 =	simm.s32 $0x7E;
	s7 =	spop (v2sf);
	v14, _, _ =	vpop (xrf0);
	p1 =	por !p1, !p1  }
0x8b2: {  	(xrf0) =	vadd.scan.msk.s32 $0xffff, v8;
	s29 =	sadd.s32 s7, s3;
	v62, _, _ =	vpop (xrf0);
	(v2sf) =	vpush v14, $0xF;
	s26 =	smov.u32 @p1 s0  }
0x8b3: {  	(xrf0) =	vadd.scan.msk.s32 $0xffff, v9;
	s8 =	spop (v2sf);
	p3 =	sge.s32 s29, s22;
	(v2sf) =	vpush v62, $0xF;
	p4 =	slt.s32 s26, $0x0  }
0x8b4: {  	s31 =	simm.s32 $0x7B;
	v15 =	vimm.s32 $0x0;
	s24 =	simm.s32 $0x0;
	p2 =	por !p3, !p4  }
0x8b5: {  	s4 =	simm.s32 $0x7C;
	s5 =	simm.s32 $0x7D;
	v12 =	vpsel p0, v12, v15;
	p2 =	por !p2, !p2  }
0x8b6: {  	s24 =	smov.u32 @p0 s24;
	s28 =	sadd.s32 s8, s29;
	v15 =	vpsel p1, v11, v12;
	v11 =	vld [tilespmem:s30+$0xFFFFFFE0];
	s26 =	smov.u32 @p2 s5  }
0x8b7: {  	s0 =	simm.s32 $0x8;
	p6 =	sge.s32 s28, s22;
	v12 =	vld [tilespmem:s30+$0xFFFFFFD0];
	p5 =	slt.s32 s26, $0x0  }
0x8b8: {  	s24 =	smov.u32 @p1 s1;
	v63, _, _ =	vpop (xrf0);
	s1 =	spop (v2sf);
	p0 =	por !p6, !p5  }
0x8b9: {  	v14, _, _ =	vpop (xrf0);
	(v2sf) =	vpush v63, $0xF;
	s24 =	smov.u32 @p2 s3;
	v13 =	vpsel p2, v13, v15;
	s3 =	spop (v2sf);
	p0 =	por !p0, !p0  }
.LBB2_105:
0x8ba: {  	(v2sf) =	vpush v14, $0xF;
	s3 =	sadd.s32 s28, s3;
	s26 =	smov.u32 @p0 s4;
	s24 =	smov.u32 @p0 s29;
	v13 =	vpsel p0, v5, v13;
	v5 =	vmov v10  }
0x8bb: {  	(xrf0) =	vadd.scan.msk.s32 $0xffff, v11;
	p0 =	slt.s32 s26, $0x0;
	p1 =	sge.s32 s3, s22;
	s1 =	sadd.s32 s1, s3;
	v15 =	vmov v11  }
0x8bc: {  	s0 =	sadd.s32 $0x4, s0;
	s30 =	sadd.s32 $0xFFFFFFC0, s30;
	(xrf0) =	vadd.scan.msk.s32 $0xffff, v12;
	p0 =	por !p0, !p1;
	v10 =	vmov v12  }
0x8bd: {  	s4 =	smov.u32 s31;
	p1 =	slt.u32 s0, $0x7C;
	v11 =	vld [tilespmem:s30+$0xFFFFFFF0];
	p0 =	por !p0, !p0  }
0x8be: {  	s26 =	smov.u32 @p0 s31;
	v12 =	vpsel p0, v6, v13;
	v6 =	vmov v9;
	v9 =	vld [tilespmem:s30+$0x0]  }
0x8bf: {  	p3 =	sge.s32 s1, s22;
	p2 =	slt.s32 s26, $0x0  }
0x8c0: {  	s5 =	sadd.s32 $0xFFFFFFFF, s31;
	p2 =	por !p3, !p2  }
0x8c1: {  	s24 =	smov.u32 @p0 s28;
	v13, _, _ =	vpop (xrf0);
	p0 =	por !p2, !p2;
	s6 =	spop (v2sf)  }
0x8c2: {  	(xrf0) =	vadd.scan.msk.s32 $0xffff, v11;
	(v2sf) =	vpush v13, $0xF;
	v13, _, _ =	vpop (xrf0);
	s26 =	smov.u32 @p0 s5;
	v16 =	vpsel p0, v4, v12;
	s29 =	sadd.s32 s6, s1;
	s5 =	spop (v2sf);
	v4 =	vmov v8  }
0x8c3: {  	v8 =	vmov v11;
	(xrf0) =	vadd.scan.msk.s32 $0xffff, v9;
	(v2sf) =	vpush v13, $0xF;
	p2 =	slt.s32 s26, $0x0;
	p3 =	sge.s32 s29, s22;
	s28 =	sadd.s32 s5, s29  }
0x8c4: {  	s24 =	smov.u32 @p0 s3;
	p0 =	por !p3, !p2  }
.Ltmp55:
0x8c5: {  	s3 =	sadd.s32 $0xFFFFFFFE, s31;
	p0 =	por !p0, !p0;
	(pc) =	sbr.rel @p1 .LBB2_105-.Ltmp55, $4  }
0x8c6: {  	v11 =	vld [tilespmem:s30+$0xFFFFFFE0];
	s26 =	smov.u32 @p0 s3;
	s24 =	smov.u32 @p0 s1  }
0x8c7: {  	p3 =	sge.s32 s28, s22;
	v12 =	vld [tilespmem:s30+$0xFFFFFFD0];
	p2 =	slt.s32 s26, $0x0  }
0x8c8: {  	s31 =	sadd.s32 $0xFFFFFFFC, s31;
	v13, _, _ =	vpop (xrf0);
	s1 =	spop (v2sf);
	p2 =	por !p3, !p2  }
0x8c9: {  	s4 =	sadd.s32 $0xFFFFFFFD, s4;
	v14, _, _ =	vpop (xrf0);
	(v2sf) =	vpush v13, $0xF;
	s3 =	spop (v2sf);
	v13 =	vpsel p0, v7, v16;
	p0 =	por !p2, !p2;
	v7 =	vmov v15  }
0x8ca: {  	(v2sf) =	vpush v14, $0xF;
	s0 =	sadd.s32 s28, s3;
	s26 =	smov.u32 @p0 s4  }
0x8cb: {  	(xrf0) =	vadd.scan.msk.s32 $0xffff, v11;
	p1 =	slt.s32 s26, $0x0;
	p2 =	sge.s32 s0, s22  }
0x8cc: {  	p1 =	por !p1, !p2  }
0x8cd: {  	p4 =	por !p1, !p1  }
0x8ce: {  	s30 =	sadd.s32 s1, s0;
	s26 =	smov.u32 @p4 s31;
	s1 =	simm.s32 @!p4 $0x0  }
0x8cf: {  	p5 =	sge.s32 s30, s22;
	s1 =	simm.s32 @p4 $0x1;
	p3 =	slt.s32 s26, $0x0  }
0x8d0: {  	[smem:$0x7CC] =	sst s1;
	p1 =	por !p5, !p3  }
0x8d1: {  	(xrf0) =	vadd.scan.msk.s32 $0xffff, v12;
	s1 =	sadd.s32 $0xFFFFFFFF, s31;
	v62, _, _ =	vpop (xrf0);
	p1 =	por !p1, !p1;
	s5 =	spop (v2sf)  }
0x8d2: {  	s3 =	simm.s32 @!p1 $0x0;
	(v2sf) =	vpush v62, $0xF;
	s26 =	smov.u32 @p1 s1;
	s1 =	sadd.s32 s5, s30  }
0x8d3: {  	s3 =	simm.s32 @p1 $0x1;
	p1 =	slt.s32 s26, $0x0;
	p6 =	sge.s32 s1, s22  }
0x8d4: {  	s4 =	sadd.s32 $0xFFFFFFFE, s31;
	p1 =	por !p6, !p1  }
0x8d5: {  	s6 =	spop (v2sf);
	[smem:$0x7CB] =	sst s3;
	p1 =	por !p1, !p1  }
0x8d6: {  	s3 =	sadd.s32 s6, s1;
	s5 =	simm.s32 @!p1 $0x0;
	s26 =	smov.u32 @p1 s4  }
0x8d7: {  	v63, _, _ =	vpop (xrf0);
	p3 =	sge.s32 s3, s22;
	s5 =	simm.s32 @p1 $0x1;
	p1 =	slt.s32 s26, $0x0  }
0x8d8: {  	(v2sf) =	vpush v63, $0xF;
	s7 =	spop (v2sf);
	p1 =	por !p3, !p1  }
0x8d9: {  	s6 =	sadd.s32 $0xFFFFFFFD, s31;
	s8 =	spop (v2sf);
	p3 =	por !p1, !p1  }
0x8da: {  	[smem:$0x7CD] =	sst s5;
	s5 =	sadd.s32 s3, s8;
	s26 =	smov.u32 @p3 s6  }
0x8db: {  	s6 =	simm.s32 @!p3 $0x0;
	p5 =	slt.s32 s26, $0x0;
	p6 =	sge.s32 s5, s22  }
0x8dc: {  	s6 =	simm.s32 @p3 $0x1;
	p1 =	por !p5, !p6  }
0x8dd: {  	[smem:$0x7CE] =	sst s6;
	s6 =	sadd.s32 $0xFFFFFFFC, s31;
	p5 =	por !p1, !p1  }
0x8de: {  	s4 =	sadd.s32 s7, s5;
	s26 =	smov.u32 @p5 s6  }
0x8df: {  	p6 =	sge.s32 s4, s22;
	p2 =	slt.s32 s26, $0x0  }
0x8e0: {  	s31 =	sld [smem:$0x7CB];
	p1 =	por !p6, !p2  }
0x8e1: {  	s7 =	sadd.s32 $0xFFFFFFFF, s6;
	p6 =	por !p1, !p1;
	s8 =	spop (v2sf)  }
0x8e2: {  	v5 =	vpsel p0, v5, v13;
	s26 =	smov.u32 @p6 s7;
	s7 =	sadd.s32 s8, s4  }
0x8e3: {  	v5 =	vpsel p4, v6, v5;
	p2 =	slt.s32 s26, $0x0;
	p4 =	sge.s32 s7, s22  }
0x8e4: {  	p1 =	por !p4, !p2;
	p4 =	seq.s32 s31, $0x1;
	s31 =	sld [smem:$0x7CD]  }
0x8e5: {  	_ =	sdelay $0x1  }
0x8e6: {  	s8 =	spop (v2sf);
	v4 =	vpsel p4, v4, v5;
	p2 =	seq.s32 s31, $0x1  }
0x8e7: {  	s8 =	sadd.s32 s8, s7;
	s31 =	sadd.s32 $0xFFFFFFFE, s6;
	v4 =	vpsel p2, v7, v4;
	p2 =	por !p1, !p1  }
0x8e8: {  	p1 =	sge.s32 s8, s22;
	s26 =	smov.u32 @p2 s31;
	v4 =	vpsel p3, v10, v4;
	s31 =	sshll.u32 s23, $0x15  }
0x8e9: {  	s23 =	sld [smem:$0x7CC];
	v4 =	vpsel p5, v9, v4;
	p3 =	slt.s32 s26, $0x0;
	s8 =	sxor.u32 $0x80200000, s31  }
0x8ea: {  	p1 =	por !p1, !p3;
	v4 =	vpsel p6, v8, v4;
	v6 =	vmov s8  }
0x8eb: {  	s24 =	smov.u32 @p0 s29;
	s29 =	simm.s32 $0x10040;
	v4 =	vpsel p2, v11, v4;
	p1 =	por !p1, !p1;
	[tilespmem:s25+$0x10800] =	vst v6  }
0x8ec: {  	p0 =	seq.s32 s23, $0x1;
	v4 =	vpsel p1, v12, v4;
	[tilespmem:s29+$0xFFFFFFC0] =	vst v1  }
0x8ed: {  	s24 =	smov.u32 @p0 s28;
	v5 =	vperm.xlane v4, v3;
	s28 =	sld [smem:$0x7CD];
	[tilespmem:s29+$0x30] =	vst v1  }
0x8ee: {  	s31 =	sld [smem:$0x7CE]  }
0x8ef: {  	(xrf0) =	vadd.scan.msk.s32 $0xffff, v5  }
0x8f0: {  	s24 =	smov.u32 @p4 s0;
	p0 =	seq.s32 s28, $0x1  }
0x8f1: {  	s24 =	smov.u32 @p0 s30;
	p0 =	seq.s32 s31, $0x1  }
0x8f2: {  	[tilespmem:s29+$0x20] =	vst v1;
	s24 =	smov.u32 @p0 s1  }
0x8f3: {  	[tilespmem:s29+$0x10] =	vst v1;
	s24 =	smov.u32 @p5 s3  }
0x8f4: {  	[tilespmem:s29+$0x0] =	vst v1;
	s24 =	smov.u32 @p6 s5  }
0x8f5: {  	s0 =	sadd.s32 $0xFFFFFFFD, s6;
	[tilespmem:s29+$0xFFFFFFF0] =	vst v1;
	s24 =	smov.u32 @p2 s4;
	v5, _, _ =	vpop (xrf0)  }
0x8f6: {  	s26 =	smov.u32 @p1 s0;
	s0 =	simm.s32 $0x0;
	[tilespmem:s29+$0xFFFFFFE0] =	vst v1;
	s24 =	smov.u32 @p1 s7;
	v5 =	vperm.xlane v5, v3  }
.LBB2_107:
0x8f7: {  	s0 =	sadd.s32 $0x8, s0;
	[tilespmem:s29+$0xFFFFFFD0] =	vst v1;
	s29 =	sadd.s32 $0x80, s29  }
0x8f8: {  	[tilespmem:s29+$0xFFFFFFC0] =	vst v1;
	p0 =	slt.u32 s0, $0x38  }
0x8f9: {  	[tilespmem:s29+$0x30] =	vst v1  }
.Ltmp56:
0x8fa: {  	[tilespmem:s29+$0x20] =	vst v1;
	(pc) =	sbr.rel @p0 .LBB2_107-.Ltmp56, $4  }
0x8fb: {  	[tilespmem:s29+$0x10] =	vst v1  }
0x8fc: {  	[tilespmem:s29+$0x0] =	vst v1  }
0x8fd: {  	[tilespmem:s29+$0xFFFFFFF0] =	vst v1  }
0x8fe: {  	[tilespmem:s29+$0xFFFFFFE0] =	vst v1  }
0x8ff: {  	v6 =	vadd.s32 s24, v5  }
0x900: {  	vm0 =	vge.s32 v6, s22  }
0x901: {  	v6 =	vsel vm0, $0x1, v1  }
0x902: {  	(xrf0) =	vadd.scan.msk.s32 $0xffff, v6;
	_ =	sdelay $0x5  }
0x903: {  	v6, _, _ =	vpop (xrf0)  }
0x904: {  	(v2sf) =	vpush v6, $0xF;
	_ =	sdelay $0xe  }
0x905: {  	s0 =	spop (v2sf)  }
0x906: {  	s0 =	sadd.s32 $0xFFFFFFFF, s0  }
0x907: {  	v63 =	vmov s0  }
0x908: {  	vm15 =	veq.s32 v63, v0  }
0x909: {  	v4 =	vnsel vm15, $0x0, v4  }
0x90a: {  	(xrf0) =	vadd.scan.msk.s32 $0xffff, v4;
	v4 =	vnsel vm15, $0x0, v5  }
0x90b: {  	(xrf0) =	vadd.scan.msk.s32 $0xffff, v4;
	_ =	sdelay $0x4  }
0x90c: {  	v4, _, _ =	vpop (xrf0)  }
0x90d: {  	(v2sf) =	vpush v4, $0xF;
	v4, _, _ =	vpop (xrf0)  }
0x90e: {  	s1 =	sadd.s32 $0xF, s25;
	(v2sf) =	vpush v4, $0xF  }
0x90f: {  	s3 =	sand.u32 $0xF, s1  }
0x910: {  	s4 =	sshra.s32 s1, $0x1F;
	p0 =	slt.s32 s1, $0x1;
	p1 =	sne.s32 s3, $0x0  }
0x911: {  	s25 =	sshrl.u32 s4, $0x1C;
	p0 =	por !p0, !p1  }
0x912: {  	s3 =	simm.s32 $0x1;
	s1 =	sadd.s32 s25, s1;
	p0 =	por !p0, !p0  }
0x913: {  	s1 =	sshra.s32 s1, $0x4;
	s3 =	simm.s32 @!p0 $0x0  }
0x914: {  	s28 =	ssub.s32 s1, s3  }
0x915: {  	s1 =	sshrl.u32 s28, $0x1F  }
0x916: {  	s1 =	sadd.s32 s1, s28  }
0x917: {  	s30 =	sshll.u32 s26, $0x4;
	s26 =	sand.u32 $0xFFFFFFFE, s1  }
0x918: {  	p0 =	slt.s32 s26, $0x1  }
.Ltmp57:
0x919: {  	_ = 	snop;
	(pc) =	sbr.rel @p0 .LBB2_118-.Ltmp57, $3  }
0x91a: {  	_ =	sdelay $0x1  }
0x91b: {  	s31 =	sshll.u32 s21, $0xB;
	s23 =	sadd.s32 s30, s0;
	s25 =	spop (v2sf)  }
0x91c: {  	[tilespmem:s29+$0xFFFFFFD0] =	vst v1;
	s29 =	sor.u32 s31, s23;
	s0 =	spop (v2sf)  }
0x91d: {  	p2 =	sgt.s32 s26, $0x2  }
.Ltmp58:
0x91e: {  	_ = 	snop;
	(pc) =	sbr.rel @!p2 .LBB2_110-.Ltmp58, $4  }
0x91f: {  	_ = 	snop  }
0x920: {  	s1 =	simm.s32 $0x10810  }
0x921: {  	v7 =	vld [tilespmem:s1+$0x0]  }
0x922: {  	v4 =	vmov s29;
	p0 =	por $0x0, $0x0;
	p1 =	por $0x0, $0x0;
	v13 =	vld [tilespmem:s1+$0xFFFFFFF0]  }
0x923: {  	p2 =	sgt.s32 s26, $0x4  }
.Ltmp59:
0x924: {  	_ = 	snop;
	(pc) =	sbr.rel @!p2 .LBB2_112-.Ltmp59, $4  }
0x925: {  	s1 =	simm.s32 $0x10830  }
0x926: {  	v5 =	vld [tilespmem:s1+$0x0]  }
0x927: {  	v6 =	vshrl.u32 v13, $0xA  }
0x928: {  	p0 =	por $0x1, $0x1;
	v8 =	vshrl.u32 v7, $0xA;
	v10 =	vand.u32 $0x3FF, v13;
	v13 =	vld [tilespmem:s1+$0xFFFFFFF0];
	vm1 =	veq.s32 v6, v4  }
0x929: {  	_ = 	snop  }
0x92a: {  	p2 =	sgt.s32 s26, $0x6  }
.Ltmp60:
0x92b: {  	vm0 =	veq.s32 v8, v4;
	(pc) =	sbr.rel @!p2 .LBB2_114-.Ltmp60, $4  }
0x92c: {  	s1 =	simm.s32 $0x10850;
	v6 =	vand.u32 $0x3FF, v7  }
0x92d: {  	v9 =	vld [tilespmem:s1+$0x0]  }
0x92e: {  	[tilespmem:v10+s16+$0x0] =	vst.idx.add.s32.msk vm1, v2;
	v7 =	vshrl.u32 v13, $0xA  }
0x92f: {  	s30 =	simm.s32 $0x6;
	p1 =	por $0x1, $0x1;
	v12 =	vld [tilespmem:s1+$0xFFFFFFF0];
	v8 =	vshrl.u32 v5, $0xA;
	v11 =	vand.u32 $0x3FF, v13;
	vm2 =	veq.s32 v7, v4  }
.LBB2_115:
0x930: {  	s30 =	sadd.s32 $0x2, s30  }
0x931: {  	s1 =	sadd.s32 $0x20, s1;
	[tilespmem:v6+s16+$0x0] =	vst.idx.add.s32.msk vm0, v2;
	vm0 =	veq.s32 v8, v4;
	p2 =	slt.s32 s30, s26  }
.Ltmp61:
0x932: {  	v6 =	vand.u32 $0x3FF, v5;
	v5 =	vmov v9;
	v9 =	vld [tilespmem:s1+$0x0];
	(pc) =	sbr.rel @p2 .LBB2_115-.Ltmp61, $4  }
0x933: {  	_ = 	snop  }
0x934: {  	v7 =	vand.u32 $0x3FF, v12  }
0x935: {  	v10 =	vshrl.u32 v12, $0xA;
	v12 =	vld [tilespmem:s1+$0xFFFFFFF0]  }
0x936: {  	v8 =	vshrl.u32 v5, $0xA;
	[tilespmem:v11+s16+$0x0] =	vst.idx.add.s32.msk vm2, v2;
	vm2 =	veq.s32 v10, v4;
	v11 =	vmov v7  }
0x937: {  	_ =	sdelay $0x2  }
0x938: {  	v7 =	vmovc v5;
	v5 =	vmovc v9;
	vm1 =	vmmov vm2;
	v10 =	vmov v11;
	v13 =	vmov v12  }
.LBB2_117:
0x939: {  	vm2 =	veq.s32 @p0 v8, v4  }
0x93a: {  	v7 =	vand.u32 @p0 $0x3FF, v7;
	v62 =	vshrl.u32 v13, $0xA;
	vm2 =	vmmov @p0 vm2  }
0x93b: {  	v63 =	vshrl.u32 v5, $0xA;
	vm3 =	veq.s32 v62, v4;
	v7 =	vpsel p0, v7, v0  }
0x93c: {  	v9 =	vand.u32 $0x3FF, v13;
	vm4 =	veq.s32 v63, v4  }
0x93d: {  	v4 =	vand.u32 $0x3FF, v5  }
0x93e: {  	[tilespmem:v6+s16+$0x0] =	vst.idx.add.s32.msk @p1 vm0, v2  }
0x93f: {  	[tilespmem:v10+s16+$0x0] =	vst.idx.add.s32.msk @p0 vm1, v2  }
0x940: {  	[tilespmem:v7+s16+$0x0] =	vst.idx.add.s32.msk @p0 vm2, v2  }
0x941: {  	[tilespmem:v9+s16+$0x0] =	vst.idx.add.s32.msk vm3, v2  }
0x942: {  	[tilespmem:v4+s16+$0x0] =	vst.idx.add.s32.msk vm4, v2  }
.LBB2_118:
0x943: {  	s1 =	ssub.s32 s28, s26  }
0x944: {  	p0 =	sgt.s32 s1, $0x0  }
0x945: {  	s1 =	sshll.u32 @p0 s26, $0x6  }
0x946: {  	s1 =	sshra.s32 @p0 s1, $0x2  }
0x947: {  	v4 =	vld @p0 [tilespmem:s1+$0x10800];
	_ =	sdelay $0x4  }
0x948: {  	v5 =	vshrl.u32 @p0 v4, $0xA  }
0x949: {  	vm0 =	veq.s32 @p0 v5, s29  }
0x94a: {  	v4 =	vand.u32 @p0 $0x3FF, v4;
	_ =	sdelay $0x1  }
0x94b: {  	s0 =	sadd.s32 s0, s24  }
0x94c: {  	s0 =	ssub.s32 s22, s0  }
0x94d: {  	s22 =	sadd.s32 s25, s0;
	s0 =	simm.s32 @p0 $0x10000;
	v5 =	vimm.s32 @p0 $0x1  }
0x94e: {  	s7 =	simm.s32 $0x103F0;
	[tilespmem:v4+s0+$0x0] =	vst.idx.add.s32.msk @p0 vm0, v5  }
0x94f: {  	v12 =	vld [tilespmem:s7+$0xFFFFFFF0]  }
0x950: {  	v13 =	vld [tilespmem:s7+$0x0];
	_ =	sdelay $0x3  }
0x951: {  	(xrf0) =	vadd.scan.msk.s32 $0xffff, v12  }
0x952: {  	(xrf0) =	vadd.scan.msk.s32 $0xffff, v13  }
0x953: {  	v15 =	vld [tilespmem:s7+$0xFFFFFFE0];
	_ =	sdelay $0x3  }
0x954: {  	s8 =	simm.s32 $0x103B0;
	v5 =	vld [tilespmem:s7+$0xFFFFFFD0];
	v4, _, _ =	vpop (xrf0)  }
0x955: {  	(xrf0) =	vadd.scan.msk.s32 $0xffff, v15;
	v6, _, _ =	vpop (xrf0);
	(v2sf) =	vpush v4, $0xF;
	v4 =	vld [tilespmem:s8+$0xFFFFFFF0]  }
0x956: {  	(v2sf) =	vpush v6, $0xF;
	v6 =	vld [tilespmem:s8+$0x0];
	_ =	sdelay $0x2  }
0x957: {  	(xrf0) =	vadd.scan.msk.s32 $0xffff, v5  }
0x958: {  	(xrf0) =	vadd.scan.msk.s32 $0xffff, v4  }
0x959: {  	v7, _, _ =	vpop (xrf0);
	(xrf0) =	vadd.scan.msk.s32 $0xffff, v6;
	_ =	sdelay $0x2  }
0x95a: {  	(v2sf) =	vpush v7, $0xF  }
0x95b: {  	v7, _, _ =	vpop (xrf0)  }
0x95c: {  	(v2sf) =	vpush v7, $0xF;
	v7, _, _ =	vpop (xrf0)  }
0x95d: {  	v8, _, _ =	vpop (xrf0);
	(v2sf) =	vpush v7, $0xF  }
0x95e: {  	(v2sf) =	vpush v8, $0xF;
	v8 =	vld [tilespmem:s8+$0xFFFFFFE0]  }
0x95f: {  	v10 =	vld [tilespmem:s8+$0xFFFFFFD0]  }
0x960: {  	s3 =	spop (v2sf)  }
0x961: {  	s4 =	spop (v2sf)  }
0x962: {  	s4 =	sadd.s32 $0x0, s4  }
0x963: {  	p2 =	por $0x1, $0x1;
	p1 =	sge.s32 s4, s22;
	(xrf0) =	vadd.scan.msk.s32 $0xffff, v8  }
0x964: {  	s30 =	simm.s32 $0x10370;
	p0 =	por !p2, !p1;
	(xrf0) =	vadd.scan.msk.s32 $0xffff, v10  }
0x965: {  	s25 =	simm.s32 $0xFFFFFFFF;
	s0 =	simm.s32 $0x3F;
	v7 =	vld [tilespmem:s30+$0xFFFFFFF0];
	p0 =	por !p0, !p0  }
0x966: {  	v9 =	vld [tilespmem:s30+$0x0];
	s1 =	sadd.s32 s3, s4;
	s25 =	smov.u32 @p0 s0  }
0x967: {  	p2 =	sge.s32 s1, s22;
	p3 =	slt.s32 s25, $0x0  }
0x968: {  	p1 =	por !p2, !p3  }
0x969: {  	s26 =	spop (v2sf);
	s0 =	simm.s32 $0x3E;
	p1 =	por !p1, !p1;
	v14, _, _ =	vpop (xrf0)  }
0x96a: {  	s28 =	sadd.s32 s26, s1;
	(xrf0) =	vadd.scan.msk.s32 $0xffff, v7;
	s25 =	smov.u32 @p1 s0;
	v16, _, _ =	vpop (xrf0);
	(v2sf) =	vpush v14, $0xF  }
0x96b: {  	s24 =	simm.s32 $0x0;
	(xrf0) =	vadd.scan.msk.s32 $0xffff, v9;
	p3 =	sge.s32 s28, s22;
	p4 =	slt.s32 s25, $0x0;
	(v2sf) =	vpush v16, $0xF  }
0x96c: {  	v11 =	vimm.s32 $0x0;
	s5 =	simm.s32 $0x3D;
	s31 =	spop (v2sf);
	p2 =	por !p3, !p4  }
0x96d: {  	s29 =	simm.s32 $0x3B;
	v11 =	vpsel p0, v13, v11;
	s26 =	sadd.s32 s31, s28;
	p2 =	por !p2, !p2  }
0x96e: {  	s24 =	smov.u32 @p0 s24;
	p6 =	sge.s32 s26, s22;
	v13 =	vpsel p1, v12, v11;
	v11 =	vld [tilespmem:s30+$0xFFFFFFE0];
	s25 =	smov.u32 @p2 s5  }
0x96f: {  	s0 =	simm.s32 $0x8;
	s24 =	smov.u32 @p1 s4;
	v12 =	vld [tilespmem:s30+$0xFFFFFFD0];
	p5 =	slt.s32 s25, $0x0  }
0x970: {  	v63, _, _ =	vpop (xrf0);
	s24 =	smov.u32 @p2 s1;
	s1 =	spop (v2sf);
	p0 =	por !p6, !p5  }
0x971: {  	s4 =	simm.s32 $0x3C;
	v14, _, _ =	vpop (xrf0);
	(v2sf) =	vpush v63, $0xF;
	v13 =	vpsel p2, v15, v13;
	s3 =	spop (v2sf);
	p0 =	por !p0, !p0  }
.LBB2_119:
0x972: {  	(v2sf) =	vpush v14, $0xF;
	s3 =	sadd.s32 s26, s3;
	s25 =	smov.u32 @p0 s4;
	s24 =	smov.u32 @p0 s28;
	v13 =	vpsel p0, v5, v13;
	v5 =	vmov v10  }
0x973: {  	(xrf0) =	vadd.scan.msk.s32 $0xffff, v11;
	p0 =	slt.s32 s25, $0x0;
	p1 =	sge.s32 s3, s22;
	s1 =	sadd.s32 s1, s3;
	v15 =	vmov v11  }
0x974: {  	s0 =	sadd.s32 $0x4, s0;
	s30 =	sadd.s32 $0xFFFFFFC0, s30;
	(xrf0) =	vadd.scan.msk.s32 $0xffff, v12;
	p0 =	por !p0, !p1;
	v10 =	vmov v12  }
0x975: {  	s4 =	smov.u32 s29;
	p1 =	slt.u32 s0, $0x3C;
	v11 =	vld [tilespmem:s30+$0xFFFFFFF0];
	p0 =	por !p0, !p0  }
0x976: {  	s25 =	smov.u32 @p0 s29;
	v12 =	vpsel p0, v6, v13;
	v6 =	vmov v9;
	v9 =	vld [tilespmem:s30+$0x0]  }
0x977: {  	p3 =	sge.s32 s1, s22;
	p2 =	slt.s32 s25, $0x0  }
0x978: {  	s5 =	sadd.s32 $0xFFFFFFFF, s29;
	p2 =	por !p3, !p2  }
0x979: {  	s24 =	smov.u32 @p0 s26;
	v13, _, _ =	vpop (xrf0);
	p0 =	por !p2, !p2;
	s6 =	spop (v2sf)  }
0x97a: {  	(xrf0) =	vadd.scan.msk.s32 $0xffff, v11;
	(v2sf) =	vpush v13, $0xF;
	v13, _, _ =	vpop (xrf0);
	s25 =	smov.u32 @p0 s5;
	v16 =	vpsel p0, v4, v12;
	s28 =	sadd.s32 s6, s1;
	s5 =	spop (v2sf);
	v4 =	vmov v7  }
0x97b: {  	v7 =	vmov v11;
	(xrf0) =	vadd.scan.msk.s32 $0xffff, v9;
	(v2sf) =	vpush v13, $0xF;
	p2 =	slt.s32 s25, $0x0;
	p3 =	sge.s32 s28, s22;
	s26 =	sadd.s32 s5, s28  }
0x97c: {  	s24 =	smov.u32 @p0 s3;
	p0 =	por !p3, !p2  }
.Ltmp62:
0x97d: {  	s3 =	sadd.s32 $0xFFFFFFFE, s29;
	p0 =	por !p0, !p0;
	(pc) =	sbr.rel @p1 .LBB2_119-.Ltmp62, $4  }
0x97e: {  	v11 =	vld [tilespmem:s30+$0xFFFFFFE0];
	s25 =	smov.u32 @p0 s3;
	s24 =	smov.u32 @p0 s1  }
0x97f: {  	p3 =	sge.s32 s26, s22;
	v12 =	vld [tilespmem:s30+$0xFFFFFFD0];
	p2 =	slt.s32 s25, $0x0  }
0x980: {  	s29 =	sadd.s32 $0xFFFFFFFC, s29;
	v13, _, _ =	vpop (xrf0);
	s1 =	spop (v2sf);
	p2 =	por !p3, !p2  }
0x981: {  	s4 =	sadd.s32 $0xFFFFFFFD, s4;
	v14, _, _ =	vpop (xrf0);
	(v2sf) =	vpush v13, $0xF;
	s3 =	spop (v2sf);
	v13 =	vpsel p0, v8, v16;
	p0 =	por !p2, !p2;
	v8 =	vmov v15  }
0x982: {  	(v2sf) =	vpush v14, $0xF;
	s0 =	sadd.s32 s26, s3;
	s25 =	smov.u32 @p0 s4  }
0x983: {  	(xrf0) =	vadd.scan.msk.s32 $0xffff, v11;
	p1 =	slt.s32 s25, $0x0;
	p2 =	sge.s32 s0, s22  }
0x984: {  	p1 =	por !p1, !p2  }
0x985: {  	p5 =	por !p1, !p1  }
0x986: {  	s30 =	sadd.s32 s1, s0;
	s25 =	smov.u32 @p5 s29;
	s1 =	simm.s32 @!p5 $0x0  }
0x987: {  	(xrf0) =	vadd.scan.msk.s32 $0xffff, v12;
	p4 =	sge.s32 s30, s22;
	s1 =	simm.s32 @p5 $0x1;
	p3 =	slt.s32 s25, $0x0  }
0x988: {  	[smem:$0x7C8] =	sst s1;
	p1 =	por !p4, !p3  }
0x989: {  	s1 =	sadd.s32 $0xFFFFFFFF, s29;
	v14, _, _ =	vpop (xrf0);
	p1 =	por !p1, !p1;
	s6 =	spop (v2sf)  }
0x98a: {  	s3 =	simm.s32 @!p1 $0x0;
	(v2sf) =	vpush v14, $0xF;
	s25 =	smov.u32 @p1 s1;
	s1 =	sadd.s32 s6, s30  }
0x98b: {  	s3 =	simm.s32 @p1 $0x1;
	p1 =	slt.s32 s25, $0x0;
	p6 =	sge.s32 s1, s22  }
0x98c: {  	p1 =	por !p6, !p1  }
0x98d: {  	s4 =	sadd.s32 $0xFFFFFFFE, s29;
	v14, _, _ =	vpop (xrf0);
	s7 =	spop (v2sf);
	p4 =	por !p1, !p1  }
0x98e: {  	(v2sf) =	vpush v14, $0xF;
	[smem:$0x7C6] =	sst s3;
	s3 =	sadd.s32 s7, s1;
	s25 =	smov.u32 @p4 s4  }
0x98f: {  	s6 =	sadd.s32 $0xFFFFFFFD, s29;
	p3 =	sge.s32 s3, s22;
	p2 =	slt.s32 s25, $0x0  }
0x990: {  	s4 =	simm.s32 @!p4 $0x0;
	s8 =	spop (v2sf);
	p1 =	por !p3, !p2  }
0x991: {  	s4 =	simm.s32 @p4 $0x1;
	s5 =	spop (v2sf);
	p1 =	por !p1, !p1  }
0x992: {  	s7 =	simm.s32 @!p1 $0x0;
	s5 =	sadd.s32 s3, s5;
	s25 =	smov.u32 @p1 s6  }
0x993: {  	s7 =	simm.s32 @p1 $0x1;
	p1 =	slt.s32 s25, $0x0;
	p6 =	sge.s32 s5, s22  }
0x994: {  	[smem:$0x7C9] =	sst s4;
	s6 =	sadd.s32 $0xFFFFFFFC, s29;
	p1 =	por !p1, !p6  }
0x995: {  	s29 =	sld [smem:$0x7C6];
	s4 =	sadd.s32 s8, s5;
	p3 =	por !p1, !p1  }
0x996: {  	[smem:$0x7C7] =	sst s7;
	s25 =	smov.u32 @p3 s6;
	s7 =	simm.s32 @!p3 $0x0  }
0x997: {  	p6 =	sge.s32 s4, s22;
	s7 =	simm.s32 @p3 $0x1;
	p2 =	slt.s32 s25, $0x0  }
0x998: {  	[smem:$0x7CA] =	sst s7;
	p1 =	por !p6, !p2  }
0x999: {  	s7 =	sadd.s32 $0xFFFFFFFF, s6;
	p6 =	por !p1, !p1;
	s8 =	spop (v2sf)  }
0x99a: {  	v5 =	vpsel p0, v5, v13;
	s25 =	smov.u32 @p6 s7;
	s7 =	sadd.s32 s8, s4  }
0x99b: {  	v5 =	vpsel p5, v6, v5;
	s31 =	sld [smem:$0x7C7];
	p2 =	slt.s32 s25, $0x0;
	p5 =	sge.s32 s7, s22  }
0x99c: {  	p1 =	por !p5, !p2;
	p5 =	seq.s32 s29, $0x1  }
0x99d: {  	s8 =	spop (v2sf);
	v4 =	vpsel p5, v4, v5  }
0x99e: {  	s29 =	sadd.s32 $0xFFFFFFFE, s6;
	p1 =	por !p1, !p1;
	v4 =	vpsel p4, v8, v4;
	p4 =	seq.s32 s31, $0x1  }
0x99f: {  	s8 =	sadd.s32 s8, s7;
	s25 =	smov.u32 @p1 s29;
	v4 =	vpsel p4, v10, v4  }
0x9a0: {  	p2 =	sge.s32 s8, s22;
	v4 =	vpsel p3, v9, v4;
	p3 =	slt.s32 s25, $0x0  }
0x9a1: {  	s31 =	sld [smem:$0x7C8];
	p2 =	por !p2, !p3;
	v4 =	vpsel p6, v7, v4  }
0x9a2: {  	v4 =	vpsel p1, v11, v4;
	p2 =	por !p2, !p2  }
0x9a3: {  	v4 =	vpsel p2, v12, v4  }
0x9a4: {  	s24 =	smov.u32 @p0 s28;
	p0 =	seq.s32 s31, $0x1;
	v4 =	vperm.xlane v4, v3  }
0x9a5: {  	s24 =	smov.u32 @p0 s26;
	s26 =	sld [smem:$0x7C9]  }
0x9a6: {  	(xrf0) =	vadd.scan.msk.s32 $0xffff, v4  }
0x9a7: {  	s28 =	sld [smem:$0x7CA]  }
0x9a8: {  	s24 =	smov.u32 @p5 s0;
	p0 =	seq.s32 s26, $0x1  }
0x9a9: {  	s24 =	smov.u32 @p0 s30  }
0x9aa: {  	p0 =	seq.s32 s28, $0x1;
	s24 =	smov.u32 @p4 s1  }
0x9ab: {  	s24 =	smov.u32 @p0 s3  }
0x9ac: {  	s24 =	smov.u32 @p6 s5;
	v4, _, _ =	vpop (xrf0)  }
0x9ad: {  	s24 =	smov.u32 @p1 s4;
	v4 =	vperm.xlane v4, v3  }
0x9ae: {  	s24 =	smov.u32 @p2 s7  }
0x9af: {  	v5 =	vadd.s32 s24, v4  }
0x9b0: {  	vm0 =	vge.s32 v5, s22  }
0x9b1: {  	v5 =	vsel vm0, $0x1, v1  }
0x9b2: {  	(xrf0) =	vadd.scan.msk.s32 $0xffff, v5;
	_ =	sdelay $0x5  }
0x9b3: {  	v5, _, _ =	vpop (xrf0)  }
0x9b4: {  	(v2sf) =	vpush v5, $0xF;
	_ =	sdelay $0xd  }
0x9b5: {  	s0 =	sadd.s32 $0xFFFFFFFD, s6  }
0x9b6: {  	s31 =	sshll.u32 s23, $0xA;
	s25 =	smov.u32 @p2 s0;
	s29 =	spop (v2sf)  }
0x9b7: {  	s0 =	sshll.u32 s25, $0x4;
	s30 =	sshll.u32 s21, $0x15;
	s26 =	sadd.s32 $0xFFFFFFFF, s29  }
0x9b8: {  	s1 =	sor.u32 s30, s31;
	s0 =	sadd.s32 s0, s26  }
0x9b9: {  	s21 =	simm.s32 $0x8040;
	s0 =	sor.u32 s0, s1  }
0x9ba: {  	v7 =	vld [tilespmem:s21+$0x30];
	s1 =	sxor.u32 $0x7FFFFFFF, s0;
	p0 =	slt.s32 s0, $0x0;
	s3 =	smov.u32 s0  }
0x9bb: {  	v12 =	vld [tilespmem:s21+$0xFFFFFFD0];
	s3 =	smov.u32 @p0 s1  }
0x9bc: {  	v11 =	vld [tilespmem:s21+$0xFFFFFFE0];
	v5 =	vmov s3  }
0x9bd: {  	v10 =	vld [tilespmem:s21+$0xFFFFFFF0];
	v5 =	vbroadcast v5, $0x0  }
0x9be: {  	v9 =	vld [tilespmem:s21+$0x0]  }
0x9bf: {  	v8 =	vld [tilespmem:s21+$0x10];
	vm0 =	vge.f32 v7, v5  }
0x9c0: {  	v6 =	vld [tilespmem:s21+$0x20];
	vm1 =	vge.f32 v12, v5;
	v13 =	vnsel vm0, $0x0, v7  }
0x9c1: {  	s23 =	simm.s32 $0x80C0;
	s1 =	simm.s32 $0x0;
	v7 =	vld [tilespmem:s21+$0xFFFFFFC0];
	v12 =	vnsel vm1, $0x0, v12;
	vm0 =	vge.f32 v11, v5;
	[tilespmem:s21+$0x30] =	vst v13  }
.LBB2_121:
0x9c2: {  	v13 =	vld [tilespmem:s23+$0x30];
	s1 =	sadd.s32 $0x8, s1;
	[tilespmem:s21+$0xFFFFFFD0] =	vst v12;
	v11 =	vnsel vm0, $0x0, v11;
	vm0 =	vge.f32 v10, v5  }
0x9c3: {  	v12 =	vld [tilespmem:s23+$0xFFFFFFD0];
	p0 =	slt.u32 s1, $0x7F8;
	[tilespmem:s21+$0xFFFFFFE0] =	vst v11;
	v10 =	vnsel vm0, $0x0, v10;
	vm0 =	vge.f32 v9, v5  }
0x9c4: {  	v11 =	vld [tilespmem:s23+$0xFFFFFFE0];
	[tilespmem:s21+$0xFFFFFFF0] =	vst v10;
	v9 =	vnsel vm0, $0x0, v9;
	vm0 =	vge.f32 v8, v5  }
.Ltmp63:
0x9c5: {  	v10 =	vld [tilespmem:s23+$0xFFFFFFF0];
	[tilespmem:s21+$0x0] =	vst v9;
	v8 =	vnsel vm0, $0x0, v8;
	vm0 =	vge.f32 v6, v5;
	(pc) =	sbr.rel @p0 .LBB2_121-.Ltmp63, $4  }
0x9c6: {  	v9 =	vld [tilespmem:s23+$0x0];
	vm1 =	vge.f32 v7, v5;
	[tilespmem:s21+$0x10] =	vst v8;
	v6 =	vnsel vm0, $0x0, v6  }
0x9c7: {  	v8 =	vld [tilespmem:s23+$0x10];
	vm0 =	vge.f32 v13, v5;
	v7 =	vnsel vm1, $0x0, v7;
	[tilespmem:s21+$0x20] =	vst v6  }
0x9c8: {  	vm1 =	vge.f32 v12, v5;
	v6 =	vld [tilespmem:s23+$0x20];
	v13 =	vnsel vm0, $0x0, v13;
	[tilespmem:s21+$0xFFFFFFC0] =	vst v7;
	s21 =	smov.u32 s23  }
0x9c9: {  	s23 =	sadd.s32 $0x80, s23;
	v7 =	vld [tilespmem:s21+$0xFFFFFFC0];
	v12 =	vnsel vm1, $0x0, v12;
	vm0 =	vge.f32 v11, v5;
	[tilespmem:s21+$0x30] =	vst v13  }
0x9ca: {  	v13 =	vmov s26  }
0x9cb: {  	vm1 =	veq.s32 v13, v0  }
0x9cc: {  	v4 =	vnsel vm1, $0x0, v4  }
0x9cd: {  	(xrf0) =	vadd.scan.msk.s32 $0xffff, v4;
	_ =	sdelay $0x5  }
0x9ce: {  	v4, _, _ =	vpop (xrf0)  }
0x9cf: {  	(v2sf) =	vpush v4, $0xF;
	_ =	sdelay $0xe  }
0x9d0: {  	vm11 =	vge.f32 v10, v5;
	s3 =	ssub.s32 s24, s22;
	vm12 =	vge.f32 v9, v5;
	vm15 =	vge.f32 v7, v5;
	s1 =	spop (v2sf)  }
0x9d1: {  	[tilespmem:s21+$0xFFFFFFD0] =	vst v12;
	vm13 =	vge.f32 v8, v5;
	vm14 =	vge.f32 v6, v5;
	v5 =	vnsel vm15, $0x0, v7;
	s1 =	sadd.s32 s1, s3  }
0x9d2: {  	[tilespmem:s21+$0xFFFFFFC0] =	vst v5;
	v4 =	vnsel vm0, $0x0, v11;
	p0 =	slt.s32 s1, $0x1  }
.Ltmp64:
0x9d3: {  	[tilespmem:s21+$0xFFFFFFE0] =	vst v4;
	v4 =	vnsel vm11, $0x0, v10;
	(pc) =	sbr.rel @p0 .LBB2_125-.Ltmp64, $4  }
0x9d4: {  	[tilespmem:s21+$0xFFFFFFF0] =	vst v4;
	v4 =	vnsel vm12, $0x0, v9  }
0x9d5: {  	[tilespmem:s21+$0x0] =	vst v4;
	v4 =	vnsel vm13, $0x0, v8  }
0x9d6: {  	[tilespmem:s21+$0x10] =	vst v4;
	v4 =	vnsel vm14, $0x0, v6  }
0x9d7: {  	[tilespmem:s21+$0x20] =	vst v4  }
0x9d8: {  	v4 =	vmov s0;
	s0 =	simm.s32 $0x1FFC0  }
.LBB2_124:
0x9d9: {  	s3 =	sshra.s32 s0, $0x2  }
0x9da: {  	v5 =	vld [tilespmem:s3+$0x8000];
	_ =	sdelay $0x4  }
0x9db: {  	v6 =	vshra.s32 v5, $0x1F  }
0x9dc: {  	v6 =	vand.u32 $0x7FFFFFFF, v6  }
0x9dd: {  	v6 =	vxor.u32 v5, v6  }
0x9de: {  	vm0 =	veq.s32 v6, v4  }
0x9df: {  	v6 =	vsel vm0, $0x1, v1  }
0x9e0: {  	v7 =	vperm.xlane v6, v3;
	_ =	sdelay $0x1  }
0x9e1: {  	(xrf0) =	vadd.scan.msk.s32 $0xffff, v7  }
0x9e2: {  	(xrf0) =	vadd.scan.msk.s32 $0xffff, v6;
	_ =	sdelay $0x4  }
0x9e3: {  	v6, _, _ =	vpop (xrf0)  }
0x9e4: {  	v7, _, _ =	vpop (xrf0)  }
0x9e5: {  	(v2sf) =	vpush v7, $0xF;
	_ =	sdelay $0xd  }
0x9e6: {  	v6 =	vperm.xlane v6, v3  }
0x9e7: {  	s4 =	spop (v2sf)  }
0x9e8: {  	p0 =	seq.s32 s0, $0x0;
	vm1 =	vle.s32 v6, s1;
	s1 =	ssub.s32 s1, s4  }
0x9e9: {  	p1 =	sgt.s32 @!p0 s1, $0x0  }
0x9ea: {  	p0 =	por p0, !p1  }
.Ltmp65:
0x9eb: {  	_ = 	snop;
	(pc) =	sbr.rel @!p0 .LBB2_124-.Ltmp65, $4  }
0x9ec: {  	_ = 	snop  }
0x9ed: {  	vm0 =	vmand vm1, vm0  }
0x9ee: {  	v5 =	vsel vm0, $0x0, v5  }
0x9ef: {  	s0 =	sadd.s32 $0xFFFFFFC0, s0;
	[tilespmem:s3+$0x8000] =	vst v5  }
.Ltmp66:
0x9f0: {  	_ = 	snop;
	(pc) =	sbr.rel .LBB2_125-.Ltmp66, $1  }
0x9f1: {  	_ =	sdelay $0x3  }
.LBB2_17:
.Ltmp67:
0x9f2: {  	(pc) =	sbr.rel .LBB2_24-.Ltmp67, $2  }
0x9f3: {  	_ =	sdelay $0x2  }
0x9f4: {  	v5 =	vmov v7  }
.LBB2_48:
.Ltmp68:
0x9f5: {  	(pc) =	sbr.rel .LBB2_55-.Ltmp68, $2  }
0x9f6: {  	_ =	sdelay $0x2  }
0x9f7: {  	v5 =	vmov v7  }
.LBB2_79:
.Ltmp69:
0x9f8: {  	(pc) =	sbr.rel .LBB2_86-.Ltmp69, $2  }
0x9f9: {  	_ =	sdelay $0x2  }
0x9fa: {  	v5 =	vmov v7  }
.LBB2_110:
.Ltmp70:
0x9fb: {  	(pc) =	sbr.rel .LBB2_117-.Ltmp70, $2  }
0x9fc: {  	_ =	sdelay $0x2  }
0x9fd: {  	v5 =	vmov v7  }
.LBB2_19:
.Ltmp71:
0x9fe: {  	(pc) =	sbr.rel .LBB2_24-.Ltmp71, $2  }
0x9ff: {  	_ =	sdelay $0x2  }
0xa00: {  	_ = 	snop  }
.LBB2_50:
.Ltmp72:
0xa01: {  	(pc) =	sbr.rel .LBB2_55-.Ltmp72, $2  }
0xa02: {  	_ =	sdelay $0x2  }
0xa03: {  	_ = 	snop  }
.LBB2_81:
.Ltmp73:
0xa04: {  	(pc) =	sbr.rel .LBB2_86-.Ltmp73, $2  }
0xa05: {  	_ =	sdelay $0x2  }
0xa06: {  	_ = 	snop  }
.LBB2_112:
.Ltmp74:
0xa07: {  	(pc) =	sbr.rel .LBB2_117-.Ltmp74, $2  }
0xa08: {  	_ =	sdelay $0x2  }
0xa09: {  	_ = 	snop  }
.LBB2_21:
.Ltmp75:
0xa0a: {  	_ = 	snop;
	(pc) =	sbr.rel .LBB2_24-.Ltmp75, $2  }
0xa0b: {  	_ =	sdelay $0x2  }
0xa0c: {  	v7 =	vmovc v5;
	vm1 =	vmmov vm2;
	v10 =	vmovc v11;
	v5 =	vmov v9;
	v13 =	vmov v12  }
.LBB2_52:
.Ltmp76:
0xa0d: {  	_ = 	snop;
	(pc) =	sbr.rel .LBB2_55-.Ltmp76, $2  }
0xa0e: {  	_ =	sdelay $0x2  }
0xa0f: {  	v7 =	vmovc v5;
	vm1 =	vmmov vm2;
	v10 =	vmovc v11;
	v5 =	vmov v9;
	v13 =	vmov v12  }
.LBB2_83:
.Ltmp77:
0xa10: {  	_ = 	snop;
	(pc) =	sbr.rel .LBB2_86-.Ltmp77, $2  }
0xa11: {  	_ =	sdelay $0x2  }
0xa12: {  	v7 =	vmovc v5;
	vm1 =	vmmov vm2;
	v10 =	vmovc v11;
	v5 =	vmov v9;
	v13 =	vmov v12  }
.LBB2_114:
.Ltmp78:
0xa13: {  	_ = 	snop;
	(pc) =	sbr.rel .LBB2_117-.Ltmp78, $2  }
0xa14: {  	_ =	sdelay $0x2  }
0xa15: {  	v7 =	vmovc v5;
	vm1 =	vmmov vm2;
	v10 =	vmovc v11;
	v5 =	vmov v9;
	v13 =	vmov v12  }
.LBB2_126:
0xa16: {  	_ =	sfence.sel $0x180000  }
0xa17: {  	[bflag:$0x0] =	sbarrier.arrive $0xFFFF  }
0xa18: {  	_ =	strace $0x90000047  }
0xa19: {  	s0 =	stileid.u32;
	[bflag:$0x2] =	sbarrier.arrive $0xFFFF  }
0xa1a: {  	p0 =	sne.s32 s0, $0x0;
	s0 =	rddreg [dreg:$0x2]  }
0xa1b: {  	s0 =	sadd.s32 @!p0 $0x100000, s0  }
0xa1c: {  	[sflag:s0] =	ssyncadd.tile.s32 @!p0 $0x1;
	_ =	shalt  }
.Lfunc_end2:
_tile_overlayer_lowered:
.L_overlay_start_2:
0xa1d: {  	(tag) =	ssettag $0x2  }
0xa1e: {  	s0 =	rddreg [dreg:$0x0];
	s2 =	stileid.u32  }
0xa1f: {  	s1 =	rddreg [dreg:$0x1];
	p0 =	sne.s32 s2, $0x0  }
0xa20: {  	s3 =	rddreg [dreg:$0x2];
	[bflag:$0x3] =	sbarrier.arrive $0xFFFF;
	s2 =	simm.s32 @!p0 $0x1C05  }
0xa21: {  	[timem:s3], [sflag:s2] =	dma.local @!p0 [hbm:s0], s1  }
0xa22: {  	s0 =	simm.s32 @!p0 $0x5  }
0xa23: {  	_ =	swait.ge @!p0 [sflag:s0], s1  }
0xa24: {  	s1 =	ssub.s32 @!p0 $0x0, s1;
	[sflag:s0] =	ssyncset.done @!p0 $0x0  }
0xa25: {  	[sflag:s0] =	ssyncadd.s32 @!p0 s1  }
0xa26: {  	[bflag:$0x3] =	sbarrier.arrive $0xFFFF  }
0xa27: {  	_ =	shalt  }

</sc_bundles>
